<compile_context>
chip_gen: v7x
topology: tpu7x:2x2x1
jax: 0.10.2.dev20260603
libtpu: 0.0.44.dev20260713+nightly
codegen_flags: <defaults>
</compile_context>

<pallas_src>
import functools

import jax
import jax.numpy as jnp
from jax import lax
from jax.experimental import pallas as pl
from jax.experimental.pallas import tpu as pltpu, tpu_sc as plsc

N = 10000
D = 128
NP = 10240
NPAD_ROWS = 8
NC, NS, L = 2, 16, 16
CB = 128
C = 160
EPT = C * CB
EP = NS * EPT
RPT = NP // NS

_mesh = plsc.VectorSubcoreMesh(
    core_axis_name="c", subcore_axis_name="s", num_cores=NC, num_subcores=NS)


@functools.partial(
    pl.kernel,
    out_type=jax.ShapeDtypeStruct((NC * NP,), jnp.float32),
    mesh=_mesh,
    scratch_types=[
        pltpu.VMEM((C, CB), jnp.int32),
        pltpu.VMEM((CB,), jnp.float32),
        pltpu.VMEM((RPT,), jnp.float32),
        pltpu.VMEM_SHARED((NP,), jnp.float32),
        pltpu.SemaphoreType.DMA,
    ],
)
def _sc_degrees(sidx_all, degs, idx_v, ones_v, z_v, hist, sem):
    cid = lax.axis_index("c")
    sid = lax.axis_index("s")
    for i in range(CB // L):
        ones_v[pl.ds(i * L, L)] = jnp.ones((L,), jnp.float32)
    for i in range(RPT // L):
        z_v[pl.ds(i * L, L)] = jnp.zeros((L,), jnp.float32)
    pltpu.sync_copy(z_v, hist.at[pl.ds(sid * RPT, RPT)])
    pltpu.sync_copy(sidx_all.at[pl.ds((cid * NS + sid) * C, C)], idx_v)
    plsc.subcore_barrier()

    @pl.loop(0, C)
    def _(c):
        pltpu.sync_copy(ones_v, hist.at[idx_v.at[c]], add=True)

    plsc.subcore_barrier()
    pltpu.sync_copy(hist.at[pl.ds(sid * RPT, RPT)],
                    degs.at[pl.ds((1 - cid) * NP + sid * RPT, RPT)])


HD = D // 2


@functools.partial(
    pl.kernel,
    out_type=jax.ShapeDtypeStruct((2, NC * NP, HD), jnp.float32),
    mesh=_mesh,
    scratch_types=[
        pltpu.VMEM((C, CB), jnp.int32),
        pltpu.VMEM((C, CB), jnp.int32),
        pltpu.VMEM((CB, HD), jnp.float32),
        pltpu.VMEM((CB, HD), jnp.float32),
        pltpu.VMEM((CB, HD), jnp.float32),
        pltpu.VMEM((CB, HD), jnp.float32),
        pltpu.VMEM_SHARED((NP, HD), jnp.float32),
        pltpu.SemaphoreType.DMA,
        pltpu.SemaphoreType.DMA,
        pltpu.SemaphoreType.DMA,
        pltpu.SemaphoreType.DMA,
        pltpu.SemaphoreType.DMA,
        pltpu.SemaphoreType.DMA,
        pltpu.SemaphoreType.DMA,
        pltpu.SemaphoreType.DMA,
    ],
    compiler_params=pltpu.CompilerParams(use_tc_tiling_on_sc=False),
)
def _sc_round(g2, gidx_all, sidx_all, acc2, gidx, sidx,
              rows0, rows1, rows2, rows3, acc,
              gsem0, gsem1, gsem2, gsem3, ssem0, ssem1, ssem2, ssem3):
    cid = lax.axis_index("c")
    sid = lax.axis_index("s")
    rsl = pl.ds(sid * RPT, RPT)
    csl = pl.ds((cid * NS + sid) * C, C)

    pltpu.sync_copy(gidx_all.at[csl], gidx)
    pltpu.sync_copy(sidx_all.at[csl], sidx)

    for hh in range(2):
        src = g2.at[hh]
        pltpu.sync_copy(src.at[pl.ds(cid * NP + sid * RPT, RPT)],
                        acc.at[rsl])
        plsc.subcore_barrier()

        bufs = (rows0, rows1, rows2, rows3)
        gsems = (gsem0, gsem1, gsem2, gsem3)
        ssems = (ssem0, ssem1, ssem2, ssem3)
        nb = len(bufs)
        for b in range(nb - 1):
            pltpu.async_copy(src.at[gidx.at[b]], bufs[b], gsems[b])

        @pl.loop(0, C, step=nb)
        def _(c):
            for b in range(nb):
                pre = c + b + nb - 1
                pb = (b + nb - 1) % nb
                pltpu.make_async_copy(src.at[pl.ds(0, CB)],
                                      bufs[b], gsems[b]).wait()
                pltpu.async_copy(bufs[b], acc.at[sidx.at[c + b]],
                                 ssems[b], add=True)

                @pl.when(pre < C)
                def _():
                    @pl.when(c + b > 0)
                    def _():
                        pltpu.make_async_copy(bufs[pb],
                                              acc.at[pl.ds(0, CB)],
                                              ssems[pb]).wait()

                    pltpu.async_copy(src.at[gidx.at[pre]], bufs[pb],
                                     gsems[pb])

        for b in range(nb):
            pltpu.make_async_copy(bufs[b], acc.at[pl.ds(0, CB)],
                                  ssems[b]).wait()
        plsc.subcore_barrier()
        pltpu.sync_copy(
            acc.at[rsl],
            acc2.at[hh].at[pl.ds((1 - cid) * NP + sid * RPT, RPT)])
        plsc.subcore_barrier()


_BR = 1280
_HGRID = NP // _BR
_GRID = NC * _HGRID

_dn = (((1,), (1,)), ((), ()))


def _dot_t(x, w):
    return lax.dot_general(x, w, dimension_numbers=_dn,
                           preferred_element_type=jnp.float32,
                           precision=lax.Precision.HIGHEST)


def _rows_spec():
    return pl.BlockSpec((_BR, D), lambda i: (i, 0))


def _colv_spec():
    return pl.BlockSpec((_BR, 1), lambda i: (i, 0))


def _gsplit_spec():
    return pl.BlockSpec((2, _BR, HD), lambda i: (0, i, 0))


def _write_split(g_ref, full):
    g_ref[0] = full[:, :HD]
    g_ref[1] = full[:, HD:]


def _mlp_body(u_ref, w_ref, b_ref, deg_ref, uh_ref, g_ref, sc_ref):
    x = u_ref[...]
    h = jnp.maximum(_dot_t(x, w_ref[0, 0]) + b_ref[0, 0][None, :], 0.0)
    xh = _dot_t(h, w_ref[0, 1]) + b_ref[0, 1][None, :]
    sc = lax.rsqrt(deg_ref[...] + 1.0)
    uh_ref[...] = xh
    sc_ref[...] = sc
    _write_split(g_ref, sc * xh)


def _mlp(u, wcat, bcat, deg2):
    out_nd = jax.ShapeDtypeStruct((NC * NP, D), jnp.float32)
    out_g = jax.ShapeDtypeStruct((2, NC * NP, HD), jnp.float32)
    out_n1 = jax.ShapeDtypeStruct((NC * NP, 1), jnp.float32)
    return pl.pallas_call(
        _mlp_body,
        grid=(_GRID,),
        in_specs=[
            _rows_spec(),
            pl.BlockSpec((1, 2, D, D), lambda i: (i // _HGRID, 0, 0, 0)),
            pl.BlockSpec((1, 2, D), lambda i: (i // _HGRID, 0, 0)),
            _colv_spec(),
        ],
        out_specs=[_rows_spec(), _gsplit_spec(), _colv_spec()],
        out_shape=[out_nd, out_g, out_n1],
    )(u, wcat, bcat, deg2)


def _combine_body(with_g, u_ref, acc_ref, sc_ref, cw_ref, *outs):
    sc = sc_ref[...]
    accf = jnp.concatenate([acc_ref[0], acc_ref[1]], axis=1)
    u1 = u_ref[...] + cw_ref[0, 0, 0] * sc * accf
    outs[0][...] = u1
    if with_g:
        _write_split(outs[1], sc * u1)


def _combine(u, acc2, scv, cvec, with_g):
    out_nd = jax.ShapeDtypeStruct((NC * NP, D), jnp.float32)
    out_g = jax.ShapeDtypeStruct((2, NC * NP, HD), jnp.float32)
    out_specs = [_rows_spec()]
    out_shape = [out_nd]
    if with_g:
        out_specs.append(_gsplit_spec())
        out_shape.append(out_g)
    return pl.pallas_call(
        functools.partial(_combine_body, with_g),
        grid=(_GRID,),
        in_specs=[
            _rows_spec(),
            _gsplit_spec(),
            _colv_spec(),
            pl.BlockSpec((1, 1, 1), lambda i: (i // _HGRID, 0, 0)),
        ],
        out_specs=out_specs,
        out_shape=out_shape,
    )(u, acc2, scv, cvec)


@jax.jit
def kernel(s, t, edge_index, lins_W, lins_b, lint_W, lint_b, conv_w):
    row = edge_index[0]
    col = edge_index[1]
    e = row.shape[0]
    pad = EP - e
    padv = N + (jnp.arange(pad, dtype=jnp.int32) % NPAD_ROWS)
    rowp = jnp.concatenate([row, padv])
    colp = jnp.concatenate([col, padv])
    gidx_all = jnp.concatenate([colp, rowp + NP]).reshape(NC * NS * C, CB)
    sidx_all = jnp.concatenate([rowp, colp]).reshape(NC * NS * C, CB)

    zpad = jnp.zeros((NP - N, D), jnp.float32)
    u0 = jnp.concatenate([t, zpad, s, zpad])

    wcat = jnp.stack([lint_W, lins_W])
    bcat = jnp.stack([lint_b, lins_b])

    degs = _sc_degrees(sidx_all)
    uh, g0, scv = _mlp(u0, wcat, bcat, degs.reshape(NC * NP, 1))

    acc1 = _sc_round(g0, gidx_all, sidx_all)
    cv0 = conv_w[0, ::-1].reshape(2, 1, 1)
    u1, g1 = _combine(uh, acc1, scv, cv0, True)

    acc2 = _sc_round(g1, gidx_all, sidx_all)
    cv1 = conv_w[1, ::-1].reshape(2, 1, 1)
    u2 = _combine(u1, acc2, scv, cv1, False)[0]

    return (u2[NP:NP + N], u2[:N])

# --- scband reference (transcript-rebuilt; emitter-appended) ---
"""Pipeline reference for scband-simple-encoder-43611097924235 (READ-ONLY COPY).

The authoritative reference and input builder live on the scoring server;
editing this copy changes nothing except your own understanding.
"""

import jax, jax.numpy as jnp
import numpy as np

N = 10000
E = 320000
D = 128
NLAYERS = 2
K = 2


def setup_inputs(seed: int = 0) -> dict:
    key = jax.random.key(seed)
    ks = jax.random.split(key, 6)
    s = jax.random.normal(ks[0], (N, D), dtype=jnp.float32)
    t = jax.random.normal(ks[1], (N, D), dtype=jnp.float32)
    edge_index = jax.random.randint(ks[2], (2, E), 0, N, dtype=jnp.int32)
    lins_W = jax.random.normal(ks[3], (NLAYERS, D, D), dtype=jnp.float32) * (1.0 / np.sqrt(D))
    lins_b = jnp.zeros((NLAYERS, D), dtype=jnp.float32)
    lint_W = jax.random.normal(ks[4], (NLAYERS, D, D), dtype=jnp.float32) * (1.0 / np.sqrt(D))
    lint_b = jnp.zeros((NLAYERS, D), dtype=jnp.float32)
    conv_w = jnp.ones((K, 2), dtype=jnp.float32)  # SimpleConv self.weights init ONE
    return {"s": s, "t": t, "edge_index": edge_index,
            "lins_W": lins_W, "lins_b": lins_b,
            "lint_W": lint_W, "lint_b": lint_b,
            "conv_w": conv_w}


def _directed_norm_weights(row, col, n):
    ones_e = jnp.ones(row.shape[0], dtype=jnp.float32)
    # sparsesum dim=0 -> per-column (in-degree), dim=1 -> per-row (out-degree)
    deg_in = jax.ops.segment_sum(ones_e, col, num_segments=n)
    deg_out = jax.ops.segment_sum(ones_e, row, num_segments=n)
    in_inv = jnp.where(deg_in > 0, jax.lax.rsqrt(jnp.maximum(deg_in, 1e-30)), 0.0)
    out_inv = jnp.where(deg_out > 0, jax.lax.rsqrt(jnp.maximum(deg_out, 1e-30)), 0.0)
    # adj = D_out^{-1/2} A D_in^{-1/2}
    return out_inv[row] * in_inv[col]


def _spmm(row, col, w, x, n):
    # out[row] += w * x[col]
    return jax.ops.segment_sum(w[:, None] * x[col], row, num_segments=n)


def reference(s, t, edge_index, lins_W, lins_b, lint_W, lint_b, conv_w):
    n = s.shape[0]
    # MLP on s
    for i in range(NLAYERS):
        s = s @ lins_W[i].T + lins_b[i]
        if i != NLAYERS - 1:
            s = jax.nn.relu(s)  # dropout p=0.0 / eval mode: identity
    # MLP on t
    for i in range(NLAYERS):
        t = t @ lint_W[i].T + lint_b[i]
        if i != NLAYERS - 1:
            t = jax.nn.relu(t)
    # add self loops (each SimpleConv adds them to the original edge_index locally)
    loop = jnp.arange(n, dtype=edge_index.dtype)
    row = jnp.concatenate([edge_index[0], loop])
    col = jnp.concatenate([edge_index[1], loop])
    w_adj = _directed_norm_weights(row, col, n)
    w_adj_t = _directed_norm_weights(col, row, n)
    for k in range(K):
        s_res = s + conv_w[k, 0] * _spmm(row, col, w_adj, t, n)
        t_res = t + conv_w[k, 1] * _spmm(col, row, w_adj_t, s, n)
        s, t = s_res, t_res
    return (s, t)

if __name__ == "__main__":
    import jax
    _d = setup_inputs()
    print(jax.jit(kernel)(*tuple(_d.values())))

</pallas_src>

<mosaic_0001>
#map = affine_map<(d0, d1) -> (0, 0)>
#map1 = affine_map<(d0, d1) -> (0)>
module attributes {stable_mosaic.version = 14 : i64} {
  func.func @_sc_degrees(%arg0: i32, %arg1: i32, %arg2: memref<5120x128xi32, #tpu.memory_space<hbm>>, %arg3: memref<20480xf32, #tpu.memory_space<hbm>>, %arg4: memref<160x128xi32, #tpu.memory_space<vmem>>, %arg5: memref<128xf32, #tpu.memory_space<vmem>>, %arg6: memref<640xf32, #tpu.memory_space<vmem>>, %arg7: memref<10240xf32, #tpu.memory_space<vmem_shared>>, %arg8: memref<!tpu.dma_semaphore, #tpu.memory_space<semaphore_mem>>) attributes {dimension_semantics = [#tpu.dimension_semantics<core_parallel>, #tpu.dimension_semantics<subcore_parallel>], iteration_bounds = array<i64: 2, 16>, scalar_prefetch = 0 : i64, scratch_operands = 5 : i64, tpu.core_type = #tpu.core_type<sc_vector_subcore>, window_params = [{transform_indices = #map}, {transform_indices = #map1}]} {
    %broadcast_in_dim3A = arith.constant 1.000000e+00 : f32
    %broadcast_in_dim3A_0 = vector.broadcast %broadcast_in_dim3A : f32 to vector<16xf32>
    %swap3A = arith.constant 0 : index
    %swap3A_1 = tpu.vector_load %arg5[%swap3A] {strides = array<i32>} : memref<128xf32, #tpu.memory_space<vmem>>, vector<16xf32>,
    %swap3A_2 = vector.shape_cast %swap3A_1 : vector<16xf32> to vector<16xf32>
    %swap3A_3 = vector.shape_cast %broadcast_in_dim3A_0 : vector<16xf32> to vector<16xf32>
    tpu.vector_store %arg5[%swap3A], %swap3A_3 {strides = array<i32>} : memref<128xf32, #tpu.memory_space<vmem>>, vector<16xf32>,
    %broadcast_in_dim3A_4 = arith.constant 1.000000e+00 : f32
    %broadcast_in_dim3A_5 = vector.broadcast %broadcast_in_dim3A_4 : f32 to vector<16xf32>
    %swap3A_6 = arith.constant 16 : index
    %swap3A_7 = tpu.vector_load %arg5[%swap3A_6] {strides = array<i32>} : memref<128xf32, #tpu.memory_space<vmem>>, vector<16xf32>,
    %swap3A_8 = vector.shape_cast %swap3A_7 : vector<16xf32> to vector<16xf32>
    %swap3A_9 = vector.shape_cast %broadcast_in_dim3A_5 : vector<16xf32> to vector<16xf32>
    tpu.vector_store %arg5[%swap3A_6], %swap3A_9 {strides = array<i32>} : memref<128xf32, #tpu.memory_space<vmem>>, vector<16xf32>,
    %broadcast_in_dim3A_10 = arith.constant 1.000000e+00 : f32
    %broadcast_in_dim3A_11 = vector.broadcast %broadcast_in_dim3A_10 : f32 to vector<16xf32>
    %swap3A_12 = arith.constant 32 : index
    %swap3A_13 = tpu.vector_load %arg5[%swap3A_12] {strides = array<i32>} : memref<128xf32, #tpu.memory_space<vmem>>, vector<16xf32>,
    %swap3A_14 = vector.shape_cast %swap3A_13 : vector<16xf32> to vector<16xf32>
    %swap3A_15 = vector.shape_cast %broadcast_in_dim3A_11 : vector<16xf32> to vector<16xf32>
    tpu.vector_store %arg5[%swap3A_12], %swap3A_15 {strides = array<i32>} : memref<128xf32, #tpu.memory_space<vmem>>, vector<16xf32>,
    %broadcast_in_dim3A_16 = arith.constant 1.000000e+00 : f32
    %broadcast_in_dim3A_17 = vector.broadcast %broadcast_in_dim3A_16 : f32 to vector<16xf32>
    %swap3A_18 = arith.constant 48 : index
    %swap3A_19 = tpu.vector_load %arg5[%swap3A_18] {strides = array<i32>} : memref<128xf32, #tpu.memory_space<vmem>>, vector<16xf32>,
    %swap3A_20 = vector.shape_cast %swap3A_19 : vector<16xf32> to vector<16xf32>
    %swap3A_21 = vector.shape_cast %broadcast_in_dim3A_17 : vector<16xf32> to vector<16xf32>
    tpu.vector_store %arg5[%swap3A_18], %swap3A_21 {strides = array<i32>} : memref<128xf32, #tpu.memory_space<vmem>>, vector<16xf32>,
    %broadcast_in_dim3A_22 = arith.constant 1.000000e+00 : f32
    %broadcast_in_dim3A_23 = vector.broadcast %broadcast_in_dim3A_22 : f32 to vector<16xf32>
    %swap3A_24 = arith.constant 64 : index
    %swap3A_25 = tpu.vector_load %arg5[%swap3A_24] {strides = array<i32>} : memref<128xf32, #tpu.memory_space<vmem>>, vector<16xf32>,
    %swap3A_26 = vector.shape_cast %swap3A_25 : vector<16xf32> to vector<16xf32>
    %swap3A_27 = vector.shape_cast %broadcast_in_dim3A_23 : vector<16xf32> to vector<16xf32>
    tpu.vector_store %arg5[%swap3A_24], %swap3A_27 {strides = array<i32>} : memref<128xf32, #tpu.memory_space<vmem>>, vector<16xf32>,
    %broadcast_in_dim3A_28 = arith.constant 1.000000e+00 : f32
    %broadcast_in_dim3A_29 = vector.broadcast %broadcast_in_dim3A_28 : f32 to vector<16xf32>
    %swap3A_30 = arith.constant 80 : index
    %swap3A_31 = tpu.vector_load %arg5[%swap3A_30] {strides = array<i32>} : memref<128xf32, #tpu.memory_space<vmem>>, vector<16xf32>,
    %swap3A_32 = vector.shape_cast %swap3A_31 : vector<16xf32> to vector<16xf32>
    %swap3A_33 = vector.shape_cast %broadcast_in_dim3A_29 : vector<16xf32> to vector<16xf32>
    tpu.vector_store %arg5[%swap3A_30], %swap3A_33 {strides = array<i32>} : memref<128xf32, #tpu.memory_space<vmem>>, vector<16xf32>,
    %broadcast_in_dim3A_34 = arith.constant 1.000000e+00 : f32
    %broadcast_in_dim3A_35 = vector.broadcast %broadcast_in_dim3A_34 : f32 to vector<16xf32>
    %swap3A_36 = arith.constant 96 : index
    %swap3A_37 = tpu.vector_load %arg5[%swap3A_36] {strides = array<i32>} : memref<128xf32, #tpu.memory_space<vmem>>, vector<16xf32>,
    %swap3A_38 = vector.shape_cast %swap3A_37 : vector<16xf32> to vector<16xf32>
    %swap3A_39 = vector.shape_cast %broadcast_in_dim3A_35 : vector<16xf32> to vector<16xf32>
    tpu.vector_store %arg5[%swap3A_36], %swap3A_39 {strides = array<i32>} : memref<128xf32, #tpu.memory_space<vmem>>, vector<16xf32>,
    %broadcast_in_dim3A_40 = arith.constant 1.000000e+00 : f32
    %broadcast_in_dim3A_41 = vector.broadcast %broadcast_in_dim3A_40 : f32 to vector<16xf32>
    %swap3A_42 = arith.constant 112 : index
    %swap3A_43 = tpu.vector_load %arg5[%swap3A_42] {strides = array<i32>} : memref<128xf32, #tpu.memory_space<vmem>>, vector<16xf32>,
    %swap3A_44 = vector.shape_cast %swap3A_43 : vector<16xf32> to vector<16xf32>
    %swap3A_45 = vector.shape_cast %broadcast_in_dim3A_41 : vector<16xf32> to vector<16xf32>
    tpu.vector_store %arg5[%swap3A_42], %swap3A_45 {strides = array<i32>} : memref<128xf32, #tpu.memory_space<vmem>>, vector<16xf32>,
    %broadcast_in_dim3A_46 = arith.constant 0.000000e+00 : f32
    %broadcast_in_dim3A_47 = vector.broadcast %broadcast_in_dim3A_46 : f32 to vector<16xf32>
    %swap3A_48 = arith.constant 0 : index
    %swap3A_49 = tpu.vector_load %arg6[%swap3A_48] {strides = array<i32>} : memref<640xf32, #tpu.memory_space<vmem>>, vector<16xf32>,
    %swap3A_50 = vector.shape_cast %swap3A_49 : vector<16xf32> to vector<16xf32>
    %swap3A_51 = vector.shape_cast %broadcast_in_dim3A_47 : vector<16xf32> to vector<16xf32>
    tpu.vector_store %arg6[%swap3A_48], %swap3A_51 {strides = array<i32>} : memref<640xf32, #tpu.memory_space<vmem>>, vector<16xf32>,
    %broadcast_in_dim3A_52 = arith.constant 0.000000e+00 : f32
    %broadcast_in_dim3A_53 = vector.broadcast %broadcast_in_dim3A_52 : f32 to vector<16xf32>
    %swap3A_54 = arith.constant 16 : index
    %swap3A_55 = tpu.vector_load %arg6[%swap3A_54] {strides = array<i32>} : memref<640xf32, #tpu.memory_space<vmem>>, vector<16xf32>,
    %swap3A_56 = vector.shape_cast %swap3A_55 : vector<16xf32> to vector<16xf32>
    %swap3A_57 = vector.shape_cast %broadcast_in_dim3A_53 : vector<16xf32> to vector<16xf32>
    tpu.vector_store %arg6[%swap3A_54], %swap3A_57 {strides = array<i32>} : memref<640xf32, #tpu.memory_space<vmem>>, vector<16xf32>,
    %broadcast_in_dim3A_58 = arith.constant 0.000000e+00 : f32
    %broadcast_in_dim3A_59 = vector.broadcast %broadcast_in_dim3A_58 : f32 to vector<16xf32>
    %swap3A_60 = arith.constant 32 : index
    %swap3A_61 = tpu.vector_load %arg6[%swap3A_60] {strides = array<i32>} : memref<640xf32, #tpu.memory_space<vmem>>, vector<16xf32>,
    %swap3A_62 = vector.shape_cast %swap3A_61 : vector<16xf32> to vector<16xf32>
    %swap3A_63 = vector.shape_cast %broadcast_in_dim3A_59 : vector<16xf32> to vector<16xf32>
    tpu.vector_store %arg6[%swap3A_60], %swap3A_63 {strides = array<i32>} : memref<640xf32, #tpu.memory_space<vmem>>, vector<16xf32>,
    %broadcast_in_dim3A_64 = arith.constant 0.000000e+00 : f32
    %broadcast_in_dim3A_65 = vector.broadcast %broadcast_in_dim3A_64 : f32 to vector<16xf32>
    %swap3A_66 = arith.constant 48 : index
    %swap3A_67 = tpu.vector_load %arg6[%swap3A_66] {strides = array<i32>} : memref<640xf32, #tpu.memory_space<vmem>>, vector<16xf32>,
    %swap3A_68 = vector.shape_cast %swap3A_67 : vector<16xf32> to vector<16xf32>
    %swap3A_69 = vector.shape_cast %broadcast_in_dim3A_65 : vector<16xf32> to vector<16xf32>
    tpu.vector_store %arg6[%swap3A_66], %swap3A_69 {strides = array<i32>} : memref<640xf32, #tpu.memory_space<vmem>>, vector<16xf32>,
    %broadcast_in_dim3A_70 = arith.constant 0.000000e+00 : f32
    %broadcast_in_dim3A_71 = vector.broadcast %broadcast_in_dim3A_70 : f32 to vector<16xf32>
    %swap3A_72 = arith.constant 64 : index
    %swap3A_73 = tpu.vector_load %arg6[%swap3A_72] {strides = array<i32>} : memref<640xf32, #tpu.memory_space<vmem>>, vector<16xf32>,
    %swap3A_74 = vector.shape_cast %swap3A_73 : vector<16xf32> to vector<16xf32>
    %swap3A_75 = vector.shape_cast %broadcast_in_dim3A_71 : vector<16xf32> to vector<16xf32>
    tpu.vector_store %arg6[%swap3A_72], %swap3A_75 {strides = array<i32>} : memref<640xf32, #tpu.memory_space<vmem>>, vector<16xf32>,
    %broadcast_in_dim3A_76 = arith.constant 0.000000e+00 : f32
    %broadcast_in_dim3A_77 = vector.broadcast %broadcast_in_dim3A_76 : f32 to vector<16xf32>
    %swap3A_78 = arith.constant 80 : index
    %swap3A_79 = tpu.vector_load %arg6[%swap3A_78] {strides = array<i32>} : memref<640xf32, #tpu.memory_space<vmem>>, vector<16xf32>,
    %swap3A_80 = vector.shape_cast %swap3A_79 : vector<16xf32> to vector<16xf32>
    %swap3A_81 = vector.shape_cast %broadcast_in_dim3A_77 : vector<16xf32> to vector<16xf32>
    tpu.vector_store %arg6[%swap3A_78], %swap3A_81 {strides = array<i32>} : memref<640xf32, #tpu.memory_space<vmem>>, vector<16xf32>,
    %broadcast_in_dim3A_82 = arith.constant 0.000000e+00 : f32
    %broadcast_in_dim3A_83 = vector.broadcast %broadcast_in_dim3A_82 : f32 to vector<16xf32>
    %swap3A_84 = arith.constant 96 : index
    %swap3A_85 = tpu.vector_load %arg6[%swap3A_84] {strides = array<i32>} : memref<640xf32, #tpu.memory_space<vmem>>, vector<16xf32>,
    %swap3A_86 = vector.shape_cast %swap3A_85 : vector<16xf32> to vector<16xf32>
    %swap3A_87 = vector.shape_cast %broadcast_in_dim3A_83 : vector<16xf32> to vector<16xf32>
    tpu.vector_store %arg6[%swap3A_84], %swap3A_87 {strides = array<i32>} : memref<640xf32, #tpu.memory_space<vmem>>, vector<16xf32>,
    %broadcast_in_dim3A_88 = arith.constant 0.000000e+00 : f32
    %broadcast_in_dim3A_89 = vector.broadcast %broadcast_in_dim3A_88 : f32 to vector<16xf32>
    %swap3A_90 = arith.constant 112 : index
    %swap3A_91 = tpu.vector_load %arg6[%swap3A_90] {strides = array<i32>} : memref<640xf32, #tpu.memory_space<vmem>>, vector<16xf32>,
    %swap3A_92 = vector.shape_cast %swap3A_91 : vector<16xf32> to vector<16xf32>
    %swap3A_93 = vector.shape_cast %broadcast_in_dim3A_89 : vector<16xf32> to vector<16xf32>
    tpu.vector_store %arg6[%swap3A_90], %swap3A_93 {strides = array<i32>} : memref<640xf32, #tpu.memory_space<vmem>>, vector<16xf32>,
    %broadcast_in_dim3A_94 = arith.constant 0.000000e+00 : f32
    %broadcast_in_dim3A_95 = vector.broadcast %broadcast_in_dim3A_94 : f32 to vector<16xf32>
    %swap3A_96 = arith.constant 128 : index
    %swap3A_97 = tpu.vector_load %arg6[%swap3A_96] {strides = array<i32>} : memref<640xf32, #tpu.memory_space<vmem>>, vector<16xf32>,
    %swap3A_98 = vector.shape_cast %swap3A_97 : vector<16xf32> to vector<16xf32>
    %swap3A_99 = vector.shape_cast %broadcast_in_dim3A_95 : vector<16xf32> to vector<16xf32>
    tpu.vector_store %arg6[%swap3A_96], %swap3A_99 {strides = array<i32>} : memref<640xf32, #tpu.memory_space<vmem>>, vector<16xf32>,
    %broadcast_in_dim3A_100 = arith.constant 0.000000e+00 : f32
    %broadcast_in_dim3A_101 = vector.broadcast %broadcast_in_dim3A_100 : f32 to vector<16xf32>
    %swap3A_102 = arith.constant 144 : index
    %swap3A_103 = tpu.vector_load %arg6[%swap3A_102] {strides = array<i32>} : memref<640xf32, #tpu.memory_space<vmem>>, vector<16xf32>,
    %swap3A_104 = vector.shape_cast %swap3A_103 : vector<16xf32> to vector<16xf32>
    %swap3A_105 = vector.shape_cast %broadcast_in_dim3A_101 : vector<16xf32> to vector<16xf32>
    tpu.vector_store %arg6[%swap3A_102], %swap3A_105 {strides = array<i32>} : memref<640xf32, #tpu.memory_space<vmem>>, vector<16xf32>,
    %broadcast_in_dim3A_106 = arith.constant 0.000000e+00 : f32
    %broadcast_in_dim3A_107 = vector.broadcast %broadcast_in_dim3A_106 : f32 to vector<16xf32>
    %swap3A_108 = arith.constant 160 : index
    %swap3A_109 = tpu.vector_load %arg6[%swap3A_108] {strides = array<i32>} : memref<640xf32, #tpu.memory_space<vmem>>, vector<16xf32>,
    %swap3A_110 = vector.shape_cast %swap3A_109 : vector<16xf32> to vector<16xf32>
    %swap3A_111 = vector.shape_cast %broadcast_in_dim3A_107 : vector<16xf32> to vector<16xf32>
    tpu.vector_store %arg6[%swap3A_108], %swap3A_111 {strides = array<i32>} : memref<640xf32, #tpu.memory_space<vmem>>, vector<16xf32>,
    %broadcast_in_dim3A_112 = arith.constant 0.000000e+00 : f32
    %broadcast_in_dim3A_113 = vector.broadcast %broadcast_in_dim3A_112 : f32 to vector<16xf32>
    %swap3A_114 = arith.constant 176 : index
    %swap3A_115 = tpu.vector_load %arg6[%swap3A_114] {strides = array<i32>} : memref<640xf32, #tpu.memory_space<vmem>>, vector<16xf32>,
    %swap3A_116 = vector.shape_cast %swap3A_115 : vector<16xf32> to vector<16xf32>
    %swap3A_117 = vector.shape_cast %broadcast_in_dim3A_113 : vector<16xf32> to vector<16xf32>
    tpu.vector_store %arg6[%swap3A_114], %swap3A_117 {strides = array<i32>} : memref<640xf32, #tpu.memory_space<vmem>>, vector<16xf32>,
    %broadcast_in_dim3A_118 = arith.constant 0.000000e+00 : f32
    %broadcast_in_dim3A_119 = vector.broadcast %broadcast_in_dim3A_118 : f32 to vector<16xf32>
    %swap3A_120 = arith.constant 192 : index
    %swap3A_121 = tpu.vector_load %arg6[%swap3A_120] {strides = array<i32>} : memref<640xf32, #tpu.memory_space<vmem>>, vector<16xf32>,
    %swap3A_122 = vector.shape_cast %swap3A_121 : vector<16xf32> to vector<16xf32>
    %swap3A_123 = vector.shape_cast %broadcast_in_dim3A_119 : vector<16xf32> to vector<16xf32>
    tpu.vector_store %arg6[%swap3A_120], %swap3A_123 {strides = array<i32>} : memref<640xf32, #tpu.memory_space<vmem>>, vector<16xf32>,
    %broadcast_in_dim3A_124 = arith.constant 0.000000e+00 : f32
    %broadcast_in_dim3A_125 = vector.broadcast %broadcast_in_dim3A_124 : f32 to vector<16xf32>
    %swap3A_126 = arith.constant 208 : index
    %swap3A_127 = tpu.vector_load %arg6[%swap3A_126] {strides = array<i32>} : memref<640xf32, #tpu.memory_space<vmem>>, vector<16xf32>,
    %swap3A_128 = vector.shape_cast %swap3A_127 : vector<16xf32> to vector<16xf32>
    %swap3A_129 = vector.shape_cast %broadcast_in_dim3A_125 : vector<16xf32> to vector<16xf32>
    tpu.vector_store %arg6[%swap3A_126], %swap3A_129 {strides = array<i32>} : memref<640xf32, #tpu.memory_space<vmem>>, vector<16xf32>,
    %broadcast_in_dim3A_130 = arith.constant 0.000000e+00 : f32
    %broadcast_in_dim3A_131 = vector.broadcast %broadcast_in_dim3A_130 : f32 to vector<16xf32>
    %swap3A_132 = arith.constant 224 : index
    %swap3A_133 = tpu.vector_load %arg6[%swap3A_132] {strides = array<i32>} : memref<640xf32, #tpu.memory_space<vmem>>, vector<16xf32>,
    %swap3A_134 = vector.shape_cast %swap3A_133 : vector<16xf32> to vector<16xf32>
    %swap3A_135 = vector.shape_cast %broadcast_in_dim3A_131 : vector<16xf32> to vector<16xf32>
    tpu.vector_store %arg6[%swap3A_132], %swap3A_135 {strides = array<i32>} : memref<640xf32, #tpu.memory_space<vmem>>, vector<16xf32>,
    %broadcast_in_dim3A_136 = arith.constant 0.000000e+00 : f32
    %broadcast_in_dim3A_137 = vector.broadcast %broadcast_in_dim3A_136 : f32 to vector<16xf32>
    %swap3A_138 = arith.constant 240 : index
    %swap3A_139 = tpu.vector_load %arg6[%swap3A_138] {strides = array<i32>} : memref<640xf32, #tpu.memory_space<vmem>>, vector<16xf32>,
    %swap3A_140 = vector.shape_cast %swap3A_139 : vector<16xf32> to vector<16xf32>
    %swap3A_141 = vector.shape_cast %broadcast_in_dim3A_137 : vector<16xf32> to vector<16xf32>
    tpu.vector_store %arg6[%swap3A_138], %swap3A_141 {strides = array<i32>} : memref<640xf32, #tpu.memory_space<vmem>>, vector<16xf32>,
    %broadcast_in_dim3A_142 = arith.constant 0.000000e+00 : f32
    %broadcast_in_dim3A_143 = vector.broadcast %broadcast_in_dim3A_142 : f32 to vector<16xf32>
    %swap3A_144 = arith.constant 256 : index
    %swap3A_145 = tpu.vector_load %arg6[%swap3A_144] {strides = array<i32>} : memref<640xf32, #tpu.memory_space<vmem>>, vector<16xf32>,
    %swap3A_146 = vector.shape_cast %swap3A_145 : vector<16xf32> to vector<16xf32>
    %swap3A_147 = vector.shape_cast %broadcast_in_dim3A_143 : vector<16xf32> to vector<16xf32>
    tpu.vector_store %arg6[%swap3A_144], %swap3A_147 {strides = array<i32>} : memref<640xf32, #tpu.memory_space<vmem>>, vector<16xf32>,
    %broadcast_in_dim3A_148 = arith.constant 0.000000e+00 : f32
    %broadcast_in_dim3A_149 = vector.broadcast %broadcast_in_dim3A_148 : f32 to vector<16xf32>
    %swap3A_150 = arith.constant 272 : index
    %swap3A_151 = tpu.vector_load %arg6[%swap3A_150] {strides = array<i32>} : memref<640xf32, #tpu.memory_space<vmem>>, vector<16xf32>,
    %swap3A_152 = vector.shape_cast %swap3A_151 : vector<16xf32> to vector<16xf32>
    %swap3A_153 = vector.shape_cast %broadcast_in_dim3A_149 : vector<16xf32> to vector<16xf32>
    tpu.vector_store %arg6[%swap3A_150], %swap3A_153 {strides = array<i32>} : memref<640xf32, #tpu.memory_space<vmem>>, vector<16xf32>,
    %broadcast_in_dim3A_154 = arith.constant 0.000000e+00 : f32
    %broadcast_in_dim3A_155 = vector.broadcast %broadcast_in_dim3A_154 : f32 to vector<16xf32>
    %swap3A_156 = arith.constant 288 : index
    %swap3A_157 = tpu.vector_load %arg6[%swap3A_156] {strides = array<i32>} : memref<640xf32, #tpu.memory_space<vmem>>, vector<16xf32>,
    %swap3A_158 = vector.shape_cast %swap3A_157 : vector<16xf32> to vector<16xf32>
    %swap3A_159 = vector.shape_cast %broadcast_in_dim3A_155 : vector<16xf32> to vector<16xf32>
    tpu.vector_store %arg6[%swap3A_156], %swap3A_159 {strides = array<i32>} : memref<640xf32, #tpu.memory_space<vmem>>, vector<16xf32>,
    %broadcast_in_dim3A_160 = arith.constant 0.000000e+00 : f32
    %broadcast_in_dim3A_161 = vector.broadcast %broadcast_in_dim3A_160 : f32 to vector<16xf32>
    %swap3A_162 = arith.constant 304 : index
    %swap3A_163 = tpu.vector_load %arg6[%swap3A_162] {strides = array<i32>} : memref<640xf32, #tpu.memory_space<vmem>>, vector<16xf32>,
    %swap3A_164 = vector.shape_cast %swap3A_163 : vector<16xf32> to vector<16xf32>
    %swap3A_165 = vector.shape_cast %broadcast_in_dim3A_161 : vector<16xf32> to vector<16xf32>
    tpu.vector_store %arg6[%swap3A_162], %swap3A_165 {strides = array<i32>} : memref<640xf32, #tpu.memory_space<vmem>>, vector<16xf32>,
    %broadcast_in_dim3A_166 = arith.constant 0.000000e+00 : f32
    %broadcast_in_dim3A_167 = vector.broadcast %broadcast_in_dim3A_166 : f32 to vector<16xf32>
    %swap3A_168 = arith.constant 320 : index
    %swap3A_169 = tpu.vector_load %arg6[%swap3A_168] {strides = array<i32>} : memref<640xf32, #tpu.memory_space<vmem>>, vector<16xf32>,
    %swap3A_170 = vector.shape_cast %swap3A_169 : vector<16xf32> to vector<16xf32>
    %swap3A_171 = vector.shape_cast %broadcast_in_dim3A_167 : vector<16xf32> to vector<16xf32>
    tpu.vector_store %arg6[%swap3A_168], %swap3A_171 {strides = array<i32>} : memref<640xf32, #tpu.memory_space<vmem>>, vector<16xf32>,
    %broadcast_in_dim3A_172 = arith.constant 0.000000e+00 : f32
    %broadcast_in_dim3A_173 = vector.broadcast %broadcast_in_dim3A_172 : f32 to vector<16xf32>
    %swap3A_174 = arith.constant 336 : index
    %swap3A_175 = tpu.vector_load %arg6[%swap3A_174] {strides = array<i32>} : memref<640xf32, #tpu.memory_space<vmem>>, vector<16xf32>,
    %swap3A_176 = vector.shape_cast %swap3A_175 : vector<16xf32> to vector<16xf32>
    %swap3A_177 = vector.shape_cast %broadcast_in_dim3A_173 : vector<16xf32> to vector<16xf32>
    tpu.vector_store %arg6[%swap3A_174], %swap3A_177 {strides = array<i32>} : memref<640xf32, #tpu.memory_space<vmem>>, vector<16xf32>,
    %broadcast_in_dim3A_178 = arith.constant 0.000000e+00 : f32
    %broadcast_in_dim3A_179 = vector.broadcast %broadcast_in_dim3A_178 : f32 to vector<16xf32>
    %swap3A_180 = arith.constant 352 : index
    %swap3A_181 = tpu.vector_load %arg6[%swap3A_180] {strides = array<i32>} : memref<640xf32, #tpu.memory_space<vmem>>, vector<16xf32>,
    %swap3A_182 = vector.shape_cast %swap3A_181 : vector<16xf32> to vector<16xf32>
    %swap3A_183 = vector.shape_cast %broadcast_in_dim3A_179 : vector<16xf32> to vector<16xf32>
    tpu.vector_store %arg6[%swap3A_180], %swap3A_183 {strides = array<i32>} : memref<640xf32, #tpu.memory_space<vmem>>, vector<16xf32>,
    %broadcast_in_dim3A_184 = arith.constant 0.000000e+00 : f32
    %broadcast_in_dim3A_185 = vector.broadcast %broadcast_in_dim3A_184 : f32 to vector<16xf32>
    %swap3A_186 = arith.constant 368 : index
    %swap3A_187 = tpu.vector_load %arg6[%swap3A_186] {strides = array<i32>} : memref<640xf32, #tpu.memory_space<vmem>>, vector<16xf32>,
    %swap3A_188 = vector.shape_cast %swap3A_187 : vector<16xf32> to vector<16xf32>
    %swap3A_189 = vector.shape_cast %broadcast_in_dim3A_185 : vector<16xf32> to vector<16xf32>
    tpu.vector_store %arg6[%swap3A_186], %swap3A_189 {strides = array<i32>} : memref<640xf32, #tpu.memory_space<vmem>>, vector<16xf32>,
    %broadcast_in_dim3A_190 = arith.constant 0.000000e+00 : f32
    %broadcast_in_dim3A_191 = vector.broadcast %broadcast_in_dim3A_190 : f32 to vector<16xf32>
    %swap3A_192 = arith.constant 384 : index
    %swap3A_193 = tpu.vector_load %arg6[%swap3A_192] {strides = array<i32>} : memref<640xf32, #tpu.memory_space<vmem>>, vector<16xf32>,
    %swap3A_194 = vector.shape_cast %swap3A_193 : vector<16xf32> to vector<16xf32>
    %swap3A_195 = vector.shape_cast %broadcast_in_dim3A_191 : vector<16xf32> to vector<16xf32>
    tpu.vector_store %arg6[%swap3A_192], %swap3A_195 {strides = array<i32>} : memref<640xf32, #tpu.memory_space<vmem>>, vector<16xf32>,
    %broadcast_in_dim3A_196 = arith.constant 0.000000e+00 : f32
    %broadcast_in_dim3A_197 = vector.broadcast %broadcast_in_dim3A_196 : f32 to vector<16xf32>
    %swap3A_198 = arith.constant 400 : index
    %swap3A_199 = tpu.vector_load %arg6[%swap3A_198] {strides = array<i32>} : memref<640xf32, #tpu.memory_space<vmem>>, vector<16xf32>,
    %swap3A_200 = vector.shape_cast %swap3A_199 : vector<16xf32> to vector<16xf32>
    %swap3A_201 = vector.shape_cast %broadcast_in_dim3A_197 : vector<16xf32> to vector<16xf32>
    tpu.vector_store %arg6[%swap3A_198], %swap3A_201 {strides = array<i32>} : memref<640xf32, #tpu.memory_space<vmem>>, vector<16xf32>,
    %broadcast_in_dim3A_202 = arith.constant 0.000000e+00 : f32
    %broadcast_in_dim3A_203 = vector.broadcast %broadcast_in_dim3A_202 : f32 to vector<16xf32>
    %swap3A_204 = arith.constant 416 : index
    %swap3A_205 = tpu.vector_load %arg6[%swap3A_204] {strides = array<i32>} : memref<640xf32, #tpu.memory_space<vmem>>, vector<16xf32>,
    %swap3A_206 = vector.shape_cast %swap3A_205 : vector<16xf32> to vector<16xf32>
    %swap3A_207 = vector.shape_cast %broadcast_in_dim3A_203 : vector<16xf32> to vector<16xf32>
    tpu.vector_store %arg6[%swap3A_204], %swap3A_207 {strides = array<i32>} : memref<640xf32, #tpu.memory_space<vmem>>, vector<16xf32>,
    %broadcast_in_dim3A_208 = arith.constant 0.000000e+00 : f32
    %broadcast_in_dim3A_209 = vector.broadcast %broadcast_in_dim3A_208 : f32 to vector<16xf32>
    %swap3A_210 = arith.constant 432 : index
    %swap3A_211 = tpu.vector_load %arg6[%swap3A_210] {strides = array<i32>} : memref<640xf32, #tpu.memory_space<vmem>>, vector<16xf32>,
    %swap3A_212 = vector.shape_cast %swap3A_211 : vector<16xf32> to vector<16xf32>
    %swap3A_213 = vector.shape_cast %broadcast_in_dim3A_209 : vector<16xf32> to vector<16xf32>
    tpu.vector_store %arg6[%swap3A_210], %swap3A_213 {strides = array<i32>} : memref<640xf32, #tpu.memory_space<vmem>>, vector<16xf32>,
    %broadcast_in_dim3A_214 = arith.constant 0.000000e+00 : f32
    %broadcast_in_dim3A_215 = vector.broadcast %broadcast_in_dim3A_214 : f32 to vector<16xf32>
    %swap3A_216 = arith.constant 448 : index
    %swap3A_217 = tpu.vector_load %arg6[%swap3A_216] {strides = array<i32>} : memref<640xf32, #tpu.memory_space<vmem>>, vector<16xf32>,
    %swap3A_218 = vector.shape_cast %swap3A_217 : vector<16xf32> to vector<16xf32>
    %swap3A_219 = vector.shape_cast %broadcast_in_dim3A_215 : vector<16xf32> to vector<16xf32>
    tpu.vector_store %arg6[%swap3A_216], %swap3A_219 {strides = array<i32>} : memref<640xf32, #tpu.memory_space<vmem>>, vector<16xf32>,
    %broadcast_in_dim3A_220 = arith.constant 0.000000e+00 : f32
    %broadcast_in_dim3A_221 = vector.broadcast %broadcast_in_dim3A_220 : f32 to vector<16xf32>
    %swap3A_222 = arith.constant 464 : index
    %swap3A_223 = tpu.vector_load %arg6[%swap3A_222] {strides = array<i32>} : memref<640xf32, #tpu.memory_space<vmem>>, vector<16xf32>,
    %swap3A_224 = vector.shape_cast %swap3A_223 : vector<16xf32> to vector<16xf32>
    %swap3A_225 = vector.shape_cast %broadcast_in_dim3A_221 : vector<16xf32> to vector<16xf32>
    tpu.vector_store %arg6[%swap3A_222], %swap3A_225 {strides = array<i32>} : memref<640xf32, #tpu.memory_space<vmem>>, vector<16xf32>,
    %broadcast_in_dim3A_226 = arith.constant 0.000000e+00 : f32
    %broadcast_in_dim3A_227 = vector.broadcast %broadcast_in_dim3A_226 : f32 to vector<16xf32>
    %swap3A_228 = arith.constant 480 : index
    %swap3A_229 = tpu.vector_load %arg6[%swap3A_228] {strides = array<i32>} : memref<640xf32, #tpu.memory_space<vmem>>, vector<16xf32>,
    %swap3A_230 = vector.shape_cast %swap3A_229 : vector<16xf32> to vector<16xf32>
    %swap3A_231 = vector.shape_cast %broadcast_in_dim3A_227 : vector<16xf32> to vector<16xf32>
    tpu.vector_store %arg6[%swap3A_228], %swap3A_231 {strides = array<i32>} : memref<640xf32, #tpu.memory_space<vmem>>, vector<16xf32>,
    %broadcast_in_dim3A_232 = arith.constant 0.000000e+00 : f32
    %broadcast_in_dim3A_233 = vector.broadcast %broadcast_in_dim3A_232 : f32 to vector<16xf32>
    %swap3A_234 = arith.constant 496 : index
    %swap3A_235 = tpu.vector_load %arg6[%swap3A_234] {strides = array<i32>} : memref<640xf32, #tpu.memory_space<vmem>>, vector<16xf32>,
    %swap3A_236 = vector.shape_cast %swap3A_235 : vector<16xf32> to vector<16xf32>
    %swap3A_237 = vector.shape_cast %broadcast_in_dim3A_233 : vector<16xf32> to vector<16xf32>
    tpu.vector_store %arg6[%swap3A_234], %swap3A_237 {strides = array<i32>} : memref<640xf32, #tpu.memory_space<vmem>>, vector<16xf32>,
    %broadcast_in_dim3A_238 = arith.constant 0.000000e+00 : f32
    %broadcast_in_dim3A_239 = vector.broadcast %broadcast_in_dim3A_238 : f32 to vector<16xf32>
    %swap3A_240 = arith.constant 512 : index
    %swap3A_241 = tpu.vector_load %arg6[%swap3A_240] {strides = array<i32>} : memref<640xf32, #tpu.memory_space<vmem>>, vector<16xf32>,
    %swap3A_242 = vector.shape_cast %swap3A_241 : vector<16xf32> to vector<16xf32>
    %swap3A_243 = vector.shape_cast %broadcast_in_dim3A_239 : vector<16xf32> to vector<16xf32>
    tpu.vector_store %arg6[%swap3A_240], %swap3A_243 {strides = array<i32>} : memref<640xf32, #tpu.memory_space<vmem>>, vector<16xf32>,
    %broadcast_in_dim3A_244 = arith.constant 0.000000e+00 : f32
    %broadcast_in_dim3A_245 = vector.broadcast %broadcast_in_dim3A_244 : f32 to vector<16xf32>
    %swap3A_246 = arith.constant 528 : index
    %swap3A_247 = tpu.vector_load %arg6[%swap3A_246] {strides = array<i32>} : memref<640xf32, #tpu.memory_space<vmem>>, vector<16xf32>,
    %swap3A_248 = vector.shape_cast %swap3A_247 : vector<16xf32> to vector<16xf32>
    %swap3A_249 = vector.shape_cast %broadcast_in_dim3A_245 : vector<16xf32> to vector<16xf32>
    tpu.vector_store %arg6[%swap3A_246], %swap3A_249 {strides = array<i32>} : memref<640xf32, #tpu.memory_space<vmem>>, vector<16xf32>,
    %broadcast_in_dim3A_250 = arith.constant 0.000000e+00 : f32
    %broadcast_in_dim3A_251 = vector.broadcast %broadcast_in_dim3A_250 : f32 to vector<16xf32>
    %swap3A_252 = arith.constant 544 : index
    %swap3A_253 = tpu.vector_load %arg6[%swap3A_252] {strides = array<i32>} : memref<640xf32, #tpu.memory_space<vmem>>, vector<16xf32>,
    %swap3A_254 = vector.shape_cast %swap3A_253 : vector<16xf32> to vector<16xf32>
    %swap3A_255 = vector.shape_cast %broadcast_in_dim3A_251 : vector<16xf32> to vector<16xf32>
    tpu.vector_store %arg6[%swap3A_252], %swap3A_255 {strides = array<i32>} : memref<640xf32, #tpu.memory_space<vmem>>, vector<16xf32>,
    %broadcast_in_dim3A_256 = arith.constant 0.000000e+00 : f32
    %broadcast_in_dim3A_257 = vector.broadcast %broadcast_in_dim3A_256 : f32 to vector<16xf32>
    %swap3A_258 = arith.constant 560 : index
    %swap3A_259 = tpu.vector_load %arg6[%swap3A_258] {strides = array<i32>} : memref<640xf32, #tpu.memory_space<vmem>>, vector<16xf32>,
    %swap3A_260 = vector.shape_cast %swap3A_259 : vector<16xf32> to vector<16xf32>
    %swap3A_261 = vector.shape_cast %broadcast_in_dim3A_257 : vector<16xf32> to vector<16xf32>
    tpu.vector_store %arg6[%swap3A_258], %swap3A_261 {strides = array<i32>} : memref<640xf32, #tpu.memory_space<vmem>>, vector<16xf32>,
    %broadcast_in_dim3A_262 = arith.constant 0.000000e+00 : f32
    %broadcast_in_dim3A_263 = vector.broadcast %broadcast_in_dim3A_262 : f32 to vector<16xf32>
    %swap3A_264 = arith.constant 576 : index
    %swap3A_265 = tpu.vector_load %arg6[%swap3A_264] {strides = array<i32>} : memref<640xf32, #tpu.memory_space<vmem>>, vector<16xf32>,
    %swap3A_266 = vector.shape_cast %swap3A_265 : vector<16xf32> to vector<16xf32>
    %swap3A_267 = vector.shape_cast %broadcast_in_dim3A_263 : vector<16xf32> to vector<16xf32>
    tpu.vector_store %arg6[%swap3A_264], %swap3A_267 {strides = array<i32>} : memref<640xf32, #tpu.memory_space<vmem>>, vector<16xf32>,
    %broadcast_in_dim3A_268 = arith.constant 0.000000e+00 : f32
    %broadcast_in_dim3A_269 = vector.broadcast %broadcast_in_dim3A_268 : f32 to vector<16xf32>
    %swap3A_270 = arith.constant 592 : index
    %swap3A_271 = tpu.vector_load %arg6[%swap3A_270] {strides = array<i32>} : memref<640xf32, #tpu.memory_space<vmem>>, vector<16xf32>,
    %swap3A_272 = vector.shape_cast %swap3A_271 : vector<16xf32> to vector<16xf32>
    %swap3A_273 = vector.shape_cast %broadcast_in_dim3A_269 : vector<16xf32> to vector<16xf32>
    tpu.vector_store %arg6[%swap3A_270], %swap3A_273 {strides = array<i32>} : memref<640xf32, #tpu.memory_space<vmem>>, vector<16xf32>,
    %broadcast_in_dim3A_274 = arith.constant 0.000000e+00 : f32
    %broadcast_in_dim3A_275 = vector.broadcast %broadcast_in_dim3A_274 : f32 to vector<16xf32>
    %swap3A_276 = arith.constant 608 : index
    %swap3A_277 = tpu.vector_load %arg6[%swap3A_276] {strides = array<i32>} : memref<640xf32, #tpu.memory_space<vmem>>, vector<16xf32>,
    %swap3A_278 = vector.shape_cast %swap3A_277 : vector<16xf32> to vector<16xf32>
    %swap3A_279 = vector.shape_cast %broadcast_in_dim3A_275 : vector<16xf32> to vector<16xf32>
    tpu.vector_store %arg6[%swap3A_276], %swap3A_279 {strides = array<i32>} : memref<640xf32, #tpu.memory_space<vmem>>, vector<16xf32>,
    %broadcast_in_dim3A_280 = arith.constant 0.000000e+00 : f32
    %broadcast_in_dim3A_281 = vector.broadcast %broadcast_in_dim3A_280 : f32 to vector<16xf32>
    %swap3A_282 = arith.constant 624 : index
    %swap3A_283 = tpu.vector_load %arg6[%swap3A_282] {strides = array<i32>} : memref<640xf32, #tpu.memory_space<vmem>>, vector<16xf32>,
    %swap3A_284 = vector.shape_cast %swap3A_283 : vector<16xf32> to vector<16xf32>
    %swap3A_285 = vector.shape_cast %broadcast_in_dim3A_281 : vector<16xf32> to vector<16xf32>
    tpu.vector_store %arg6[%swap3A_282], %swap3A_285 {strides = array<i32>} : memref<640xf32, #tpu.memory_space<vmem>>, vector<16xf32>,
    %mul3A = arith.constant 640 : i32
    %mul3A_286 = arith.muli %arg1, %mul3A : i32
    "tpu.region"() ({
      %run_scoped3A = tpu.sem_alloc : memref<!tpu.dma_semaphore, #tpu.memory_space<semaphore_mem>>
      %dma_start3A = tpu.memref_slice %arg7[%mul3A_286] : memref<10240xf32, #tpu.memory_space<vmem_shared>> -> memref<640xf32, #tpu.memory_space<vmem_shared>>
      %dma_start3A_304 = tpu.memref_slice %arg7[%mul3A_286] : memref<10240xf32, #tpu.memory_space<vmem_shared>> -> memref<640xf32, #tpu.memory_space<vmem_shared>>
      tpu.enqueue_dma source(%arg6 : memref<640xf32, #tpu.memory_space<vmem>>) target(%dma_start3A_304 : memref<640xf32, #tpu.memory_space<vmem_shared>>) target_semaphore(%run_scoped3A : memref<!tpu.dma_semaphore, #tpu.memory_space<semaphore_mem>>)
      %dma_wait3A = tpu.memref_slice %arg7[%mul3A_286] : memref<10240xf32, #tpu.memory_space<vmem_shared>> -> memref<640xf32, #tpu.memory_space<vmem_shared>>
      %dma_wait3A_305 = tpu.memref_slice %arg7[%mul3A_286] : memref<10240xf32, #tpu.memory_space<vmem_shared>> -> memref<640xf32, #tpu.memory_space<vmem_shared>>
      tpu.wait_dma2 semaphore(%run_scoped3A : memref<!tpu.dma_semaphore, #tpu.memory_space<semaphore_mem>>) src(%arg6 : memref<640xf32, #tpu.memory_space<vmem>>) dst(%dma_wait3A_305 : memref<640xf32, #tpu.memory_space<vmem_shared>>)
      tpu.yield
    }) : () -> ()
    %mul3A_287 = arith.constant 16 : i32
    %mul3A_288 = arith.muli %arg0, %mul3A_287 : i32
    %add3A = arith.addi %mul3A_288, %arg1 : i32
    %mul3A_289 = arith.constant 160 : i32
    %mul3A_290 = arith.muli %add3A, %mul3A_289 : i32
    "tpu.region"() ({
      %run_scoped3A = tpu.sem_alloc : memref<!tpu.dma_semaphore, #tpu.memory_space<semaphore_mem>>
      %dma_start3A = arith.constant 0 : i32
      %dma_start3A_304 = tpu.memref_slice %arg2[%mul3A_290, %dma_start3A] : memref<5120x128xi32, #tpu.memory_space<hbm>> -> memref<160x128xi32, #tpu.memory_space<hbm>>
      %dma_start3A_305 = arith.constant 0 : i32
      %dma_start3A_306 = tpu.memref_slice %arg2[%mul3A_290, %dma_start3A_305] : memref<5120x128xi32, #tpu.memory_space<hbm>> -> memref<160x128xi32, #tpu.memory_space<hbm>>
      tpu.enqueue_dma source(%dma_start3A_306 : memref<160x128xi32, #tpu.memory_space<hbm>>) target(%arg4 : memref<160x128xi32, #tpu.memory_space<vmem>>) target_semaphore(%run_scoped3A : memref<!tpu.dma_semaphore, #tpu.memory_space<semaphore_mem>>)
      %dma_wait3A = arith.constant 0 : i32
      %dma_wait3A_307 = tpu.memref_slice %arg2[%mul3A_290, %dma_wait3A] : memref<5120x128xi32, #tpu.memory_space<hbm>> -> memref<160x128xi32, #tpu.memory_space<hbm>>
      %dma_wait3A_308 = arith.constant 0 : i32
      %dma_wait3A_309 = tpu.memref_slice %arg2[%mul3A_290, %dma_wait3A_308] : memref<5120x128xi32, #tpu.memory_space<hbm>> -> memref<160x128xi32, #tpu.memory_space<hbm>>
      tpu.wait_dma2 semaphore(%run_scoped3A : memref<!tpu.dma_semaphore, #tpu.memory_space<semaphore_mem>>) src(%dma_wait3A_309 : memref<160x128xi32, #tpu.memory_space<hbm>>) dst(%arg4 : memref<160x128xi32, #tpu.memory_space<vmem>>)
      tpu.yield
    }) : () -> ()
    %barrier3A = arith.constant 0 : index
    tpu.barrier barrier_id(%barrier3A)
    %scan3A = arith.constant 0 : i32
    %scan3A_291 = arith.constant 160 : i32
    %scan3A_292 = arith.addi %scan3A, %scan3A_291 : i32
    %scan3A_293 = arith.constant 1 : i32
    scf.for %scan3A_304 = %scan3A to %scan3A_292 step %scan3A_293  : i32 {
      %mul3A_305 = arith.constant 1 : i32
      %mul3A_306 = arith.muli %scan3A_304, %mul3A_305 : i32
      %add3A_307 = arith.constant 0 : i32
      %add3A_308 = arith.addi %add3A_307, %mul3A_306 : i32
      "tpu.region"() ({
        %run_scoped3A = tpu.sem_alloc : memref<!tpu.dma_semaphore, #tpu.memory_space<semaphore_mem>>
        %dma_start3A = arith.constant 0 : i32
        %dma_start3A_309 = tpu.memref_slice %arg4[%add3A_308, %dma_start3A] : memref<160x128xi32, #tpu.memory_space<vmem>> -> memref<1x128xi32, #tpu.memory_space<vmem>>
        %dma_start3A_310 = tpu.memref_squeeze %dma_start3A_309 : memref<1x128xi32, #tpu.memory_space<vmem>> -> memref<128xi32, #tpu.memory_space<vmem>>
        %dma_start3A_311 = arith.constant 0 : i32
        %dma_start3A_312 = tpu.memref_slice %arg7[%dma_start3A_311] : memref<10240xf32, #tpu.memory_space<vmem_shared>> -> memref<10240xf32, #tpu.memory_space<vmem_shared>>
        tpu.enqueue_indirect_dma source(%arg5 : memref<128xf32, #tpu.memory_space<vmem>>) target(%dma_start3A_312 : memref<10240xf32, #tpu.memory_space<vmem_shared>>) offsets(%dma_start3A_310 : memref<128xi32, #tpu.memory_space<vmem>>) semaphore(%run_scoped3A : memref<!tpu.dma_semaphore, #tpu.memory_space<semaphore_mem>>) {add = true}
        %dma_wait3A = arith.constant 0 : i32
        %dma_wait3A_313 = tpu.memref_slice %arg4[%add3A_308, %dma_wait3A] : memref<160x128xi32, #tpu.memory_space<vmem>> -> memref<1x128xi32, #tpu.memory_space<vmem>>
        %dma_wait3A_314 = tpu.memref_squeeze %dma_wait3A_313 : memref<1x128xi32, #tpu.memory_space<vmem>> -> memref<128xi32, #tpu.memory_space<vmem>>
        %dma_wait3A_315 = arith.constant 0 : i32
        %dma_wait3A_316 = tpu.memref_slice %arg7[%dma_wait3A_315] : memref<10240xf32, #tpu.memory_space<vmem_shared>> -> memref<10240xf32, #tpu.memory_space<vmem_shared>>
        tpu.wait_indirect_dma semaphore(%run_scoped3A : memref<!tpu.dma_semaphore, #tpu.memory_space<semaphore_mem>>) src(%arg5 : memref<128xf32, #tpu.memory_space<vmem>>) dst(%dma_wait3A_316 : memref<10240xf32, #tpu.memory_space<vmem_shared>>)
        tpu.yield
      }) : () -> ()
    }
    %scan3A_294 = arith.constant 160 : i32
    %barrier3A_295 = arith.constant 0 : index
    tpu.barrier barrier_id(%barrier3A_295)
    %mul3A_296 = arith.constant 640 : i32
    %mul3A_297 = arith.muli %arg1, %mul3A_296 : i32
    %sub3A = arith.constant 1 : i32
    %sub3A_298 = arith.subi %sub3A, %arg0 : i32
    %mul3A_299 = arith.constant 10240 : i32
    %mul3A_300 = arith.muli %sub3A_298, %mul3A_299 : i32
    %mul3A_301 = arith.constant 640 : i32
    %mul3A_302 = arith.muli %arg1, %mul3A_301 : i32
    %add3A_303 = arith.addi %mul3A_300, %mul3A_302 : i32
    "tpu.region"() ({
      %run_scoped3A = tpu.sem_alloc : memref<!tpu.dma_semaphore, #tpu.memory_space<semaphore_mem>>
      %dma_start3A = tpu.memref_slice %arg3[%add3A_303] : memref<20480xf32, #tpu.memory_space<hbm>> -> memref<640xf32, #tpu.memory_space<hbm>>
      %dma_start3A_304 = tpu.memref_slice %arg7[%mul3A_297] : memref<10240xf32, #tpu.memory_space<vmem_shared>> -> memref<640xf32, #tpu.memory_space<vmem_shared>>
      tpu.enqueue_dma source(%dma_start3A_304 : memref<640xf32, #tpu.memory_space<vmem_shared>>) target(%dma_start3A : memref<640xf32, #tpu.memory_space<hbm>>) target_semaphore(%run_scoped3A : memref<!tpu.dma_semaphore, #tpu.memory_space<semaphore_mem>>)
      %dma_wait3A = tpu.memref_slice %arg3[%add3A_303] : memref<20480xf32, #tpu.memory_space<hbm>> -> memref<640xf32, #tpu.memory_space<hbm>>
      %dma_wait3A_305 = tpu.memref_slice %arg7[%mul3A_297] : memref<10240xf32, #tpu.memory_space<vmem_shared>> -> memref<640xf32, #tpu.memory_space<vmem_shared>>
      tpu.wait_dma2 semaphore(%run_scoped3A : memref<!tpu.dma_semaphore, #tpu.memory_space<semaphore_mem>>) src(%dma_wait3A_305 : memref<640xf32, #tpu.memory_space<vmem_shared>>) dst(%dma_wait3A : memref<640xf32, #tpu.memory_space<hbm>>)
      tpu.yield
    }) : () -> ()
    return
  }
}

#map = affine_map<(d0, d1) -> (0, 0, 0)>
#map1 = affine_map<(d0, d1) -> (0, 0)>
module attributes {stable_mosaic.version = 14 : i64} {
  func.func @_sc_round(%arg0: i32, %arg1: i32, %arg2: memref<2x20480x64xf32, #tpu.memory_space<hbm>>, %arg3: memref<5120x128xi32, #tpu.memory_space<hbm>>, %arg4: memref<5120x128xi32, #tpu.memory_space<hbm>>, %arg5: memref<2x20480x64xf32, #tpu.memory_space<hbm>>, %arg6: memref<160x128xi32, #tpu.memory_space<vmem>>, %arg7: memref<160x128xi32, #tpu.memory_space<vmem>>, %arg8: memref<128x64xf32, #tpu.memory_space<vmem>>, %arg9: memref<128x64xf32, #tpu.memory_space<vmem>>, %arg10: memref<128x64xf32, #tpu.memory_space<vmem>>, %arg11: memref<128x64xf32, #tpu.memory_space<vmem>>, %arg12: memref<10240x64xf32, #tpu.memory_space<vmem_shared>>, %arg13: memref<!tpu.dma_semaphore, #tpu.memory_space<semaphore_mem>>, %arg14: memref<!tpu.dma_semaphore, #tpu.memory_space<semaphore_mem>>, %arg15: memref<!tpu.dma_semaphore, #tpu.memory_space<semaphore_mem>>, %arg16: memref<!tpu.dma_semaphore, #tpu.memory_space<semaphore_mem>>, %arg17: memref<!tpu.dma_semaphore, #tpu.memory_space<semaphore_mem>>, %arg18: memref<!tpu.dma_semaphore, #tpu.memory_space<semaphore_mem>>, %arg19: memref<!tpu.dma_semaphore, #tpu.memory_space<semaphore_mem>>, %arg20: memref<!tpu.dma_semaphore, #tpu.memory_space<semaphore_mem>>) attributes {dimension_semantics = [#tpu.dimension_semantics<core_parallel>, #tpu.dimension_semantics<subcore_parallel>], iteration_bounds = array<i64: 2, 16>, scalar_prefetch = 0 : i64, scratch_operands = 15 : i64, tpu.core_type = #tpu.core_type<sc_vector_subcore>, window_params = [{transform_indices = #map}, {transform_indices = #map1}, {transform_indices = #map1}, {transform_indices = #map}]} {
    %mul3A = arith.constant 640 : i32
    %mul3A_0 = arith.muli %arg1, %mul3A : i32
    %mul3A_1 = arith.constant 16 : i32
    %mul3A_2 = arith.muli %arg0, %mul3A_1 : i32
    %add3A = arith.addi %mul3A_2, %arg1 : i32
    %mul3A_3 = arith.constant 160 : i32
    %mul3A_4 = arith.muli %add3A, %mul3A_3 : i32
    "tpu.region"() ({
      %run_scoped3A_165 = tpu.sem_alloc : memref<!tpu.dma_semaphore, #tpu.memory_space<semaphore_mem>>
      %dma_start3A_166 = arith.constant 0 : i32
      %dma_start3A_167 = tpu.memref_slice %arg3[%mul3A_4, %dma_start3A_166] : memref<5120x128xi32, #tpu.memory_space<hbm>> -> memref<160x128xi32, #tpu.memory_space<hbm>>
      %dma_start3A_168 = arith.constant 0 : i32
      %dma_start3A_169 = tpu.memref_slice %arg3[%mul3A_4, %dma_start3A_168] : memref<5120x128xi32, #tpu.memory_space<hbm>> -> memref<160x128xi32, #tpu.memory_space<hbm>>
      tpu.enqueue_dma source(%dma_start3A_169 : memref<160x128xi32, #tpu.memory_space<hbm>>) target(%arg6 : memref<160x128xi32, #tpu.memory_space<vmem>>) target_semaphore(%run_scoped3A_165 : memref<!tpu.dma_semaphore, #tpu.memory_space<semaphore_mem>>)
      %dma_wait3A_170 = arith.constant 0 : i32
      %dma_wait3A_171 = tpu.memref_slice %arg3[%mul3A_4, %dma_wait3A_170] : memref<5120x128xi32, #tpu.memory_space<hbm>> -> memref<160x128xi32, #tpu.memory_space<hbm>>
      %dma_wait3A_172 = arith.constant 0 : i32
      %dma_wait3A_173 = tpu.memref_slice %arg3[%mul3A_4, %dma_wait3A_172] : memref<5120x128xi32, #tpu.memory_space<hbm>> -> memref<160x128xi32, #tpu.memory_space<hbm>>
      tpu.wait_dma2 semaphore(%run_scoped3A_165 : memref<!tpu.dma_semaphore, #tpu.memory_space<semaphore_mem>>) src(%dma_wait3A_173 : memref<160x128xi32, #tpu.memory_space<hbm>>) dst(%arg6 : memref<160x128xi32, #tpu.memory_space<vmem>>)
      tpu.yield
    }) : () -> ()
    "tpu.region"() ({
      %run_scoped3A_165 = tpu.sem_alloc : memref<!tpu.dma_semaphore, #tpu.memory_space<semaphore_mem>>
      %dma_start3A_166 = arith.constant 0 : i32
      %dma_start3A_167 = tpu.memref_slice %arg4[%mul3A_4, %dma_start3A_166] : memref<5120x128xi32, #tpu.memory_space<hbm>> -> memref<160x128xi32, #tpu.memory_space<hbm>>
      %dma_start3A_168 = arith.constant 0 : i32
      %dma_start3A_169 = tpu.memref_slice %arg4[%mul3A_4, %dma_start3A_168] : memref<5120x128xi32, #tpu.memory_space<hbm>> -> memref<160x128xi32, #tpu.memory_space<hbm>>
      tpu.enqueue_dma source(%dma_start3A_169 : memref<160x128xi32, #tpu.memory_space<hbm>>) target(%arg7 : memref<160x128xi32, #tpu.memory_space<vmem>>) target_semaphore(%run_scoped3A_165 : memref<!tpu.dma_semaphore, #tpu.memory_space<semaphore_mem>>)
      %dma_wait3A_170 = arith.constant 0 : i32
      %dma_wait3A_171 = tpu.memref_slice %arg4[%mul3A_4, %dma_wait3A_170] : memref<5120x128xi32, #tpu.memory_space<hbm>> -> memref<160x128xi32, #tpu.memory_space<hbm>>
      %dma_wait3A_172 = arith.constant 0 : i32
      %dma_wait3A_173 = tpu.memref_slice %arg4[%mul3A_4, %dma_wait3A_172] : memref<5120x128xi32, #tpu.memory_space<hbm>> -> memref<160x128xi32, #tpu.memory_space<hbm>>
      tpu.wait_dma2 semaphore(%run_scoped3A_165 : memref<!tpu.dma_semaphore, #tpu.memory_space<semaphore_mem>>) src(%dma_wait3A_173 : memref<160x128xi32, #tpu.memory_space<hbm>>) dst(%arg7 : memref<160x128xi32, #tpu.memory_space<vmem>>)
      tpu.yield
    }) : () -> ()
    %mul3A_5 = arith.constant 10240 : i32
    %mul3A_6 = arith.muli %arg0, %mul3A_5 : i32
    %mul3A_7 = arith.constant 640 : i32
    %mul3A_8 = arith.muli %arg1, %mul3A_7 : i32
    %add3A_9 = arith.addi %mul3A_6, %mul3A_8 : i32
    %run_scoped3A = arith.constant 0 : i32
    "tpu.region"() ({
      %run_scoped3A_165 = tpu.sem_alloc : memref<!tpu.dma_semaphore, #tpu.memory_space<semaphore_mem>>
      %dma_start3A_166 = arith.constant 0 : i32
      %dma_start3A_167 = tpu.memref_slice %arg12[%mul3A_0, %dma_start3A_166] : memref<10240x64xf32, #tpu.memory_space<vmem_shared>> -> memref<640x64xf32, #tpu.memory_space<vmem_shared>>
      %dma_start3A_168 = arith.constant 0 : i32
      %dma_start3A_169 = arith.constant 0 : i32
      %dma_start3A_170 = tpu.memref_slice %arg2[%run_scoped3A, %dma_start3A_168, %dma_start3A_169] : memref<2x20480x64xf32, #tpu.memory_space<hbm>> -> memref<1x20480x64xf32, #tpu.memory_space<hbm>>
      %dma_start3A_171 = tpu.memref_squeeze %dma_start3A_170 : memref<1x20480x64xf32, #tpu.memory_space<hbm>> -> memref<20480x64xf32, #tpu.memory_space<hbm>>
      %dma_start3A_172 = arith.constant 0 : i32
      %dma_start3A_173 = tpu.memref_slice %dma_start3A_171[%add3A_9, %dma_start3A_172] : memref<20480x64xf32, #tpu.memory_space<hbm>> -> memref<640x64xf32, #tpu.memory_space<hbm>>
      tpu.enqueue_dma source(%dma_start3A_173 : memref<640x64xf32, #tpu.memory_space<hbm>>) target(%dma_start3A_167 : memref<640x64xf32, #tpu.memory_space<vmem_shared>>) target_semaphore(%run_scoped3A_165 : memref<!tpu.dma_semaphore, #tpu.memory_space<semaphore_mem>>)
      %dma_wait3A_174 = arith.constant 0 : i32
      %dma_wait3A_175 = tpu.memref_slice %arg12[%mul3A_0, %dma_wait3A_174] : memref<10240x64xf32, #tpu.memory_space<vmem_shared>> -> memref<640x64xf32, #tpu.memory_space<vmem_shared>>
      %dma_wait3A_176 = arith.constant 0 : i32
      %dma_wait3A_177 = arith.constant 0 : i32
      %dma_wait3A_178 = tpu.memref_slice %arg2[%run_scoped3A, %dma_wait3A_176, %dma_wait3A_177] : memref<2x20480x64xf32, #tpu.memory_space<hbm>> -> memref<1x20480x64xf32, #tpu.memory_space<hbm>>
      %dma_wait3A_179 = tpu.memref_squeeze %dma_wait3A_178 : memref<1x20480x64xf32, #tpu.memory_space<hbm>> -> memref<20480x64xf32, #tpu.memory_space<hbm>>
      %dma_wait3A_180 = arith.constant 0 : i32
      %dma_wait3A_181 = tpu.memref_slice %dma_wait3A_179[%add3A_9, %dma_wait3A_180] : memref<20480x64xf32, #tpu.memory_space<hbm>> -> memref<640x64xf32, #tpu.memory_space<hbm>>
      tpu.wait_dma2 semaphore(%run_scoped3A_165 : memref<!tpu.dma_semaphore, #tpu.memory_space<semaphore_mem>>) src(%dma_wait3A_181 : memref<640x64xf32, #tpu.memory_space<hbm>>) dst(%dma_wait3A_175 : memref<640x64xf32, #tpu.memory_space<vmem_shared>>)
      tpu.yield
    }) : () -> ()
    %barrier3A = arith.constant 0 : index
    tpu.barrier barrier_id(%barrier3A)
    %dma_start3A = arith.constant 0 : i32
    %dma_start3A_10 = arith.constant 0 : i32
    %dma_start3A_11 = arith.constant 0 : i32
    %dma_start3A_12 = tpu.memref_slice %arg6[%dma_start3A_10, %dma_start3A_11] : memref<160x128xi32, #tpu.memory_space<vmem>> -> memref<1x128xi32, #tpu.memory_space<vmem>>
    %dma_start3A_13 = tpu.memref_squeeze %dma_start3A_12 : memref<1x128xi32, #tpu.memory_space<vmem>> -> memref<128xi32, #tpu.memory_space<vmem>>
    %dma_start3A_14 = arith.constant 0 : i32
    %dma_start3A_15 = arith.constant 0 : i32
    %dma_start3A_16 = tpu.memref_slice %arg2[%dma_start3A, %dma_start3A_14, %dma_start3A_15] : memref<2x20480x64xf32, #tpu.memory_space<hbm>> -> memref<1x20480x64xf32, #tpu.memory_space<hbm>>
    %dma_start3A_17 = tpu.memref_squeeze %dma_start3A_16 : memref<1x20480x64xf32, #tpu.memory_space<hbm>> -> memref<20480x64xf32, #tpu.memory_space<hbm>>
    %dma_start3A_18 = arith.constant 0 : i32
    %dma_start3A_19 = arith.constant 0 : i32
    %dma_start3A_20 = tpu.memref_slice %dma_start3A_17[%dma_start3A_18, %dma_start3A_19] : memref<20480x64xf32, #tpu.memory_space<hbm>> -> memref<20480x64xf32, #tpu.memory_space<hbm>>
    tpu.enqueue_indirect_dma source(%dma_start3A_20 : memref<20480x64xf32, #tpu.memory_space<hbm>>) target(%arg8 : memref<128x64xf32, #tpu.memory_space<vmem>>) offsets(%dma_start3A_13 : memref<128xi32, #tpu.memory_space<vmem>>) semaphore(%arg13 : memref<!tpu.dma_semaphore, #tpu.memory_space<semaphore_mem>>)
    %dma_start3A_21 = arith.constant 0 : i32
    %dma_start3A_22 = arith.constant 1 : i32
    %dma_start3A_23 = arith.constant 0 : i32
    %dma_start3A_24 = tpu.memref_slice %arg6[%dma_start3A_22, %dma_start3A_23] : memref<160x128xi32, #tpu.memory_space<vmem>> -> memref<1x128xi32, #tpu.memory_space<vmem>>
    %dma_start3A_25 = tpu.memref_squeeze %dma_start3A_24 : memref<1x128xi32, #tpu.memory_space<vmem>> -> memref<128xi32, #tpu.memory_space<vmem>>
    %dma_start3A_26 = arith.constant 0 : i32
    %dma_start3A_27 = arith.constant 0 : i32
    %dma_start3A_28 = tpu.memref_slice %arg2[%dma_start3A_21, %dma_start3A_26, %dma_start3A_27] : memref<2x20480x64xf32, #tpu.memory_space<hbm>> -> memref<1x20480x64xf32, #tpu.memory_space<hbm>>
    %dma_start3A_29 = tpu.memref_squeeze %dma_start3A_28 : memref<1x20480x64xf32, #tpu.memory_space<hbm>> -> memref<20480x64xf32, #tpu.memory_space<hbm>>
    %dma_start3A_30 = arith.constant 0 : i32
    %dma_start3A_31 = arith.constant 0 : i32
    %dma_start3A_32 = tpu.memref_slice %dma_start3A_29[%dma_start3A_30, %dma_start3A_31] : memref<20480x64xf32, #tpu.memory_space<hbm>> -> memref<20480x64xf32, #tpu.memory_space<hbm>>
    tpu.enqueue_indirect_dma source(%dma_start3A_32 : memref<20480x64xf32, #tpu.memory_space<hbm>>) target(%arg9 : memref<128x64xf32, #tpu.memory_space<vmem>>) offsets(%dma_start3A_25 : memref<128xi32, #tpu.memory_space<vmem>>) semaphore(%arg14 : memref<!tpu.dma_semaphore, #tpu.memory_space<semaphore_mem>>)
    %dma_start3A_33 = arith.constant 0 : i32
    %dma_start3A_34 = arith.constant 2 : i32
    %dma_start3A_35 = arith.constant 0 : i32
    %dma_start3A_36 = tpu.memref_slice %arg6[%dma_start3A_34, %dma_start3A_35] : memref<160x128xi32, #tpu.memory_space<vmem>> -> memref<1x128xi32, #tpu.memory_space<vmem>>
    %dma_start3A_37 = tpu.memref_squeeze %dma_start3A_36 : memref<1x128xi32, #tpu.memory_space<vmem>> -> memref<128xi32, #tpu.memory_space<vmem>>
    %dma_start3A_38 = arith.constant 0 : i32
    %dma_start3A_39 = arith.constant 0 : i32
    %dma_start3A_40 = tpu.memref_slice %arg2[%dma_start3A_33, %dma_start3A_38, %dma_start3A_39] : memref<2x20480x64xf32, #tpu.memory_space<hbm>> -> memref<1x20480x64xf32, #tpu.memory_space<hbm>>
    %dma_start3A_41 = tpu.memref_squeeze %dma_start3A_40 : memref<1x20480x64xf32, #tpu.memory_space<hbm>> -> memref<20480x64xf32, #tpu.memory_space<hbm>>
    %dma_start3A_42 = arith.constant 0 : i32
    %dma_start3A_43 = arith.constant 0 : i32
    %dma_start3A_44 = tpu.memref_slice %dma_start3A_41[%dma_start3A_42, %dma_start3A_43] : memref<20480x64xf32, #tpu.memory_space<hbm>> -> memref<20480x64xf32, #tpu.memory_space<hbm>>
    tpu.enqueue_indirect_dma source(%dma_start3A_44 : memref<20480x64xf32, #tpu.memory_space<hbm>>) target(%arg10 : memref<128x64xf32, #tpu.memory_space<vmem>>) offsets(%dma_start3A_37 : memref<128xi32, #tpu.memory_space<vmem>>) semaphore(%arg15 : memref<!tpu.dma_semaphore, #tpu.memory_space<semaphore_mem>>)
    %scan3A = arith.constant 0 : i32
    %scan3A_45 = arith.constant 0 : i32
    %scan3A_46 = arith.constant 40 : i32
    %scan3A_47 = arith.addi %scan3A_45, %scan3A_46 : i32
    %scan3A_48 = arith.constant 1 : i32
    scf.for %scan3A_165 = %scan3A_45 to %scan3A_47 step %scan3A_48  : i32 {
      %mul3A_166 = arith.constant 4 : i32
      %mul3A_167 = arith.muli %scan3A_165, %mul3A_166 : i32
      %add3A_168 = arith.constant 0 : i32
      %add3A_169 = arith.addi %add3A_168, %mul3A_167 : i32
      %add3A_170 = arith.constant 0 : i32
      %add3A_171 = arith.addi %add3A_169, %add3A_170 : i32
      %add3A_172 = arith.constant 4 : i32
      %add3A_173 = arith.addi %add3A_171, %add3A_172 : i32
      %sub3A_174 = arith.constant 1 : i32
      %sub3A_175 = arith.subi %add3A_173, %sub3A_174 : i32
      %dma_wait3A_176 = arith.constant 0 : i32
      %dma_wait3A_177 = arith.constant 0 : i32
      %dma_wait3A_178 = tpu.memref_slice %arg2[%scan3A, %dma_wait3A_176, %dma_wait3A_177] : memref<2x20480x64xf32, #tpu.memory_space<hbm>> -> memref<1x20480x64xf32, #tpu.memory_space<hbm>>
      %dma_wait3A_179 = tpu.memref_squeeze %dma_wait3A_178 : memref<1x20480x64xf32, #tpu.memory_space<hbm>> -> memref<20480x64xf32, #tpu.memory_space<hbm>>
      %dma_wait3A_180 = arith.constant 0 : i32
      %dma_wait3A_181 = arith.constant 0 : i32
      %dma_wait3A_182 = tpu.memref_slice %dma_wait3A_179[%dma_wait3A_180, %dma_wait3A_181] : memref<20480x64xf32, #tpu.memory_space<hbm>> -> memref<128x64xf32, #tpu.memory_space<hbm>>
      %dma_wait3A_183 = arith.constant 0 : i32
      %dma_wait3A_184 = arith.constant 0 : i32
      %dma_wait3A_185 = tpu.memref_slice %arg2[%scan3A, %dma_wait3A_183, %dma_wait3A_184] : memref<2x20480x64xf32, #tpu.memory_space<hbm>> -> memref<1x20480x64xf32, #tpu.memory_space<hbm>>
      %dma_wait3A_186 = tpu.memref_squeeze %dma_wait3A_185 : memref<1x20480x64xf32, #tpu.memory_space<hbm>> -> memref<20480x64xf32, #tpu.memory_space<hbm>>
      %dma_wait3A_187 = arith.constant 0 : i32
      %dma_wait3A_188 = arith.constant 0 : i32
      %dma_wait3A_189 = tpu.memref_slice %dma_wait3A_186[%dma_wait3A_187, %dma_wait3A_188] : memref<20480x64xf32, #tpu.memory_space<hbm>> -> memref<128x64xf32, #tpu.memory_space<hbm>>
      tpu.wait_dma2 semaphore(%arg13 : memref<!tpu.dma_semaphore, #tpu.memory_space<semaphore_mem>>) src(%dma_wait3A_189 : memref<128x64xf32, #tpu.memory_space<hbm>>) dst(%arg8 : memref<128x64xf32, #tpu.memory_space<vmem>>)
      %add3A_190 = arith.constant 0 : i32
      %add3A_191 = arith.addi %add3A_169, %add3A_190 : i32
      %dma_start3A_192 = arith.constant 0 : i32
      %dma_start3A_193 = tpu.memref_slice %arg7[%add3A_191, %dma_start3A_192] : memref<160x128xi32, #tpu.memory_space<vmem>> -> memref<1x128xi32, #tpu.memory_space<vmem>>
      %dma_start3A_194 = tpu.memref_squeeze %dma_start3A_193 : memref<1x128xi32, #tpu.memory_space<vmem>> -> memref<128xi32, #tpu.memory_space<vmem>>
      %dma_start3A_195 = arith.constant 0 : i32
      %dma_start3A_196 = arith.constant 0 : i32
      %dma_start3A_197 = tpu.memref_slice %arg12[%dma_start3A_195, %dma_start3A_196] : memref<10240x64xf32, #tpu.memory_space<vmem_shared>> -> memref<10240x64xf32, #tpu.memory_space<vmem_shared>>
      tpu.enqueue_indirect_dma source(%arg8 : memref<128x64xf32, #tpu.memory_space<vmem>>) target(%dma_start3A_197 : memref<10240x64xf32, #tpu.memory_space<vmem_shared>>) offsets(%dma_start3A_194 : memref<128xi32, #tpu.memory_space<vmem>>) semaphore(%arg17 : memref<!tpu.dma_semaphore, #tpu.memory_space<semaphore_mem>>) {add = true}
      %lt3A = arith.constant 160 : i32
      %lt3A_198 = arith.cmpi slt, %sub3A_175, %lt3A : i32
      %convert_element_type3A = arith.extui %lt3A_198 : i1 to i32
      %cond3A = arith.constant 0 : i32
      %cond3A_199 = arith.cmpi ne, %convert_element_type3A, %cond3A : i32
      scf.if %cond3A_199 {
        %add3A_299 = arith.constant 0 : i32
        %add3A_300 = arith.addi %add3A_169, %add3A_299 : i32
        %gt3A = arith.constant 0 : i32
        %gt3A_301 = arith.cmpi sgt, %add3A_300, %gt3A : i32
        %convert_element_type3A_302 = arith.extui %gt3A_301 : i1 to i32
        %cond3A_303 = arith.constant 0 : i32
        %cond3A_304 = arith.cmpi ne, %convert_element_type3A_302, %cond3A_303 : i32
        scf.if %cond3A_304 {
          %dma_wait3A_315 = arith.constant 0 : i32
          %dma_wait3A_316 = arith.constant 0 : i32
          %dma_wait3A_317 = tpu.memref_slice %arg12[%dma_wait3A_315, %dma_wait3A_316] : memref<10240x64xf32, #tpu.memory_space<vmem_shared>> -> memref<128x64xf32, #tpu.memory_space<vmem_shared>>
          %dma_wait3A_318 = arith.constant 0 : i32
          %dma_wait3A_319 = arith.constant 0 : i32
          %dma_wait3A_320 = tpu.memref_slice %arg12[%dma_wait3A_318, %dma_wait3A_319] : memref<10240x64xf32, #tpu.memory_space<vmem_shared>> -> memref<128x64xf32, #tpu.memory_space<vmem_shared>>
          tpu.wait_dma2 semaphore(%arg20 : memref<!tpu.dma_semaphore, #tpu.memory_space<semaphore_mem>>) src(%arg11 : memref<128x64xf32, #tpu.memory_space<vmem>>) dst(%dma_wait3A_320 : memref<128x64xf32, #tpu.memory_space<vmem_shared>>)
        } else {
        }
        %dma_start3A_305 = arith.constant 0 : i32
        %dma_start3A_306 = tpu.memref_slice %arg6[%sub3A_175, %dma_start3A_305] : memref<160x128xi32, #tpu.memory_space<vmem>> -> memref<1x128xi32, #tpu.memory_space<vmem>>
        %dma_start3A_307 = tpu.memref_squeeze %dma_start3A_306 : memref<1x128xi32, #tpu.memory_space<vmem>> -> memref<128xi32, #tpu.memory_space<vmem>>
        %dma_start3A_308 = arith.constant 0 : i32
        %dma_start3A_309 = arith.constant 0 : i32
        %dma_start3A_310 = tpu.memref_slice %arg2[%scan3A, %dma_start3A_308, %dma_start3A_309] : memref<2x20480x64xf32, #tpu.memory_space<hbm>> -> memref<1x20480x64xf32, #tpu.memory_space<hbm>>
        %dma_start3A_311 = tpu.memref_squeeze %dma_start3A_310 : memref<1x20480x64xf32, #tpu.memory_space<hbm>> -> memref<20480x64xf32, #tpu.memory_space<hbm>>
        %dma_start3A_312 = arith.constant 0 : i32
        %dma_start3A_313 = arith.constant 0 : i32
        %dma_start3A_314 = tpu.memref_slice %dma_start3A_311[%dma_start3A_312, %dma_start3A_313] : memref<20480x64xf32, #tpu.memory_space<hbm>> -> memref<20480x64xf32, #tpu.memory_space<hbm>>
        tpu.enqueue_indirect_dma source(%dma_start3A_314 : memref<20480x64xf32, #tpu.memory_space<hbm>>) target(%arg11 : memref<128x64xf32, #tpu.memory_space<vmem>>) offsets(%dma_start3A_307 : memref<128xi32, #tpu.memory_space<vmem>>) semaphore(%arg16 : memref<!tpu.dma_semaphore, #tpu.memory_space<semaphore_mem>>)
      } else {
      }
      %add3A_200 = arith.constant 1 : i32
      %add3A_201 = arith.addi %add3A_169, %add3A_200 : i32
      %add3A_202 = arith.constant 4 : i32
      %add3A_203 = arith.addi %add3A_201, %add3A_202 : i32
      %sub3A_204 = arith.constant 1 : i32
      %sub3A_205 = arith.subi %add3A_203, %sub3A_204 : i32
      %dma_wait3A_206 = arith.constant 0 : i32
      %dma_wait3A_207 = arith.constant 0 : i32
      %dma_wait3A_208 = tpu.memref_slice %arg2[%scan3A, %dma_wait3A_206, %dma_wait3A_207] : memref<2x20480x64xf32, #tpu.memory_space<hbm>> -> memref<1x20480x64xf32, #tpu.memory_space<hbm>>
      %dma_wait3A_209 = tpu.memref_squeeze %dma_wait3A_208 : memref<1x20480x64xf32, #tpu.memory_space<hbm>> -> memref<20480x64xf32, #tpu.memory_space<hbm>>
      %dma_wait3A_210 = arith.constant 0 : i32
      %dma_wait3A_211 = arith.constant 0 : i32
      %dma_wait3A_212 = tpu.memref_slice %dma_wait3A_209[%dma_wait3A_210, %dma_wait3A_211] : memref<20480x64xf32, #tpu.memory_space<hbm>> -> memref<128x64xf32, #tpu.memory_space<hbm>>
      %dma_wait3A_213 = arith.constant 0 : i32
      %dma_wait3A_214 = arith.constant 0 : i32
      %dma_wait3A_215 = tpu.memref_slice %arg2[%scan3A, %dma_wait3A_213, %dma_wait3A_214] : memref<2x20480x64xf32, #tpu.memory_space<hbm>> -> memref<1x20480x64xf32, #tpu.memory_space<hbm>>
      %dma_wait3A_216 = tpu.memref_squeeze %dma_wait3A_215 : memref<1x20480x64xf32, #tpu.memory_space<hbm>> -> memref<20480x64xf32, #tpu.memory_space<hbm>>
      %dma_wait3A_217 = arith.constant 0 : i32
      %dma_wait3A_218 = arith.constant 0 : i32
      %dma_wait3A_219 = tpu.memref_slice %dma_wait3A_216[%dma_wait3A_217, %dma_wait3A_218] : memref<20480x64xf32, #tpu.memory_space<hbm>> -> memref<128x64xf32, #tpu.memory_space<hbm>>
      tpu.wait_dma2 semaphore(%arg14 : memref<!tpu.dma_semaphore, #tpu.memory_space<semaphore_mem>>) src(%dma_wait3A_219 : memref<128x64xf32, #tpu.memory_space<hbm>>) dst(%arg9 : memref<128x64xf32, #tpu.memory_space<vmem>>)
      %add3A_220 = arith.constant 1 : i32
      %add3A_221 = arith.addi %add3A_169, %add3A_220 : i32
      %dma_start3A_222 = arith.constant 0 : i32
      %dma_start3A_223 = tpu.memref_slice %arg7[%add3A_221, %dma_start3A_222] : memref<160x128xi32, #tpu.memory_space<vmem>> -> memref<1x128xi32, #tpu.memory_space<vmem>>
      %dma_start3A_224 = tpu.memref_squeeze %dma_start3A_223 : memref<1x128xi32, #tpu.memory_space<vmem>> -> memref<128xi32, #tpu.memory_space<vmem>>
      %dma_start3A_225 = arith.constant 0 : i32
      %dma_start3A_226 = arith.constant 0 : i32
      %dma_start3A_227 = tpu.memref_slice %arg12[%dma_start3A_225, %dma_start3A_226] : memref<10240x64xf32, #tpu.memory_space<vmem_shared>> -> memref<10240x64xf32, #tpu.memory_space<vmem_shared>>
      tpu.enqueue_indirect_dma source(%arg9 : memref<128x64xf32, #tpu.memory_space<vmem>>) target(%dma_start3A_227 : memref<10240x64xf32, #tpu.memory_space<vmem_shared>>) offsets(%dma_start3A_224 : memref<128xi32, #tpu.memory_space<vmem>>) semaphore(%arg18 : memref<!tpu.dma_semaphore, #tpu.memory_space<semaphore_mem>>) {add = true}
      %lt3A_228 = arith.constant 160 : i32
      %lt3A_229 = arith.cmpi slt, %sub3A_205, %lt3A_228 : i32
      %convert_element_type3A_230 = arith.extui %lt3A_229 : i1 to i32
      %cond3A_231 = arith.constant 0 : i32
      %cond3A_232 = arith.cmpi ne, %convert_element_type3A_230, %cond3A_231 : i32
      scf.if %cond3A_232 {
        %add3A_299 = arith.constant 1 : i32
        %add3A_300 = arith.addi %add3A_169, %add3A_299 : i32
        %gt3A = arith.constant 0 : i32
        %gt3A_301 = arith.cmpi sgt, %add3A_300, %gt3A : i32
        %convert_element_type3A_302 = arith.extui %gt3A_301 : i1 to i32
        %cond3A_303 = arith.constant 0 : i32
        %cond3A_304 = arith.cmpi ne, %convert_element_type3A_302, %cond3A_303 : i32
        scf.if %cond3A_304 {
          %dma_wait3A_315 = arith.constant 0 : i32
          %dma_wait3A_316 = arith.constant 0 : i32
          %dma_wait3A_317 = tpu.memref_slice %arg12[%dma_wait3A_315, %dma_wait3A_316] : memref<10240x64xf32, #tpu.memory_space<vmem_shared>> -> memref<128x64xf32, #tpu.memory_space<vmem_shared>>
          %dma_wait3A_318 = arith.constant 0 : i32
          %dma_wait3A_319 = arith.constant 0 : i32
          %dma_wait3A_320 = tpu.memref_slice %arg12[%dma_wait3A_318, %dma_wait3A_319] : memref<10240x64xf32, #tpu.memory_space<vmem_shared>> -> memref<128x64xf32, #tpu.memory_space<vmem_shared>>
          tpu.wait_dma2 semaphore(%arg17 : memref<!tpu.dma_semaphore, #tpu.memory_space<semaphore_mem>>) src(%arg8 : memref<128x64xf32, #tpu.memory_space<vmem>>) dst(%dma_wait3A_320 : memref<128x64xf32, #tpu.memory_space<vmem_shared>>)
        } else {
        }
        %dma_start3A_305 = arith.constant 0 : i32
        %dma_start3A_306 = tpu.memref_slice %arg6[%sub3A_205, %dma_start3A_305] : memref<160x128xi32, #tpu.memory_space<vmem>> -> memref<1x128xi32, #tpu.memory_space<vmem>>
        %dma_start3A_307 = tpu.memref_squeeze %dma_start3A_306 : memref<1x128xi32, #tpu.memory_space<vmem>> -> memref<128xi32, #tpu.memory_space<vmem>>
        %dma_start3A_308 = arith.constant 0 : i32
        %dma_start3A_309 = arith.constant 0 : i32
        %dma_start3A_310 = tpu.memref_slice %arg2[%scan3A, %dma_start3A_308, %dma_start3A_309] : memref<2x20480x64xf32, #tpu.memory_space<hbm>> -> memref<1x20480x64xf32, #tpu.memory_space<hbm>>
        %dma_start3A_311 = tpu.memref_squeeze %dma_start3A_310 : memref<1x20480x64xf32, #tpu.memory_space<hbm>> -> memref<20480x64xf32, #tpu.memory_space<hbm>>
        %dma_start3A_312 = arith.constant 0 : i32
        %dma_start3A_313 = arith.constant 0 : i32
        %dma_start3A_314 = tpu.memref_slice %dma_start3A_311[%dma_start3A_312, %dma_start3A_313] : memref<20480x64xf32, #tpu.memory_space<hbm>> -> memref<20480x64xf32, #tpu.memory_space<hbm>>
        tpu.enqueue_indirect_dma source(%dma_start3A_314 : memref<20480x64xf32, #tpu.memory_space<hbm>>) target(%arg8 : memref<128x64xf32, #tpu.memory_space<vmem>>) offsets(%dma_start3A_307 : memref<128xi32, #tpu.memory_space<vmem>>) semaphore(%arg13 : memref<!tpu.dma_semaphore, #tpu.memory_space<semaphore_mem>>)
      } else {
      }
      %add3A_233 = arith.constant 2 : i32
      %add3A_234 = arith.addi %add3A_169, %add3A_233 : i32
      %add3A_235 = arith.constant 4 : i32
      %add3A_236 = arith.addi %add3A_234, %add3A_235 : i32
      %sub3A_237 = arith.constant 1 : i32
      %sub3A_238 = arith.subi %add3A_236, %sub3A_237 : i32
      %dma_wait3A_239 = arith.constant 0 : i32
      %dma_wait3A_240 = arith.constant 0 : i32
      %dma_wait3A_241 = tpu.memref_slice %arg2[%scan3A, %dma_wait3A_239, %dma_wait3A_240] : memref<2x20480x64xf32, #tpu.memory_space<hbm>> -> memref<1x20480x64xf32, #tpu.memory_space<hbm>>
      %dma_wait3A_242 = tpu.memref_squeeze %dma_wait3A_241 : memref<1x20480x64xf32, #tpu.memory_space<hbm>> -> memref<20480x64xf32, #tpu.memory_space<hbm>>
      %dma_wait3A_243 = arith.constant 0 : i32
      %dma_wait3A_244 = arith.constant 0 : i32
      %dma_wait3A_245 = tpu.memref_slice %dma_wait3A_242[%dma_wait3A_243, %dma_wait3A_244] : memref<20480x64xf32, #tpu.memory_space<hbm>> -> memref<128x64xf32, #tpu.memory_space<hbm>>
      %dma_wait3A_246 = arith.constant 0 : i32
      %dma_wait3A_247 = arith.constant 0 : i32
      %dma_wait3A_248 = tpu.memref_slice %arg2[%scan3A, %dma_wait3A_246, %dma_wait3A_247] : memref<2x20480x64xf32, #tpu.memory_space<hbm>> -> memref<1x20480x64xf32, #tpu.memory_space<hbm>>
      %dma_wait3A_249 = tpu.memref_squeeze %dma_wait3A_248 : memref<1x20480x64xf32, #tpu.memory_space<hbm>> -> memref<20480x64xf32, #tpu.memory_space<hbm>>
      %dma_wait3A_250 = arith.constant 0 : i32
      %dma_wait3A_251 = arith.constant 0 : i32
      %dma_wait3A_252 = tpu.memref_slice %dma_wait3A_249[%dma_wait3A_250, %dma_wait3A_251] : memref<20480x64xf32, #tpu.memory_space<hbm>> -> memref<128x64xf32, #tpu.memory_space<hbm>>
      tpu.wait_dma2 semaphore(%arg15 : memref<!tpu.dma_semaphore, #tpu.memory_space<semaphore_mem>>) src(%dma_wait3A_252 : memref<128x64xf32, #tpu.memory_space<hbm>>) dst(%arg10 : memref<128x64xf32, #tpu.memory_space<vmem>>)
      %add3A_253 = arith.constant 2 : i32
      %add3A_254 = arith.addi %add3A_169, %add3A_253 : i32
      %dma_start3A_255 = arith.constant 0 : i32
      %dma_start3A_256 = tpu.memref_slice %arg7[%add3A_254, %dma_start3A_255] : memref<160x128xi32, #tpu.memory_space<vmem>> -> memref<1x128xi32, #tpu.memory_space<vmem>>
      %dma_start3A_257 = tpu.memref_squeeze %dma_start3A_256 : memref<1x128xi32, #tpu.memory_space<vmem>> -> memref<128xi32, #tpu.memory_space<vmem>>
      %dma_start3A_258 = arith.constant 0 : i32
      %dma_start3A_259 = arith.constant 0 : i32
      %dma_start3A_260 = tpu.memref_slice %arg12[%dma_start3A_258, %dma_start3A_259] : memref<10240x64xf32, #tpu.memory_space<vmem_shared>> -> memref<10240x64xf32, #tpu.memory_space<vmem_shared>>
      tpu.enqueue_indirect_dma source(%arg10 : memref<128x64xf32, #tpu.memory_space<vmem>>) target(%dma_start3A_260 : memref<10240x64xf32, #tpu.memory_space<vmem_shared>>) offsets(%dma_start3A_257 : memref<128xi32, #tpu.memory_space<vmem>>) semaphore(%arg19 : memref<!tpu.dma_semaphore, #tpu.memory_space<semaphore_mem>>) {add = true}
      %lt3A_261 = arith.constant 160 : i32
      %lt3A_262 = arith.cmpi slt, %sub3A_238, %lt3A_261 : i32
      %convert_element_type3A_263 = arith.extui %lt3A_262 : i1 to i32
      %cond3A_264 = arith.constant 0 : i32
      %cond3A_265 = arith.cmpi ne, %convert_element_type3A_263, %cond3A_264 : i32
      scf.if %cond3A_265 {
        %add3A_299 = arith.constant 2 : i32
        %add3A_300 = arith.addi %add3A_169, %add3A_299 : i32
        %gt3A = arith.constant 0 : i32
        %gt3A_301 = arith.cmpi sgt, %add3A_300, %gt3A : i32
        %convert_element_type3A_302 = arith.extui %gt3A_301 : i1 to i32
        %cond3A_303 = arith.constant 0 : i32
        %cond3A_304 = arith.cmpi ne, %convert_element_type3A_302, %cond3A_303 : i32
        scf.if %cond3A_304 {
          %dma_wait3A_315 = arith.constant 0 : i32
          %dma_wait3A_316 = arith.constant 0 : i32
          %dma_wait3A_317 = tpu.memref_slice %arg12[%dma_wait3A_315, %dma_wait3A_316] : memref<10240x64xf32, #tpu.memory_space<vmem_shared>> -> memref<128x64xf32, #tpu.memory_space<vmem_shared>>
          %dma_wait3A_318 = arith.constant 0 : i32
          %dma_wait3A_319 = arith.constant 0 : i32
          %dma_wait3A_320 = tpu.memref_slice %arg12[%dma_wait3A_318, %dma_wait3A_319] : memref<10240x64xf32, #tpu.memory_space<vmem_shared>> -> memref<128x64xf32, #tpu.memory_space<vmem_shared>>
          tpu.wait_dma2 semaphore(%arg18 : memref<!tpu.dma_semaphore, #tpu.memory_space<semaphore_mem>>) src(%arg9 : memref<128x64xf32, #tpu.memory_space<vmem>>) dst(%dma_wait3A_320 : memref<128x64xf32, #tpu.memory_space<vmem_shared>>)
        } else {
        }
        %dma_start3A_305 = arith.constant 0 : i32
        %dma_start3A_306 = tpu.memref_slice %arg6[%sub3A_238, %dma_start3A_305] : memref<160x128xi32, #tpu.memory_space<vmem>> -> memref<1x128xi32, #tpu.memory_space<vmem>>
        %dma_start3A_307 = tpu.memref_squeeze %dma_start3A_306 : memref<1x128xi32, #tpu.memory_space<vmem>> -> memref<128xi32, #tpu.memory_space<vmem>>
        %dma_start3A_308 = arith.constant 0 : i32
        %dma_start3A_309 = arith.constant 0 : i32
        %dma_start3A_310 = tpu.memref_slice %arg2[%scan3A, %dma_start3A_308, %dma_start3A_309] : memref<2x20480x64xf32, #tpu.memory_space<hbm>> -> memref<1x20480x64xf32, #tpu.memory_space<hbm>>
        %dma_start3A_311 = tpu.memref_squeeze %dma_start3A_310 : memref<1x20480x64xf32, #tpu.memory_space<hbm>> -> memref<20480x64xf32, #tpu.memory_space<hbm>>
        %dma_start3A_312 = arith.constant 0 : i32
        %dma_start3A_313 = arith.constant 0 : i32
        %dma_start3A_314 = tpu.memref_slice %dma_start3A_311[%dma_start3A_312, %dma_start3A_313] : memref<20480x64xf32, #tpu.memory_space<hbm>> -> memref<20480x64xf32, #tpu.memory_space<hbm>>
        tpu.enqueue_indirect_dma source(%dma_start3A_314 : memref<20480x64xf32, #tpu.memory_space<hbm>>) target(%arg9 : memref<128x64xf32, #tpu.memory_space<vmem>>) offsets(%dma_start3A_307 : memref<128xi32, #tpu.memory_space<vmem>>) semaphore(%arg14 : memref<!tpu.dma_semaphore, #tpu.memory_space<semaphore_mem>>)
      } else {
      }
      %add3A_266 = arith.constant 3 : i32
      %add3A_267 = arith.addi %add3A_169, %add3A_266 : i32
      %add3A_268 = arith.constant 4 : i32
      %add3A_269 = arith.addi %add3A_267, %add3A_268 : i32
      %sub3A_270 = arith.constant 1 : i32
      %sub3A_271 = arith.subi %add3A_269, %sub3A_270 : i32
      %dma_wait3A_272 = arith.constant 0 : i32
      %dma_wait3A_273 = arith.constant 0 : i32
      %dma_wait3A_274 = tpu.memref_slice %arg2[%scan3A, %dma_wait3A_272, %dma_wait3A_273] : memref<2x20480x64xf32, #tpu.memory_space<hbm>> -> memref<1x20480x64xf32, #tpu.memory_space<hbm>>
      %dma_wait3A_275 = tpu.memref_squeeze %dma_wait3A_274 : memref<1x20480x64xf32, #tpu.memory_space<hbm>> -> memref<20480x64xf32, #tpu.memory_space<hbm>>
      %dma_wait3A_276 = arith.constant 0 : i32
      %dma_wait3A_277 = arith.constant 0 : i32
      %dma_wait3A_278 = tpu.memref_slice %dma_wait3A_275[%dma_wait3A_276, %dma_wait3A_277] : memref<20480x64xf32, #tpu.memory_space<hbm>> -> memref<128x64xf32, #tpu.memory_space<hbm>>
      %dma_wait3A_279 = arith.constant 0 : i32
      %dma_wait3A_280 = arith.constant 0 : i32
      %dma_wait3A_281 = tpu.memref_slice %arg2[%scan3A, %dma_wait3A_279, %dma_wait3A_280] : memref<2x20480x64xf32, #tpu.memory_space<hbm>> -> memref<1x20480x64xf32, #tpu.memory_space<hbm>>
      %dma_wait3A_282 = tpu.memref_squeeze %dma_wait3A_281 : memref<1x20480x64xf32, #tpu.memory_space<hbm>> -> memref<20480x64xf32, #tpu.memory_space<hbm>>
      %dma_wait3A_283 = arith.constant 0 : i32
      %dma_wait3A_284 = arith.constant 0 : i32
      %dma_wait3A_285 = tpu.memref_slice %dma_wait3A_282[%dma_wait3A_283, %dma_wait3A_284] : memref<20480x64xf32, #tpu.memory_space<hbm>> -> memref<128x64xf32, #tpu.memory_space<hbm>>
      tpu.wait_dma2 semaphore(%arg16 : memref<!tpu.dma_semaphore, #tpu.memory_space<semaphore_mem>>) src(%dma_wait3A_285 : memref<128x64xf32, #tpu.memory_space<hbm>>) dst(%arg11 : memref<128x64xf32, #tpu.memory_space<vmem>>)
      %add3A_286 = arith.constant 3 : i32
      %add3A_287 = arith.addi %add3A_169, %add3A_286 : i32
      %dma_start3A_288 = arith.constant 0 : i32
      %dma_start3A_289 = tpu.memref_slice %arg7[%add3A_287, %dma_start3A_288] : memref<160x128xi32, #tpu.memory_space<vmem>> -> memref<1x128xi32, #tpu.memory_space<vmem>>
      %dma_start3A_290 = tpu.memref_squeeze %dma_start3A_289 : memref<1x128xi32, #tpu.memory_space<vmem>> -> memref<128xi32, #tpu.memory_space<vmem>>
      %dma_start3A_291 = arith.constant 0 : i32
      %dma_start3A_292 = arith.constant 0 : i32
      %dma_start3A_293 = tpu.memref_slice %arg12[%dma_start3A_291, %dma_start3A_292] : memref<10240x64xf32, #tpu.memory_space<vmem_shared>> -> memref<10240x64xf32, #tpu.memory_space<vmem_shared>>
      tpu.enqueue_indirect_dma source(%arg11 : memref<128x64xf32, #tpu.memory_space<vmem>>) target(%dma_start3A_293 : memref<10240x64xf32, #tpu.memory_space<vmem_shared>>) offsets(%dma_start3A_290 : memref<128xi32, #tpu.memory_space<vmem>>) semaphore(%arg20 : memref<!tpu.dma_semaphore, #tpu.memory_space<semaphore_mem>>) {add = true}
      %lt3A_294 = arith.constant 160 : i32
      %lt3A_295 = arith.cmpi slt, %sub3A_271, %lt3A_294 : i32
      %convert_element_type3A_296 = arith.extui %lt3A_295 : i1 to i32
      %cond3A_297 = arith.constant 0 : i32
      %cond3A_298 = arith.cmpi ne, %convert_element_type3A_296, %cond3A_297 : i32
      scf.if %cond3A_298 {
        %add3A_299 = arith.constant 3 : i32
        %add3A_300 = arith.addi %add3A_169, %add3A_299 : i32
        %gt3A = arith.constant 0 : i32
        %gt3A_301 = arith.cmpi sgt, %add3A_300, %gt3A : i32
        %convert_element_type3A_302 = arith.extui %gt3A_301 : i1 to i32
        %cond3A_303 = arith.constant 0 : i32
        %cond3A_304 = arith.cmpi ne, %convert_element_type3A_302, %cond3A_303 : i32
        scf.if %cond3A_304 {
          %dma_wait3A_315 = arith.constant 0 : i32
          %dma_wait3A_316 = arith.constant 0 : i32
          %dma_wait3A_317 = tpu.memref_slice %arg12[%dma_wait3A_315, %dma_wait3A_316] : memref<10240x64xf32, #tpu.memory_space<vmem_shared>> -> memref<128x64xf32, #tpu.memory_space<vmem_shared>>
          %dma_wait3A_318 = arith.constant 0 : i32
          %dma_wait3A_319 = arith.constant 0 : i32
          %dma_wait3A_320 = tpu.memref_slice %arg12[%dma_wait3A_318, %dma_wait3A_319] : memref<10240x64xf32, #tpu.memory_space<vmem_shared>> -> memref<128x64xf32, #tpu.memory_space<vmem_shared>>
          tpu.wait_dma2 semaphore(%arg19 : memref<!tpu.dma_semaphore, #tpu.memory_space<semaphore_mem>>) src(%arg10 : memref<128x64xf32, #tpu.memory_space<vmem>>) dst(%dma_wait3A_320 : memref<128x64xf32, #tpu.memory_space<vmem_shared>>)
        } else {
        }
        %dma_start3A_305 = arith.constant 0 : i32
        %dma_start3A_306 = tpu.memref_slice %arg6[%sub3A_271, %dma_start3A_305] : memref<160x128xi32, #tpu.memory_space<vmem>> -> memref<1x128xi32, #tpu.memory_space<vmem>>
        %dma_start3A_307 = tpu.memref_squeeze %dma_start3A_306 : memref<1x128xi32, #tpu.memory_space<vmem>> -> memref<128xi32, #tpu.memory_space<vmem>>
        %dma_start3A_308 = arith.constant 0 : i32
        %dma_start3A_309 = arith.constant 0 : i32
        %dma_start3A_310 = tpu.memref_slice %arg2[%scan3A, %dma_start3A_308, %dma_start3A_309] : memref<2x20480x64xf32, #tpu.memory_space<hbm>> -> memref<1x20480x64xf32, #tpu.memory_space<hbm>>
        %dma_start3A_311 = tpu.memref_squeeze %dma_start3A_310 : memref<1x20480x64xf32, #tpu.memory_space<hbm>> -> memref<20480x64xf32, #tpu.memory_space<hbm>>
        %dma_start3A_312 = arith.constant 0 : i32
        %dma_start3A_313 = arith.constant 0 : i32
        %dma_start3A_314 = tpu.memref_slice %dma_start3A_311[%dma_start3A_312, %dma_start3A_313] : memref<20480x64xf32, #tpu.memory_space<hbm>> -> memref<20480x64xf32, #tpu.memory_space<hbm>>
        tpu.enqueue_indirect_dma source(%dma_start3A_314 : memref<20480x64xf32, #tpu.memory_space<hbm>>) target(%arg10 : memref<128x64xf32, #tpu.memory_space<vmem>>) offsets(%dma_start3A_307 : memref<128xi32, #tpu.memory_space<vmem>>) semaphore(%arg15 : memref<!tpu.dma_semaphore, #tpu.memory_space<semaphore_mem>>)
      } else {
      }
    }
    %scan3A_49 = arith.constant 40 : i32
    %dma_wait3A = arith.constant 0 : i32
    %dma_wait3A_50 = arith.constant 0 : i32
    %dma_wait3A_51 = tpu.memref_slice %arg12[%dma_wait3A, %dma_wait3A_50] : memref<10240x64xf32, #tpu.memory_space<vmem_shared>> -> memref<128x64xf32, #tpu.memory_space<vmem_shared>>
    %dma_wait3A_52 = arith.constant 0 : i32
    %dma_wait3A_53 = arith.constant 0 : i32
    %dma_wait3A_54 = tpu.memref_slice %arg12[%dma_wait3A_52, %dma_wait3A_53] : memref<10240x64xf32, #tpu.memory_space<vmem_shared>> -> memref<128x64xf32, #tpu.memory_space<vmem_shared>>
    tpu.wait_dma2 semaphore(%arg17 : memref<!tpu.dma_semaphore, #tpu.memory_space<semaphore_mem>>) src(%arg8 : memref<128x64xf32, #tpu.memory_space<vmem>>) dst(%dma_wait3A_54 : memref<128x64xf32, #tpu.memory_space<vmem_shared>>)
    %dma_wait3A_55 = arith.constant 0 : i32
    %dma_wait3A_56 = arith.constant 0 : i32
    %dma_wait3A_57 = tpu.memref_slice %arg12[%dma_wait3A_55, %dma_wait3A_56] : memref<10240x64xf32, #tpu.memory_space<vmem_shared>> -> memref<128x64xf32, #tpu.memory_space<vmem_shared>>
    %dma_wait3A_58 = arith.constant 0 : i32
    %dma_wait3A_59 = arith.constant 0 : i32
    %dma_wait3A_60 = tpu.memref_slice %arg12[%dma_wait3A_58, %dma_wait3A_59] : memref<10240x64xf32, #tpu.memory_space<vmem_shared>> -> memref<128x64xf32, #tpu.memory_space<vmem_shared>>
    tpu.wait_dma2 semaphore(%arg18 : memref<!tpu.dma_semaphore, #tpu.memory_space<semaphore_mem>>) src(%arg9 : memref<128x64xf32, #tpu.memory_space<vmem>>) dst(%dma_wait3A_60 : memref<128x64xf32, #tpu.memory_space<vmem_shared>>)
    %dma_wait3A_61 = arith.constant 0 : i32
    %dma_wait3A_62 = arith.constant 0 : i32
    %dma_wait3A_63 = tpu.memref_slice %arg12[%dma_wait3A_61, %dma_wait3A_62] : memref<10240x64xf32, #tpu.memory_space<vmem_shared>> -> memref<128x64xf32, #tpu.memory_space<vmem_shared>>
    %dma_wait3A_64 = arith.constant 0 : i32
    %dma_wait3A_65 = arith.constant 0 : i32
    %dma_wait3A_66 = tpu.memref_slice %arg12[%dma_wait3A_64, %dma_wait3A_65] : memref<10240x64xf32, #tpu.memory_space<vmem_shared>> -> memref<128x64xf32, #tpu.memory_space<vmem_shared>>
    tpu.wait_dma2 semaphore(%arg19 : memref<!tpu.dma_semaphore, #tpu.memory_space<semaphore_mem>>) src(%arg10 : memref<128x64xf32, #tpu.memory_space<vmem>>) dst(%dma_wait3A_66 : memref<128x64xf32, #tpu.memory_space<vmem_shared>>)
    %dma_wait3A_67 = arith.constant 0 : i32
    %dma_wait3A_68 = arith.constant 0 : i32
    %dma_wait3A_69 = tpu.memref_slice %arg12[%dma_wait3A_67, %dma_wait3A_68] : memref<10240x64xf32, #tpu.memory_space<vmem_shared>> -> memref<128x64xf32, #tpu.memory_space<vmem_shared>>
    %dma_wait3A_70 = arith.constant 0 : i32
    %dma_wait3A_71 = arith.constant 0 : i32
    %dma_wait3A_72 = tpu.memref_slice %arg12[%dma_wait3A_70, %dma_wait3A_71] : memref<10240x64xf32, #tpu.memory_space<vmem_shared>> -> memref<128x64xf32, #tpu.memory_space<vmem_shared>>
    tpu.wait_dma2 semaphore(%arg20 : memref<!tpu.dma_semaphore, #tpu.memory_space<semaphore_mem>>) src(%arg11 : memref<128x64xf32, #tpu.memory_space<vmem>>) dst(%dma_wait3A_72 : memref<128x64xf32, #tpu.memory_space<vmem_shared>>)
    %barrier3A_73 = arith.constant 0 : index
    tpu.barrier barrier_id(%barrier3A_73)
    %sub3A = arith.constant 1 : i32
    %sub3A_74 = arith.subi %sub3A, %arg0 : i32
    %mul3A_75 = arith.constant 10240 : i32
    %mul3A_76 = arith.muli %sub3A_74, %mul3A_75 : i32
    %mul3A_77 = arith.constant 640 : i32
    %mul3A_78 = arith.muli %arg1, %mul3A_77 : i32
    %add3A_79 = arith.addi %mul3A_76, %mul3A_78 : i32
    %run_scoped3A_80 = arith.constant 0 : i32
    "tpu.region"() ({
      %run_scoped3A_165 = tpu.sem_alloc : memref<!tpu.dma_semaphore, #tpu.memory_space<semaphore_mem>>
      %dma_start3A_166 = arith.constant 0 : i32
      %dma_start3A_167 = arith.constant 0 : i32
      %dma_start3A_168 = tpu.memref_slice %arg5[%run_scoped3A_80, %dma_start3A_166, %dma_start3A_167] : memref<2x20480x64xf32, #tpu.memory_space<hbm>> -> memref<1x20480x64xf32, #tpu.memory_space<hbm>>
      %dma_start3A_169 = tpu.memref_squeeze %dma_start3A_168 : memref<1x20480x64xf32, #tpu.memory_space<hbm>> -> memref<20480x64xf32, #tpu.memory_space<hbm>>
      %dma_start3A_170 = arith.constant 0 : i32
      %dma_start3A_171 = tpu.memref_slice %dma_start3A_169[%add3A_79, %dma_start3A_170] : memref<20480x64xf32, #tpu.memory_space<hbm>> -> memref<640x64xf32, #tpu.memory_space<hbm>>
      %dma_start3A_172 = arith.constant 0 : i32
      %dma_start3A_173 = tpu.memref_slice %arg12[%mul3A_0, %dma_start3A_172] : memref<10240x64xf32, #tpu.memory_space<vmem_shared>> -> memref<640x64xf32, #tpu.memory_space<vmem_shared>>
      tpu.enqueue_dma source(%dma_start3A_173 : memref<640x64xf32, #tpu.memory_space<vmem_shared>>) target(%dma_start3A_171 : memref<640x64xf32, #tpu.memory_space<hbm>>) target_semaphore(%run_scoped3A_165 : memref<!tpu.dma_semaphore, #tpu.memory_space<semaphore_mem>>)
      %dma_wait3A_174 = arith.constant 0 : i32
      %dma_wait3A_175 = arith.constant 0 : i32
      %dma_wait3A_176 = tpu.memref_slice %arg5[%run_scoped3A_80, %dma_wait3A_174, %dma_wait3A_175] : memref<2x20480x64xf32, #tpu.memory_space<hbm>> -> memref<1x20480x64xf32, #tpu.memory_space<hbm>>
      %dma_wait3A_177 = tpu.memref_squeeze %dma_wait3A_176 : memref<1x20480x64xf32, #tpu.memory_space<hbm>> -> memref<20480x64xf32, #tpu.memory_space<hbm>>
      %dma_wait3A_178 = arith.constant 0 : i32
      %dma_wait3A_179 = tpu.memref_slice %dma_wait3A_177[%add3A_79, %dma_wait3A_178] : memref<20480x64xf32, #tpu.memory_space<hbm>> -> memref<640x64xf32, #tpu.memory_space<hbm>>
      %dma_wait3A_180 = arith.constant 0 : i32
      %dma_wait3A_181 = tpu.memref_slice %arg12[%mul3A_0, %dma_wait3A_180] : memref<10240x64xf32, #tpu.memory_space<vmem_shared>> -> memref<640x64xf32, #tpu.memory_space<vmem_shared>>
      tpu.wait_dma2 semaphore(%run_scoped3A_165 : memref<!tpu.dma_semaphore, #tpu.memory_space<semaphore_mem>>) src(%dma_wait3A_181 : memref<640x64xf32, #tpu.memory_space<vmem_shared>>) dst(%dma_wait3A_179 : memref<640x64xf32, #tpu.memory_space<hbm>>)
      tpu.yield
    }) : () -> ()
    %barrier3A_81 = arith.constant 0 : index
    tpu.barrier barrier_id(%barrier3A_81)
    %mul3A_82 = arith.constant 10240 : i32
    %mul3A_83 = arith.muli %arg0, %mul3A_82 : i32
    %mul3A_84 = arith.constant 640 : i32
    %mul3A_85 = arith.muli %arg1, %mul3A_84 : i32
    %add3A_86 = arith.addi %mul3A_83, %mul3A_85 : i32
    %run_scoped3A_87 = arith.constant 1 : i32
    "tpu.region"() ({
      %run_scoped3A_165 = tpu.sem_alloc : memref<!tpu.dma_semaphore, #tpu.memory_space<semaphore_mem>>
      %dma_start3A_166 = arith.constant 0 : i32
      %dma_start3A_167 = tpu.memref_slice %arg12[%mul3A_0, %dma_start3A_166] : memref<10240x64xf32, #tpu.memory_space<vmem_shared>> -> memref<640x64xf32, #tpu.memory_space<vmem_shared>>
      %dma_start3A_168 = arith.constant 0 : i32
      %dma_start3A_169 = arith.constant 0 : i32
      %dma_start3A_170 = tpu.memref_slice %arg2[%run_scoped3A_87, %dma_start3A_168, %dma_start3A_169] : memref<2x20480x64xf32, #tpu.memory_space<hbm>> -> memref<1x20480x64xf32, #tpu.memory_space<hbm>>
      %dma_start3A_171 = tpu.memref_squeeze %dma_start3A_170 : memref<1x20480x64xf32, #tpu.memory_space<hbm>> -> memref<20480x64xf32, #tpu.memory_space<hbm>>
      %dma_start3A_172 = arith.constant 0 : i32
      %dma_start3A_173 = tpu.memref_slice %dma_start3A_171[%add3A_86, %dma_start3A_172] : memref<20480x64xf32, #tpu.memory_space<hbm>> -> memref<640x64xf32, #tpu.memory_space<hbm>>
      tpu.enqueue_dma source(%dma_start3A_173 : memref<640x64xf32, #tpu.memory_space<hbm>>) target(%dma_start3A_167 : memref<640x64xf32, #tpu.memory_space<vmem_shared>>) target_semaphore(%run_scoped3A_165 : memref<!tpu.dma_semaphore, #tpu.memory_space<semaphore_mem>>)
      %dma_wait3A_174 = arith.constant 0 : i32
      %dma_wait3A_175 = tpu.memref_slice %arg12[%mul3A_0, %dma_wait3A_174] : memref<10240x64xf32, #tpu.memory_space<vmem_shared>> -> memref<640x64xf32, #tpu.memory_space<vmem_shared>>
      %dma_wait3A_176 = arith.constant 0 : i32
      %dma_wait3A_177 = arith.constant 0 : i32
      %dma_wait3A_178 = tpu.memref_slice %arg2[%run_scoped3A_87, %dma_wait3A_176, %dma_wait3A_177] : memref<2x20480x64xf32, #tpu.memory_space<hbm>> -> memref<1x20480x64xf32, #tpu.memory_space<hbm>>
      %dma_wait3A_179 = tpu.memref_squeeze %dma_wait3A_178 : memref<1x20480x64xf32, #tpu.memory_space<hbm>> -> memref<20480x64xf32, #tpu.memory_space<hbm>>
      %dma_wait3A_180 = arith.constant 0 : i32
      %dma_wait3A_181 = tpu.memref_slice %dma_wait3A_179[%add3A_86, %dma_wait3A_180] : memref<20480x64xf32, #tpu.memory_space<hbm>> -> memref<640x64xf32, #tpu.memory_space<hbm>>
      tpu.wait_dma2 semaphore(%run_scoped3A_165 : memref<!tpu.dma_semaphore, #tpu.memory_space<semaphore_mem>>) src(%dma_wait3A_181 : memref<640x64xf32, #tpu.memory_space<hbm>>) dst(%dma_wait3A_175 : memref<640x64xf32, #tpu.memory_space<vmem_shared>>)
      tpu.yield
    }) : () -> ()
    %barrier3A_88 = arith.constant 0 : index
    tpu.barrier barrier_id(%barrier3A_88)
    %dma_start3A_89 = arith.constant 1 : i32
    %dma_start3A_90 = arith.constant 0 : i32
    %dma_start3A_91 = arith.constant 0 : i32
    %dma_start3A_92 = tpu.memref_slice %arg6[%dma_start3A_90, %dma_start3A_91] : memref<160x128xi32, #tpu.memory_space<vmem>> -> memref<1x128xi32, #tpu.memory_space<vmem>>
    %dma_start3A_93 = tpu.memref_squeeze %dma_start3A_92 : memref<1x128xi32, #tpu.memory_space<vmem>> -> memref<128xi32, #tpu.memory_space<vmem>>
    %dma_start3A_94 = arith.constant 0 : i32
    %dma_start3A_95 = arith.constant 0 : i32
    %dma_start3A_96 = tpu.memref_slice %arg2[%dma_start3A_89, %dma_start3A_94, %dma_start3A_95] : memref<2x20480x64xf32, #tpu.memory_space<hbm>> -> memref<1x20480x64xf32, #tpu.memory_space<hbm>>
    %dma_start3A_97 = tpu.memref_squeeze %dma_start3A_96 : memref<1x20480x64xf32, #tpu.memory_space<hbm>> -> memref<20480x64xf32, #tpu.memory_space<hbm>>
    %dma_start3A_98 = arith.constant 0 : i32
    %dma_start3A_99 = arith.constant 0 : i32
    %dma_start3A_100 = tpu.memref_slice %dma_start3A_97[%dma_start3A_98, %dma_start3A_99] : memref<20480x64xf32, #tpu.memory_space<hbm>> -> memref<20480x64xf32, #tpu.memory_space<hbm>>
    tpu.enqueue_indirect_dma source(%dma_start3A_100 : memref<20480x64xf32, #tpu.memory_space<hbm>>) target(%arg8 : memref<128x64xf32, #tpu.memory_space<vmem>>) offsets(%dma_start3A_93 : memref<128xi32, #tpu.memory_space<vmem>>) semaphore(%arg13 : memref<!tpu.dma_semaphore, #tpu.memory_space<semaphore_mem>>)
    %dma_start3A_101 = arith.constant 1 : i32
    %dma_start3A_102 = arith.constant 1 : i32
    %dma_start3A_103 = arith.constant 0 : i32
    %dma_start3A_104 = tpu.memref_slice %arg6[%dma_start3A_102, %dma_start3A_103] : memref<160x128xi32, #tpu.memory_space<vmem>> -> memref<1x128xi32, #tpu.memory_space<vmem>>
    %dma_start3A_105 = tpu.memref_squeeze %dma_start3A_104 : memref<1x128xi32, #tpu.memory_space<vmem>> -> memref<128xi32, #tpu.memory_space<vmem>>
    %dma_start3A_106 = arith.constant 0 : i32
    %dma_start3A_107 = arith.constant 0 : i32
    %dma_start3A_108 = tpu.memref_slice %arg2[%dma_start3A_101, %dma_start3A_106, %dma_start3A_107] : memref<2x20480x64xf32, #tpu.memory_space<hbm>> -> memref<1x20480x64xf32, #tpu.memory_space<hbm>>
    %dma_start3A_109 = tpu.memref_squeeze %dma_start3A_108 : memref<1x20480x64xf32, #tpu.memory_space<hbm>> -> memref<20480x64xf32, #tpu.memory_space<hbm>>
    %dma_start3A_110 = arith.constant 0 : i32
    %dma_start3A_111 = arith.constant 0 : i32
    %dma_start3A_112 = tpu.memref_slice %dma_start3A_109[%dma_start3A_110, %dma_start3A_111] : memref<20480x64xf32, #tpu.memory_space<hbm>> -> memref<20480x64xf32, #tpu.memory_space<hbm>>
    tpu.enqueue_indirect_dma source(%dma_start3A_112 : memref<20480x64xf32, #tpu.memory_space<hbm>>) target(%arg9 : memref<128x64xf32, #tpu.memory_space<vmem>>) offsets(%dma_start3A_105 : memref<128xi32, #tpu.memory_space<vmem>>) semaphore(%arg14 : memref<!tpu.dma_semaphore, #tpu.memory_space<semaphore_mem>>)
    %dma_start3A_113 = arith.constant 1 : i32
    %dma_start3A_114 = arith.constant 2 : i32
    %dma_start3A_115 = arith.constant 0 : i32
    %dma_start3A_116 = tpu.memref_slice %arg6[%dma_start3A_114, %dma_start3A_115] : memref<160x128xi32, #tpu.memory_space<vmem>> -> memref<1x128xi32, #tpu.memory_space<vmem>>
    %dma_start3A_117 = tpu.memref_squeeze %dma_start3A_116 : memref<1x128xi32, #tpu.memory_space<vmem>> -> memref<128xi32, #tpu.memory_space<vmem>>
    %dma_start3A_118 = arith.constant 0 : i32
    %dma_start3A_119 = arith.constant 0 : i32
    %dma_start3A_120 = tpu.memref_slice %arg2[%dma_start3A_113, %dma_start3A_118, %dma_start3A_119] : memref<2x20480x64xf32, #tpu.memory_space<hbm>> -> memref<1x20480x64xf32, #tpu.memory_space<hbm>>
    %dma_start3A_121 = tpu.memref_squeeze %dma_start3A_120 : memref<1x20480x64xf32, #tpu.memory_space<hbm>> -> memref<20480x64xf32, #tpu.memory_space<hbm>>
    %dma_start3A_122 = arith.constant 0 : i32
    %dma_start3A_123 = arith.constant 0 : i32
    %dma_start3A_124 = tpu.memref_slice %dma_start3A_121[%dma_start3A_122, %dma_start3A_123] : memref<20480x64xf32, #tpu.memory_space<hbm>> -> memref<20480x64xf32, #tpu.memory_space<hbm>>
    tpu.enqueue_indirect_dma source(%dma_start3A_124 : memref<20480x64xf32, #tpu.memory_space<hbm>>) target(%arg10 : memref<128x64xf32, #tpu.memory_space<vmem>>) offsets(%dma_start3A_117 : memref<128xi32, #tpu.memory_space<vmem>>) semaphore(%arg15 : memref<!tpu.dma_semaphore, #tpu.memory_space<semaphore_mem>>)
    %scan3A_125 = arith.constant 1 : i32
    %scan3A_126 = arith.constant 0 : i32
    %scan3A_127 = arith.constant 40 : i32
    %scan3A_128 = arith.addi %scan3A_126, %scan3A_127 : i32
    %scan3A_129 = arith.constant 1 : i32
    scf.for %scan3A_165 = %scan3A_126 to %scan3A_128 step %scan3A_129  : i32 {
      %mul3A_166 = arith.constant 4 : i32
      %mul3A_167 = arith.muli %scan3A_165, %mul3A_166 : i32
      %add3A_168 = arith.constant 0 : i32
      %add3A_169 = arith.addi %add3A_168, %mul3A_167 : i32
      %add3A_170 = arith.constant 0 : i32
      %add3A_171 = arith.addi %add3A_169, %add3A_170 : i32
      %add3A_172 = arith.constant 4 : i32
      %add3A_173 = arith.addi %add3A_171, %add3A_172 : i32
      %sub3A_174 = arith.constant 1 : i32
      %sub3A_175 = arith.subi %add3A_173, %sub3A_174 : i32
      %dma_wait3A_176 = arith.constant 0 : i32
      %dma_wait3A_177 = arith.constant 0 : i32
      %dma_wait3A_178 = tpu.memref_slice %arg2[%scan3A_125, %dma_wait3A_176, %dma_wait3A_177] : memref<2x20480x64xf32, #tpu.memory_space<hbm>> -> memref<1x20480x64xf32, #tpu.memory_space<hbm>>
      %dma_wait3A_179 = tpu.memref_squeeze %dma_wait3A_178 : memref<1x20480x64xf32, #tpu.memory_space<hbm>> -> memref<20480x64xf32, #tpu.memory_space<hbm>>
      %dma_wait3A_180 = arith.constant 0 : i32
      %dma_wait3A_181 = arith.constant 0 : i32
      %dma_wait3A_182 = tpu.memref_slice %dma_wait3A_179[%dma_wait3A_180, %dma_wait3A_181] : memref<20480x64xf32, #tpu.memory_space<hbm>> -> memref<128x64xf32, #tpu.memory_space<hbm>>
      %dma_wait3A_183 = arith.constant 0 : i32
      %dma_wait3A_184 = arith.constant 0 : i32
      %dma_wait3A_185 = tpu.memref_slice %arg2[%scan3A_125, %dma_wait3A_183, %dma_wait3A_184] : memref<2x20480x64xf32, #tpu.memory_space<hbm>> -> memref<1x20480x64xf32, #tpu.memory_space<hbm>>
      %dma_wait3A_186 = tpu.memref_squeeze %dma_wait3A_185 : memref<1x20480x64xf32, #tpu.memory_space<hbm>> -> memref<20480x64xf32, #tpu.memory_space<hbm>>
      %dma_wait3A_187 = arith.constant 0 : i32
      %dma_wait3A_188 = arith.constant 0 : i32
      %dma_wait3A_189 = tpu.memref_slice %dma_wait3A_186[%dma_wait3A_187, %dma_wait3A_188] : memref<20480x64xf32, #tpu.memory_space<hbm>> -> memref<128x64xf32, #tpu.memory_space<hbm>>
      tpu.wait_dma2 semaphore(%arg13 : memref<!tpu.dma_semaphore, #tpu.memory_space<semaphore_mem>>) src(%dma_wait3A_189 : memref<128x64xf32, #tpu.memory_space<hbm>>) dst(%arg8 : memref<128x64xf32, #tpu.memory_space<vmem>>)
      %add3A_190 = arith.constant 0 : i32
      %add3A_191 = arith.addi %add3A_169, %add3A_190 : i32
      %dma_start3A_192 = arith.constant 0 : i32
      %dma_start3A_193 = tpu.memref_slice %arg7[%add3A_191, %dma_start3A_192] : memref<160x128xi32, #tpu.memory_space<vmem>> -> memref<1x128xi32, #tpu.memory_space<vmem>>
      %dma_start3A_194 = tpu.memref_squeeze %dma_start3A_193 : memref<1x128xi32, #tpu.memory_space<vmem>> -> memref<128xi32, #tpu.memory_space<vmem>>
      %dma_start3A_195 = arith.constant 0 : i32
      %dma_start3A_196 = arith.constant 0 : i32
      %dma_start3A_197 = tpu.memref_slice %arg12[%dma_start3A_195, %dma_start3A_196] : memref<10240x64xf32, #tpu.memory_space<vmem_shared>> -> memref<10240x64xf32, #tpu.memory_space<vmem_shared>>
      tpu.enqueue_indirect_dma source(%arg8 : memref<128x64xf32, #tpu.memory_space<vmem>>) target(%dma_start3A_197 : memref<10240x64xf32, #tpu.memory_space<vmem_shared>>) offsets(%dma_start3A_194 : memref<128xi32, #tpu.memory_space<vmem>>) semaphore(%arg17 : memref<!tpu.dma_semaphore, #tpu.memory_space<semaphore_mem>>) {add = true}
      %lt3A = arith.constant 160 : i32
      %lt3A_198 = arith.cmpi slt, %sub3A_175, %lt3A : i32
      %convert_element_type3A = arith.extui %lt3A_198 : i1 to i32
      %cond3A = arith.constant 0 : i32
      %cond3A_199 = arith.cmpi ne, %convert_element_type3A, %cond3A : i32
      scf.if %cond3A_199 {
        %add3A_299 = arith.constant 0 : i32
        %add3A_300 = arith.addi %add3A_169, %add3A_299 : i32
        %gt3A = arith.constant 0 : i32
        %gt3A_301 = arith.cmpi sgt, %add3A_300, %gt3A : i32
        %convert_element_type3A_302 = arith.extui %gt3A_301 : i1 to i32
        %cond3A_303 = arith.constant 0 : i32
        %cond3A_304 = arith.cmpi ne, %convert_element_type3A_302, %cond3A_303 : i32
        scf.if %cond3A_304 {
          %dma_wait3A_315 = arith.constant 0 : i32
          %dma_wait3A_316 = arith.constant 0 : i32
          %dma_wait3A_317 = tpu.memref_slice %arg12[%dma_wait3A_315, %dma_wait3A_316] : memref<10240x64xf32, #tpu.memory_space<vmem_shared>> -> memref<128x64xf32, #tpu.memory_space<vmem_shared>>
          %dma_wait3A_318 = arith.constant 0 : i32
          %dma_wait3A_319 = arith.constant 0 : i32
          %dma_wait3A_320 = tpu.memref_slice %arg12[%dma_wait3A_318, %dma_wait3A_319] : memref<10240x64xf32, #tpu.memory_space<vmem_shared>> -> memref<128x64xf32, #tpu.memory_space<vmem_shared>>
          tpu.wait_dma2 semaphore(%arg20 : memref<!tpu.dma_semaphore, #tpu.memory_space<semaphore_mem>>) src(%arg11 : memref<128x64xf32, #tpu.memory_space<vmem>>) dst(%dma_wait3A_320 : memref<128x64xf32, #tpu.memory_space<vmem_shared>>)
        } else {
        }
        %dma_start3A_305 = arith.constant 0 : i32
        %dma_start3A_306 = tpu.memref_slice %arg6[%sub3A_175, %dma_start3A_305] : memref<160x128xi32, #tpu.memory_space<vmem>> -> memref<1x128xi32, #tpu.memory_space<vmem>>
        %dma_start3A_307 = tpu.memref_squeeze %dma_start3A_306 : memref<1x128xi32, #tpu.memory_space<vmem>> -> memref<128xi32, #tpu.memory_space<vmem>>
        %dma_start3A_308 = arith.constant 0 : i32
        %dma_start3A_309 = arith.constant 0 : i32
        %dma_start3A_310 = tpu.memref_slice %arg2[%scan3A_125, %dma_start3A_308, %dma_start3A_309] : memref<2x20480x64xf32, #tpu.memory_space<hbm>> -> memref<1x20480x64xf32, #tpu.memory_space<hbm>>
        %dma_start3A_311 = tpu.memref_squeeze %dma_start3A_310 : memref<1x20480x64xf32, #tpu.memory_space<hbm>> -> memref<20480x64xf32, #tpu.memory_space<hbm>>
        %dma_start3A_312 = arith.constant 0 : i32
        %dma_start3A_313 = arith.constant 0 : i32
        %dma_start3A_314 = tpu.memref_slice %dma_start3A_311[%dma_start3A_312, %dma_start3A_313] : memref<20480x64xf32, #tpu.memory_space<hbm>> -> memref<20480x64xf32, #tpu.memory_space<hbm>>
        tpu.enqueue_indirect_dma source(%dma_start3A_314 : memref<20480x64xf32, #tpu.memory_space<hbm>>) target(%arg11 : memref<128x64xf32, #tpu.memory_space<vmem>>) offsets(%dma_start3A_307 : memref<128xi32, #tpu.memory_space<vmem>>) semaphore(%arg16 : memref<!tpu.dma_semaphore, #tpu.memory_space<semaphore_mem>>)
      } else {
      }
      %add3A_200 = arith.constant 1 : i32
      %add3A_201 = arith.addi %add3A_169, %add3A_200 : i32
      %add3A_202 = arith.constant 4 : i32
      %add3A_203 = arith.addi %add3A_201, %add3A_202 : i32
      %sub3A_204 = arith.constant 1 : i32
      %sub3A_205 = arith.subi %add3A_203, %sub3A_204 : i32
      %dma_wait3A_206 = arith.constant 0 : i32
      %dma_wait3A_207 = arith.constant 0 : i32
      %dma_wait3A_208 = tpu.memref_slice %arg2[%scan3A_125, %dma_wait3A_206, %dma_wait3A_207] : memref<2x20480x64xf32, #tpu.memory_space<hbm>> -> memref<1x20480x64xf32, #tpu.memory_space<hbm>>
      %dma_wait3A_209 = tpu.memref_squeeze %dma_wait3A_208 : memref<1x20480x64xf32, #tpu.memory_space<hbm>> -> memref<20480x64xf32, #tpu.memory_space<hbm>>
      %dma_wait3A_210 = arith.constant 0 : i32
      %dma_wait3A_211 = arith.constant 0 : i32
      %dma_wait3A_212 = tpu.memref_slice %dma_wait3A_209[%dma_wait3A_210, %dma_wait3A_211] : memref<20480x64xf32, #tpu.memory_space<hbm>> -> memref<128x64xf32, #tpu.memory_space<hbm>>
      %dma_wait3A_213 = arith.constant 0 : i32
      %dma_wait3A_214 = arith.constant 0 : i32
      %dma_wait3A_215 = tpu.memref_slice %arg2[%scan3A_125, %dma_wait3A_213, %dma_wait3A_214] : memref<2x20480x64xf32, #tpu.memory_space<hbm>> -> memref<1x20480x64xf32, #tpu.memory_space<hbm>>
      %dma_wait3A_216 = tpu.memref_squeeze %dma_wait3A_215 : memref<1x20480x64xf32, #tpu.memory_space<hbm>> -> memref<20480x64xf32, #tpu.memory_space<hbm>>
      %dma_wait3A_217 = arith.constant 0 : i32
      %dma_wait3A_218 = arith.constant 0 : i32
      %dma_wait3A_219 = tpu.memref_slice %dma_wait3A_216[%dma_wait3A_217, %dma_wait3A_218] : memref<20480x64xf32, #tpu.memory_space<hbm>> -> memref<128x64xf32, #tpu.memory_space<hbm>>
      tpu.wait_dma2 semaphore(%arg14 : memref<!tpu.dma_semaphore, #tpu.memory_space<semaphore_mem>>) src(%dma_wait3A_219 : memref<128x64xf32, #tpu.memory_space<hbm>>) dst(%arg9 : memref<128x64xf32, #tpu.memory_space<vmem>>)
      %add3A_220 = arith.constant 1 : i32
      %add3A_221 = arith.addi %add3A_169, %add3A_220 : i32
      %dma_start3A_222 = arith.constant 0 : i32
      %dma_start3A_223 = tpu.memref_slice %arg7[%add3A_221, %dma_start3A_222] : memref<160x128xi32, #tpu.memory_space<vmem>> -> memref<1x128xi32, #tpu.memory_space<vmem>>
      %dma_start3A_224 = tpu.memref_squeeze %dma_start3A_223 : memref<1x128xi32, #tpu.memory_space<vmem>> -> memref<128xi32, #tpu.memory_space<vmem>>
      %dma_start3A_225 = arith.constant 0 : i32
      %dma_start3A_226 = arith.constant 0 : i32
      %dma_start3A_227 = tpu.memref_slice %arg12[%dma_start3A_225, %dma_start3A_226] : memref<10240x64xf32, #tpu.memory_space<vmem_shared>> -> memref<10240x64xf32, #tpu.memory_space<vmem_shared>>
      tpu.enqueue_indirect_dma source(%arg9 : memref<128x64xf32, #tpu.memory_space<vmem>>) target(%dma_start3A_227 : memref<10240x64xf32, #tpu.memory_space<vmem_shared>>) offsets(%dma_start3A_224 : memref<128xi32, #tpu.memory_space<vmem>>) semaphore(%arg18 : memref<!tpu.dma_semaphore, #tpu.memory_space<semaphore_mem>>) {add = true}
      %lt3A_228 = arith.constant 160 : i32
      %lt3A_229 = arith.cmpi slt, %sub3A_205, %lt3A_228 : i32
      %convert_element_type3A_230 = arith.extui %lt3A_229 : i1 to i32
      %cond3A_231 = arith.constant 0 : i32
      %cond3A_232 = arith.cmpi ne, %convert_element_type3A_230, %cond3A_231 : i32
      scf.if %cond3A_232 {
        %add3A_299 = arith.constant 1 : i32
        %add3A_300 = arith.addi %add3A_169, %add3A_299 : i32
        %gt3A = arith.constant 0 : i32
        %gt3A_301 = arith.cmpi sgt, %add3A_300, %gt3A : i32
        %convert_element_type3A_302 = arith.extui %gt3A_301 : i1 to i32
        %cond3A_303 = arith.constant 0 : i32
        %cond3A_304 = arith.cmpi ne, %convert_element_type3A_302, %cond3A_303 : i32
        scf.if %cond3A_304 {
          %dma_wait3A_315 = arith.constant 0 : i32
          %dma_wait3A_316 = arith.constant 0 : i32
          %dma_wait3A_317 = tpu.memref_slice %arg12[%dma_wait3A_315, %dma_wait3A_316] : memref<10240x64xf32, #tpu.memory_space<vmem_shared>> -> memref<128x64xf32, #tpu.memory_space<vmem_shared>>
          %dma_wait3A_318 = arith.constant 0 : i32
          %dma_wait3A_319 = arith.constant 0 : i32
          %dma_wait3A_320 = tpu.memref_slice %arg12[%dma_wait3A_318, %dma_wait3A_319] : memref<10240x64xf32, #tpu.memory_space<vmem_shared>> -> memref<128x64xf32, #tpu.memory_space<vmem_shared>>
          tpu.wait_dma2 semaphore(%arg17 : memref<!tpu.dma_semaphore, #tpu.memory_space<semaphore_mem>>) src(%arg8 : memref<128x64xf32, #tpu.memory_space<vmem>>) dst(%dma_wait3A_320 : memref<128x64xf32, #tpu.memory_space<vmem_shared>>)
        } else {
        }
        %dma_start3A_305 = arith.constant 0 : i32
        %dma_start3A_306 = tpu.memref_slice %arg6[%sub3A_205, %dma_start3A_305] : memref<160x128xi32, #tpu.memory_space<vmem>> -> memref<1x128xi32, #tpu.memory_space<vmem>>
        %dma_start3A_307 = tpu.memref_squeeze %dma_start3A_306 : memref<1x128xi32, #tpu.memory_space<vmem>> -> memref<128xi32, #tpu.memory_space<vmem>>
        %dma_start3A_308 = arith.constant 0 : i32
        %dma_start3A_309 = arith.constant 0 : i32
        %dma_start3A_310 = tpu.memref_slice %arg2[%scan3A_125, %dma_start3A_308, %dma_start3A_309] : memref<2x20480x64xf32, #tpu.memory_space<hbm>> -> memref<1x20480x64xf32, #tpu.memory_space<hbm>>
        %dma_start3A_311 = tpu.memref_squeeze %dma_start3A_310 : memref<1x20480x64xf32, #tpu.memory_space<hbm>> -> memref<20480x64xf32, #tpu.memory_space<hbm>>
        %dma_start3A_312 = arith.constant 0 : i32
        %dma_start3A_313 = arith.constant 0 : i32
        %dma_start3A_314 = tpu.memref_slice %dma_start3A_311[%dma_start3A_312, %dma_start3A_313] : memref<20480x64xf32, #tpu.memory_space<hbm>> -> memref<20480x64xf32, #tpu.memory_space<hbm>>
        tpu.enqueue_indirect_dma source(%dma_start3A_314 : memref<20480x64xf32, #tpu.memory_space<hbm>>) target(%arg8 : memref<128x64xf32, #tpu.memory_space<vmem>>) offsets(%dma_start3A_307 : memref<128xi32, #tpu.memory_space<vmem>>) semaphore(%arg13 : memref<!tpu.dma_semaphore, #tpu.memory_space<semaphore_mem>>)
      } else {
      }
      %add3A_233 = arith.constant 2 : i32
      %add3A_234 = arith.addi %add3A_169, %add3A_233 : i32
      %add3A_235 = arith.constant 4 : i32
      %add3A_236 = arith.addi %add3A_234, %add3A_235 : i32
      %sub3A_237 = arith.constant 1 : i32
      %sub3A_238 = arith.subi %add3A_236, %sub3A_237 : i32
      %dma_wait3A_239 = arith.constant 0 : i32
      %dma_wait3A_240 = arith.constant 0 : i32
      %dma_wait3A_241 = tpu.memref_slice %arg2[%scan3A_125, %dma_wait3A_239, %dma_wait3A_240] : memref<2x20480x64xf32, #tpu.memory_space<hbm>> -> memref<1x20480x64xf32, #tpu.memory_space<hbm>>
      %dma_wait3A_242 = tpu.memref_squeeze %dma_wait3A_241 : memref<1x20480x64xf32, #tpu.memory_space<hbm>> -> memref<20480x64xf32, #tpu.memory_space<hbm>>
      %dma_wait3A_243 = arith.constant 0 : i32
      %dma_wait3A_244 = arith.constant 0 : i32
      %dma_wait3A_245 = tpu.memref_slice %dma_wait3A_242[%dma_wait3A_243, %dma_wait3A_244] : memref<20480x64xf32, #tpu.memory_space<hbm>> -> memref<128x64xf32, #tpu.memory_space<hbm>>
      %dma_wait3A_246 = arith.constant 0 : i32
      %dma_wait3A_247 = arith.constant 0 : i32
      %dma_wait3A_248 = tpu.memref_slice %arg2[%scan3A_125, %dma_wait3A_246, %dma_wait3A_247] : memref<2x20480x64xf32, #tpu.memory_space<hbm>> -> memref<1x20480x64xf32, #tpu.memory_space<hbm>>
      %dma_wait3A_249 = tpu.memref_squeeze %dma_wait3A_248 : memref<1x20480x64xf32, #tpu.memory_space<hbm>> -> memref<20480x64xf32, #tpu.memory_space<hbm>>
      %dma_wait3A_250 = arith.constant 0 : i32
      %dma_wait3A_251 = arith.constant 0 : i32
      %dma_wait3A_252 = tpu.memref_slice %dma_wait3A_249[%dma_wait3A_250, %dma_wait3A_251] : memref<20480x64xf32, #tpu.memory_space<hbm>> -> memref<128x64xf32, #tpu.memory_space<hbm>>
      tpu.wait_dma2 semaphore(%arg15 : memref<!tpu.dma_semaphore, #tpu.memory_space<semaphore_mem>>) src(%dma_wait3A_252 : memref<128x64xf32, #tpu.memory_space<hbm>>) dst(%arg10 : memref<128x64xf32, #tpu.memory_space<vmem>>)
      %add3A_253 = arith.constant 2 : i32
      %add3A_254 = arith.addi %add3A_169, %add3A_253 : i32
      %dma_start3A_255 = arith.constant 0 : i32
      %dma_start3A_256 = tpu.memref_slice %arg7[%add3A_254, %dma_start3A_255] : memref<160x128xi32, #tpu.memory_space<vmem>> -> memref<1x128xi32, #tpu.memory_space<vmem>>
      %dma_start3A_257 = tpu.memref_squeeze %dma_start3A_256 : memref<1x128xi32, #tpu.memory_space<vmem>> -> memref<128xi32, #tpu.memory_space<vmem>>
      %dma_start3A_258 = arith.constant 0 : i32
      %dma_start3A_259 = arith.constant 0 : i32
      %dma_start3A_260 = tpu.memref_slice %arg12[%dma_start3A_258, %dma_start3A_259] : memref<10240x64xf32, #tpu.memory_space<vmem_shared>> -> memref<10240x64xf32, #tpu.memory_space<vmem_shared>>
      tpu.enqueue_indirect_dma source(%arg10 : memref<128x64xf32, #tpu.memory_space<vmem>>) target(%dma_start3A_260 : memref<10240x64xf32, #tpu.memory_space<vmem_shared>>) offsets(%dma_start3A_257 : memref<128xi32, #tpu.memory_space<vmem>>) semaphore(%arg19 : memref<!tpu.dma_semaphore, #tpu.memory_space<semaphore_mem>>) {add = true}
      %lt3A_261 = arith.constant 160 : i32
      %lt3A_262 = arith.cmpi slt, %sub3A_238, %lt3A_261 : i32
      %convert_element_type3A_263 = arith.extui %lt3A_262 : i1 to i32
      %cond3A_264 = arith.constant 0 : i32
      %cond3A_265 = arith.cmpi ne, %convert_element_type3A_263, %cond3A_264 : i32
      scf.if %cond3A_265 {
        %add3A_299 = arith.constant 2 : i32
        %add3A_300 = arith.addi %add3A_169, %add3A_299 : i32
        %gt3A = arith.constant 0 : i32
        %gt3A_301 = arith.cmpi sgt, %add3A_300, %gt3A : i32
        %convert_element_type3A_302 = arith.extui %gt3A_301 : i1 to i32
        %cond3A_303 = arith.constant 0 : i32
        %cond3A_304 = arith.cmpi ne, %convert_element_type3A_302, %cond3A_303 : i32
        scf.if %cond3A_304 {
          %dma_wait3A_315 = arith.constant 0 : i32
          %dma_wait3A_316 = arith.constant 0 : i32
          %dma_wait3A_317 = tpu.memref_slice %arg12[%dma_wait3A_315, %dma_wait3A_316] : memref<10240x64xf32, #tpu.memory_space<vmem_shared>> -> memref<128x64xf32, #tpu.memory_space<vmem_shared>>
          %dma_wait3A_318 = arith.constant 0 : i32
          %dma_wait3A_319 = arith.constant 0 : i32
          %dma_wait3A_320 = tpu.memref_slice %arg12[%dma_wait3A_318, %dma_wait3A_319] : memref<10240x64xf32, #tpu.memory_space<vmem_shared>> -> memref<128x64xf32, #tpu.memory_space<vmem_shared>>
          tpu.wait_dma2 semaphore(%arg18 : memref<!tpu.dma_semaphore, #tpu.memory_space<semaphore_mem>>) src(%arg9 : memref<128x64xf32, #tpu.memory_space<vmem>>) dst(%dma_wait3A_320 : memref<128x64xf32, #tpu.memory_space<vmem_shared>>)
        } else {
        }
        %dma_start3A_305 = arith.constant 0 : i32
        %dma_start3A_306 = tpu.memref_slice %arg6[%sub3A_238, %dma_start3A_305] : memref<160x128xi32, #tpu.memory_space<vmem>> -> memref<1x128xi32, #tpu.memory_space<vmem>>
        %dma_start3A_307 = tpu.memref_squeeze %dma_start3A_306 : memref<1x128xi32, #tpu.memory_space<vmem>> -> memref<128xi32, #tpu.memory_space<vmem>>
        %dma_start3A_308 = arith.constant 0 : i32
        %dma_start3A_309 = arith.constant 0 : i32
        %dma_start3A_310 = tpu.memref_slice %arg2[%scan3A_125, %dma_start3A_308, %dma_start3A_309] : memref<2x20480x64xf32, #tpu.memory_space<hbm>> -> memref<1x20480x64xf32, #tpu.memory_space<hbm>>
        %dma_start3A_311 = tpu.memref_squeeze %dma_start3A_310 : memref<1x20480x64xf32, #tpu.memory_space<hbm>> -> memref<20480x64xf32, #tpu.memory_space<hbm>>
        %dma_start3A_312 = arith.constant 0 : i32
        %dma_start3A_313 = arith.constant 0 : i32
        %dma_start3A_314 = tpu.memref_slice %dma_start3A_311[%dma_start3A_312, %dma_start3A_313] : memref<20480x64xf32, #tpu.memory_space<hbm>> -> memref<20480x64xf32, #tpu.memory_space<hbm>>
        tpu.enqueue_indirect_dma source(%dma_start3A_314 : memref<20480x64xf32, #tpu.memory_space<hbm>>) target(%arg9 : memref<128x64xf32, #tpu.memory_space<vmem>>) offsets(%dma_start3A_307 : memref<128xi32, #tpu.memory_space<vmem>>) semaphore(%arg14 : memref<!tpu.dma_semaphore, #tpu.memory_space<semaphore_mem>>)
      } else {
      }
      %add3A_266 = arith.constant 3 : i32
      %add3A_267 = arith.addi %add3A_169, %add3A_266 : i32
      %add3A_268 = arith.constant 4 : i32
      %add3A_269 = arith.addi %add3A_267, %add3A_268 : i32
      %sub3A_270 = arith.constant 1 : i32
      %sub3A_271 = arith.subi %add3A_269, %sub3A_270 : i32
      %dma_wait3A_272 = arith.constant 0 : i32
      %dma_wait3A_273 = arith.constant 0 : i32
      %dma_wait3A_274 = tpu.memref_slice %arg2[%scan3A_125, %dma_wait3A_272, %dma_wait3A_273] : memref<2x20480x64xf32, #tpu.memory_space<hbm>> -> memref<1x20480x64xf32, #tpu.memory_space<hbm>>
      %dma_wait3A_275 = tpu.memref_squeeze %dma_wait3A_274 : memref<1x20480x64xf32, #tpu.memory_space<hbm>> -> memref<20480x64xf32, #tpu.memory_space<hbm>>
      %dma_wait3A_276 = arith.constant 0 : i32
      %dma_wait3A_277 = arith.constant 0 : i32
      %dma_wait3A_278 = tpu.memref_slice %dma_wait3A_275[%dma_wait3A_276, %dma_wait3A_277] : memref<20480x64xf32, #tpu.memory_space<hbm>> -> memref<128x64xf32, #tpu.memory_space<hbm>>
      %dma_wait3A_279 = arith.constant 0 : i32
      %dma_wait3A_280 = arith.constant 0 : i32
      %dma_wait3A_281 = tpu.memref_slice %arg2[%scan3A_125, %dma_wait3A_279, %dma_wait3A_280] : memref<2x20480x64xf32, #tpu.memory_space<hbm>> -> memref<1x20480x64xf32, #tpu.memory_space<hbm>>
      %dma_wait3A_282 = tpu.memref_squeeze %dma_wait3A_281 : memref<1x20480x64xf32, #tpu.memory_space<hbm>> -> memref<20480x64xf32, #tpu.memory_space<hbm>>
      %dma_wait3A_283 = arith.constant 0 : i32
      %dma_wait3A_284 = arith.constant 0 : i32
      %dma_wait3A_285 = tpu.memref_slice %dma_wait3A_282[%dma_wait3A_283, %dma_wait3A_284] : memref<20480x64xf32, #tpu.memory_space<hbm>> -> memref<128x64xf32, #tpu.memory_space<hbm>>
      tpu.wait_dma2 semaphore(%arg16 : memref<!tpu.dma_semaphore, #tpu.memory_space<semaphore_mem>>) src(%dma_wait3A_285 : memref<128x64xf32, #tpu.memory_space<hbm>>) dst(%arg11 : memref<128x64xf32, #tpu.memory_space<vmem>>)
      %add3A_286 = arith.constant 3 : i32
      %add3A_287 = arith.addi %add3A_169, %add3A_286 : i32
      %dma_start3A_288 = arith.constant 0 : i32
      %dma_start3A_289 = tpu.memref_slice %arg7[%add3A_287, %dma_start3A_288] : memref<160x128xi32, #tpu.memory_space<vmem>> -> memref<1x128xi32, #tpu.memory_space<vmem>>
      %dma_start3A_290 = tpu.memref_squeeze %dma_start3A_289 : memref<1x128xi32, #tpu.memory_space<vmem>> -> memref<128xi32, #tpu.memory_space<vmem>>
      %dma_start3A_291 = arith.constant 0 : i32
      %dma_start3A_292 = arith.constant 0 : i32
      %dma_start3A_293 = tpu.memref_slice %arg12[%dma_start3A_291, %dma_start3A_292] : memref<10240x64xf32, #tpu.memory_space<vmem_shared>> -> memref<10240x64xf32, #tpu.memory_space<vmem_shared>>
      tpu.enqueue_indirect_dma source(%arg11 : memref<128x64xf32, #tpu.memory_space<vmem>>) target(%dma_start3A_293 : memref<10240x64xf32, #tpu.memory_space<vmem_shared>>) offsets(%dma_start3A_290 : memref<128xi32, #tpu.memory_space<vmem>>) semaphore(%arg20 : memref<!tpu.dma_semaphore, #tpu.memory_space<semaphore_mem>>) {add = true}
      %lt3A_294 = arith.constant 160 : i32
      %lt3A_295 = arith.cmpi slt, %sub3A_271, %lt3A_294 : i32
      %convert_element_type3A_296 = arith.extui %lt3A_295 : i1 to i32
      %cond3A_297 = arith.constant 0 : i32
      %cond3A_298 = arith.cmpi ne, %convert_element_type3A_296, %cond3A_297 : i32
      scf.if %cond3A_298 {
        %add3A_299 = arith.constant 3 : i32
        %add3A_300 = arith.addi %add3A_169, %add3A_299 : i32
        %gt3A = arith.constant 0 : i32
        %gt3A_301 = arith.cmpi sgt, %add3A_300, %gt3A : i32
        %convert_element_type3A_302 = arith.extui %gt3A_301 : i1 to i32
        %cond3A_303 = arith.constant 0 : i32
        %cond3A_304 = arith.cmpi ne, %convert_element_type3A_302, %cond3A_303 : i32
        scf.if %cond3A_304 {
          %dma_wait3A_315 = arith.constant 0 : i32
          %dma_wait3A_316 = arith.constant 0 : i32
          %dma_wait3A_317 = tpu.memref_slice %arg12[%dma_wait3A_315, %dma_wait3A_316] : memref<10240x64xf32, #tpu.memory_space<vmem_shared>> -> memref<128x64xf32, #tpu.memory_space<vmem_shared>>
          %dma_wait3A_318 = arith.constant 0 : i32
          %dma_wait3A_319 = arith.constant 0 : i32
          %dma_wait3A_320 = tpu.memref_slice %arg12[%dma_wait3A_318, %dma_wait3A_319] : memref<10240x64xf32, #tpu.memory_space<vmem_shared>> -> memref<128x64xf32, #tpu.memory_space<vmem_shared>>
          tpu.wait_dma2 semaphore(%arg19 : memref<!tpu.dma_semaphore, #tpu.memory_space<semaphore_mem>>) src(%arg10 : memref<128x64xf32, #tpu.memory_space<vmem>>) dst(%dma_wait3A_320 : memref<128x64xf32, #tpu.memory_space<vmem_shared>>)
        } else {
        }
        %dma_start3A_305 = arith.constant 0 : i32
        %dma_start3A_306 = tpu.memref_slice %arg6[%sub3A_271, %dma_start3A_305] : memref<160x128xi32, #tpu.memory_space<vmem>> -> memref<1x128xi32, #tpu.memory_space<vmem>>
        %dma_start3A_307 = tpu.memref_squeeze %dma_start3A_306 : memref<1x128xi32, #tpu.memory_space<vmem>> -> memref<128xi32, #tpu.memory_space<vmem>>
        %dma_start3A_308 = arith.constant 0 : i32
        %dma_start3A_309 = arith.constant 0 : i32
        %dma_start3A_310 = tpu.memref_slice %arg2[%scan3A_125, %dma_start3A_308, %dma_start3A_309] : memref<2x20480x64xf32, #tpu.memory_space<hbm>> -> memref<1x20480x64xf32, #tpu.memory_space<hbm>>
        %dma_start3A_311 = tpu.memref_squeeze %dma_start3A_310 : memref<1x20480x64xf32, #tpu.memory_space<hbm>> -> memref<20480x64xf32, #tpu.memory_space<hbm>>
        %dma_start3A_312 = arith.constant 0 : i32
        %dma_start3A_313 = arith.constant 0 : i32
        %dma_start3A_314 = tpu.memref_slice %dma_start3A_311[%dma_start3A_312, %dma_start3A_313] : memref<20480x64xf32, #tpu.memory_space<hbm>> -> memref<20480x64xf32, #tpu.memory_space<hbm>>
        tpu.enqueue_indirect_dma source(%dma_start3A_314 : memref<20480x64xf32, #tpu.memory_space<hbm>>) target(%arg10 : memref<128x64xf32, #tpu.memory_space<vmem>>) offsets(%dma_start3A_307 : memref<128xi32, #tpu.memory_space<vmem>>) semaphore(%arg15 : memref<!tpu.dma_semaphore, #tpu.memory_space<semaphore_mem>>)
      } else {
      }
    }
    %scan3A_130 = arith.constant 40 : i32
    %dma_wait3A_131 = arith.constant 0 : i32
    %dma_wait3A_132 = arith.constant 0 : i32
    %dma_wait3A_133 = tpu.memref_slice %arg12[%dma_wait3A_131, %dma_wait3A_132] : memref<10240x64xf32, #tpu.memory_space<vmem_shared>> -> memref<128x64xf32, #tpu.memory_space<vmem_shared>>
    %dma_wait3A_134 = arith.constant 0 : i32
    %dma_wait3A_135 = arith.constant 0 : i32
    %dma_wait3A_136 = tpu.memref_slice %arg12[%dma_wait3A_134, %dma_wait3A_135] : memref<10240x64xf32, #tpu.memory_space<vmem_shared>> -> memref<128x64xf32, #tpu.memory_space<vmem_shared>>
    tpu.wait_dma2 semaphore(%arg17 : memref<!tpu.dma_semaphore, #tpu.memory_space<semaphore_mem>>) src(%arg8 : memref<128x64xf32, #tpu.memory_space<vmem>>) dst(%dma_wait3A_136 : memref<128x64xf32, #tpu.memory_space<vmem_shared>>)
    %dma_wait3A_137 = arith.constant 0 : i32
    %dma_wait3A_138 = arith.constant 0 : i32
    %dma_wait3A_139 = tpu.memref_slice %arg12[%dma_wait3A_137, %dma_wait3A_138] : memref<10240x64xf32, #tpu.memory_space<vmem_shared>> -> memref<128x64xf32, #tpu.memory_space<vmem_shared>>
    %dma_wait3A_140 = arith.constant 0 : i32
    %dma_wait3A_141 = arith.constant 0 : i32
    %dma_wait3A_142 = tpu.memref_slice %arg12[%dma_wait3A_140, %dma_wait3A_141] : memref<10240x64xf32, #tpu.memory_space<vmem_shared>> -> memref<128x64xf32, #tpu.memory_space<vmem_shared>>
    tpu.wait_dma2 semaphore(%arg18 : memref<!tpu.dma_semaphore, #tpu.memory_space<semaphore_mem>>) src(%arg9 : memref<128x64xf32, #tpu.memory_space<vmem>>) dst(%dma_wait3A_142 : memref<128x64xf32, #tpu.memory_space<vmem_shared>>)
    %dma_wait3A_143 = arith.constant 0 : i32
    %dma_wait3A_144 = arith.constant 0 : i32
    %dma_wait3A_145 = tpu.memref_slice %arg12[%dma_wait3A_143, %dma_wait3A_144] : memref<10240x64xf32, #tpu.memory_space<vmem_shared>> -> memref<128x64xf32, #tpu.memory_space<vmem_shared>>
    %dma_wait3A_146 = arith.constant 0 : i32
    %dma_wait3A_147 = arith.constant 0 : i32
    %dma_wait3A_148 = tpu.memref_slice %arg12[%dma_wait3A_146, %dma_wait3A_147] : memref<10240x64xf32, #tpu.memory_space<vmem_shared>> -> memref<128x64xf32, #tpu.memory_space<vmem_shared>>
    tpu.wait_dma2 semaphore(%arg19 : memref<!tpu.dma_semaphore, #tpu.memory_space<semaphore_mem>>) src(%arg10 : memref<128x64xf32, #tpu.memory_space<vmem>>) dst(%dma_wait3A_148 : memref<128x64xf32, #tpu.memory_space<vmem_shared>>)
    %dma_wait3A_149 = arith.constant 0 : i32
    %dma_wait3A_150 = arith.constant 0 : i32
    %dma_wait3A_151 = tpu.memref_slice %arg12[%dma_wait3A_149, %dma_wait3A_150] : memref<10240x64xf32, #tpu.memory_space<vmem_shared>> -> memref<128x64xf32, #tpu.memory_space<vmem_shared>>
    %dma_wait3A_152 = arith.constant 0 : i32
    %dma_wait3A_153 = arith.constant 0 : i32
    %dma_wait3A_154 = tpu.memref_slice %arg12[%dma_wait3A_152, %dma_wait3A_153] : memref<10240x64xf32, #tpu.memory_space<vmem_shared>> -> memref<128x64xf32, #tpu.memory_space<vmem_shared>>
    tpu.wait_dma2 semaphore(%arg20 : memref<!tpu.dma_semaphore, #tpu.memory_space<semaphore_mem>>) src(%arg11 : memref<128x64xf32, #tpu.memory_space<vmem>>) dst(%dma_wait3A_154 : memref<128x64xf32, #tpu.memory_space<vmem_shared>>)
    %barrier3A_155 = arith.constant 0 : index
    tpu.barrier barrier_id(%barrier3A_155)
    %sub3A_156 = arith.constant 1 : i32
    %sub3A_157 = arith.subi %sub3A_156, %arg0 : i32
    %mul3A_158 = arith.constant 10240 : i32
    %mul3A_159 = arith.muli %sub3A_157, %mul3A_158 : i32
    %mul3A_160 = arith.constant 640 : i32
    %mul3A_161 = arith.muli %arg1, %mul3A_160 : i32
    %add3A_162 = arith.addi %mul3A_159, %mul3A_161 : i32
    %run_scoped3A_163 = arith.constant 1 : i32
    "tpu.region"() ({
      %run_scoped3A_165 = tpu.sem_alloc : memref<!tpu.dma_semaphore, #tpu.memory_space<semaphore_mem>>
      %dma_start3A_166 = arith.constant 0 : i32
      %dma_start3A_167 = arith.constant 0 : i32
      %dma_start3A_168 = tpu.memref_slice %arg5[%run_scoped3A_163, %dma_start3A_166, %dma_start3A_167] : memref<2x20480x64xf32, #tpu.memory_space<hbm>> -> memref<1x20480x64xf32, #tpu.memory_space<hbm>>
      %dma_start3A_169 = tpu.memref_squeeze %dma_start3A_168 : memref<1x20480x64xf32, #tpu.memory_space<hbm>> -> memref<20480x64xf32, #tpu.memory_space<hbm>>
      %dma_start3A_170 = arith.constant 0 : i32
      %dma_start3A_171 = tpu.memref_slice %dma_start3A_169[%add3A_162, %dma_start3A_170] : memref<20480x64xf32, #tpu.memory_space<hbm>> -> memref<640x64xf32, #tpu.memory_space<hbm>>
      %dma_start3A_172 = arith.constant 0 : i32
      %dma_start3A_173 = tpu.memref_slice %arg12[%mul3A_0, %dma_start3A_172] : memref<10240x64xf32, #tpu.memory_space<vmem_shared>> -> memref<640x64xf32, #tpu.memory_space<vmem_shared>>
      tpu.enqueue_dma source(%dma_start3A_173 : memref<640x64xf32, #tpu.memory_space<vmem_shared>>) target(%dma_start3A_171 : memref<640x64xf32, #tpu.memory_space<hbm>>) target_semaphore(%run_scoped3A_165 : memref<!tpu.dma_semaphore, #tpu.memory_space<semaphore_mem>>)
      %dma_wait3A_174 = arith.constant 0 : i32
      %dma_wait3A_175 = arith.constant 0 : i32
      %dma_wait3A_176 = tpu.memref_slice %arg5[%run_scoped3A_163, %dma_wait3A_174, %dma_wait3A_175] : memref<2x20480x64xf32, #tpu.memory_space<hbm>> -> memref<1x20480x64xf32, #tpu.memory_space<hbm>>
      %dma_wait3A_177 = tpu.memref_squeeze %dma_wait3A_176 : memref<1x20480x64xf32, #tpu.memory_space<hbm>> -> memref<20480x64xf32, #tpu.memory_space<hbm>>
      %dma_wait3A_178 = arith.constant 0 : i32
      %dma_wait3A_179 = tpu.memref_slice %dma_wait3A_177[%add3A_162, %dma_wait3A_178] : memref<20480x64xf32, #tpu.memory_space<hbm>> -> memref<640x64xf32, #tpu.memory_space<hbm>>
      %dma_wait3A_180 = arith.constant 0 : i32
      %dma_wait3A_181 = tpu.memref_slice %arg12[%mul3A_0, %dma_wait3A_180] : memref<10240x64xf32, #tpu.memory_space<vmem_shared>> -> memref<640x64xf32, #tpu.memory_space<vmem_shared>>
      tpu.wait_dma2 semaphore(%run_scoped3A_165 : memref<!tpu.dma_semaphore, #tpu.memory_space<semaphore_mem>>) src(%dma_wait3A_181 : memref<640x64xf32, #tpu.memory_space<vmem_shared>>) dst(%dma_wait3A_179 : memref<640x64xf32, #tpu.memory_space<hbm>>)
      tpu.yield
    }) : () -> ()
    %barrier3A_164 = arith.constant 0 : index
    tpu.barrier barrier_id(%barrier3A_164)
    return
  }
}

#map = affine_map<(d0, d1) -> (0, 0, 0)>
#map1 = affine_map<(d0, d1) -> (0, 0)>
module attributes {stable_mosaic.version = 14 : i64} {
  func.func @_sc_round(%arg0: i32, %arg1: i32, %arg2: memref<2x20480x64xf32, #tpu.memory_space<hbm>>, %arg3: memref<5120x128xi32, #tpu.memory_space<hbm>>, %arg4: memref<5120x128xi32, #tpu.memory_space<hbm>>, %arg5: memref<2x20480x64xf32, #tpu.memory_space<hbm>>, %arg6: memref<160x128xi32, #tpu.memory_space<vmem>>, %arg7: memref<160x128xi32, #tpu.memory_space<vmem>>, %arg8: memref<128x64xf32, #tpu.memory_space<vmem>>, %arg9: memref<128x64xf32, #tpu.memory_space<vmem>>, %arg10: memref<128x64xf32, #tpu.memory_space<vmem>>, %arg11: memref<128x64xf32, #tpu.memory_space<vmem>>, %arg12: memref<10240x64xf32, #tpu.memory_space<vmem_shared>>, %arg13: memref<!tpu.dma_semaphore, #tpu.memory_space<semaphore_mem>>, %arg14: memref<!tpu.dma_semaphore, #tpu.memory_space<semaphore_mem>>, %arg15: memref<!tpu.dma_semaphore, #tpu.memory_space<semaphore_mem>>, %arg16: memref<!tpu.dma_semaphore, #tpu.memory_space<semaphore_mem>>, %arg17: memref<!tpu.dma_semaphore, #tpu.memory_space<semaphore_mem>>, %arg18: memref<!tpu.dma_semaphore, #tpu.memory_space<semaphore_mem>>, %arg19: memref<!tpu.dma_semaphore, #tpu.memory_space<semaphore_mem>>, %arg20: memref<!tpu.dma_semaphore, #tpu.memory_space<semaphore_mem>>) attributes {dimension_semantics = [#tpu.dimension_semantics<core_parallel>, #tpu.dimension_semantics<subcore_parallel>], iteration_bounds = array<i64: 2, 16>, scalar_prefetch = 0 : i64, scratch_operands = 15 : i64, tpu.core_type = #tpu.core_type<sc_vector_subcore>, window_params = [{transform_indices = #map}, {transform_indices = #map1}, {transform_indices = #map1}, {transform_indices = #map}]} {
    %mul3A = arith.constant 640 : i32
    %mul3A_0 = arith.muli %arg1, %mul3A : i32
    %mul3A_1 = arith.constant 16 : i32
    %mul3A_2 = arith.muli %arg0, %mul3A_1 : i32
    %add3A = arith.addi %mul3A_2, %arg1 : i32
    %mul3A_3 = arith.constant 160 : i32
    %mul3A_4 = arith.muli %add3A, %mul3A_3 : i32
    "tpu.region"() ({
      %run_scoped3A_165 = tpu.sem_alloc : memref<!tpu.dma_semaphore, #tpu.memory_space<semaphore_mem>>
      %dma_start3A_166 = arith.constant 0 : i32
      %dma_start3A_167 = tpu.memref_slice %arg3[%mul3A_4, %dma_start3A_166] : memref<5120x128xi32, #tpu.memory_space<hbm>> -> memref<160x128xi32, #tpu.memory_space<hbm>>
      %dma_start3A_168 = arith.constant 0 : i32
      %dma_start3A_169 = tpu.memref_slice %arg3[%mul3A_4, %dma_start3A_168] : memref<5120x128xi32, #tpu.memory_space<hbm>> -> memref<160x128xi32, #tpu.memory_space<hbm>>
      tpu.enqueue_dma source(%dma_start3A_169 : memref<160x128xi32, #tpu.memory_space<hbm>>) target(%arg6 : memref<160x128xi32, #tpu.memory_space<vmem>>) target_semaphore(%run_scoped3A_165 : memref<!tpu.dma_semaphore, #tpu.memory_space<semaphore_mem>>)
      %dma_wait3A_170 = arith.constant 0 : i32
      %dma_wait3A_171 = tpu.memref_slice %arg3[%mul3A_4, %dma_wait3A_170] : memref<5120x128xi32, #tpu.memory_space<hbm>> -> memref<160x128xi32, #tpu.memory_space<hbm>>
      %dma_wait3A_172 = arith.constant 0 : i32
      %dma_wait3A_173 = tpu.memref_slice %arg3[%mul3A_4, %dma_wait3A_172] : memref<5120x128xi32, #tpu.memory_space<hbm>> -> memref<160x128xi32, #tpu.memory_space<hbm>>
      tpu.wait_dma2 semaphore(%run_scoped3A_165 : memref<!tpu.dma_semaphore, #tpu.memory_space<semaphore_mem>>) src(%dma_wait3A_173 : memref<160x128xi32, #tpu.memory_space<hbm>>) dst(%arg6 : memref<160x128xi32, #tpu.memory_space<vmem>>)
      tpu.yield
    }) : () -> ()
    "tpu.region"() ({
      %run_scoped3A_165 = tpu.sem_alloc : memref<!tpu.dma_semaphore, #tpu.memory_space<semaphore_mem>>
      %dma_start3A_166 = arith.constant 0 : i32
      %dma_start3A_167 = tpu.memref_slice %arg4[%mul3A_4, %dma_start3A_166] : memref<5120x128xi32, #tpu.memory_space<hbm>> -> memref<160x128xi32, #tpu.memory_space<hbm>>
      %dma_start3A_168 = arith.constant 0 : i32
      %dma_start3A_169 = tpu.memref_slice %arg4[%mul3A_4, %dma_start3A_168] : memref<5120x128xi32, #tpu.memory_space<hbm>> -> memref<160x128xi32, #tpu.memory_space<hbm>>
      tpu.enqueue_dma source(%dma_start3A_169 : memref<160x128xi32, #tpu.memory_space<hbm>>) target(%arg7 : memref<160x128xi32, #tpu.memory_space<vmem>>) target_semaphore(%run_scoped3A_165 : memref<!tpu.dma_semaphore, #tpu.memory_space<semaphore_mem>>)
      %dma_wait3A_170 = arith.constant 0 : i32
      %dma_wait3A_171 = tpu.memref_slice %arg4[%mul3A_4, %dma_wait3A_170] : memref<5120x128xi32, #tpu.memory_space<hbm>> -> memref<160x128xi32, #tpu.memory_space<hbm>>
      %dma_wait3A_172 = arith.constant 0 : i32
      %dma_wait3A_173 = tpu.memref_slice %arg4[%mul3A_4, %dma_wait3A_172] : memref<5120x128xi32, #tpu.memory_space<hbm>> -> memref<160x128xi32, #tpu.memory_space<hbm>>
      tpu.wait_dma2 semaphore(%run_scoped3A_165 : memref<!tpu.dma_semaphore, #tpu.memory_space<semaphore_mem>>) src(%dma_wait3A_173 : memref<160x128xi32, #tpu.memory_space<hbm>>) dst(%arg7 : memref<160x128xi32, #tpu.memory_space<vmem>>)
      tpu.yield
    }) : () -> ()
    %mul3A_5 = arith.constant 10240 : i32
    %mul3A_6 = arith.muli %arg0, %mul3A_5 : i32
    %mul3A_7 = arith.constant 640 : i32
    %mul3A_8 = arith.muli %arg1, %mul3A_7 : i32
    %add3A_9 = arith.addi %mul3A_6, %mul3A_8 : i32
    %run_scoped3A = arith.constant 0 : i32
    "tpu.region"() ({
      %run_scoped3A_165 = tpu.sem_alloc : memref<!tpu.dma_semaphore, #tpu.memory_space<semaphore_mem>>
      %dma_start3A_166 = arith.constant 0 : i32
      %dma_start3A_167 = tpu.memref_slice %arg12[%mul3A_0, %dma_start3A_166] : memref<10240x64xf32, #tpu.memory_space<vmem_shared>> -> memref<640x64xf32, #tpu.memory_space<vmem_shared>>
      %dma_start3A_168 = arith.constant 0 : i32
      %dma_start3A_169 = arith.constant 0 : i32
      %dma_start3A_170 = tpu.memref_slice %arg2[%run_scoped3A, %dma_start3A_168, %dma_start3A_169] : memref<2x20480x64xf32, #tpu.memory_space<hbm>> -> memref<1x20480x64xf32, #tpu.memory_space<hbm>>
      %dma_start3A_171 = tpu.memref_squeeze %dma_start3A_170 : memref<1x20480x64xf32, #tpu.memory_space<hbm>> -> memref<20480x64xf32, #tpu.memory_space<hbm>>
      %dma_start3A_172 = arith.constant 0 : i32
      %dma_start3A_173 = tpu.memref_slice %dma_start3A_171[%add3A_9, %dma_start3A_172] : memref<20480x64xf32, #tpu.memory_space<hbm>> -> memref<640x64xf32, #tpu.memory_space<hbm>>
      tpu.enqueue_dma source(%dma_start3A_173 : memref<640x64xf32, #tpu.memory_space<hbm>>) target(%dma_start3A_167 : memref<640x64xf32, #tpu.memory_space<vmem_shared>>) target_semaphore(%run_scoped3A_165 : memref<!tpu.dma_semaphore, #tpu.memory_space<semaphore_mem>>)
      %dma_wait3A_174 = arith.constant 0 : i32
      %dma_wait3A_175 = tpu.memref_slice %arg12[%mul3A_0, %dma_wait3A_174] : memref<10240x64xf32, #tpu.memory_space<vmem_shared>> -> memref<640x64xf32, #tpu.memory_space<vmem_shared>>
      %dma_wait3A_176 = arith.constant 0 : i32
      %dma_wait3A_177 = arith.constant 0 : i32
      %dma_wait3A_178 = tpu.memref_slice %arg2[%run_scoped3A, %dma_wait3A_176, %dma_wait3A_177] : memref<2x20480x64xf32, #tpu.memory_space<hbm>> -> memref<1x20480x64xf32, #tpu.memory_space<hbm>>
      %dma_wait3A_179 = tpu.memref_squeeze %dma_wait3A_178 : memref<1x20480x64xf32, #tpu.memory_space<hbm>> -> memref<20480x64xf32, #tpu.memory_space<hbm>>
      %dma_wait3A_180 = arith.constant 0 : i32
      %dma_wait3A_181 = tpu.memref_slice %dma_wait3A_179[%add3A_9, %dma_wait3A_180] : memref<20480x64xf32, #tpu.memory_space<hbm>> -> memref<640x64xf32, #tpu.memory_space<hbm>>
      tpu.wait_dma2 semaphore(%run_scoped3A_165 : memref<!tpu.dma_semaphore, #tpu.memory_space<semaphore_mem>>) src(%dma_wait3A_181 : memref<640x64xf32, #tpu.memory_space<hbm>>) dst(%dma_wait3A_175 : memref<640x64xf32, #tpu.memory_space<vmem_shared>>)
      tpu.yield
    }) : () -> ()
    %barrier3A = arith.constant 0 : index
    tpu.barrier barrier_id(%barrier3A)
    %dma_start3A = arith.constant 0 : i32
    %dma_start3A_10 = arith.constant 0 : i32
    %dma_start3A_11 = arith.constant 0 : i32
    %dma_start3A_12 = tpu.memref_slice %arg6[%dma_start3A_10, %dma_start3A_11] : memref<160x128xi32, #tpu.memory_space<vmem>> -> memref<1x128xi32, #tpu.memory_space<vmem>>
    %dma_start3A_13 = tpu.memref_squeeze %dma_start3A_12 : memref<1x128xi32, #tpu.memory_space<vmem>> -> memref<128xi32, #tpu.memory_space<vmem>>
    %dma_start3A_14 = arith.constant 0 : i32
    %dma_start3A_15 = arith.constant 0 : i32
    %dma_start3A_16 = tpu.memref_slice %arg2[%dma_start3A, %dma_start3A_14, %dma_start3A_15] : memref<2x20480x64xf32, #tpu.memory_space<hbm>> -> memref<1x20480x64xf32, #tpu.memory_space<hbm>>
    %dma_start3A_17 = tpu.memref_squeeze %dma_start3A_16 : memref<1x20480x64xf32, #tpu.memory_space<hbm>> -> memref<20480x64xf32, #tpu.memory_space<hbm>>
    %dma_start3A_18 = arith.constant 0 : i32
    %dma_start3A_19 = arith.constant 0 : i32
    %dma_start3A_20 = tpu.memref_slice %dma_start3A_17[%dma_start3A_18, %dma_start3A_19] : memref<20480x64xf32, #tpu.memory_space<hbm>> -> memref<20480x64xf32, #tpu.memory_space<hbm>>
    tpu.enqueue_indirect_dma source(%dma_start3A_20 : memref<20480x64xf32, #tpu.memory_space<hbm>>) target(%arg8 : memref<128x64xf32, #tpu.memory_space<vmem>>) offsets(%dma_start3A_13 : memref<128xi32, #tpu.memory_space<vmem>>) semaphore(%arg13 : memref<!tpu.dma_semaphore, #tpu.memory_space<semaphore_mem>>)
    %dma_start3A_21 = arith.constant 0 : i32
    %dma_start3A_22 = arith.constant 1 : i32
    %dma_start3A_23 = arith.constant 0 : i32
    %dma_start3A_24 = tpu.memref_slice %arg6[%dma_start3A_22, %dma_start3A_23] : memref<160x128xi32, #tpu.memory_space<vmem>> -> memref<1x128xi32, #tpu.memory_space<vmem>>
    %dma_start3A_25 = tpu.memref_squeeze %dma_start3A_24 : memref<1x128xi32, #tpu.memory_space<vmem>> -> memref<128xi32, #tpu.memory_space<vmem>>
    %dma_start3A_26 = arith.constant 0 : i32
    %dma_start3A_27 = arith.constant 0 : i32
    %dma_start3A_28 = tpu.memref_slice %arg2[%dma_start3A_21, %dma_start3A_26, %dma_start3A_27] : memref<2x20480x64xf32, #tpu.memory_space<hbm>> -> memref<1x20480x64xf32, #tpu.memory_space<hbm>>
    %dma_start3A_29 = tpu.memref_squeeze %dma_start3A_28 : memref<1x20480x64xf32, #tpu.memory_space<hbm>> -> memref<20480x64xf32, #tpu.memory_space<hbm>>
    %dma_start3A_30 = arith.constant 0 : i32
    %dma_start3A_31 = arith.constant 0 : i32
    %dma_start3A_32 = tpu.memref_slice %dma_start3A_29[%dma_start3A_30, %dma_start3A_31] : memref<20480x64xf32, #tpu.memory_space<hbm>> -> memref<20480x64xf32, #tpu.memory_space<hbm>>
    tpu.enqueue_indirect_dma source(%dma_start3A_32 : memref<20480x64xf32, #tpu.memory_space<hbm>>) target(%arg9 : memref<128x64xf32, #tpu.memory_space<vmem>>) offsets(%dma_start3A_25 : memref<128xi32, #tpu.memory_space<vmem>>) semaphore(%arg14 : memref<!tpu.dma_semaphore, #tpu.memory_space<semaphore_mem>>)
    %dma_start3A_33 = arith.constant 0 : i32
    %dma_start3A_34 = arith.constant 2 : i32
    %dma_start3A_35 = arith.constant 0 : i32
    %dma_start3A_36 = tpu.memref_slice %arg6[%dma_start3A_34, %dma_start3A_35] : memref<160x128xi32, #tpu.memory_space<vmem>> -> memref<1x128xi32, #tpu.memory_space<vmem>>
    %dma_start3A_37 = tpu.memref_squeeze %dma_start3A_36 : memref<1x128xi32, #tpu.memory_space<vmem>> -> memref<128xi32, #tpu.memory_space<vmem>>
    %dma_start3A_38 = arith.constant 0 : i32
    %dma_start3A_39 = arith.constant 0 : i32
    %dma_start3A_40 = tpu.memref_slice %arg2[%dma_start3A_33, %dma_start3A_38, %dma_start3A_39] : memref<2x20480x64xf32, #tpu.memory_space<hbm>> -> memref<1x20480x64xf32, #tpu.memory_space<hbm>>
    %dma_start3A_41 = tpu.memref_squeeze %dma_start3A_40 : memref<1x20480x64xf32, #tpu.memory_space<hbm>> -> memref<20480x64xf32, #tpu.memory_space<hbm>>
    %dma_start3A_42 = arith.constant 0 : i32
    %dma_start3A_43 = arith.constant 0 : i32
    %dma_start3A_44 = tpu.memref_slice %dma_start3A_41[%dma_start3A_42, %dma_start3A_43] : memref<20480x64xf32, #tpu.memory_space<hbm>> -> memref<20480x64xf32, #tpu.memory_space<hbm>>
    tpu.enqueue_indirect_dma source(%dma_start3A_44 : memref<20480x64xf32, #tpu.memory_space<hbm>>) target(%arg10 : memref<128x64xf32, #tpu.memory_space<vmem>>) offsets(%dma_start3A_37 : memref<128xi32, #tpu.memory_space<vmem>>) semaphore(%arg15 : memref<!tpu.dma_semaphore, #tpu.memory_space<semaphore_mem>>)
    %scan3A = arith.constant 0 : i32
    %scan3A_45 = arith.constant 0 : i32
    %scan3A_46 = arith.constant 40 : i32
    %scan3A_47 = arith.addi %scan3A_45, %scan3A_46 : i32
    %scan3A_48 = arith.constant 1 : i32
    scf.for %scan3A_165 = %scan3A_45 to %scan3A_47 step %scan3A_48  : i32 {
      %mul3A_166 = arith.constant 4 : i32
      %mul3A_167 = arith.muli %scan3A_165, %mul3A_166 : i32
      %add3A_168 = arith.constant 0 : i32
      %add3A_169 = arith.addi %add3A_168, %mul3A_167 : i32
      %add3A_170 = arith.constant 0 : i32
      %add3A_171 = arith.addi %add3A_169, %add3A_170 : i32
      %add3A_172 = arith.constant 4 : i32
      %add3A_173 = arith.addi %add3A_171, %add3A_172 : i32
      %sub3A_174 = arith.constant 1 : i32
      %sub3A_175 = arith.subi %add3A_173, %sub3A_174 : i32
      %dma_wait3A_176 = arith.constant 0 : i32
      %dma_wait3A_177 = arith.constant 0 : i32
      %dma_wait3A_178 = tpu.memref_slice %arg2[%scan3A, %dma_wait3A_176, %dma_wait3A_177] : memref<2x20480x64xf32, #tpu.memory_space<hbm>> -> memref<1x20480x64xf32, #tpu.memory_space<hbm>>
      %dma_wait3A_179 = tpu.memref_squeeze %dma_wait3A_178 : memref<1x20480x64xf32, #tpu.memory_space<hbm>> -> memref<20480x64xf32, #tpu.memory_space<hbm>>
      %dma_wait3A_180 = arith.constant 0 : i32
      %dma_wait3A_181 = arith.constant 0 : i32
      %dma_wait3A_182 = tpu.memref_slice %dma_wait3A_179[%dma_wait3A_180, %dma_wait3A_181] : memref<20480x64xf32, #tpu.memory_space<hbm>> -> memref<128x64xf32, #tpu.memory_space<hbm>>
      %dma_wait3A_183 = arith.constant 0 : i32
      %dma_wait3A_184 = arith.constant 0 : i32
      %dma_wait3A_185 = tpu.memref_slice %arg2[%scan3A, %dma_wait3A_183, %dma_wait3A_184] : memref<2x20480x64xf32, #tpu.memory_space<hbm>> -> memref<1x20480x64xf32, #tpu.memory_space<hbm>>
      %dma_wait3A_186 = tpu.memref_squeeze %dma_wait3A_185 : memref<1x20480x64xf32, #tpu.memory_space<hbm>> -> memref<20480x64xf32, #tpu.memory_space<hbm>>
      %dma_wait3A_187 = arith.constant 0 : i32
      %dma_wait3A_188 = arith.constant 0 : i32
      %dma_wait3A_189 = tpu.memref_slice %dma_wait3A_186[%dma_wait3A_187, %dma_wait3A_188] : memref<20480x64xf32, #tpu.memory_space<hbm>> -> memref<128x64xf32, #tpu.memory_space<hbm>>
      tpu.wait_dma2 semaphore(%arg13 : memref<!tpu.dma_semaphore, #tpu.memory_space<semaphore_mem>>) src(%dma_wait3A_189 : memref<128x64xf32, #tpu.memory_space<hbm>>) dst(%arg8 : memref<128x64xf32, #tpu.memory_space<vmem>>)
      %add3A_190 = arith.constant 0 : i32
      %add3A_191 = arith.addi %add3A_169, %add3A_190 : i32
      %dma_start3A_192 = arith.constant 0 : i32
      %dma_start3A_193 = tpu.memref_slice %arg7[%add3A_191, %dma_start3A_192] : memref<160x128xi32, #tpu.memory_space<vmem>> -> memref<1x128xi32, #tpu.memory_space<vmem>>
      %dma_start3A_194 = tpu.memref_squeeze %dma_start3A_193 : memref<1x128xi32, #tpu.memory_space<vmem>> -> memref<128xi32, #tpu.memory_space<vmem>>
      %dma_start3A_195 = arith.constant 0 : i32
      %dma_start3A_196 = arith.constant 0 : i32
      %dma_start3A_197 = tpu.memref_slice %arg12[%dma_start3A_195, %dma_start3A_196] : memref<10240x64xf32, #tpu.memory_space<vmem_shared>> -> memref<10240x64xf32, #tpu.memory_space<vmem_shared>>
      tpu.enqueue_indirect_dma source(%arg8 : memref<128x64xf32, #tpu.memory_space<vmem>>) target(%dma_start3A_197 : memref<10240x64xf32, #tpu.memory_space<vmem_shared>>) offsets(%dma_start3A_194 : memref<128xi32, #tpu.memory_space<vmem>>) semaphore(%arg17 : memref<!tpu.dma_semaphore, #tpu.memory_space<semaphore_mem>>) {add = true}
      %lt3A = arith.constant 160 : i32
      %lt3A_198 = arith.cmpi slt, %sub3A_175, %lt3A : i32
      %convert_element_type3A = arith.extui %lt3A_198 : i1 to i32
      %cond3A = arith.constant 0 : i32
      %cond3A_199 = arith.cmpi ne, %convert_element_type3A, %cond3A : i32
      scf.if %cond3A_199 {
        %add3A_299 = arith.constant 0 : i32
        %add3A_300 = arith.addi %add3A_169, %add3A_299 : i32
        %gt3A = arith.constant 0 : i32
        %gt3A_301 = arith.cmpi sgt, %add3A_300, %gt3A : i32
        %convert_element_type3A_302 = arith.extui %gt3A_301 : i1 to i32
        %cond3A_303 = arith.constant 0 : i32
        %cond3A_304 = arith.cmpi ne, %convert_element_type3A_302, %cond3A_303 : i32
        scf.if %cond3A_304 {
          %dma_wait3A_315 = arith.constant 0 : i32
          %dma_wait3A_316 = arith.constant 0 : i32
          %dma_wait3A_317 = tpu.memref_slice %arg12[%dma_wait3A_315, %dma_wait3A_316] : memref<10240x64xf32, #tpu.memory_space<vmem_shared>> -> memref<128x64xf32, #tpu.memory_space<vmem_shared>>
          %dma_wait3A_318 = arith.constant 0 : i32
          %dma_wait3A_319 = arith.constant 0 : i32
          %dma_wait3A_320 = tpu.memref_slice %arg12[%dma_wait3A_318, %dma_wait3A_319] : memref<10240x64xf32, #tpu.memory_space<vmem_shared>> -> memref<128x64xf32, #tpu.memory_space<vmem_shared>>
          tpu.wait_dma2 semaphore(%arg20 : memref<!tpu.dma_semaphore, #tpu.memory_space<semaphore_mem>>) src(%arg11 : memref<128x64xf32, #tpu.memory_space<vmem>>) dst(%dma_wait3A_320 : memref<128x64xf32, #tpu.memory_space<vmem_shared>>)
        } else {
        }
        %dma_start3A_305 = arith.constant 0 : i32
        %dma_start3A_306 = tpu.memref_slice %arg6[%sub3A_175, %dma_start3A_305] : memref<160x128xi32, #tpu.memory_space<vmem>> -> memref<1x128xi32, #tpu.memory_space<vmem>>
        %dma_start3A_307 = tpu.memref_squeeze %dma_start3A_306 : memref<1x128xi32, #tpu.memory_space<vmem>> -> memref<128xi32, #tpu.memory_space<vmem>>
        %dma_start3A_308 = arith.constant 0 : i32
        %dma_start3A_309 = arith.constant 0 : i32
        %dma_start3A_310 = tpu.memref_slice %arg2[%scan3A, %dma_start3A_308, %dma_start3A_309] : memref<2x20480x64xf32, #tpu.memory_space<hbm>> -> memref<1x20480x64xf32, #tpu.memory_space<hbm>>
        %dma_start3A_311 = tpu.memref_squeeze %dma_start3A_310 : memref<1x20480x64xf32, #tpu.memory_space<hbm>> -> memref<20480x64xf32, #tpu.memory_space<hbm>>
        %dma_start3A_312 = arith.constant 0 : i32
        %dma_start3A_313 = arith.constant 0 : i32
        %dma_start3A_314 = tpu.memref_slice %dma_start3A_311[%dma_start3A_312, %dma_start3A_313] : memref<20480x64xf32, #tpu.memory_space<hbm>> -> memref<20480x64xf32, #tpu.memory_space<hbm>>
        tpu.enqueue_indirect_dma source(%dma_start3A_314 : memref<20480x64xf32, #tpu.memory_space<hbm>>) target(%arg11 : memref<128x64xf32, #tpu.memory_space<vmem>>) offsets(%dma_start3A_307 : memref<128xi32, #tpu.memory_space<vmem>>) semaphore(%arg16 : memref<!tpu.dma_semaphore, #tpu.memory_space<semaphore_mem>>)
      } else {
      }
      %add3A_200 = arith.constant 1 : i32
      %add3A_201 = arith.addi %add3A_169, %add3A_200 : i32
      %add3A_202 = arith.constant 4 : i32
      %add3A_203 = arith.addi %add3A_201, %add3A_202 : i32
      %sub3A_204 = arith.constant 1 : i32
      %sub3A_205 = arith.subi %add3A_203, %sub3A_204 : i32
      %dma_wait3A_206 = arith.constant 0 : i32
      %dma_wait3A_207 = arith.constant 0 : i32
      %dma_wait3A_208 = tpu.memref_slice %arg2[%scan3A, %dma_wait3A_206, %dma_wait3A_207] : memref<2x20480x64xf32, #tpu.memory_space<hbm>> -> memref<1x20480x64xf32, #tpu.memory_space<hbm>>
      %dma_wait3A_209 = tpu.memref_squeeze %dma_wait3A_208 : memref<1x20480x64xf32, #tpu.memory_space<hbm>> -> memref<20480x64xf32, #tpu.memory_space<hbm>>
      %dma_wait3A_210 = arith.constant 0 : i32
      %dma_wait3A_211 = arith.constant 0 : i32
      %dma_wait3A_212 = tpu.memref_slice %dma_wait3A_209[%dma_wait3A_210, %dma_wait3A_211] : memref<20480x64xf32, #tpu.memory_space<hbm>> -> memref<128x64xf32, #tpu.memory_space<hbm>>
      %dma_wait3A_213 = arith.constant 0 : i32
      %dma_wait3A_214 = arith.constant 0 : i32
      %dma_wait3A_215 = tpu.memref_slice %arg2[%scan3A, %dma_wait3A_213, %dma_wait3A_214] : memref<2x20480x64xf32, #tpu.memory_space<hbm>> -> memref<1x20480x64xf32, #tpu.memory_space<hbm>>
      %dma_wait3A_216 = tpu.memref_squeeze %dma_wait3A_215 : memref<1x20480x64xf32, #tpu.memory_space<hbm>> -> memref<20480x64xf32, #tpu.memory_space<hbm>>
      %dma_wait3A_217 = arith.constant 0 : i32
      %dma_wait3A_218 = arith.constant 0 : i32
      %dma_wait3A_219 = tpu.memref_slice %dma_wait3A_216[%dma_wait3A_217, %dma_wait3A_218] : memref<20480x64xf32, #tpu.memory_space<hbm>> -> memref<128x64xf32, #tpu.memory_space<hbm>>
      tpu.wait_dma2 semaphore(%arg14 : memref<!tpu.dma_semaphore, #tpu.memory_space<semaphore_mem>>) src(%dma_wait3A_219 : memref<128x64xf32, #tpu.memory_space<hbm>>) dst(%arg9 : memref<128x64xf32, #tpu.memory_space<vmem>>)
      %add3A_220 = arith.constant 1 : i32
      %add3A_221 = arith.addi %add3A_169, %add3A_220 : i32
      %dma_start3A_222 = arith.constant 0 : i32
      %dma_start3A_223 = tpu.memref_slice %arg7[%add3A_221, %dma_start3A_222] : memref<160x128xi32, #tpu.memory_space<vmem>> -> memref<1x128xi32, #tpu.memory_space<vmem>>
      %dma_start3A_224 = tpu.memref_squeeze %dma_start3A_223 : memref<1x128xi32, #tpu.memory_space<vmem>> -> memref<128xi32, #tpu.memory_space<vmem>>
      %dma_start3A_225 = arith.constant 0 : i32
      %dma_start3A_226 = arith.constant 0 : i32
      %dma_start3A_227 = tpu.memref_slice %arg12[%dma_start3A_225, %dma_start3A_226] : memref<10240x64xf32, #tpu.memory_space<vmem_shared>> -> memref<10240x64xf32, #tpu.memory_space<vmem_shared>>
      tpu.enqueue_indirect_dma source(%arg9 : memref<128x64xf32, #tpu.memory_space<vmem>>) target(%dma_start3A_227 : memref<10240x64xf32, #tpu.memory_space<vmem_shared>>) offsets(%dma_start3A_224 : memref<128xi32, #tpu.memory_space<vmem>>) semaphore(%arg18 : memref<!tpu.dma_semaphore, #tpu.memory_space<semaphore_mem>>) {add = true}
      %lt3A_228 = arith.constant 160 : i32
      %lt3A_229 = arith.cmpi slt, %sub3A_205, %lt3A_228 : i32
      %convert_element_type3A_230 = arith.extui %lt3A_229 : i1 to i32
      %cond3A_231 = arith.constant 0 : i32
      %cond3A_232 = arith.cmpi ne, %convert_element_type3A_230, %cond3A_231 : i32
      scf.if %cond3A_232 {
        %add3A_299 = arith.constant 1 : i32
        %add3A_300 = arith.addi %add3A_169, %add3A_299 : i32
        %gt3A = arith.constant 0 : i32
        %gt3A_301 = arith.cmpi sgt, %add3A_300, %gt3A : i32
        %convert_element_type3A_302 = arith.extui %gt3A_301 : i1 to i32
        %cond3A_303 = arith.constant 0 : i32
        %cond3A_304 = arith.cmpi ne, %convert_element_type3A_302, %cond3A_303 : i32
        scf.if %cond3A_304 {
          %dma_wait3A_315 = arith.constant 0 : i32
          %dma_wait3A_316 = arith.constant 0 : i32
          %dma_wait3A_317 = tpu.memref_slice %arg12[%dma_wait3A_315, %dma_wait3A_316] : memref<10240x64xf32, #tpu.memory_space<vmem_shared>> -> memref<128x64xf32, #tpu.memory_space<vmem_shared>>
          %dma_wait3A_318 = arith.constant 0 : i32
          %dma_wait3A_319 = arith.constant 0 : i32
          %dma_wait3A_320 = tpu.memref_slice %arg12[%dma_wait3A_318, %dma_wait3A_319] : memref<10240x64xf32, #tpu.memory_space<vmem_shared>> -> memref<128x64xf32, #tpu.memory_space<vmem_shared>>
          tpu.wait_dma2 semaphore(%arg17 : memref<!tpu.dma_semaphore, #tpu.memory_space<semaphore_mem>>) src(%arg8 : memref<128x64xf32, #tpu.memory_space<vmem>>) dst(%dma_wait3A_320 : memref<128x64xf32, #tpu.memory_space<vmem_shared>>)
        } else {
        }
        %dma_start3A_305 = arith.constant 0 : i32
        %dma_start3A_306 = tpu.memref_slice %arg6[%sub3A_205, %dma_start3A_305] : memref<160x128xi32, #tpu.memory_space<vmem>> -> memref<1x128xi32, #tpu.memory_space<vmem>>
        %dma_start3A_307 = tpu.memref_squeeze %dma_start3A_306 : memref<1x128xi32, #tpu.memory_space<vmem>> -> memref<128xi32, #tpu.memory_space<vmem>>
        %dma_start3A_308 = arith.constant 0 : i32
        %dma_start3A_309 = arith.constant 0 : i32
        %dma_start3A_310 = tpu.memref_slice %arg2[%scan3A, %dma_start3A_308, %dma_start3A_309] : memref<2x20480x64xf32, #tpu.memory_space<hbm>> -> memref<1x20480x64xf32, #tpu.memory_space<hbm>>
        %dma_start3A_311 = tpu.memref_squeeze %dma_start3A_310 : memref<1x20480x64xf32, #tpu.memory_space<hbm>> -> memref<20480x64xf32, #tpu.memory_space<hbm>>
        %dma_start3A_312 = arith.constant 0 : i32
        %dma_start3A_313 = arith.constant 0 : i32
        %dma_start3A_314 = tpu.memref_slice %dma_start3A_311[%dma_start3A_312, %dma_start3A_313] : memref<20480x64xf32, #tpu.memory_space<hbm>> -> memref<20480x64xf32, #tpu.memory_space<hbm>>
        tpu.enqueue_indirect_dma source(%dma_start3A_314 : memref<20480x64xf32, #tpu.memory_space<hbm>>) target(%arg8 : memref<128x64xf32, #tpu.memory_space<vmem>>) offsets(%dma_start3A_307 : memref<128xi32, #tpu.memory_space<vmem>>) semaphore(%arg13 : memref<!tpu.dma_semaphore, #tpu.memory_space<semaphore_mem>>)
      } else {
      }
      %add3A_233 = arith.constant 2 : i32
      %add3A_234 = arith.addi %add3A_169, %add3A_233 : i32
      %add3A_235 = arith.constant 4 : i32
      %add3A_236 = arith.addi %add3A_234, %add3A_235 : i32
      %sub3A_237 = arith.constant 1 : i32
      %sub3A_238 = arith.subi %add3A_236, %sub3A_237 : i32
      %dma_wait3A_239 = arith.constant 0 : i32
      %dma_wait3A_240 = arith.constant 0 : i32
      %dma_wait3A_241 = tpu.memref_slice %arg2[%scan3A, %dma_wait3A_239, %dma_wait3A_240] : memref<2x20480x64xf32, #tpu.memory_space<hbm>> -> memref<1x20480x64xf32, #tpu.memory_space<hbm>>
      %dma_wait3A_242 = tpu.memref_squeeze %dma_wait3A_241 : memref<1x20480x64xf32, #tpu.memory_space<hbm>> -> memref<20480x64xf32, #tpu.memory_space<hbm>>
      %dma_wait3A_243 = arith.constant 0 : i32
      %dma_wait3A_244 = arith.constant 0 : i32
      %dma_wait3A_245 = tpu.memref_slice %dma_wait3A_242[%dma_wait3A_243, %dma_wait3A_244] : memref<20480x64xf32, #tpu.memory_space<hbm>> -> memref<128x64xf32, #tpu.memory_space<hbm>>
      %dma_wait3A_246 = arith.constant 0 : i32
      %dma_wait3A_247 = arith.constant 0 : i32
      %dma_wait3A_248 = tpu.memref_slice %arg2[%scan3A, %dma_wait3A_246, %dma_wait3A_247] : memref<2x20480x64xf32, #tpu.memory_space<hbm>> -> memref<1x20480x64xf32, #tpu.memory_space<hbm>>
      %dma_wait3A_249 = tpu.memref_squeeze %dma_wait3A_248 : memref<1x20480x64xf32, #tpu.memory_space<hbm>> -> memref<20480x64xf32, #tpu.memory_space<hbm>>
      %dma_wait3A_250 = arith.constant 0 : i32
      %dma_wait3A_251 = arith.constant 0 : i32
      %dma_wait3A_252 = tpu.memref_slice %dma_wait3A_249[%dma_wait3A_250, %dma_wait3A_251] : memref<20480x64xf32, #tpu.memory_space<hbm>> -> memref<128x64xf32, #tpu.memory_space<hbm>>
      tpu.wait_dma2 semaphore(%arg15 : memref<!tpu.dma_semaphore, #tpu.memory_space<semaphore_mem>>) src(%dma_wait3A_252 : memref<128x64xf32, #tpu.memory_space<hbm>>) dst(%arg10 : memref<128x64xf32, #tpu.memory_space<vmem>>)
      %add3A_253 = arith.constant 2 : i32
      %add3A_254 = arith.addi %add3A_169, %add3A_253 : i32
      %dma_start3A_255 = arith.constant 0 : i32
      %dma_start3A_256 = tpu.memref_slice %arg7[%add3A_254, %dma_start3A_255] : memref<160x128xi32, #tpu.memory_space<vmem>> -> memref<1x128xi32, #tpu.memory_space<vmem>>
      %dma_start3A_257 = tpu.memref_squeeze %dma_start3A_256 : memref<1x128xi32, #tpu.memory_space<vmem>> -> memref<128xi32, #tpu.memory_space<vmem>>
      %dma_start3A_258 = arith.constant 0 : i32
      %dma_start3A_259 = arith.constant 0 : i32
      %dma_start3A_260 = tpu.memref_slice %arg12[%dma_start3A_258, %dma_start3A_259] : memref<10240x64xf32, #tpu.memory_space<vmem_shared>> -> memref<10240x64xf32, #tpu.memory_space<vmem_shared>>
      tpu.enqueue_indirect_dma source(%arg10 : memref<128x64xf32, #tpu.memory_space<vmem>>) target(%dma_start3A_260 : memref<10240x64xf32, #tpu.memory_space<vmem_shared>>) offsets(%dma_start3A_257 : memref<128xi32, #tpu.memory_space<vmem>>) semaphore(%arg19 : memref<!tpu.dma_semaphore, #tpu.memory_space<semaphore_mem>>) {add = true}
      %lt3A_261 = arith.constant 160 : i32
      %lt3A_262 = arith.cmpi slt, %sub3A_238, %lt3A_261 : i32
      %convert_element_type3A_263 = arith.extui %lt3A_262 : i1 to i32
      %cond3A_264 = arith.constant 0 : i32
      %cond3A_265 = arith.cmpi ne, %convert_element_type3A_263, %cond3A_264 : i32
      scf.if %cond3A_265 {
        %add3A_299 = arith.constant 2 : i32
        %add3A_300 = arith.addi %add3A_169, %add3A_299 : i32
        %gt3A = arith.constant 0 : i32
        %gt3A_301 = arith.cmpi sgt, %add3A_300, %gt3A : i32
        %convert_element_type3A_302 = arith.extui %gt3A_301 : i1 to i32
        %cond3A_303 = arith.constant 0 : i32
        %cond3A_304 = arith.cmpi ne, %convert_element_type3A_302, %cond3A_303 : i32
        scf.if %cond3A_304 {
          %dma_wait3A_315 = arith.constant 0 : i32
          %dma_wait3A_316 = arith.constant 0 : i32
          %dma_wait3A_317 = tpu.memref_slice %arg12[%dma_wait3A_315, %dma_wait3A_316] : memref<10240x64xf32, #tpu.memory_space<vmem_shared>> -> memref<128x64xf32, #tpu.memory_space<vmem_shared>>
          %dma_wait3A_318 = arith.constant 0 : i32
          %dma_wait3A_319 = arith.constant 0 : i32
          %dma_wait3A_320 = tpu.memref_slice %arg12[%dma_wait3A_318, %dma_wait3A_319] : memref<10240x64xf32, #tpu.memory_space<vmem_shared>> -> memref<128x64xf32, #tpu.memory_space<vmem_shared>>
          tpu.wait_dma2 semaphore(%arg18 : memref<!tpu.dma_semaphore, #tpu.memory_space<semaphore_mem>>) src(%arg9 : memref<128x64xf32, #tpu.memory_space<vmem>>) dst(%dma_wait3A_320 : memref<128x64xf32, #tpu.memory_space<vmem_shared>>)
        } else {
        }
        %dma_start3A_305 = arith.constant 0 : i32
        %dma_start3A_306 = tpu.memref_slice %arg6[%sub3A_238, %dma_start3A_305] : memref<160x128xi32, #tpu.memory_space<vmem>> -> memref<1x128xi32, #tpu.memory_space<vmem>>
        %dma_start3A_307 = tpu.memref_squeeze %dma_start3A_306 : memref<1x128xi32, #tpu.memory_space<vmem>> -> memref<128xi32, #tpu.memory_space<vmem>>
        %dma_start3A_308 = arith.constant 0 : i32
        %dma_start3A_309 = arith.constant 0 : i32
        %dma_start3A_310 = tpu.memref_slice %arg2[%scan3A, %dma_start3A_308, %dma_start3A_309] : memref<2x20480x64xf32, #tpu.memory_space<hbm>> -> memref<1x20480x64xf32, #tpu.memory_space<hbm>>
        %dma_start3A_311 = tpu.memref_squeeze %dma_start3A_310 : memref<1x20480x64xf32, #tpu.memory_space<hbm>> -> memref<20480x64xf32, #tpu.memory_space<hbm>>
        %dma_start3A_312 = arith.constant 0 : i32
        %dma_start3A_313 = arith.constant 0 : i32
        %dma_start3A_314 = tpu.memref_slice %dma_start3A_311[%dma_start3A_312, %dma_start3A_313] : memref<20480x64xf32, #tpu.memory_space<hbm>> -> memref<20480x64xf32, #tpu.memory_space<hbm>>
        tpu.enqueue_indirect_dma source(%dma_start3A_314 : memref<20480x64xf32, #tpu.memory_space<hbm>>) target(%arg9 : memref<128x64xf32, #tpu.memory_space<vmem>>) offsets(%dma_start3A_307 : memref<128xi32, #tpu.memory_space<vmem>>) semaphore(%arg14 : memref<!tpu.dma_semaphore, #tpu.memory_space<semaphore_mem>>)
      } else {
      }
      %add3A_266 = arith.constant 3 : i32
      %add3A_267 = arith.addi %add3A_169, %add3A_266 : i32
      %add3A_268 = arith.constant 4 : i32
      %add3A_269 = arith.addi %add3A_267, %add3A_268 : i32
      %sub3A_270 = arith.constant 1 : i32
      %sub3A_271 = arith.subi %add3A_269, %sub3A_270 : i32
      %dma_wait3A_272 = arith.constant 0 : i32
      %dma_wait3A_273 = arith.constant 0 : i32
      %dma_wait3A_274 = tpu.memref_slice %arg2[%scan3A, %dma_wait3A_272, %dma_wait3A_273] : memref<2x20480x64xf32, #tpu.memory_space<hbm>> -> memref<1x20480x64xf32, #tpu.memory_space<hbm>>
      %dma_wait3A_275 = tpu.memref_squeeze %dma_wait3A_274 : memref<1x20480x64xf32, #tpu.memory_space<hbm>> -> memref<20480x64xf32, #tpu.memory_space<hbm>>
      %dma_wait3A_276 = arith.constant 0 : i32
      %dma_wait3A_277 = arith.constant 0 : i32
      %dma_wait3A_278 = tpu.memref_slice %dma_wait3A_275[%dma_wait3A_276, %dma_wait3A_277] : memref<20480x64xf32, #tpu.memory_space<hbm>> -> memref<128x64xf32, #tpu.memory_space<hbm>>
      %dma_wait3A_279 = arith.constant 0 : i32
      %dma_wait3A_280 = arith.constant 0 : i32
      %dma_wait3A_281 = tpu.memref_slice %arg2[%scan3A, %dma_wait3A_279, %dma_wait3A_280] : memref<2x20480x64xf32, #tpu.memory_space<hbm>> -> memref<1x20480x64xf32, #tpu.memory_space<hbm>>
      %dma_wait3A_282 = tpu.memref_squeeze %dma_wait3A_281 : memref<1x20480x64xf32, #tpu.memory_space<hbm>> -> memref<20480x64xf32, #tpu.memory_space<hbm>>
      %dma_wait3A_283 = arith.constant 0 : i32
      %dma_wait3A_284 = arith.constant 0 : i32
      %dma_wait3A_285 = tpu.memref_slice %dma_wait3A_282[%dma_wait3A_283, %dma_wait3A_284] : memref<20480x64xf32, #tpu.memory_space<hbm>> -> memref<128x64xf32, #tpu.memory_space<hbm>>
      tpu.wait_dma2 semaphore(%arg16 : memref<!tpu.dma_semaphore, #tpu.memory_space<semaphore_mem>>) src(%dma_wait3A_285 : memref<128x64xf32, #tpu.memory_space<hbm>>) dst(%arg11 : memref<128x64xf32, #tpu.memory_space<vmem>>)
      %add3A_286 = arith.constant 3 : i32
      %add3A_287 = arith.addi %add3A_169, %add3A_286 : i32
      %dma_start3A_288 = arith.constant 0 : i32
      %dma_start3A_289 = tpu.memref_slice %arg7[%add3A_287, %dma_start3A_288] : memref<160x128xi32, #tpu.memory_space<vmem>> -> memref<1x128xi32, #tpu.memory_space<vmem>>
      %dma_start3A_290 = tpu.memref_squeeze %dma_start3A_289 : memref<1x128xi32, #tpu.memory_space<vmem>> -> memref<128xi32, #tpu.memory_space<vmem>>
      %dma_start3A_291 = arith.constant 0 : i32
      %dma_start3A_292 = arith.constant 0 : i32
      %dma_start3A_293 = tpu.memref_slice %arg12[%dma_start3A_291, %dma_start3A_292] : memref<10240x64xf32, #tpu.memory_space<vmem_shared>> -> memref<10240x64xf32, #tpu.memory_space<vmem_shared>>
      tpu.enqueue_indirect_dma source(%arg11 : memref<128x64xf32, #tpu.memory_space<vmem>>) target(%dma_start3A_293 : memref<10240x64xf32, #tpu.memory_space<vmem_shared>>) offsets(%dma_start3A_290 : memref<128xi32, #tpu.memory_space<vmem>>) semaphore(%arg20 : memref<!tpu.dma_semaphore, #tpu.memory_space<semaphore_mem>>) {add = true}
      %lt3A_294 = arith.constant 160 : i32
      %lt3A_295 = arith.cmpi slt, %sub3A_271, %lt3A_294 : i32
      %convert_element_type3A_296 = arith.extui %lt3A_295 : i1 to i32
      %cond3A_297 = arith.constant 0 : i32
      %cond3A_298 = arith.cmpi ne, %convert_element_type3A_296, %cond3A_297 : i32
      scf.if %cond3A_298 {
        %add3A_299 = arith.constant 3 : i32
        %add3A_300 = arith.addi %add3A_169, %add3A_299 : i32
        %gt3A = arith.constant 0 : i32
        %gt3A_301 = arith.cmpi sgt, %add3A_300, %gt3A : i32
        %convert_element_type3A_302 = arith.extui %gt3A_301 : i1 to i32
        %cond3A_303 = arith.constant 0 : i32
        %cond3A_304 = arith.cmpi ne, %convert_element_type3A_302, %cond3A_303 : i32
        scf.if %cond3A_304 {
          %dma_wait3A_315 = arith.constant 0 : i32
          %dma_wait3A_316 = arith.constant 0 : i32
          %dma_wait3A_317 = tpu.memref_slice %arg12[%dma_wait3A_315, %dma_wait3A_316] : memref<10240x64xf32, #tpu.memory_space<vmem_shared>> -> memref<128x64xf32, #tpu.memory_space<vmem_shared>>
          %dma_wait3A_318 = arith.constant 0 : i32
          %dma_wait3A_319 = arith.constant 0 : i32
          %dma_wait3A_320 = tpu.memref_slice %arg12[%dma_wait3A_318, %dma_wait3A_319] : memref<10240x64xf32, #tpu.memory_space<vmem_shared>> -> memref<128x64xf32, #tpu.memory_space<vmem_shared>>
          tpu.wait_dma2 semaphore(%arg19 : memref<!tpu.dma_semaphore, #tpu.memory_space<semaphore_mem>>) src(%arg10 : memref<128x64xf32, #tpu.memory_space<vmem>>) dst(%dma_wait3A_320 : memref<128x64xf32, #tpu.memory_space<vmem_shared>>)
        } else {
        }
        %dma_start3A_305 = arith.constant 0 : i32
        %dma_start3A_306 = tpu.memref_slice %arg6[%sub3A_271, %dma_start3A_305] : memref<160x128xi32, #tpu.memory_space<vmem>> -> memref<1x128xi32, #tpu.memory_space<vmem>>
        %dma_start3A_307 = tpu.memref_squeeze %dma_start3A_306 : memref<1x128xi32, #tpu.memory_space<vmem>> -> memref<128xi32, #tpu.memory_space<vmem>>
        %dma_start3A_308 = arith.constant 0 : i32
        %dma_start3A_309 = arith.constant 0 : i32
        %dma_start3A_310 = tpu.memref_slice %arg2[%scan3A, %dma_start3A_308, %dma_start3A_309] : memref<2x20480x64xf32, #tpu.memory_space<hbm>> -> memref<1x20480x64xf32, #tpu.memory_space<hbm>>
        %dma_start3A_311 = tpu.memref_squeeze %dma_start3A_310 : memref<1x20480x64xf32, #tpu.memory_space<hbm>> -> memref<20480x64xf32, #tpu.memory_space<hbm>>
        %dma_start3A_312 = arith.constant 0 : i32
        %dma_start3A_313 = arith.constant 0 : i32
        %dma_start3A_314 = tpu.memref_slice %dma_start3A_311[%dma_start3A_312, %dma_start3A_313] : memref<20480x64xf32, #tpu.memory_space<hbm>> -> memref<20480x64xf32, #tpu.memory_space<hbm>>
        tpu.enqueue_indirect_dma source(%dma_start3A_314 : memref<20480x64xf32, #tpu.memory_space<hbm>>) target(%arg10 : memref<128x64xf32, #tpu.memory_space<vmem>>) offsets(%dma_start3A_307 : memref<128xi32, #tpu.memory_space<vmem>>) semaphore(%arg15 : memref<!tpu.dma_semaphore, #tpu.memory_space<semaphore_mem>>)
      } else {
      }
    }
    %scan3A_49 = arith.constant 40 : i32
    %dma_wait3A = arith.constant 0 : i32
    %dma_wait3A_50 = arith.constant 0 : i32
    %dma_wait3A_51 = tpu.memref_slice %arg12[%dma_wait3A, %dma_wait3A_50] : memref<10240x64xf32, #tpu.memory_space<vmem_shared>> -> memref<128x64xf32, #tpu.memory_space<vmem_shared>>
    %dma_wait3A_52 = arith.constant 0 : i32
    %dma_wait3A_53 = arith.constant 0 : i32
    %dma_wait3A_54 = tpu.memref_slice %arg12[%dma_wait3A_52, %dma_wait3A_53] : memref<10240x64xf32, #tpu.memory_space<vmem_shared>> -> memref<128x64xf32, #tpu.memory_space<vmem_shared>>
    tpu.wait_dma2 semaphore(%arg17 : memref<!tpu.dma_semaphore, #tpu.memory_space<semaphore_mem>>) src(%arg8 : memref<128x64xf32, #tpu.memory_space<vmem>>) dst(%dma_wait3A_54 : memref<128x64xf32, #tpu.memory_space<vmem_shared>>)
    %dma_wait3A_55 = arith.constant 0 : i32
    %dma_wait3A_56 = arith.constant 0 : i32
    %dma_wait3A_57 = tpu.memref_slice %arg12[%dma_wait3A_55, %dma_wait3A_56] : memref<10240x64xf32, #tpu.memory_space<vmem_shared>> -> memref<128x64xf32, #tpu.memory_space<vmem_shared>>
    %dma_wait3A_58 = arith.constant 0 : i32
    %dma_wait3A_59 = arith.constant 0 : i32
    %dma_wait3A_60 = tpu.memref_slice %arg12[%dma_wait3A_58, %dma_wait3A_59] : memref<10240x64xf32, #tpu.memory_space<vmem_shared>> -> memref<128x64xf32, #tpu.memory_space<vmem_shared>>
    tpu.wait_dma2 semaphore(%arg18 : memref<!tpu.dma_semaphore, #tpu.memory_space<semaphore_mem>>) src(%arg9 : memref<128x64xf32, #tpu.memory_space<vmem>>) dst(%dma_wait3A_60 : memref<128x64xf32, #tpu.memory_space<vmem_shared>>)
    %dma_wait3A_61 = arith.constant 0 : i32
    %dma_wait3A_62 = arith.constant 0 : i32
    %dma_wait3A_63 = tpu.memref_slice %arg12[%dma_wait3A_61, %dma_wait3A_62] : memref<10240x64xf32, #tpu.memory_space<vmem_shared>> -> memref<128x64xf32, #tpu.memory_space<vmem_shared>>
    %dma_wait3A_64 = arith.constant 0 : i32
    %dma_wait3A_65 = arith.constant 0 : i32
    %dma_wait3A_66 = tpu.memref_slice %arg12[%dma_wait3A_64, %dma_wait3A_65] : memref<10240x64xf32, #tpu.memory_space<vmem_shared>> -> memref<128x64xf32, #tpu.memory_space<vmem_shared>>
    tpu.wait_dma2 semaphore(%arg19 : memref<!tpu.dma_semaphore, #tpu.memory_space<semaphore_mem>>) src(%arg10 : memref<128x64xf32, #tpu.memory_space<vmem>>) dst(%dma_wait3A_66 : memref<128x64xf32, #tpu.memory_space<vmem_shared>>)
    %dma_wait3A_67 = arith.constant 0 : i32
    %dma_wait3A_68 = arith.constant 0 : i32
    %dma_wait3A_69 = tpu.memref_slice %arg12[%dma_wait3A_67, %dma_wait3A_68] : memref<10240x64xf32, #tpu.memory_space<vmem_shared>> -> memref<128x64xf32, #tpu.memory_space<vmem_shared>>
    %dma_wait3A_70 = arith.constant 0 : i32
    %dma_wait3A_71 = arith.constant 0 : i32
    %dma_wait3A_72 = tpu.memref_slice %arg12[%dma_wait3A_70, %dma_wait3A_71] : memref<10240x64xf32, #tpu.memory_space<vmem_shared>> -> memref<128x64xf32, #tpu.memory_space<vmem_shared>>
    tpu.wait_dma2 semaphore(%arg20 : memref<!tpu.dma_semaphore, #tpu.memory_space<semaphore_mem>>) src(%arg11 : memref<128x64xf32, #tpu.memory_space<vmem>>) dst(%dma_wait3A_72 : memref<128x64xf32, #tpu.memory_space<vmem_shared>>)
    %barrier3A_73 = arith.constant 0 : index
    tpu.barrier barrier_id(%barrier3A_73)
    %sub3A = arith.constant 1 : i32
    %sub3A_74 = arith.subi %sub3A, %arg0 : i32
    %mul3A_75 = arith.constant 10240 : i32
    %mul3A_76 = arith.muli %sub3A_74, %mul3A_75 : i32
    %mul3A_77 = arith.constant 640 : i32
    %mul3A_78 = arith.muli %arg1, %mul3A_77 : i32
    %add3A_79 = arith.addi %mul3A_76, %mul3A_78 : i32
    %run_scoped3A_80 = arith.constant 0 : i32
    "tpu.region"() ({
      %run_scoped3A_165 = tpu.sem_alloc : memref<!tpu.dma_semaphore, #tpu.memory_space<semaphore_mem>>
      %dma_start3A_166 = arith.constant 0 : i32
      %dma_start3A_167 = arith.constant 0 : i32
      %dma_start3A_168 = tpu.memref_slice %arg5[%run_scoped3A_80, %dma_start3A_166, %dma_start3A_167] : memref<2x20480x64xf32, #tpu.memory_space<hbm>> -> memref<1x20480x64xf32, #tpu.memory_space<hbm>>
      %dma_start3A_169 = tpu.memref_squeeze %dma_start3A_168 : memref<1x20480x64xf32, #tpu.memory_space<hbm>> -> memref<20480x64xf32, #tpu.memory_space<hbm>>
      %dma_start3A_170 = arith.constant 0 : i32
      %dma_start3A_171 = tpu.memref_slice %dma_start3A_169[%add3A_79, %dma_start3A_170] : memref<20480x64xf32, #tpu.memory_space<hbm>> -> memref<640x64xf32, #tpu.memory_space<hbm>>
      %dma_start3A_172 = arith.constant 0 : i32
      %dma_start3A_173 = tpu.memref_slice %arg12[%mul3A_0, %dma_start3A_172] : memref<10240x64xf32, #tpu.memory_space<vmem_shared>> -> memref<640x64xf32, #tpu.memory_space<vmem_shared>>
      tpu.enqueue_dma source(%dma_start3A_173 : memref<640x64xf32, #tpu.memory_space<vmem_shared>>) target(%dma_start3A_171 : memref<640x64xf32, #tpu.memory_space<hbm>>) target_semaphore(%run_scoped3A_165 : memref<!tpu.dma_semaphore, #tpu.memory_space<semaphore_mem>>)
      %dma_wait3A_174 = arith.constant 0 : i32
      %dma_wait3A_175 = arith.constant 0 : i32
      %dma_wait3A_176 = tpu.memref_slice %arg5[%run_scoped3A_80, %dma_wait3A_174, %dma_wait3A_175] : memref<2x20480x64xf32, #tpu.memory_space<hbm>> -> memref<1x20480x64xf32, #tpu.memory_space<hbm>>
      %dma_wait3A_177 = tpu.memref_squeeze %dma_wait3A_176 : memref<1x20480x64xf32, #tpu.memory_space<hbm>> -> memref<20480x64xf32, #tpu.memory_space<hbm>>
      %dma_wait3A_178 = arith.constant 0 : i32
      %dma_wait3A_179 = tpu.memref_slice %dma_wait3A_177[%add3A_79, %dma_wait3A_178] : memref<20480x64xf32, #tpu.memory_space<hbm>> -> memref<640x64xf32, #tpu.memory_space<hbm>>
      %dma_wait3A_180 = arith.constant 0 : i32
      %dma_wait3A_181 = tpu.memref_slice %arg12[%mul3A_0, %dma_wait3A_180] : memref<10240x64xf32, #tpu.memory_space<vmem_shared>> -> memref<640x64xf32, #tpu.memory_space<vmem_shared>>
      tpu.wait_dma2 semaphore(%run_scoped3A_165 : memref<!tpu.dma_semaphore, #tpu.memory_space<semaphore_mem>>) src(%dma_wait3A_181 : memref<640x64xf32, #tpu.memory_space<vmem_shared>>) dst(%dma_wait3A_179 : memref<640x64xf32, #tpu.memory_space<hbm>>)
      tpu.yield
    }) : () -> ()
    %barrier3A_81 = arith.constant 0 : index
    tpu.barrier barrier_id(%barrier3A_81)
    %mul3A_82 = arith.constant 10240 : i32
    %mul3A_83 = arith.muli %arg0, %mul3A_82 : i32
    %mul3A_84 = arith.constant 640 : i32
    %mul3A_85 = arith.muli %arg1, %mul3A_84 : i32
    %add3A_86 = arith.addi %mul3A_83, %mul3A_85 : i32
    %run_scoped3A_87 = arith.constant 1 : i32
    "tpu.region"() ({
      %run_scoped3A_165 = tpu.sem_alloc : memref<!tpu.dma_semaphore, #tpu.memory_space<semaphore_mem>>
      %dma_start3A_166 = arith.constant 0 : i32
      %dma_start3A_167 = tpu.memref_slice %arg12[%mul3A_0, %dma_start3A_166] : memref<10240x64xf32, #tpu.memory_space<vmem_shared>> -> memref<640x64xf32, #tpu.memory_space<vmem_shared>>
      %dma_start3A_168 = arith.constant 0 : i32
      %dma_start3A_169 = arith.constant 0 : i32
      %dma_start3A_170 = tpu.memref_slice %arg2[%run_scoped3A_87, %dma_start3A_168, %dma_start3A_169] : memref<2x20480x64xf32, #tpu.memory_space<hbm>> -> memref<1x20480x64xf32, #tpu.memory_space<hbm>>
      %dma_start3A_171 = tpu.memref_squeeze %dma_start3A_170 : memref<1x20480x64xf32, #tpu.memory_space<hbm>> -> memref<20480x64xf32, #tpu.memory_space<hbm>>
      %dma_start3A_172 = arith.constant 0 : i32
      %dma_start3A_173 = tpu.memref_slice %dma_start3A_171[%add3A_86, %dma_start3A_172] : memref<20480x64xf32, #tpu.memory_space<hbm>> -> memref<640x64xf32, #tpu.memory_space<hbm>>
      tpu.enqueue_dma source(%dma_start3A_173 : memref<640x64xf32, #tpu.memory_space<hbm>>) target(%dma_start3A_167 : memref<640x64xf32, #tpu.memory_space<vmem_shared>>) target_semaphore(%run_scoped3A_165 : memref<!tpu.dma_semaphore, #tpu.memory_space<semaphore_mem>>)
      %dma_wait3A_174 = arith.constant 0 : i32
      %dma_wait3A_175 = tpu.memref_slice %arg12[%mul3A_0, %dma_wait3A_174] : memref<10240x64xf32, #tpu.memory_space<vmem_shared>> -> memref<640x64xf32, #tpu.memory_space<vmem_shared>>
      %dma_wait3A_176 = arith.constant 0 : i32
      %dma_wait3A_177 = arith.constant 0 : i32
      %dma_wait3A_178 = tpu.memref_slice %arg2[%run_scoped3A_87, %dma_wait3A_176, %dma_wait3A_177] : memref<2x20480x64xf32, #tpu.memory_space<hbm>> -> memref<1x20480x64xf32, #tpu.memory_space<hbm>>
      %dma_wait3A_179 = tpu.memref_squeeze %dma_wait3A_178 : memref<1x20480x64xf32, #tpu.memory_space<hbm>> -> memref<20480x64xf32, #tpu.memory_space<hbm>>
      %dma_wait3A_180 = arith.constant 0 : i32
      %dma_wait3A_181 = tpu.memref_slice %dma_wait3A_179[%add3A_86, %dma_wait3A_180] : memref<20480x64xf32, #tpu.memory_space<hbm>> -> memref<640x64xf32, #tpu.memory_space<hbm>>
      tpu.wait_dma2 semaphore(%run_scoped3A_165 : memref<!tpu.dma_semaphore, #tpu.memory_space<semaphore_mem>>) src(%dma_wait3A_181 : memref<640x64xf32, #tpu.memory_space<hbm>>) dst(%dma_wait3A_175 : memref<640x64xf32, #tpu.memory_space<vmem_shared>>)
      tpu.yield
    }) : () -> ()
    %barrier3A_88 = arith.constant 0 : index
    tpu.barrier barrier_id(%barrier3A_88)
    %dma_start3A_89 = arith.constant 1 : i32
    %dma_start3A_90 = arith.constant 0 : i32
    %dma_start3A_91 = arith.constant 0 : i32
    %dma_start3A_92 = tpu.memref_slice %arg6[%dma_start3A_90, %dma_start3A_91] : memref<160x128xi32, #tpu.memory_space<vmem>> -> memref<1x128xi32, #tpu.memory_space<vmem>>
    %dma_start3A_93 = tpu.memref_squeeze %dma_start3A_92 : memref<1x128xi32, #tpu.memory_space<vmem>> -> memref<128xi32, #tpu.memory_space<vmem>>
    %dma_start3A_94 = arith.constant 0 : i32
    %dma_start3A_95 = arith.constant 0 : i32
    %dma_start3A_96 = tpu.memref_slice %arg2[%dma_start3A_89, %dma_start3A_94, %dma_start3A_95] : memref<2x20480x64xf32, #tpu.memory_space<hbm>> -> memref<1x20480x64xf32, #tpu.memory_space<hbm>>
    %dma_start3A_97 = tpu.memref_squeeze %dma_start3A_96 : memref<1x20480x64xf32, #tpu.memory_space<hbm>> -> memref<20480x64xf32, #tpu.memory_space<hbm>>
    %dma_start3A_98 = arith.constant 0 : i32
    %dma_start3A_99 = arith.constant 0 : i32
    %dma_start3A_100 = tpu.memref_slice %dma_start3A_97[%dma_start3A_98, %dma_start3A_99] : memref<20480x64xf32, #tpu.memory_space<hbm>> -> memref<20480x64xf32, #tpu.memory_space<hbm>>
    tpu.enqueue_indirect_dma source(%dma_start3A_100 : memref<20480x64xf32, #tpu.memory_space<hbm>>) target(%arg8 : memref<128x64xf32, #tpu.memory_space<vmem>>) offsets(%dma_start3A_93 : memref<128xi32, #tpu.memory_space<vmem>>) semaphore(%arg13 : memref<!tpu.dma_semaphore, #tpu.memory_space<semaphore_mem>>)
    %dma_start3A_101 = arith.constant 1 : i32
    %dma_start3A_102 = arith.constant 1 : i32
    %dma_start3A_103 = arith.constant 0 : i32
    %dma_start3A_104 = tpu.memref_slice %arg6[%dma_start3A_102, %dma_start3A_103] : memref<160x128xi32, #tpu.memory_space<vmem>> -> memref<1x128xi32, #tpu.memory_space<vmem>>
    %dma_start3A_105 = tpu.memref_squeeze %dma_start3A_104 : memref<1x128xi32, #tpu.memory_space<vmem>> -> memref<128xi32, #tpu.memory_space<vmem>>
    %dma_start3A_106 = arith.constant 0 : i32
    %dma_start3A_107 = arith.constant 0 : i32
    %dma_start3A_108 = tpu.memref_slice %arg2[%dma_start3A_101, %dma_start3A_106, %dma_start3A_107] : memref<2x20480x64xf32, #tpu.memory_space<hbm>> -> memref<1x20480x64xf32, #tpu.memory_space<hbm>>
    %dma_start3A_109 = tpu.memref_squeeze %dma_start3A_108 : memref<1x20480x64xf32, #tpu.memory_space<hbm>> -> memref<20480x64xf32, #tpu.memory_space<hbm>>
    %dma_start3A_110 = arith.constant 0 : i32
    %dma_start3A_111 = arith.constant 0 : i32
    %dma_start3A_112 = tpu.memref_slice %dma_start3A_109[%dma_start3A_110, %dma_start3A_111] : memref<20480x64xf32, #tpu.memory_space<hbm>> -> memref<20480x64xf32, #tpu.memory_space<hbm>>
    tpu.enqueue_indirect_dma source(%dma_start3A_112 : memref<20480x64xf32, #tpu.memory_space<hbm>>) target(%arg9 : memref<128x64xf32, #tpu.memory_space<vmem>>) offsets(%dma_start3A_105 : memref<128xi32, #tpu.memory_space<vmem>>) semaphore(%arg14 : memref<!tpu.dma_semaphore, #tpu.memory_space<semaphore_mem>>)
    %dma_start3A_113 = arith.constant 1 : i32
    %dma_start3A_114 = arith.constant 2 : i32
    %dma_start3A_115 = arith.constant 0 : i32
    %dma_start3A_116 = tpu.memref_slice %arg6[%dma_start3A_114, %dma_start3A_115] : memref<160x128xi32, #tpu.memory_space<vmem>> -> memref<1x128xi32, #tpu.memory_space<vmem>>
    %dma_start3A_117 = tpu.memref_squeeze %dma_start3A_116 : memref<1x128xi32, #tpu.memory_space<vmem>> -> memref<128xi32, #tpu.memory_space<vmem>>
    %dma_start3A_118 = arith.constant 0 : i32
    %dma_start3A_119 = arith.constant 0 : i32
    %dma_start3A_120 = tpu.memref_slice %arg2[%dma_start3A_113, %dma_start3A_118, %dma_start3A_119] : memref<2x20480x64xf32, #tpu.memory_space<hbm>> -> memref<1x20480x64xf32, #tpu.memory_space<hbm>>
    %dma_start3A_121 = tpu.memref_squeeze %dma_start3A_120 : memref<1x20480x64xf32, #tpu.memory_space<hbm>> -> memref<20480x64xf32, #tpu.memory_space<hbm>>
    %dma_start3A_122 = arith.constant 0 : i32
    %dma_start3A_123 = arith.constant 0 : i32
    %dma_start3A_124 = tpu.memref_slice %dma_start3A_121[%dma_start3A_122, %dma_start3A_123] : memref<20480x64xf32, #tpu.memory_space<hbm>> -> memref<20480x64xf32, #tpu.memory_space<hbm>>
    tpu.enqueue_indirect_dma source(%dma_start3A_124 : memref<20480x64xf32, #tpu.memory_space<hbm>>) target(%arg10 : memref<128x64xf32, #tpu.memory_space<vmem>>) offsets(%dma_start3A_117 : memref<128xi32, #tpu.memory_space<vmem>>) semaphore(%arg15 : memref<!tpu.dma_semaphore, #tpu.memory_space<semaphore_mem>>)
    %scan3A_125 = arith.constant 1 : i32
    %scan3A_126 = arith.constant 0 : i32
    %scan3A_127 = arith.constant 40 : i32
    %scan3A_128 = arith.addi %scan3A_126, %scan3A_127 : i32
    %scan3A_129 = arith.constant 1 : i32
    scf.for %scan3A_165 = %scan3A_126 to %scan3A_128 step %scan3A_129  : i32 {
      %mul3A_166 = arith.constant 4 : i32
      %mul3A_167 = arith.muli %scan3A_165, %mul3A_166 : i32
      %add3A_168 = arith.constant 0 : i32
      %add3A_169 = arith.addi %add3A_168, %mul3A_167 : i32
      %add3A_170 = arith.constant 0 : i32
      %add3A_171 = arith.addi %add3A_169, %add3A_170 : i32
      %add3A_172 = arith.constant 4 : i32
      %add3A_173 = arith.addi %add3A_171, %add3A_172 : i32
      %sub3A_174 = arith.constant 1 : i32
      %sub3A_175 = arith.subi %add3A_173, %sub3A_174 : i32
      %dma_wait3A_176 = arith.constant 0 : i32
      %dma_wait3A_177 = arith.constant 0 : i32
      %dma_wait3A_178 = tpu.memref_slice %arg2[%scan3A_125, %dma_wait3A_176, %dma_wait3A_177] : memref<2x20480x64xf32, #tpu.memory_space<hbm>> -> memref<1x20480x64xf32, #tpu.memory_space<hbm>>
      %dma_wait3A_179 = tpu.memref_squeeze %dma_wait3A_178 : memref<1x20480x64xf32, #tpu.memory_space<hbm>> -> memref<20480x64xf32, #tpu.memory_space<hbm>>
      %dma_wait3A_180 = arith.constant 0 : i32
      %dma_wait3A_181 = arith.constant 0 : i32
      %dma_wait3A_182 = tpu.memref_slice %dma_wait3A_179[%dma_wait3A_180, %dma_wait3A_181] : memref<20480x64xf32, #tpu.memory_space<hbm>> -> memref<128x64xf32, #tpu.memory_space<hbm>>
      %dma_wait3A_183 = arith.constant 0 : i32
      %dma_wait3A_184 = arith.constant 0 : i32
      %dma_wait3A_185 = tpu.memref_slice %arg2[%scan3A_125, %dma_wait3A_183, %dma_wait3A_184] : memref<2x20480x64xf32, #tpu.memory_space<hbm>> -> memref<1x20480x64xf32, #tpu.memory_space<hbm>>
      %dma_wait3A_186 = tpu.memref_squeeze %dma_wait3A_185 : memref<1x20480x64xf32, #tpu.memory_space<hbm>> -> memref<20480x64xf32, #tpu.memory_space<hbm>>
      %dma_wait3A_187 = arith.constant 0 : i32
      %dma_wait3A_188 = arith.constant 0 : i32
      %dma_wait3A_189 = tpu.memref_slice %dma_wait3A_186[%dma_wait3A_187, %dma_wait3A_188] : memref<20480x64xf32, #tpu.memory_space<hbm>> -> memref<128x64xf32, #tpu.memory_space<hbm>>
      tpu.wait_dma2 semaphore(%arg13 : memref<!tpu.dma_semaphore, #tpu.memory_space<semaphore_mem>>) src(%dma_wait3A_189 : memref<128x64xf32, #tpu.memory_space<hbm>>) dst(%arg8 : memref<128x64xf32, #tpu.memory_space<vmem>>)
      %add3A_190 = arith.constant 0 : i32
      %add3A_191 = arith.addi %add3A_169, %add3A_190 : i32
      %dma_start3A_192 = arith.constant 0 : i32
      %dma_start3A_193 = tpu.memref_slice %arg7[%add3A_191, %dma_start3A_192] : memref<160x128xi32, #tpu.memory_space<vmem>> -> memref<1x128xi32, #tpu.memory_space<vmem>>
      %dma_start3A_194 = tpu.memref_squeeze %dma_start3A_193 : memref<1x128xi32, #tpu.memory_space<vmem>> -> memref<128xi32, #tpu.memory_space<vmem>>
      %dma_start3A_195 = arith.constant 0 : i32
      %dma_start3A_196 = arith.constant 0 : i32
      %dma_start3A_197 = tpu.memref_slice %arg12[%dma_start3A_195, %dma_start3A_196] : memref<10240x64xf32, #tpu.memory_space<vmem_shared>> -> memref<10240x64xf32, #tpu.memory_space<vmem_shared>>
      tpu.enqueue_indirect_dma source(%arg8 : memref<128x64xf32, #tpu.memory_space<vmem>>) target(%dma_start3A_197 : memref<10240x64xf32, #tpu.memory_space<vmem_shared>>) offsets(%dma_start3A_194 : memref<128xi32, #tpu.memory_space<vmem>>) semaphore(%arg17 : memref<!tpu.dma_semaphore, #tpu.memory_space<semaphore_mem>>) {add = true}
      %lt3A = arith.constant 160 : i32
      %lt3A_198 = arith.cmpi slt, %sub3A_175, %lt3A : i32
      %convert_element_type3A = arith.extui %lt3A_198 : i1 to i32
      %cond3A = arith.constant 0 : i32
      %cond3A_199 = arith.cmpi ne, %convert_element_type3A, %cond3A : i32
      scf.if %cond3A_199 {
        %add3A_299 = arith.constant 0 : i32
        %add3A_300 = arith.addi %add3A_169, %add3A_299 : i32
        %gt3A = arith.constant 0 : i32
        %gt3A_301 = arith.cmpi sgt, %add3A_300, %gt3A : i32
        %convert_element_type3A_302 = arith.extui %gt3A_301 : i1 to i32
        %cond3A_303 = arith.constant 0 : i32
        %cond3A_304 = arith.cmpi ne, %convert_element_type3A_302, %cond3A_303 : i32
        scf.if %cond3A_304 {
          %dma_wait3A_315 = arith.constant 0 : i32
          %dma_wait3A_316 = arith.constant 0 : i32
          %dma_wait3A_317 = tpu.memref_slice %arg12[%dma_wait3A_315, %dma_wait3A_316] : memref<10240x64xf32, #tpu.memory_space<vmem_shared>> -> memref<128x64xf32, #tpu.memory_space<vmem_shared>>
          %dma_wait3A_318 = arith.constant 0 : i32
          %dma_wait3A_319 = arith.constant 0 : i32
          %dma_wait3A_320 = tpu.memref_slice %arg12[%dma_wait3A_318, %dma_wait3A_319] : memref<10240x64xf32, #tpu.memory_space<vmem_shared>> -> memref<128x64xf32, #tpu.memory_space<vmem_shared>>
          tpu.wait_dma2 semaphore(%arg20 : memref<!tpu.dma_semaphore, #tpu.memory_space<semaphore_mem>>) src(%arg11 : memref<128x64xf32, #tpu.memory_space<vmem>>) dst(%dma_wait3A_320 : memref<128x64xf32, #tpu.memory_space<vmem_shared>>)
        } else {
        }
        %dma_start3A_305 = arith.constant 0 : i32
        %dma_start3A_306 = tpu.memref_slice %arg6[%sub3A_175, %dma_start3A_305] : memref<160x128xi32, #tpu.memory_space<vmem>> -> memref<1x128xi32, #tpu.memory_space<vmem>>
        %dma_start3A_307 = tpu.memref_squeeze %dma_start3A_306 : memref<1x128xi32, #tpu.memory_space<vmem>> -> memref<128xi32, #tpu.memory_space<vmem>>
        %dma_start3A_308 = arith.constant 0 : i32
        %dma_start3A_309 = arith.constant 0 : i32
        %dma_start3A_310 = tpu.memref_slice %arg2[%scan3A_125, %dma_start3A_308, %dma_start3A_309] : memref<2x20480x64xf32, #tpu.memory_space<hbm>> -> memref<1x20480x64xf32, #tpu.memory_space<hbm>>
        %dma_start3A_311 = tpu.memref_squeeze %dma_start3A_310 : memref<1x20480x64xf32, #tpu.memory_space<hbm>> -> memref<20480x64xf32, #tpu.memory_space<hbm>>
        %dma_start3A_312 = arith.constant 0 : i32
        %dma_start3A_313 = arith.constant 0 : i32
        %dma_start3A_314 = tpu.memref_slice %dma_start3A_311[%dma_start3A_312, %dma_start3A_313] : memref<20480x64xf32, #tpu.memory_space<hbm>> -> memref<20480x64xf32, #tpu.memory_space<hbm>>
        tpu.enqueue_indirect_dma source(%dma_start3A_314 : memref<20480x64xf32, #tpu.memory_space<hbm>>) target(%arg11 : memref<128x64xf32, #tpu.memory_space<vmem>>) offsets(%dma_start3A_307 : memref<128xi32, #tpu.memory_space<vmem>>) semaphore(%arg16 : memref<!tpu.dma_semaphore, #tpu.memory_space<semaphore_mem>>)
      } else {
      }
      %add3A_200 = arith.constant 1 : i32
      %add3A_201 = arith.addi %add3A_169, %add3A_200 : i32
      %add3A_202 = arith.constant 4 : i32
      %add3A_203 = arith.addi %add3A_201, %add3A_202 : i32
      %sub3A_204 = arith.constant 1 : i32
      %sub3A_205 = arith.subi %add3A_203, %sub3A_204 : i32
      %dma_wait3A_206 = arith.constant 0 : i32
      %dma_wait3A_207 = arith.constant 0 : i32
      %dma_wait3A_208 = tpu.memref_slice %arg2[%scan3A_125, %dma_wait3A_206, %dma_wait3A_207] : memref<2x20480x64xf32, #tpu.memory_space<hbm>> -> memref<1x20480x64xf32, #tpu.memory_space<hbm>>
      %dma_wait3A_209 = tpu.memref_squeeze %dma_wait3A_208 : memref<1x20480x64xf32, #tpu.memory_space<hbm>> -> memref<20480x64xf32, #tpu.memory_space<hbm>>
      %dma_wait3A_210 = arith.constant 0 : i32
      %dma_wait3A_211 = arith.constant 0 : i32
      %dma_wait3A_212 = tpu.memref_slice %dma_wait3A_209[%dma_wait3A_210, %dma_wait3A_211] : memref<20480x64xf32, #tpu.memory_space<hbm>> -> memref<128x64xf32, #tpu.memory_space<hbm>>
      %dma_wait3A_213 = arith.constant 0 : i32
      %dma_wait3A_214 = arith.constant 0 : i32
      %dma_wait3A_215 = tpu.memref_slice %arg2[%scan3A_125, %dma_wait3A_213, %dma_wait3A_214] : memref<2x20480x64xf32, #tpu.memory_space<hbm>> -> memref<1x20480x64xf32, #tpu.memory_space<hbm>>
      %dma_wait3A_216 = tpu.memref_squeeze %dma_wait3A_215 : memref<1x20480x64xf32, #tpu.memory_space<hbm>> -> memref<20480x64xf32, #tpu.memory_space<hbm>>
      %dma_wait3A_217 = arith.constant 0 : i32
      %dma_wait3A_218 = arith.constant 0 : i32
      %dma_wait3A_219 = tpu.memref_slice %dma_wait3A_216[%dma_wait3A_217, %dma_wait3A_218] : memref<20480x64xf32, #tpu.memory_space<hbm>> -> memref<128x64xf32, #tpu.memory_space<hbm>>
      tpu.wait_dma2 semaphore(%arg14 : memref<!tpu.dma_semaphore, #tpu.memory_space<semaphore_mem>>) src(%dma_wait3A_219 : memref<128x64xf32, #tpu.memory_space<hbm>>) dst(%arg9 : memref<128x64xf32, #tpu.memory_space<vmem>>)
      %add3A_220 = arith.constant 1 : i32
      %add3A_221 = arith.addi %add3A_169, %add3A_220 : i32
      %dma_start3A_222 = arith.constant 0 : i32
      %dma_start3A_223 = tpu.memref_slice %arg7[%add3A_221, %dma_start3A_222] : memref<160x128xi32, #tpu.memory_space<vmem>> -> memref<1x128xi32, #tpu.memory_space<vmem>>
      %dma_start3A_224 = tpu.memref_squeeze %dma_start3A_223 : memref<1x128xi32, #tpu.memory_space<vmem>> -> memref<128xi32, #tpu.memory_space<vmem>>
      %dma_start3A_225 = arith.constant 0 : i32
      %dma_start3A_226 = arith.constant 0 : i32
      %dma_start3A_227 = tpu.memref_slice %arg12[%dma_start3A_225, %dma_start3A_226] : memref<10240x64xf32, #tpu.memory_space<vmem_shared>> -> memref<10240x64xf32, #tpu.memory_space<vmem_shared>>
      tpu.enqueue_indirect_dma source(%arg9 : memref<128x64xf32, #tpu.memory_space<vmem>>) target(%dma_start3A_227 : memref<10240x64xf32, #tpu.memory_space<vmem_shared>>) offsets(%dma_start3A_224 : memref<128xi32, #tpu.memory_space<vmem>>) semaphore(%arg18 : memref<!tpu.dma_semaphore, #tpu.memory_space<semaphore_mem>>) {add = true}
      %lt3A_228 = arith.constant 160 : i32
      %lt3A_229 = arith.cmpi slt, %sub3A_205, %lt3A_228 : i32
      %convert_element_type3A_230 = arith.extui %lt3A_229 : i1 to i32
      %cond3A_231 = arith.constant 0 : i32
      %cond3A_232 = arith.cmpi ne, %convert_element_type3A_230, %cond3A_231 : i32
      scf.if %cond3A_232 {
        %add3A_299 = arith.constant 1 : i32
        %add3A_300 = arith.addi %add3A_169, %add3A_299 : i32
        %gt3A = arith.constant 0 : i32
        %gt3A_301 = arith.cmpi sgt, %add3A_300, %gt3A : i32
        %convert_element_type3A_302 = arith.extui %gt3A_301 : i1 to i32
        %cond3A_303 = arith.constant 0 : i32
        %cond3A_304 = arith.cmpi ne, %convert_element_type3A_302, %cond3A_303 : i32
        scf.if %cond3A_304 {
          %dma_wait3A_315 = arith.constant 0 : i32
          %dma_wait3A_316 = arith.constant 0 : i32
          %dma_wait3A_317 = tpu.memref_slice %arg12[%dma_wait3A_315, %dma_wait3A_316] : memref<10240x64xf32, #tpu.memory_space<vmem_shared>> -> memref<128x64xf32, #tpu.memory_space<vmem_shared>>
          %dma_wait3A_318 = arith.constant 0 : i32
          %dma_wait3A_319 = arith.constant 0 : i32
          %dma_wait3A_320 = tpu.memref_slice %arg12[%dma_wait3A_318, %dma_wait3A_319] : memref<10240x64xf32, #tpu.memory_space<vmem_shared>> -> memref<128x64xf32, #tpu.memory_space<vmem_shared>>
          tpu.wait_dma2 semaphore(%arg17 : memref<!tpu.dma_semaphore, #tpu.memory_space<semaphore_mem>>) src(%arg8 : memref<128x64xf32, #tpu.memory_space<vmem>>) dst(%dma_wait3A_320 : memref<128x64xf32, #tpu.memory_space<vmem_shared>>)
        } else {
        }
        %dma_start3A_305 = arith.constant 0 : i32
        %dma_start3A_306 = tpu.memref_slice %arg6[%sub3A_205, %dma_start3A_305] : memref<160x128xi32, #tpu.memory_space<vmem>> -> memref<1x128xi32, #tpu.memory_space<vmem>>
        %dma_start3A_307 = tpu.memref_squeeze %dma_start3A_306 : memref<1x128xi32, #tpu.memory_space<vmem>> -> memref<128xi32, #tpu.memory_space<vmem>>
        %dma_start3A_308 = arith.constant 0 : i32
        %dma_start3A_309 = arith.constant 0 : i32
        %dma_start3A_310 = tpu.memref_slice %arg2[%scan3A_125, %dma_start3A_308, %dma_start3A_309] : memref<2x20480x64xf32, #tpu.memory_space<hbm>> -> memref<1x20480x64xf32, #tpu.memory_space<hbm>>
        %dma_start3A_311 = tpu.memref_squeeze %dma_start3A_310 : memref<1x20480x64xf32, #tpu.memory_space<hbm>> -> memref<20480x64xf32, #tpu.memory_space<hbm>>
        %dma_start3A_312 = arith.constant 0 : i32
        %dma_start3A_313 = arith.constant 0 : i32
        %dma_start3A_314 = tpu.memref_slice %dma_start3A_311[%dma_start3A_312, %dma_start3A_313] : memref<20480x64xf32, #tpu.memory_space<hbm>> -> memref<20480x64xf32, #tpu.memory_space<hbm>>
        tpu.enqueue_indirect_dma source(%dma_start3A_314 : memref<20480x64xf32, #tpu.memory_space<hbm>>) target(%arg8 : memref<128x64xf32, #tpu.memory_space<vmem>>) offsets(%dma_start3A_307 : memref<128xi32, #tpu.memory_space<vmem>>) semaphore(%arg13 : memref<!tpu.dma_semaphore, #tpu.memory_space<semaphore_mem>>)
      } else {
      }
      %add3A_233 = arith.constant 2 : i32
      %add3A_234 = arith.addi %add3A_169, %add3A_233 : i32
      %add3A_235 = arith.constant 4 : i32
      %add3A_236 = arith.addi %add3A_234, %add3A_235 : i32
      %sub3A_237 = arith.constant 1 : i32
      %sub3A_238 = arith.subi %add3A_236, %sub3A_237 : i32
      %dma_wait3A_239 = arith.constant 0 : i32
      %dma_wait3A_240 = arith.constant 0 : i32
      %dma_wait3A_241 = tpu.memref_slice %arg2[%scan3A_125, %dma_wait3A_239, %dma_wait3A_240] : memref<2x20480x64xf32, #tpu.memory_space<hbm>> -> memref<1x20480x64xf32, #tpu.memory_space<hbm>>
      %dma_wait3A_242 = tpu.memref_squeeze %dma_wait3A_241 : memref<1x20480x64xf32, #tpu.memory_space<hbm>> -> memref<20480x64xf32, #tpu.memory_space<hbm>>
      %dma_wait3A_243 = arith.constant 0 : i32
      %dma_wait3A_244 = arith.constant 0 : i32
      %dma_wait3A_245 = tpu.memref_slice %dma_wait3A_242[%dma_wait3A_243, %dma_wait3A_244] : memref<20480x64xf32, #tpu.memory_space<hbm>> -> memref<128x64xf32, #tpu.memory_space<hbm>>
      %dma_wait3A_246 = arith.constant 0 : i32
      %dma_wait3A_247 = arith.constant 0 : i32
      %dma_wait3A_248 = tpu.memref_slice %arg2[%scan3A_125, %dma_wait3A_246, %dma_wait3A_247] : memref<2x20480x64xf32, #tpu.memory_space<hbm>> -> memref<1x20480x64xf32, #tpu.memory_space<hbm>>
      %dma_wait3A_249 = tpu.memref_squeeze %dma_wait3A_248 : memref<1x20480x64xf32, #tpu.memory_space<hbm>> -> memref<20480x64xf32, #tpu.memory_space<hbm>>
      %dma_wait3A_250 = arith.constant 0 : i32
      %dma_wait3A_251 = arith.constant 0 : i32
      %dma_wait3A_252 = tpu.memref_slice %dma_wait3A_249[%dma_wait3A_250, %dma_wait3A_251] : memref<20480x64xf32, #tpu.memory_space<hbm>> -> memref<128x64xf32, #tpu.memory_space<hbm>>
      tpu.wait_dma2 semaphore(%arg15 : memref<!tpu.dma_semaphore, #tpu.memory_space<semaphore_mem>>) src(%dma_wait3A_252 : memref<128x64xf32, #tpu.memory_space<hbm>>) dst(%arg10 : memref<128x64xf32, #tpu.memory_space<vmem>>)
      %add3A_253 = arith.constant 2 : i32
      %add3A_254 = arith.addi %add3A_169, %add3A_253 : i32
      %dma_start3A_255 = arith.constant 0 : i32
      %dma_start3A_256 = tpu.memref_slice %arg7[%add3A_254, %dma_start3A_255] : memref<160x128xi32, #tpu.memory_space<vmem>> -> memref<1x128xi32, #tpu.memory_space<vmem>>
      %dma_start3A_257 = tpu.memref_squeeze %dma_start3A_256 : memref<1x128xi32, #tpu.memory_space<vmem>> -> memref<128xi32, #tpu.memory_space<vmem>>
      %dma_start3A_258 = arith.constant 0 : i32
      %dma_start3A_259 = arith.constant 0 : i32
      %dma_start3A_260 = tpu.memref_slice %arg12[%dma_start3A_258, %dma_start3A_259] : memref<10240x64xf32, #tpu.memory_space<vmem_shared>> -> memref<10240x64xf32, #tpu.memory_space<vmem_shared>>
      tpu.enqueue_indirect_dma source(%arg10 : memref<128x64xf32, #tpu.memory_space<vmem>>) target(%dma_start3A_260 : memref<10240x64xf32, #tpu.memory_space<vmem_shared>>) offsets(%dma_start3A_257 : memref<128xi32, #tpu.memory_space<vmem>>) semaphore(%arg19 : memref<!tpu.dma_semaphore, #tpu.memory_space<semaphore_mem>>) {add = true}
      %lt3A_261 = arith.constant 160 : i32
      %lt3A_262 = arith.cmpi slt, %sub3A_238, %lt3A_261 : i32
      %convert_element_type3A_263 = arith.extui %lt3A_262 : i1 to i32
      %cond3A_264 = arith.constant 0 : i32
      %cond3A_265 = arith.cmpi ne, %convert_element_type3A_263, %cond3A_264 : i32
      scf.if %cond3A_265 {
        %add3A_299 = arith.constant 2 : i32
        %add3A_300 = arith.addi %add3A_169, %add3A_299 : i32
        %gt3A = arith.constant 0 : i32
        %gt3A_301 = arith.cmpi sgt, %add3A_300, %gt3A : i32
        %convert_element_type3A_302 = arith.extui %gt3A_301 : i1 to i32
        %cond3A_303 = arith.constant 0 : i32
        %cond3A_304 = arith.cmpi ne, %convert_element_type3A_302, %cond3A_303 : i32
        scf.if %cond3A_304 {
          %dma_wait3A_315 = arith.constant 0 : i32
          %dma_wait3A_316 = arith.constant 0 : i32
          %dma_wait3A_317 = tpu.memref_slice %arg12[%dma_wait3A_315, %dma_wait3A_316] : memref<10240x64xf32, #tpu.memory_space<vmem_shared>> -> memref<128x64xf32, #tpu.memory_space<vmem_shared>>
          %dma_wait3A_318 = arith.constant 0 : i32
          %dma_wait3A_319 = arith.constant 0 : i32
          %dma_wait3A_320 = tpu.memref_slice %arg12[%dma_wait3A_318, %dma_wait3A_319] : memref<10240x64xf32, #tpu.memory_space<vmem_shared>> -> memref<128x64xf32, #tpu.memory_space<vmem_shared>>
          tpu.wait_dma2 semaphore(%arg18 : memref<!tpu.dma_semaphore, #tpu.memory_space<semaphore_mem>>) src(%arg9 : memref<128x64xf32, #tpu.memory_space<vmem>>) dst(%dma_wait3A_320 : memref<128x64xf32, #tpu.memory_space<vmem_shared>>)
        } else {
        }
        %dma_start3A_305 = arith.constant 0 : i32
        %dma_start3A_306 = tpu.memref_slice %arg6[%sub3A_238, %dma_start3A_305] : memref<160x128xi32, #tpu.memory_space<vmem>> -> memref<1x128xi32, #tpu.memory_space<vmem>>
        %dma_start3A_307 = tpu.memref_squeeze %dma_start3A_306 : memref<1x128xi32, #tpu.memory_space<vmem>> -> memref<128xi32, #tpu.memory_space<vmem>>
        %dma_start3A_308 = arith.constant 0 : i32
        %dma_start3A_309 = arith.constant 0 : i32
        %dma_start3A_310 = tpu.memref_slice %arg2[%scan3A_125, %dma_start3A_308, %dma_start3A_309] : memref<2x20480x64xf32, #tpu.memory_space<hbm>> -> memref<1x20480x64xf32, #tpu.memory_space<hbm>>
        %dma_start3A_311 = tpu.memref_squeeze %dma_start3A_310 : memref<1x20480x64xf32, #tpu.memory_space<hbm>> -> memref<20480x64xf32, #tpu.memory_space<hbm>>
        %dma_start3A_312 = arith.constant 0 : i32
        %dma_start3A_313 = arith.constant 0 : i32
        %dma_start3A_314 = tpu.memref_slice %dma_start3A_311[%dma_start3A_312, %dma_start3A_313] : memref<20480x64xf32, #tpu.memory_space<hbm>> -> memref<20480x64xf32, #tpu.memory_space<hbm>>
        tpu.enqueue_indirect_dma source(%dma_start3A_314 : memref<20480x64xf32, #tpu.memory_space<hbm>>) target(%arg9 : memref<128x64xf32, #tpu.memory_space<vmem>>) offsets(%dma_start3A_307 : memref<128xi32, #tpu.memory_space<vmem>>) semaphore(%arg14 : memref<!tpu.dma_semaphore, #tpu.memory_space<semaphore_mem>>)
      } else {
      }
      %add3A_266 = arith.constant 3 : i32
      %add3A_267 = arith.addi %add3A_169, %add3A_266 : i32
      %add3A_268 = arith.constant 4 : i32
      %add3A_269 = arith.addi %add3A_267, %add3A_268 : i32
      %sub3A_270 = arith.constant 1 : i32
      %sub3A_271 = arith.subi %add3A_269, %sub3A_270 : i32
      %dma_wait3A_272 = arith.constant 0 : i32
      %dma_wait3A_273 = arith.constant 0 : i32
      %dma_wait3A_274 = tpu.memref_slice %arg2[%scan3A_125, %dma_wait3A_272, %dma_wait3A_273] : memref<2x20480x64xf32, #tpu.memory_space<hbm>> -> memref<1x20480x64xf32, #tpu.memory_space<hbm>>
      %dma_wait3A_275 = tpu.memref_squeeze %dma_wait3A_274 : memref<1x20480x64xf32, #tpu.memory_space<hbm>> -> memref<20480x64xf32, #tpu.memory_space<hbm>>
      %dma_wait3A_276 = arith.constant 0 : i32
      %dma_wait3A_277 = arith.constant 0 : i32
      %dma_wait3A_278 = tpu.memref_slice %dma_wait3A_275[%dma_wait3A_276, %dma_wait3A_277] : memref<20480x64xf32, #tpu.memory_space<hbm>> -> memref<128x64xf32, #tpu.memory_space<hbm>>
      %dma_wait3A_279 = arith.constant 0 : i32
      %dma_wait3A_280 = arith.constant 0 : i32
      %dma_wait3A_281 = tpu.memref_slice %arg2[%scan3A_125, %dma_wait3A_279, %dma_wait3A_280] : memref<2x20480x64xf32, #tpu.memory_space<hbm>> -> memref<1x20480x64xf32, #tpu.memory_space<hbm>>
      %dma_wait3A_282 = tpu.memref_squeeze %dma_wait3A_281 : memref<1x20480x64xf32, #tpu.memory_space<hbm>> -> memref<20480x64xf32, #tpu.memory_space<hbm>>
      %dma_wait3A_283 = arith.constant 0 : i32
      %dma_wait3A_284 = arith.constant 0 : i32
      %dma_wait3A_285 = tpu.memref_slice %dma_wait3A_282[%dma_wait3A_283, %dma_wait3A_284] : memref<20480x64xf32, #tpu.memory_space<hbm>> -> memref<128x64xf32, #tpu.memory_space<hbm>>
      tpu.wait_dma2 semaphore(%arg16 : memref<!tpu.dma_semaphore, #tpu.memory_space<semaphore_mem>>) src(%dma_wait3A_285 : memref<128x64xf32, #tpu.memory_space<hbm>>) dst(%arg11 : memref<128x64xf32, #tpu.memory_space<vmem>>)
      %add3A_286 = arith.constant 3 : i32
      %add3A_287 = arith.addi %add3A_169, %add3A_286 : i32
      %dma_start3A_288 = arith.constant 0 : i32
      %dma_start3A_289 = tpu.memref_slice %arg7[%add3A_287, %dma_start3A_288] : memref<160x128xi32, #tpu.memory_space<vmem>> -> memref<1x128xi32, #tpu.memory_space<vmem>>
      %dma_start3A_290 = tpu.memref_squeeze %dma_start3A_289 : memref<1x128xi32, #tpu.memory_space<vmem>> -> memref<128xi32, #tpu.memory_space<vmem>>
      %dma_start3A_291 = arith.constant 0 : i32
      %dma_start3A_292 = arith.constant 0 : i32
      %dma_start3A_293 = tpu.memref_slice %arg12[%dma_start3A_291, %dma_start3A_292] : memref<10240x64xf32, #tpu.memory_space<vmem_shared>> -> memref<10240x64xf32, #tpu.memory_space<vmem_shared>>
      tpu.enqueue_indirect_dma source(%arg11 : memref<128x64xf32, #tpu.memory_space<vmem>>) target(%dma_start3A_293 : memref<10240x64xf32, #tpu.memory_space<vmem_shared>>) offsets(%dma_start3A_290 : memref<128xi32, #tpu.memory_space<vmem>>) semaphore(%arg20 : memref<!tpu.dma_semaphore, #tpu.memory_space<semaphore_mem>>) {add = true}
      %lt3A_294 = arith.constant 160 : i32
      %lt3A_295 = arith.cmpi slt, %sub3A_271, %lt3A_294 : i32
      %convert_element_type3A_296 = arith.extui %lt3A_295 : i1 to i32
      %cond3A_297 = arith.constant 0 : i32
      %cond3A_298 = arith.cmpi ne, %convert_element_type3A_296, %cond3A_297 : i32
      scf.if %cond3A_298 {
        %add3A_299 = arith.constant 3 : i32
        %add3A_300 = arith.addi %add3A_169, %add3A_299 : i32
        %gt3A = arith.constant 0 : i32
        %gt3A_301 = arith.cmpi sgt, %add3A_300, %gt3A : i32
        %convert_element_type3A_302 = arith.extui %gt3A_301 : i1 to i32
        %cond3A_303 = arith.constant 0 : i32
        %cond3A_304 = arith.cmpi ne, %convert_element_type3A_302, %cond3A_303 : i32
        scf.if %cond3A_304 {
          %dma_wait3A_315 = arith.constant 0 : i32
          %dma_wait3A_316 = arith.constant 0 : i32
          %dma_wait3A_317 = tpu.memref_slice %arg12[%dma_wait3A_315, %dma_wait3A_316] : memref<10240x64xf32, #tpu.memory_space<vmem_shared>> -> memref<128x64xf32, #tpu.memory_space<vmem_shared>>
          %dma_wait3A_318 = arith.constant 0 : i32
          %dma_wait3A_319 = arith.constant 0 : i32
          %dma_wait3A_320 = tpu.memref_slice %arg12[%dma_wait3A_318, %dma_wait3A_319] : memref<10240x64xf32, #tpu.memory_space<vmem_shared>> -> memref<128x64xf32, #tpu.memory_space<vmem_shared>>
          tpu.wait_dma2 semaphore(%arg19 : memref<!tpu.dma_semaphore, #tpu.memory_space<semaphore_mem>>) src(%arg10 : memref<128x64xf32, #tpu.memory_space<vmem>>) dst(%dma_wait3A_320 : memref<128x64xf32, #tpu.memory_space<vmem_shared>>)
        } else {
        }
        %dma_start3A_305 = arith.constant 0 : i32
        %dma_start3A_306 = tpu.memref_slice %arg6[%sub3A_271, %dma_start3A_305] : memref<160x128xi32, #tpu.memory_space<vmem>> -> memref<1x128xi32, #tpu.memory_space<vmem>>
        %dma_start3A_307 = tpu.memref_squeeze %dma_start3A_306 : memref<1x128xi32, #tpu.memory_space<vmem>> -> memref<128xi32, #tpu.memory_space<vmem>>
        %dma_start3A_308 = arith.constant 0 : i32
        %dma_start3A_309 = arith.constant 0 : i32
        %dma_start3A_310 = tpu.memref_slice %arg2[%scan3A_125, %dma_start3A_308, %dma_start3A_309] : memref<2x20480x64xf32, #tpu.memory_space<hbm>> -> memref<1x20480x64xf32, #tpu.memory_space<hbm>>
        %dma_start3A_311 = tpu.memref_squeeze %dma_start3A_310 : memref<1x20480x64xf32, #tpu.memory_space<hbm>> -> memref<20480x64xf32, #tpu.memory_space<hbm>>
        %dma_start3A_312 = arith.constant 0 : i32
        %dma_start3A_313 = arith.constant 0 : i32
        %dma_start3A_314 = tpu.memref_slice %dma_start3A_311[%dma_start3A_312, %dma_start3A_313] : memref<20480x64xf32, #tpu.memory_space<hbm>> -> memref<20480x64xf32, #tpu.memory_space<hbm>>
        tpu.enqueue_indirect_dma source(%dma_start3A_314 : memref<20480x64xf32, #tpu.memory_space<hbm>>) target(%arg10 : memref<128x64xf32, #tpu.memory_space<vmem>>) offsets(%dma_start3A_307 : memref<128xi32, #tpu.memory_space<vmem>>) semaphore(%arg15 : memref<!tpu.dma_semaphore, #tpu.memory_space<semaphore_mem>>)
      } else {
      }
    }
    %scan3A_130 = arith.constant 40 : i32
    %dma_wait3A_131 = arith.constant 0 : i32
    %dma_wait3A_132 = arith.constant 0 : i32
    %dma_wait3A_133 = tpu.memref_slice %arg12[%dma_wait3A_131, %dma_wait3A_132] : memref<10240x64xf32, #tpu.memory_space<vmem_shared>> -> memref<128x64xf32, #tpu.memory_space<vmem_shared>>
    %dma_wait3A_134 = arith.constant 0 : i32
    %dma_wait3A_135 = arith.constant 0 : i32
    %dma_wait3A_136 = tpu.memref_slice %arg12[%dma_wait3A_134, %dma_wait3A_135] : memref<10240x64xf32, #tpu.memory_space<vmem_shared>> -> memref<128x64xf32, #tpu.memory_space<vmem_shared>>
    tpu.wait_dma2 semaphore(%arg17 : memref<!tpu.dma_semaphore, #tpu.memory_space<semaphore_mem>>) src(%arg8 : memref<128x64xf32, #tpu.memory_space<vmem>>) dst(%dma_wait3A_136 : memref<128x64xf32, #tpu.memory_space<vmem_shared>>)
    %dma_wait3A_137 = arith.constant 0 : i32
    %dma_wait3A_138 = arith.constant 0 : i32
    %dma_wait3A_139 = tpu.memref_slice %arg12[%dma_wait3A_137, %dma_wait3A_138] : memref<10240x64xf32, #tpu.memory_space<vmem_shared>> -> memref<128x64xf32, #tpu.memory_space<vmem_shared>>
    %dma_wait3A_140 = arith.constant 0 : i32
    %dma_wait3A_141 = arith.constant 0 : i32
    %dma_wait3A_142 = tpu.memref_slice %arg12[%dma_wait3A_140, %dma_wait3A_141] : memref<10240x64xf32, #tpu.memory_space<vmem_shared>> -> memref<128x64xf32, #tpu.memory_space<vmem_shared>>
    tpu.wait_dma2 semaphore(%arg18 : memref<!tpu.dma_semaphore, #tpu.memory_space<semaphore_mem>>) src(%arg9 : memref<128x64xf32, #tpu.memory_space<vmem>>) dst(%dma_wait3A_142 : memref<128x64xf32, #tpu.memory_space<vmem_shared>>)
    %dma_wait3A_143 = arith.constant 0 : i32
    %dma_wait3A_144 = arith.constant 0 : i32
    %dma_wait3A_145 = tpu.memref_slice %arg12[%dma_wait3A_143, %dma_wait3A_144] : memref<10240x64xf32, #tpu.memory_space<vmem_shared>> -> memref<128x64xf32, #tpu.memory_space<vmem_shared>>
    %dma_wait3A_146 = arith.constant 0 : i32
    %dma_wait3A_147 = arith.constant 0 : i32
    %dma_wait3A_148 = tpu.memref_slice %arg12[%dma_wait3A_146, %dma_wait3A_147] : memref<10240x64xf32, #tpu.memory_space<vmem_shared>> -> memref<128x64xf32, #tpu.memory_space<vmem_shared>>
    tpu.wait_dma2 semaphore(%arg19 : memref<!tpu.dma_semaphore, #tpu.memory_space<semaphore_mem>>) src(%arg10 : memref<128x64xf32, #tpu.memory_space<vmem>>) dst(%dma_wait3A_148 : memref<128x64xf32, #tpu.memory_space<vmem_shared>>)
    %dma_wait3A_149 = arith.constant 0 : i32
    %dma_wait3A_150 = arith.constant 0 : i32
    %dma_wait3A_151 = tpu.memref_slice %arg12[%dma_wait3A_149, %dma_wait3A_150] : memref<10240x64xf32, #tpu.memory_space<vmem_shared>> -> memref<128x64xf32, #tpu.memory_space<vmem_shared>>
    %dma_wait3A_152 = arith.constant 0 : i32
    %dma_wait3A_153 = arith.constant 0 : i32
    %dma_wait3A_154 = tpu.memref_slice %arg12[%dma_wait3A_152, %dma_wait3A_153] : memref<10240x64xf32, #tpu.memory_space<vmem_shared>> -> memref<128x64xf32, #tpu.memory_space<vmem_shared>>
    tpu.wait_dma2 semaphore(%arg20 : memref<!tpu.dma_semaphore, #tpu.memory_space<semaphore_mem>>) src(%arg11 : memref<128x64xf32, #tpu.memory_space<vmem>>) dst(%dma_wait3A_154 : memref<128x64xf32, #tpu.memory_space<vmem_shared>>)
    %barrier3A_155 = arith.constant 0 : index
    tpu.barrier barrier_id(%barrier3A_155)
    %sub3A_156 = arith.constant 1 : i32
    %sub3A_157 = arith.subi %sub3A_156, %arg0 : i32
    %mul3A_158 = arith.constant 10240 : i32
    %mul3A_159 = arith.muli %sub3A_157, %mul3A_158 : i32
    %mul3A_160 = arith.constant 640 : i32
    %mul3A_161 = arith.muli %arg1, %mul3A_160 : i32
    %add3A_162 = arith.addi %mul3A_159, %mul3A_161 : i32
    %run_scoped3A_163 = arith.constant 1 : i32
    "tpu.region"() ({
      %run_scoped3A_165 = tpu.sem_alloc : memref<!tpu.dma_semaphore, #tpu.memory_space<semaphore_mem>>
      %dma_start3A_166 = arith.constant 0 : i32
      %dma_start3A_167 = arith.constant 0 : i32
      %dma_start3A_168 = tpu.memref_slice %arg5[%run_scoped3A_163, %dma_start3A_166, %dma_start3A_167] : memref<2x20480x64xf32, #tpu.memory_space<hbm>> -> memref<1x20480x64xf32, #tpu.memory_space<hbm>>
      %dma_start3A_169 = tpu.memref_squeeze %dma_start3A_168 : memref<1x20480x64xf32, #tpu.memory_space<hbm>> -> memref<20480x64xf32, #tpu.memory_space<hbm>>
      %dma_start3A_170 = arith.constant 0 : i32
      %dma_start3A_171 = tpu.memref_slice %dma_start3A_169[%add3A_162, %dma_start3A_170] : memref<20480x64xf32, #tpu.memory_space<hbm>> -> memref<640x64xf32, #tpu.memory_space<hbm>>
      %dma_start3A_172 = arith.constant 0 : i32
      %dma_start3A_173 = tpu.memref_slice %arg12[%mul3A_0, %dma_start3A_172] : memref<10240x64xf32, #tpu.memory_space<vmem_shared>> -> memref<640x64xf32, #tpu.memory_space<vmem_shared>>
      tpu.enqueue_dma source(%dma_start3A_173 : memref<640x64xf32, #tpu.memory_space<vmem_shared>>) target(%dma_start3A_171 : memref<640x64xf32, #tpu.memory_space<hbm>>) target_semaphore(%run_scoped3A_165 : memref<!tpu.dma_semaphore, #tpu.memory_space<semaphore_mem>>)
      %dma_wait3A_174 = arith.constant 0 : i32
      %dma_wait3A_175 = arith.constant 0 : i32
      %dma_wait3A_176 = tpu.memref_slice %arg5[%run_scoped3A_163, %dma_wait3A_174, %dma_wait3A_175] : memref<2x20480x64xf32, #tpu.memory_space<hbm>> -> memref<1x20480x64xf32, #tpu.memory_space<hbm>>
      %dma_wait3A_177 = tpu.memref_squeeze %dma_wait3A_176 : memref<1x20480x64xf32, #tpu.memory_space<hbm>> -> memref<20480x64xf32, #tpu.memory_space<hbm>>
      %dma_wait3A_178 = arith.constant 0 : i32
      %dma_wait3A_179 = tpu.memref_slice %dma_wait3A_177[%add3A_162, %dma_wait3A_178] : memref<20480x64xf32, #tpu.memory_space<hbm>> -> memref<640x64xf32, #tpu.memory_space<hbm>>
      %dma_wait3A_180 = arith.constant 0 : i32
      %dma_wait3A_181 = tpu.memref_slice %arg12[%mul3A_0, %dma_wait3A_180] : memref<10240x64xf32, #tpu.memory_space<vmem_shared>> -> memref<640x64xf32, #tpu.memory_space<vmem_shared>>
      tpu.wait_dma2 semaphore(%run_scoped3A_165 : memref<!tpu.dma_semaphore, #tpu.memory_space<semaphore_mem>>) src(%dma_wait3A_181 : memref<640x64xf32, #tpu.memory_space<vmem_shared>>) dst(%dma_wait3A_179 : memref<640x64xf32, #tpu.memory_space<hbm>>)
      tpu.yield
    }) : () -> ()
    %barrier3A_164 = arith.constant 0 : index
    tpu.barrier barrier_id(%barrier3A_164)
    return
  }
}

module attributes {stable_mosaic.version = 14 : i64} {
  func.func @_mlp_body(%arg0: i32, %arg1: memref<1280x128xf32, #tpu.memory_space<vmem>>, %arg2: memref<1x2x128x128xf32, #tpu.memory_space<vmem>>, %arg3: memref<1x2x128xf32, #tpu.memory_space<vmem>>, %arg4: memref<1280x1xf32, #tpu.memory_space<vmem>>, %arg5: memref<1280x128xf32, #tpu.memory_space<vmem>>, %arg6: memref<2x1280x64xf32, #tpu.memory_space<vmem>>, %arg7: memref<1280x1xf32, #tpu.memory_space<vmem>>) attributes {dimension_semantics = [#tpu.dimension_semantics<arbitrary>], iteration_bounds = array<i64: 16>, scalar_prefetch = 0 : i64, scratch_operands = 0 : i64, tpu.core_type = #tpu.core_type<tc>, window_params = [{transform_indices = @transform_0, window_bounds = array<i64: 1280, 128>}, {transform_indices = @transform_1, window_bounds = array<i64: 1, 2, 128, 128>}, {transform_indices = @transform_2, window_bounds = array<i64: 1, 2, 128>}, {transform_indices = @transform_3, window_bounds = array<i64: 1280, 1>}, {transform_indices = @transform_4, window_bounds = array<i64: 1280, 128>}, {transform_indices = @transform_5, window_bounds = array<i64: 2, 1280, 64>}, {transform_indices = @transform_6, window_bounds = array<i64: 1280, 1>}]} {
    %get3A = arith.constant 0 : index
    %get3A_0 = arith.constant 0 : index
    %get3A_1 = vector.load %arg1[%get3A, %get3A_0] : memref<1280x128xf32, #tpu.memory_space<vmem>>, vector<1280x128xf32>
    %get3A_2 = arith.constant 0 : index
    %get3A_3 = arith.constant 0 : index
    %get3A_4 = arith.constant 0 : index
    %get3A_5 = arith.constant 0 : index
    %get3A_6 = vector.load %arg2[%get3A_2, %get3A_3, %get3A_4, %get3A_5] : memref<1x2x128x128xf32, #tpu.memory_space<vmem>>, vector<1x1x128x128xf32>
    %get3A_7 = vector.shape_cast %get3A_6 : vector<1x1x128x128xf32> to vector<128x128xf32>
    %dot_general3A = arith.constant dense<0.000000e+00> : vector<1280x128xf32>
    %dot_general3A_8 = tpu.matmul %get3A_1, %get3A_7, %dot_general3A {dimension_numbers = #tpu.dot_dimension_numbers<[1], [1], [0], [0], [0, 0, 1, 0], [], []>, precision = #tpu.contract_precision<fp32>, transpose_lhs_hint = false} : vector<1280x128xf32>, vector<128x128xf32>, vector<1280x128xf32> -> vector<1280x128xf32>
    %get3A_9 = arith.constant 0 : index
    %get3A_10 = arith.constant 0 : index
    %get3A_11 = arith.constant 0 : index
    %get3A_12 = vector.load %arg3[%get3A_9, %get3A_10, %get3A_11] : memref<1x2x128xf32, #tpu.memory_space<vmem>>, vector<1x1x128xf32>
    %get3A_13 = vector.shape_cast %get3A_12 : vector<1x1x128xf32> to vector<128xf32>
    %broadcast_in_dim3A = vector.shape_cast %get3A_13 : vector<128xf32> to vector<1x128xf32>
    %add3A = vector.broadcast %broadcast_in_dim3A : vector<1x128xf32> to vector<1280x128xf32>
    %add3A_14 = arith.addf %dot_general3A_8, %add3A : vector<1280x128xf32>
    %max3A = arith.constant 0.000000e+00 : f32
    %max3A_15 = vector.broadcast %max3A : f32 to vector<1280x128xf32>
    %max3A_16 = arith.maximumf %add3A_14, %max3A_15 : vector<1280x128xf32>
    %get3A_17 = arith.constant 0 : index
    %get3A_18 = arith.constant 1 : index
    %get3A_19 = arith.constant 0 : index
    %get3A_20 = arith.constant 0 : index
    %get3A_21 = vector.load %arg2[%get3A_17, %get3A_18, %get3A_19, %get3A_20] : memref<1x2x128x128xf32, #tpu.memory_space<vmem>>, vector<1x1x128x128xf32>
    %get3A_22 = vector.shape_cast %get3A_21 : vector<1x1x128x128xf32> to vector<128x128xf32>
    %dot_general3A_23 = arith.constant dense<0.000000e+00> : vector<1280x128xf32>
    %dot_general3A_24 = tpu.matmul %max3A_16, %get3A_22, %dot_general3A_23 {dimension_numbers = #tpu.dot_dimension_numbers<[1], [1], [0], [0], [0, 0, 1, 0], [], []>, precision = #tpu.contract_precision<fp32>, transpose_lhs_hint = false} : vector<1280x128xf32>, vector<128x128xf32>, vector<1280x128xf32> -> vector<1280x128xf32>
    %get3A_25 = arith.constant 0 : index
    %get3A_26 = arith.constant 1 : index
    %get3A_27 = arith.constant 0 : index
    %get3A_28 = vector.load %arg3[%get3A_25, %get3A_26, %get3A_27] : memref<1x2x128xf32, #tpu.memory_space<vmem>>, vector<1x1x128xf32>
    %get3A_29 = vector.shape_cast %get3A_28 : vector<1x1x128xf32> to vector<128xf32>
    %broadcast_in_dim3A_30 = vector.shape_cast %get3A_29 : vector<128xf32> to vector<1x128xf32>
    %add3A_31 = vector.broadcast %broadcast_in_dim3A_30 : vector<1x128xf32> to vector<1280x128xf32>
    %add3A_32 = arith.addf %dot_general3A_24, %add3A_31 : vector<1280x128xf32>
    %get3A_33 = arith.constant 0 : index
    %get3A_34 = arith.constant 0 : index
    %get3A_35 = vector.load %arg4[%get3A_33, %get3A_34] : memref<1280x1xf32, #tpu.memory_space<vmem>>, vector<1280x1xf32>
    %add3A_36 = arith.constant 1.000000e+00 : f32
    %add3A_37 = vector.broadcast %add3A_36 : f32 to vector<1280x1xf32>
    %add3A_38 = arith.addf %get3A_35, %add3A_37 : vector<1280x1xf32>
    %rsqrt3A = math.rsqrt %add3A_38 : vector<1280x1xf32>
    %swap3A = arith.constant 0 : index
    %swap3A_39 = arith.constant 0 : index
    %swap3A_40 = vector.load %arg5[%swap3A, %swap3A_39] : memref<1280x128xf32, #tpu.memory_space<vmem>>, vector<1280x128xf32>
    tpu.vector_store %arg5[%swap3A, %swap3A_39], %add3A_32 {strides = array<i32>} : memref<1280x128xf32, #tpu.memory_space<vmem>>, vector<1280x128xf32>,
    %swap3A_41 = arith.constant 0 : index
    %swap3A_42 = arith.constant 0 : index
    %swap3A_43 = vector.load %arg7[%swap3A_41, %swap3A_42] : memref<1280x1xf32, #tpu.memory_space<vmem>>, vector<1280x1xf32>
    tpu.vector_store %arg7[%swap3A_41, %swap3A_42], %rsqrt3A {strides = array<i32>} : memref<1280x1xf32, #tpu.memory_space<vmem>>, vector<1280x1xf32>,
    %mul3A = vector.broadcast %rsqrt3A : vector<1280x1xf32> to vector<1280x128xf32>
    %mul3A_44 = arith.mulf %mul3A, %add3A_32 : vector<1280x128xf32>
    %slice3A = vector.extract_strided_slice %mul3A_44 {offsets = [0, 0], sizes = [1280, 64], strides = [1, 1]} : vector<1280x128xf32> to vector<1280x64xf32>
    %swap3A_45 = arith.constant 0 : index
    %swap3A_46 = arith.constant 0 : index
    %swap3A_47 = arith.constant 0 : index
    %swap3A_48 = vector.load %arg6[%swap3A_45, %swap3A_46, %swap3A_47] : memref<2x1280x64xf32, #tpu.memory_space<vmem>>, vector<1x1280x64xf32>
    %swap3A_49 = vector.shape_cast %swap3A_48 : vector<1x1280x64xf32> to vector<1280x64xf32>
    %swap3A_50 = vector.shape_cast %slice3A : vector<1280x64xf32> to vector<1x1280x64xf32>
    tpu.vector_store %arg6[%swap3A_45, %swap3A_46, %swap3A_47], %swap3A_50 {strides = array<i32>} : memref<2x1280x64xf32, #tpu.memory_space<vmem>>, vector<1x1280x64xf32>,
    %slice3A_51 = vector.extract_strided_slice %mul3A_44 {offsets = [0, 64], sizes = [1280, 64], strides = [1, 1]} : vector<1280x128xf32> to vector<1280x64xf32>
    %swap3A_52 = arith.constant 1 : index
    %swap3A_53 = arith.constant 0 : index
    %swap3A_54 = arith.constant 0 : index
    %swap3A_55 = vector.load %arg6[%swap3A_52, %swap3A_53, %swap3A_54] : memref<2x1280x64xf32, #tpu.memory_space<vmem>>, vector<1x1280x64xf32>
    %swap3A_56 = vector.shape_cast %swap3A_55 : vector<1x1280x64xf32> to vector<1280x64xf32>
    %swap3A_57 = vector.shape_cast %slice3A_51 : vector<1280x64xf32> to vector<1x1280x64xf32>
    tpu.vector_store %arg6[%swap3A_52, %swap3A_53, %swap3A_54], %swap3A_57 {strides = array<i32>} : memref<2x1280x64xf32, #tpu.memory_space<vmem>>, vector<1x1280x64xf32>,
    return
  }
  func.func @transform_0(%arg0: i32) -> (i32, i32) {
    %c0_i32 = arith.constant 0 : i32
    %c0_i32_0 = arith.constant 0 : i32
    return %arg0, %c0_i32 : i32, i32
  }
  func.func @transform_1(%arg0: i32) -> (i32, i32, i32, i32) {
    %jit3A = arith.constant 8 : i32
    %div3A = arith.divsi %arg0, %jit3A : i32
    %sign3A = arith.constant 0 : i32
    %sign3A_0 = arith.cmpi sgt, %arg0, %sign3A : i32
    %sign3A_1 = arith.extui %sign3A_0 : i1 to i32
    %sign3A_2 = arith.constant 0 : i32
    %sign3A_3 = arith.cmpi slt, %arg0, %sign3A_2 : i32
    %sign3A_4 = arith.extui %sign3A_3 : i1 to i32
    %sign3A_5 = arith.subi %sign3A_1, %sign3A_4 : i32
    %sign3A_6 = arith.constant 0 : i32
    %sign3A_7 = arith.cmpi sgt, %jit3A, %sign3A_6 : i32
    %sign3A_8 = arith.extui %sign3A_7 : i1 to i32
    %sign3A_9 = arith.constant 0 : i32
    %sign3A_10 = arith.cmpi slt, %jit3A, %sign3A_9 : i32
    %sign3A_11 = arith.extui %sign3A_10 : i1 to i32
    %sign3A_12 = arith.subi %sign3A_8, %sign3A_11 : i32
    %ne3A = arith.cmpi ne, %sign3A_5, %sign3A_12 : i32
    %rem3A = arith.remsi %arg0, %jit3A : i32
    %ne3A_13 = arith.constant 0 : i32
    %ne3A_14 = arith.cmpi ne, %rem3A, %ne3A_13 : i32
    %and3A = arith.andi %ne3A, %ne3A_14 : i1
    %sub3A = arith.constant 1 : i32
    %sub3A_15 = arith.subi %div3A, %sub3A : i32
    %select_n3A = arith.select %and3A, %sub3A_15, %div3A : i32
    %c0_i32 = arith.constant 0 : i32
    %c0_i32_16 = arith.constant 0 : i32
    %c0_i32_17 = arith.constant 0 : i32
    %c0_i32_18 = arith.constant 0 : i32
    return %select_n3A, %c0_i32, %c0_i32_16, %c0_i32_17 : i32, i32, i32, i32
  }
  func.func @transform_2(%arg0: i32) -> (i32, i32, i32) {
    %jit3A = arith.constant 8 : i32
    %div3A = arith.divsi %arg0, %jit3A : i32
    %sign3A = arith.constant 0 : i32
    %sign3A_0 = arith.cmpi sgt, %arg0, %sign3A : i32
    %sign3A_1 = arith.extui %sign3A_0 : i1 to i32
    %sign3A_2 = arith.constant 0 : i32
    %sign3A_3 = arith.cmpi slt, %arg0, %sign3A_2 : i32
    %sign3A_4 = arith.extui %sign3A_3 : i1 to i32
    %sign3A_5 = arith.subi %sign3A_1, %sign3A_4 : i32
    %sign3A_6 = arith.constant 0 : i32
    %sign3A_7 = arith.cmpi sgt, %jit3A, %sign3A_6 : i32
    %sign3A_8 = arith.extui %sign3A_7 : i1 to i32
    %sign3A_9 = arith.constant 0 : i32
    %sign3A_10 = arith.cmpi slt, %jit3A, %sign3A_9 : i32
    %sign3A_11 = arith.extui %sign3A_10 : i1 to i32
    %sign3A_12 = arith.subi %sign3A_8, %sign3A_11 : i32
    %ne3A = arith.cmpi ne, %sign3A_5, %sign3A_12 : i32
    %rem3A = arith.remsi %arg0, %jit3A : i32
    %ne3A_13 = arith.constant 0 : i32
    %ne3A_14 = arith.cmpi ne, %rem3A, %ne3A_13 : i32
    %and3A = arith.andi %ne3A, %ne3A_14 : i1
    %sub3A = arith.constant 1 : i32
    %sub3A_15 = arith.subi %div3A, %sub3A : i32
    %select_n3A = arith.select %and3A, %sub3A_15, %div3A : i32
    %c0_i32 = arith.constant 0 : i32
    %c0_i32_16 = arith.constant 0 : i32
    %c0_i32_17 = arith.constant 0 : i32
    return %select_n3A, %c0_i32, %c0_i32_16 : i32, i32, i32
  }
  func.func @transform_3(%arg0: i32) -> (i32, i32) {
    %c0_i32 = arith.constant 0 : i32
    %c0_i32_0 = arith.constant 0 : i32
    return %arg0, %c0_i32 : i32, i32
  }
  func.func @transform_4(%arg0: i32) -> (i32, i32) {
    %c0_i32 = arith.constant 0 : i32
    %c0_i32_0 = arith.constant 0 : i32
    return %arg0, %c0_i32 : i32, i32
  }
  func.func @transform_5(%arg0: i32) -> (i32, i32, i32) {
    %c0_i32 = arith.constant 0 : i32
    %c0_i32_0 = arith.constant 0 : i32
    %c0_i32_1 = arith.constant 0 : i32
    return %c0_i32, %arg0, %c0_i32_0 : i32, i32, i32
  }
  func.func @transform_6(%arg0: i32) -> (i32, i32) {
    %c0_i32 = arith.constant 0 : i32
    %c0_i32_0 = arith.constant 0 : i32
    return %arg0, %c0_i32 : i32, i32
  }
}

module attributes {stable_mosaic.version = 14 : i64} {
  func.func @_combine_body(%arg0: i32, %arg1: memref<1280x128xf32, #tpu.memory_space<vmem>>, %arg2: memref<2x1280x64xf32, #tpu.memory_space<vmem>>, %arg3: memref<1280x1xf32, #tpu.memory_space<vmem>>, %arg4: memref<1x1x1xf32, #tpu.memory_space<vmem>>, %arg5: memref<1280x128xf32, #tpu.memory_space<vmem>>, %arg6: memref<2x1280x64xf32, #tpu.memory_space<vmem>>) attributes {dimension_semantics = [#tpu.dimension_semantics<arbitrary>], iteration_bounds = array<i64: 16>, scalar_prefetch = 0 : i64, scratch_operands = 0 : i64, tpu.core_type = #tpu.core_type<tc>, window_params = [{transform_indices = @transform_0, window_bounds = array<i64: 1280, 128>}, {transform_indices = @transform_1, window_bounds = array<i64: 2, 1280, 64>}, {transform_indices = @transform_2, window_bounds = array<i64: 1280, 1>}, {transform_indices = @transform_3, window_bounds = array<i64: 1, 1, 1>}, {transform_indices = @transform_4, window_bounds = array<i64: 1280, 128>}, {transform_indices = @transform_5, window_bounds = array<i64: 2, 1280, 64>}]} {
    %get3A = arith.constant 0 : index
    %get3A_0 = arith.constant 0 : index
    %get3A_1 = vector.load %arg3[%get3A, %get3A_0] : memref<1280x1xf32, #tpu.memory_space<vmem>>, vector<1280x1xf32>
    %get3A_2 = arith.constant 0 : index
    %get3A_3 = arith.constant 0 : index
    %get3A_4 = arith.constant 0 : index
    %get3A_5 = vector.load %arg2[%get3A_2, %get3A_3, %get3A_4] : memref<2x1280x64xf32, #tpu.memory_space<vmem>>, vector<1x1280x64xf32>
    %get3A_6 = vector.shape_cast %get3A_5 : vector<1x1280x64xf32> to vector<1280x64xf32>
    %get3A_7 = arith.constant 1 : index
    %get3A_8 = arith.constant 0 : index
    %get3A_9 = arith.constant 0 : index
    %get3A_10 = vector.load %arg2[%get3A_7, %get3A_8, %get3A_9] : memref<2x1280x64xf32, #tpu.memory_space<vmem>>, vector<1x1280x64xf32>
    %get3A_11 = vector.shape_cast %get3A_10 : vector<1x1280x64xf32> to vector<1280x64xf32>
    %concatenate3A = tpu.concatenate %get3A_6, %get3A_11 in 1 : vector<1280x64xf32>, vector<1280x64xf32> -> vector<1280x128xf32>
    %get3A_12 = arith.constant 0 : index
    %get3A_13 = arith.constant 0 : index
    %get3A_14 = vector.load %arg1[%get3A_12, %get3A_13] : memref<1280x128xf32, #tpu.memory_space<vmem>>, vector<1280x128xf32>
    %get3A_15 = arith.constant 0 : index
    %get3A_16 = arith.constant 0 : index
    %get3A_17 = arith.constant 0 : index
    %get3A_18 = vector.load %arg4[%get3A_15, %get3A_16, %get3A_17] : memref<1x1x1xf32, #tpu.memory_space<vmem>>, vector<1x1x1xf32>
    %get3A_19 = vector.extract %get3A_18[0, 0, 0] : f32 from vector<1x1x1xf32>
    %mul3A = vector.broadcast %get3A_19 : f32 to vector<1280x1xf32>
    %mul3A_20 = arith.mulf %mul3A, %get3A_1 : vector<1280x1xf32>
    %mul3A_21 = vector.broadcast %mul3A_20 : vector<1280x1xf32> to vector<1280x128xf32>
    %mul3A_22 = arith.mulf %mul3A_21, %concatenate3A : vector<1280x128xf32>
    %add3A = arith.addf %get3A_14, %mul3A_22 : vector<1280x128xf32>
    %swap3A = arith.constant 0 : index
    %swap3A_23 = arith.constant 0 : index
    %swap3A_24 = vector.load %arg5[%swap3A, %swap3A_23] : memref<1280x128xf32, #tpu.memory_space<vmem>>, vector<1280x128xf32>
    tpu.vector_store %arg5[%swap3A, %swap3A_23], %add3A {strides = array<i32>} : memref<1280x128xf32, #tpu.memory_space<vmem>>, vector<1280x128xf32>,
    %mul3A_25 = vector.broadcast %get3A_1 : vector<1280x1xf32> to vector<1280x128xf32>
    %mul3A_26 = arith.mulf %mul3A_25, %add3A : vector<1280x128xf32>
    %slice3A = vector.extract_strided_slice %mul3A_26 {offsets = [0, 0], sizes = [1280, 64], strides = [1, 1]} : vector<1280x128xf32> to vector<1280x64xf32>
    %swap3A_27 = arith.constant 0 : index
    %swap3A_28 = arith.constant 0 : index
    %swap3A_29 = arith.constant 0 : index
    %swap3A_30 = vector.load %arg6[%swap3A_27, %swap3A_28, %swap3A_29] : memref<2x1280x64xf32, #tpu.memory_space<vmem>>, vector<1x1280x64xf32>
    %swap3A_31 = vector.shape_cast %swap3A_30 : vector<1x1280x64xf32> to vector<1280x64xf32>
    %swap3A_32 = vector.shape_cast %slice3A : vector<1280x64xf32> to vector<1x1280x64xf32>
    tpu.vector_store %arg6[%swap3A_27, %swap3A_28, %swap3A_29], %swap3A_32 {strides = array<i32>} : memref<2x1280x64xf32, #tpu.memory_space<vmem>>, vector<1x1280x64xf32>,
    %slice3A_33 = vector.extract_strided_slice %mul3A_26 {offsets = [0, 64], sizes = [1280, 64], strides = [1, 1]} : vector<1280x128xf32> to vector<1280x64xf32>
    %swap3A_34 = arith.constant 1 : index
    %swap3A_35 = arith.constant 0 : index
    %swap3A_36 = arith.constant 0 : index
    %swap3A_37 = vector.load %arg6[%swap3A_34, %swap3A_35, %swap3A_36] : memref<2x1280x64xf32, #tpu.memory_space<vmem>>, vector<1x1280x64xf32>
    %swap3A_38 = vector.shape_cast %swap3A_37 : vector<1x1280x64xf32> to vector<1280x64xf32>
    %swap3A_39 = vector.shape_cast %slice3A_33 : vector<1280x64xf32> to vector<1x1280x64xf32>
    tpu.vector_store %arg6[%swap3A_34, %swap3A_35, %swap3A_36], %swap3A_39 {strides = array<i32>} : memref<2x1280x64xf32, #tpu.memory_space<vmem>>, vector<1x1280x64xf32>,
    return
  }
  func.func @transform_0(%arg0: i32) -> (i32, i32) {
    %c0_i32 = arith.constant 0 : i32
    %c0_i32_0 = arith.constant 0 : i32
    return %arg0, %c0_i32 : i32, i32
  }
  func.func @transform_1(%arg0: i32) -> (i32, i32, i32) {
    %c0_i32 = arith.constant 0 : i32
    %c0_i32_0 = arith.constant 0 : i32
    %c0_i32_1 = arith.constant 0 : i32
    return %c0_i32, %arg0, %c0_i32_0 : i32, i32, i32
  }
  func.func @transform_2(%arg0: i32) -> (i32, i32) {
    %c0_i32 = arith.constant 0 : i32
    %c0_i32_0 = arith.constant 0 : i32
    return %arg0, %c0_i32 : i32, i32
  }
  func.func @transform_3(%arg0: i32) -> (i32, i32, i32) {
    %jit3A = arith.constant 8 : i32
    %div3A = arith.divsi %arg0, %jit3A : i32
    %sign3A = arith.constant 0 : i32
    %sign3A_0 = arith.cmpi sgt, %arg0, %sign3A : i32
    %sign3A_1 = arith.extui %sign3A_0 : i1 to i32
    %sign3A_2 = arith.constant 0 : i32
    %sign3A_3 = arith.cmpi slt, %arg0, %sign3A_2 : i32
    %sign3A_4 = arith.extui %sign3A_3 : i1 to i32
    %sign3A_5 = arith.subi %sign3A_1, %sign3A_4 : i32
    %sign3A_6 = arith.constant 0 : i32
    %sign3A_7 = arith.cmpi sgt, %jit3A, %sign3A_6 : i32
    %sign3A_8 = arith.extui %sign3A_7 : i1 to i32
    %sign3A_9 = arith.constant 0 : i32
    %sign3A_10 = arith.cmpi slt, %jit3A, %sign3A_9 : i32
    %sign3A_11 = arith.extui %sign3A_10 : i1 to i32
    %sign3A_12 = arith.subi %sign3A_8, %sign3A_11 : i32
    %ne3A = arith.cmpi ne, %sign3A_5, %sign3A_12 : i32
    %rem3A = arith.remsi %arg0, %jit3A : i32
    %ne3A_13 = arith.constant 0 : i32
    %ne3A_14 = arith.cmpi ne, %rem3A, %ne3A_13 : i32
    %and3A = arith.andi %ne3A, %ne3A_14 : i1
    %sub3A = arith.constant 1 : i32
    %sub3A_15 = arith.subi %div3A, %sub3A : i32
    %select_n3A = arith.select %and3A, %sub3A_15, %div3A : i32
    %c0_i32 = arith.constant 0 : i32
    %c0_i32_16 = arith.constant 0 : i32
    %c0_i32_17 = arith.constant 0 : i32
    return %select_n3A, %c0_i32, %c0_i32_16 : i32, i32, i32
  }
  func.func @transform_4(%arg0: i32) -> (i32, i32) {
    %c0_i32 = arith.constant 0 : i32
    %c0_i32_0 = arith.constant 0 : i32
    return %arg0, %c0_i32 : i32, i32
  }
  func.func @transform_5(%arg0: i32) -> (i32, i32, i32) {
    %c0_i32 = arith.constant 0 : i32
    %c0_i32_0 = arith.constant 0 : i32
    %c0_i32_1 = arith.constant 0 : i32
    return %c0_i32, %arg0, %c0_i32_0 : i32, i32, i32
  }
}

module attributes {stable_mosaic.version = 14 : i64} {
  func.func @_combine_body(%arg0: i32, %arg1: memref<1280x128xf32, #tpu.memory_space<vmem>>, %arg2: memref<2x1280x64xf32, #tpu.memory_space<vmem>>, %arg3: memref<1280x1xf32, #tpu.memory_space<vmem>>, %arg4: memref<1x1x1xf32, #tpu.memory_space<vmem>>, %arg5: memref<1280x128xf32, #tpu.memory_space<vmem>>) attributes {dimension_semantics = [#tpu.dimension_semantics<arbitrary>], iteration_bounds = array<i64: 16>, scalar_prefetch = 0 : i64, scratch_operands = 0 : i64, tpu.core_type = #tpu.core_type<tc>, window_params = [{transform_indices = @transform_0, window_bounds = array<i64: 1280, 128>}, {transform_indices = @transform_1, window_bounds = array<i64: 2, 1280, 64>}, {transform_indices = @transform_2, window_bounds = array<i64: 1280, 1>}, {transform_indices = @transform_3, window_bounds = array<i64: 1, 1, 1>}, {transform_indices = @transform_4, window_bounds = array<i64: 1280, 128>}]} {
    %get3A = arith.constant 0 : index
    %get3A_0 = arith.constant 0 : index
    %get3A_1 = vector.load %arg3[%get3A, %get3A_0] : memref<1280x1xf32, #tpu.memory_space<vmem>>, vector<1280x1xf32>
    %get3A_2 = arith.constant 0 : index
    %get3A_3 = arith.constant 0 : index
    %get3A_4 = arith.constant 0 : index
    %get3A_5 = vector.load %arg2[%get3A_2, %get3A_3, %get3A_4] : memref<2x1280x64xf32, #tpu.memory_space<vmem>>, vector<1x1280x64xf32>
    %get3A_6 = vector.shape_cast %get3A_5 : vector<1x1280x64xf32> to vector<1280x64xf32>
    %get3A_7 = arith.constant 1 : index
    %get3A_8 = arith.constant 0 : index
    %get3A_9 = arith.constant 0 : index
    %get3A_10 = vector.load %arg2[%get3A_7, %get3A_8, %get3A_9] : memref<2x1280x64xf32, #tpu.memory_space<vmem>>, vector<1x1280x64xf32>
    %get3A_11 = vector.shape_cast %get3A_10 : vector<1x1280x64xf32> to vector<1280x64xf32>
    %concatenate3A = tpu.concatenate %get3A_6, %get3A_11 in 1 : vector<1280x64xf32>, vector<1280x64xf32> -> vector<1280x128xf32>
    %get3A_12 = arith.constant 0 : index
    %get3A_13 = arith.constant 0 : index
    %get3A_14 = vector.load %arg1[%get3A_12, %get3A_13] : memref<1280x128xf32, #tpu.memory_space<vmem>>, vector<1280x128xf32>
    %get3A_15 = arith.constant 0 : index
    %get3A_16 = arith.constant 0 : index
    %get3A_17 = arith.constant 0 : index
    %get3A_18 = vector.load %arg4[%get3A_15, %get3A_16, %get3A_17] : memref<1x1x1xf32, #tpu.memory_space<vmem>>, vector<1x1x1xf32>
    %get3A_19 = vector.extract %get3A_18[0, 0, 0] : f32 from vector<1x1x1xf32>
    %mul3A = vector.broadcast %get3A_19 : f32 to vector<1280x1xf32>
    %mul3A_20 = arith.mulf %mul3A, %get3A_1 : vector<1280x1xf32>
    %mul3A_21 = vector.broadcast %mul3A_20 : vector<1280x1xf32> to vector<1280x128xf32>
    %mul3A_22 = arith.mulf %mul3A_21, %concatenate3A : vector<1280x128xf32>
    %add3A = arith.addf %get3A_14, %mul3A_22 : vector<1280x128xf32>
    %swap3A = arith.constant 0 : index
    %swap3A_23 = arith.constant 0 : index
    %swap3A_24 = vector.load %arg5[%swap3A, %swap3A_23] : memref<1280x128xf32, #tpu.memory_space<vmem>>, vector<1280x128xf32>
    tpu.vector_store %arg5[%swap3A, %swap3A_23], %add3A {strides = array<i32>} : memref<1280x128xf32, #tpu.memory_space<vmem>>, vector<1280x128xf32>,
    return
  }
  func.func @transform_0(%arg0: i32) -> (i32, i32) {
    %c0_i32 = arith.constant 0 : i32
    %c0_i32_0 = arith.constant 0 : i32
    return %arg0, %c0_i32 : i32, i32
  }
  func.func @transform_1(%arg0: i32) -> (i32, i32, i32) {
    %c0_i32 = arith.constant 0 : i32
    %c0_i32_0 = arith.constant 0 : i32
    %c0_i32_1 = arith.constant 0 : i32
    return %c0_i32, %arg0, %c0_i32_0 : i32, i32, i32
  }
  func.func @transform_2(%arg0: i32) -> (i32, i32) {
    %c0_i32 = arith.constant 0 : i32
    %c0_i32_0 = arith.constant 0 : i32
    return %arg0, %c0_i32 : i32, i32
  }
  func.func @transform_3(%arg0: i32) -> (i32, i32, i32) {
    %jit3A = arith.constant 8 : i32
    %div3A = arith.divsi %arg0, %jit3A : i32
    %sign3A = arith.constant 0 : i32
    %sign3A_0 = arith.cmpi sgt, %arg0, %sign3A : i32
    %sign3A_1 = arith.extui %sign3A_0 : i1 to i32
    %sign3A_2 = arith.constant 0 : i32
    %sign3A_3 = arith.cmpi slt, %arg0, %sign3A_2 : i32
    %sign3A_4 = arith.extui %sign3A_3 : i1 to i32
    %sign3A_5 = arith.subi %sign3A_1, %sign3A_4 : i32
    %sign3A_6 = arith.constant 0 : i32
    %sign3A_7 = arith.cmpi sgt, %jit3A, %sign3A_6 : i32
    %sign3A_8 = arith.extui %sign3A_7 : i1 to i32
    %sign3A_9 = arith.constant 0 : i32
    %sign3A_10 = arith.cmpi slt, %jit3A, %sign3A_9 : i32
    %sign3A_11 = arith.extui %sign3A_10 : i1 to i32
    %sign3A_12 = arith.subi %sign3A_8, %sign3A_11 : i32
    %ne3A = arith.cmpi ne, %sign3A_5, %sign3A_12 : i32
    %rem3A = arith.remsi %arg0, %jit3A : i32
    %ne3A_13 = arith.constant 0 : i32
    %ne3A_14 = arith.cmpi ne, %rem3A, %ne3A_13 : i32
    %and3A = arith.andi %ne3A, %ne3A_14 : i1
    %sub3A = arith.constant 1 : i32
    %sub3A_15 = arith.subi %div3A, %sub3A : i32
    %select_n3A = arith.select %and3A, %sub3A_15, %div3A : i32
    %c0_i32 = arith.constant 0 : i32
    %c0_i32_16 = arith.constant 0 : i32
    %c0_i32_17 = arith.constant 0 : i32
    return %select_n3A, %c0_i32, %c0_i32_16 : i32, i32, i32
  }
  func.func @transform_4(%arg0: i32) -> (i32, i32) {
    %c0_i32 = arith.constant 0 : i32
    %c0_i32_0 = arith.constant 0 : i32
    return %arg0, %c0_i32 : i32, i32
  }
}

</mosaic_0001>

<sc_bundles>
// kernel: kernel.11.cloned.1.call-start
scs
__scs_entry_jumppad:
0x0: {  	(pc) =	sbr.rel $0x88, $3  }
0x1: {  	(tag) =	ssettag $0x0;
	lr =	simm.s32 $0x1  }
0x2: {  	[smem:$0x3F99] =	sst lr;
	_ =	strace $0xD0000000  }
0x3: {  	_ = 	snop  }
0x4: {  	_ = 	snop  }
0x5: {  	_ = 	snop  }
0x6: {  	_ = 	snop  }
0x7: {  	_ = 	snop  }
__scs_overlays_trampoline_lowered:
0x8: {  	[smem:$0x3FA8] =	sst s0  }
0x9: {  	[smem:$0x3FA9] =	sst s1  }
0xa: {  	[smem:$0x3FAA] =	sst s2  }
0xb: {  	[smem:$0x3FAB] =	sst s3  }
0xc: {  	[smem:$0x3FAC] =	sst s4  }
0xd: {  	[smem:$0x3FAD] =	sst s5  }
0xe: {  	[smem:$0x3FAE] =	sst s6  }
0xf: {  	[smem:$0x3FAF] =	sst s7  }
0x10: {  	[smem:$0x3FB0] =	sst s8  }
0x11: {  	[smem:$0x3FB1] =	sst s9;
	s0 =	simm.s32 @!p0 $0x0  }
0x12: {  	s1 =	sld [smem:$0x3F97];
	s0 =	simm.s32 @p0 $0x1  }
0x13: {  	[smem:$0x3FB2] =	sst s0;
	s0 =	simm.s32 @!p1 $0x0  }
0x14: {  	s2 =	sld [smem:$0x3F96];
	s0 =	simm.s32 @p1 $0x1  }
0x15: {  	[smem:$0x3FB3] =	sst s0;
	s0 =	simm.s32 @!p2 $0x0  }
0x16: {  	s3 =	sld [smem:$0x3FDB];
	s0 =	simm.s32 @p2 $0x1  }
0x17: {  	s4 =	simm.s32 $0x1BF5;
	[smem:$0x3FB5] =	sst s0  }
0x18: {  	s0 =	sld [smem:$0x3F98];
	_ =	swait.ge [sflag:s4], $0x0  }
0x19: {  	s7 =	sld [smem:$0x3F99]  }
0x1a: {  	s8 =	sadd.s32 $0xFFFFE003, lr  }
0x1b: {  	s9 =	sadd.s32 $0xFFFFFEF7, lr;
	s5 =	simm.s32 $0xFFFFFFFF;
	p2 =	slt.u32 s8, $0xFFFFF086  }
0x1c: {  	p1 =	slt.u32 s9, $0xF7A;
	s5 =	simm.s32 @!p2 $0x0  }
0x1d: {  	s5 =	simm.s32 @p1 $0x1;
	p0 =	seq.s32 s7, s2  }
0x1e: {  	s7 =	smul.u32 @!p0 $0xF7A, s2;
	p2 =	seq.s32 @!p0 s5, $0x0  }
0x1f: {  	s9 =	smul.u32 $0xF7A, s1;
	s8 =	simm.s32 @!p0 $0x1BF5;
	p2 =	por !p2, p0  }
0x20: {  	[sflag:s8] =	ssyncset.s32 @!p0 $0xFFFFF086;
	s6 =	sadd.s32 @!p0 s3, s7;
	s7 =	simm.s32 @!p0 $0x108  }
0x21: {  	s3 =	sadd.s32 s3, s9;
	s6 =	sadd.s32 @!p0 $0x88, s6;
	s7 =	simm.s32 @p2 $0x1082  }
0x22: {  	[simem:s7], [sflag:s8] =	dma.local @!p0 [hbm:s6], $0xF7A  }
0x23: {  	s9 =	sor.u32 $0xD0000000, s2;
	s6 =	simm.s32 $0x108;
	_ =	swait.ge @!p0 [sflag:s8], $0x0  }
0x24: {  	s3 =	sadd.s32 $0x88, s3;
	s6 =	simm.s32 @!p1 $0x1082;
	[sflag:s4] =	ssyncset.s32 $0xFFFFF086  }
0x25: {  	[simem:s6], [sflag:s4] =	dma.local [hbm:s3], $0xF7A  }
0x26: {  	[smem:$0x3F99] =	sst s1;
	(tag) =	ssettag s2;
	_ =	strace s9  }
0x27: {  	s1 =	sld [smem:$0x3FA9]  }
0x28: {  	s2 =	sld [smem:$0x3FAA]  }
0x29: {  	s4 =	sld [smem:$0x3FAC]  }
0x2a: {  	p0 =	seq.s32 s5, $0x0;
	s5 =	sld [smem:$0x3FAD]  }
0x2b: {  	s6 =	sld [smem:$0x3FAE]  }
0x2c: {  	s7 =	sld [smem:$0x3FAF]  }
0x2d: {  	s3 =	simm.s32 $0x108;
	s8 =	sld [smem:$0x3FB0]  }
0x2e: {  	s3 =	simm.s32 @!p0 $0x1082;
	s9 =	sld [smem:$0x3FB1]  }
0x2f: {  	lr =	sadd.s32 s0, s3;
	s0 =	sld [smem:$0x3FA8]  }
0x30: {  	s3 =	sld [smem:$0x3FAB]  }
0x31: {  	[smem:$0x3FB4] =	sst s10  }
0x32: {  	s10 =	sld [smem:$0x3FB2];
	_ =	sdelay $0x3  }
0x33: {  	p0 =	seq.s32 s10, $0x1;
	s10 =	sld [smem:$0x3FB4];
	_ =	sdelay $0x3  }
0x34: {  	[smem:$0x3FB4] =	sst s10  }
0x35: {  	s10 =	sld [smem:$0x3FB3];
	_ =	sdelay $0x3  }
0x36: {  	p1 =	seq.s32 s10, $0x1;
	s10 =	sld [smem:$0x3FB4];
	_ =	sdelay $0x3  }
0x37: {  	[smem:$0x3FB4] =	sst s10  }
0x38: {  	s10 =	sld [smem:$0x3FB5]  }
0x39: {  	_ = 	snop;
	(pc) =	sbr.ind lr, $3  }
0x3a: {  	_ = 	snop  }
0x3b: {  	_ = 	snop  }
0x3c: {  	p2 =	seq.s32 s10, $0x1;
	s10 =	sld [smem:$0x3FB4]  }
0x3d: {  	_ =	shalt  }
0x3e: {  	_ =	shalt  }
0x3f: {  	_ =	shalt  }
0x40: {  	_ =	shalt  }
0x41: {  	_ =	shalt  }
0x42: {  	_ =	shalt  }
0x43: {  	_ =	shalt  }
0x44: {  	_ =	shalt  }
0x45: {  	_ =	shalt  }
0x46: {  	_ =	shalt  }
0x47: {  	_ =	shalt  }
0x48: {  	_ =	shalt  }
0x49: {  	_ =	shalt  }
0x4a: {  	_ =	shalt  }
0x4b: {  	_ =	shalt  }
0x4c: {  	_ =	shalt  }
0x4d: {  	_ =	shalt  }
0x4e: {  	_ =	shalt  }
0x4f: {  	_ =	shalt  }
0x50: {  	_ =	shalt  }
0x51: {  	_ =	shalt  }
0x52: {  	_ =	shalt  }
0x53: {  	_ =	shalt  }
0x54: {  	_ =	shalt  }
0x55: {  	_ =	shalt  }
0x56: {  	_ =	shalt  }
0x57: {  	_ =	shalt  }
0x58: {  	_ =	shalt  }
0x59: {  	_ =	shalt  }
0x5a: {  	_ =	shalt  }
0x5b: {  	_ =	shalt  }
0x5c: {  	_ =	shalt  }
0x5d: {  	_ =	shalt  }
0x5e: {  	_ =	shalt  }
0x5f: {  	_ =	shalt  }
0x60: {  	_ =	shalt  }
0x61: {  	_ =	shalt  }
0x62: {  	_ =	shalt  }
0x63: {  	_ =	shalt  }
0x64: {  	_ =	shalt  }
0x65: {  	_ =	shalt  }
0x66: {  	_ =	shalt  }
0x67: {  	_ =	shalt  }
0x68: {  	_ =	shalt  }
0x69: {  	_ =	shalt  }
0x6a: {  	_ =	shalt  }
0x6b: {  	_ =	shalt  }
0x6c: {  	_ =	shalt  }
0x6d: {  	_ =	shalt  }
0x6e: {  	_ =	shalt  }
0x6f: {  	_ =	shalt  }
0x70: {  	_ =	shalt  }
0x71: {  	_ =	shalt  }
0x72: {  	_ =	shalt  }
0x73: {  	_ =	shalt  }
0x74: {  	_ =	shalt  }
0x75: {  	_ =	shalt  }
0x76: {  	_ =	shalt  }
0x77: {  	_ =	shalt  }
0x78: {  	_ =	shalt  }
0x79: {  	_ =	shalt  }
0x7a: {  	_ =	shalt  }
0x7b: {  	_ =	shalt  }
0x7c: {  	_ =	shalt  }
0x7d: {  	_ =	shalt  }
0x7e: {  	_ =	shalt  }
0x7f: {  	_ =	shalt  }
0x80: {  	_ =	shalt  }
0x81: {  	_ =	shalt  }
0x82: {  	_ =	shalt  }
0x83: {  	_ =	shalt  }
0x84: {  	_ =	shalt  }
0x85: {  	_ =	shalt  }
0x86: {  	_ =	shalt  }
0x87: {  	_ =	shalt  }
.Lfunc_end0:
.L_simem_size_0:
called_computation.1_lowered:
.L_overlay_start_0:
0x88: {  	s2 =	sld [smem:$0x3FD9]  }
0x89: {  	s3 =	sld [smem:$0x3FFE];
	_ =	sdelay $0x1  }
0x8a: {  	s1 =	srdreg.scid  }
0x8b: {  	s0 =	sand.u32 $0x1, s1  }
0x8c: {  	s14 =	sshll.u32 s0, $0xA;
	s2 =	sadd.s32 s3, s2  }
0x8d: {  	s2 =	sadd.s32 s2, s14  }
0x8e: {  	[smem:$0x3FC0] =	sst s2  }
0x8f: {  	_ = 	snop  }
0x90: {  	s2 =	sld [smem:$0x3FD0];
	_ =	sdelay $0x2  }
0x91: {  	s15 =	simm.s32 $0xA;
	s4 =	simm.s32 $0x10  }
0x92: {  	[smem:s4], [sflag:s15] =	dma.local [hbm:s2], $0x1  }
0x93: {  	_ =	swait.eq [sflag:s15], $0x1  }
0x94: {  	[sflag:s15] =	ssyncset.done $0x0  }
0x95: {  	[sflag:s15] =	ssyncadd.s32 $0xFFFFFFFF  }
0x96: {  	s16 =	sld [smem:$0x10];
	(tm) =	ssettm $0x1  }
0x97: {  	s17 =	sld [smem:$0x3FFB];
	_ =	sdelay $0x3  }
0x98: {  	_ =	strace s17  }
0x99: {  	s3 =	sld [smem:$0x3FFC];
	_ =	sdelay $0x3  }
0x9a: {  	_ =	strace s3  }
0x9b: {  	s3 =	sld [smem:$0x3FFD];
	_ =	sdelay $0x3  }
0x9c: {  	_ =	strace s3  }
0x9d: {  	_ =	strace $0x8FFFFFFF  }
0x9e: {  	s18 =	sld [smem:$0x3FDB];
	_ =	sdelay $0x1  }
0x9f: {  	s19 =	simm.s32 $_scs_section_size  }
0xa0: {  	s5 =	simm.s32 $_size__tile_overlayer_lowered;
	s6 =	simm.s32 $_tile_overlayer_lowered  }
0xa1: {  	s22 =	simm.s32 $0x1BFF;
	s21 =	sshll.u32 s6, $0x1;
	s3 =	sadd.s32 s19, s18  }
0xa2: {  	s7 =	simm.s32 $0x0;
	s20 =	sshll.u32 s5, $0x1;
	s5 =	sadd.s32 s21, s3  }
0xa3: {  	[timem:s7], [sflag:s22] =	dma.local [hbm:s5], s20  }
0xa4: {  	_ =	swait.ge [sflag:s22], s20  }
0xa5: {  	s4 =	ssub.s32 $0x0, s20;
	[sflag:s22] =	ssyncset.done $0x0  }
0xa6: {  	[sflag:s22] =	ssyncadd.s32 s4;
	_ =	sdelay $0x1  }
0xa7: {  	s23 =	simm.s32 $0x1B8B  }
0xa8: {  	_ =	swait.ge [sflag:s23], $0x1  }
0xa9: {  	[sflag:s23] =	ssyncset.done $0x0  }
0xaa: {  	s25 =	simm.s32 $0x1B8E;
	s24 =	sld [smem:$0x3FFE];
	[sflag:s23] =	ssyncadd.s32 $0xFFFFFFFF  }
0xab: {  	s26 =	simm.s32 $execute0_lowered;
	[smem:$0x3FD2] =	sst s25  }
0xac: {  	s5 =	sshll.u32 s26, $0x1;
	_ =	strace $0x80000049;
	[dreg:$0x1] =	wrdreg $0xFFFFFFFF  }
0xad: {  	s28 =	simm.s32 $_size_execute0_lowered;
	s3 =	sadd.s32 s3, s5;
	[dreg:$0x0] =	wrdreg $0x0  }
0xae: {  	s5 =	sshll.u32 s28, $0x1;
	[dreg:$0x2] =	wrdreg s3  }
0xaf: {  	[dreg:$0x3] =	wrdreg s5  }
0xb0: {  	[dreg:$0x4] =	wrdreg $0xC0  }
0xb1: {  	_ =	task [dreg:s7], $0x5FFFF  }
0xb2: {  	[dreg:$0x1] =	wrdreg $0xFFFFFFFF  }
0xb3: {  	[dreg:$0x0] =	wrdreg $0x60  }
0xb4: {  	[dreg:$0x2] =	wrdreg s24  }
0xb5: {  	[dreg:$0x3] =	wrdreg s16  }
0xb6: {  	[dreg:$0x4] =	wrdreg $0x120000  }
0xb7: {  	[dreg:$0x5] =	wrdreg $0x9  }
0xb8: {  	_ =	task.clear_ibuf [dreg:s7], $0x6FFFF;
	_ =	strace $0x90000049  }
0xb9: {  	s29 =	simm.s32 $0x9;
	_ =	strace $0x8000004B  }
0xba: {  	_ =	swait.ge [sflag:s29], $0x1  }
0xbb: {  	[sflag:s29] =	ssyncadd.s32 $0xFFFFFFFF  }
0xbc: {  	_ =	strace $0x9000004B  }
0xbd: {  	_ =	sfence  }
0xbe: {  	s30 =	sld [smem:$0x0];
	_ =	sdelay $0x2  }
0xbf: {  	s31 =	sshll.u32 s1, $0xD;
	s1 =	sshrl.u32 s1, $0x2  }
0xc0: {  	s3 =	sand.u32 $0x4000, s31;
	s1 =	sadd.s32 s1, s30  }
0xc1: {  	s0 =	sor.u32 s3, s0;
	s1 =	sshll.u32 s1, $0x11  }
0xc2: {  	s0 =	sor.u32 s1, s0  }
0xc3: {  	s0 =	sadd.s32 $0x8F2B, s0  }
0xc4: {  	[sflag:s0] =	ssyncadd.remote.s32 $0x1  }
0xc5: {  	_ =	sfence.sel $0xFFFF  }
0xc6: {  	[dreg:$0x0] =	wrdreg $0xFFFFFFFF;
	(pc) =	sbr.abs _section_cstart, $3  }
0xc7: {  	[dreg:$0x1] =	wrdreg $0xFFFFFFFF  }
0xc8: {  	_ =	task.clear_ibuf [dreg:s7], $0x2FFFF;
	_ =	strace $0x9FFFFFFF  }
0xc9: {  	(tm) =	ssettm $0x7FFFFFFF  }
tec
execute0_lowered:
.L_overlay_start_1:
0x0: {  	(tag) =	ssettag $0x1  }
0x1: {  	s0 =	rddreg [dreg:$0x0]  }
0x2: {  	s1 =	rddreg [dreg:$0x1]  }
0x3: {  	s2 =	rddreg [dreg:$0x2];
	s4 =	srdreg.scid  }
0x4: {  	s3 =	simm.s32 $0x0;
	s14 =	stileid.u32;
	s16 =	simm.s32 $0x80  }
0x5: {  	s17 =	simm.s32 $0xA000;
	s18 =	simm.s32 $0xC000;
	s20 =	simm.s32 $0xE000  }
0x6: {  	s21 =	simm.s32 $0x1;
	s23 =	simm.s32 $0x10000;
	s28 =	simm.s32 $0x5  }
0x7: {  	s30 =	simm.s32 $0x3;
	s5 =	sand.u32 $0x1, s4;
	s6 =	smul.u32 $0x280, s14  }
0x8: {  	[smem:$0x7FF] =	sst s3;
	s10 =	smul.u32 $0x28000, s14;
	s31 =	sshll.u32 s14, $0x6  }
0x9: {  	s4 =	sshll.u32 s5, $0x4;
	s7 =	sxor.u32 $0x1, s5;
	_ =	strace $0x8000004A  }
0xa: {  	s9 =	ssub.s32 $0x2, s5;
	s5 =	smul.u32 $0x2800, s5;
	s8 =	sor.u32 s14, s4  }
0xb: {  	s7 =	smul.u32 $0x2800, s7;
	s4 =	sadd.s32 $0x66A00, s0;
	s11 =	sshrl.u32 s9, $0x1  }
0xc: {  	s10 =	sshrl.u32 s10, $0x2;
	s14 =	sor.u32 $0x1C09, s31;
	s8 =	smul.u32 $0xA00, s8  }
0xd: {  	s9 =	ssub.s32 s9, s11;
	s5 =	sadd.s32 s6, s5;
	s25 =	sadd.s32 s10, s2  }
0xe: {  	s10 =	sadd.s32 $0x8EA00, s0;
	s11 =	simm.s32 $0x8;
	s7 =	sadd.s32 s6, s7  }
0xf: {  	s5 =	sshll.u32 s5, $0x3;
	s29 =	smax.u32 s9, $0x1;
	s15 =	sshrl.u32 s25, $0x3  }
0x10: {  	s25 =	simm.s32 $0x2;
	s6 =	simm.s32 $0x5180;
	s9 =	simm.s32 $0x300  }
0x11: {  	s7 =	sshll.u32 s7, $0x3;
	s12 =	sadd.s32 s8, s0;
	[dreg:$0x6] =	wrdreg s5  }
0x12: {  	s1 =	sadd.s32 s1, s8;
	s5 =	sadd.s32 s4, s5;
	[dreg:$0x9] =	wrdreg s29  }
0x13: {  	s8 =	simm.s32 $0x7;
	s13 =	sadd.s32 s7, s0;
	[dreg:$0x5] =	wrdreg s1  }
.Ltmp0:
0x14: {  	s24 =	sadd.s32 $0x2A00, s12;
	[dreg:$0x7] =	wrdreg s5;
	(pc) =	sbr.rel .LBB2_1-.Ltmp0, $4  }
0x15: {  	s0 =	sadd.s32 $0xDEA00, s0;
	s12 =	simm.s32 $0x9;
	s1 =	simm.s32 $0x280  }
0x16: {  	s5 =	simm.s32 $0x4;
	[dreg:$0x4] =	wrdreg s24;
	s26 =	sadd.s32 $0xB6A00, s13  }
0x17: {  	s13 =	simm.s32 $0x5000;
	s0 =	sadd.s32 s7, s0;
	[dreg:$0x8] =	wrdreg s26  }
0x18: {  	s7 =	simm.s32 $0x0;
	[dreg:$0xa] =	wrdreg s0;
	s0 =	simm.s32 $0x6  }
.LBB2_7:
0x19: {  	_ =	swait.ge [sflag:s28], $0x2000  }
0x1a: {  	[sflag:s28] =	ssyncset.done $0x0  }
0x1b: {  	[sflag:s28] =	ssyncadd.s32 $0xFFFFE000  }
0x1c: {  	_ =	swait.ge [sflag:s0], $0x2000  }
0x1d: {  	[sflag:s0] =	ssyncset.done $0x0  }
0x1e: {  	[sflag:s0] =	ssyncadd.s32 $0xFFFFE000  }
0x1f: {  	_ =	swait.ge [sflag:s8], $0x2000  }
0x20: {  	[sflag:s8] =	ssyncset.done $0x0  }
0x21: {  	[sflag:s8] =	ssyncadd.s32 $0xFFFFE000  }
0x22: {  	_ =	swait.ge [sflag:s11], $0x2000  }
0x23: {  	[sflag:s11] =	ssyncset.done $0x0  }
0x24: {  	[sflag:s11] =	ssyncadd.s32 $0xFFFFE000  }
0x25: {  	[bflag:$0x0] =	sbarrier.arrive $0xFFFF  }
0x26: {  	s19 =	rddreg [dreg:$0xa]  }
0x27: {  	[hbm:s19], [sflag:s14] =	dma.local [spmem:s15], $0x1400  }
0x28: {  	_ =	swait.ge [sflag:s12], $0x1400  }
0x29: {  	s7 =	sadd.s32 $0x1, s7;
	s31 =	rddreg [dreg:$0x9]  }
0x2a: {  	p0 =	sne.s32 s7, s31  }
.Ltmp1:
0x2b: {  	_ = 	snop;
	(pc) =	sbr.rel @!p0 .LBB2_8-.Ltmp1, $3  }
0x2c: {  	[sflag:s12] =	ssyncset.done $0x0  }
0x2d: {  	[sflag:s12] =	ssyncadd.s32 $0xFFFFEC00  }
0x2e: {  	[bflag:$0x0] =	sbarrier.arrive $0xFFFF;
	_ =	sdelay $0x1  }
.LBB2_1:
0x2f: {  	s19 =	rddreg [dreg:$0x4]  }
0x30: {  	[tilespmem:s3], [sflag:$0x9] =	stream.linear.gather [hbm4b:s19+s3], $0x5000, $0x38;
	[tilespmem:$0x1C000] =	vst v63  }
0x31: {  	_ =	swait.ge [sflag:s12], $0x5000  }
0x32: {  	[sflag:s12] =	ssyncset.done $0x0  }
0x33: {  	s29 =	rddreg [dreg:$0x5];
	[sflag:s12] =	ssyncadd.s32 $0xFFFFB000  }
0x34: {  	[tilespmem:s13], [sflag:$0x9] =	stream.linear.gather [hbm4b:s29+s3], $0x5000, $0x38;
	[tilespmem:$0x1C000] =	vst v63  }
0x35: {  	_ =	swait.ge [sflag:s12], $0x5000  }
0x36: {  	[sflag:s12] =	ssyncset.done $0x0  }
0x37: {  	s31 =	rddreg [dreg:$0x7];
	[sflag:s12] =	ssyncadd.s32 $0xFFFFB000  }
0x38: {  	[spmem:s15], [sflag:s14] =	dma.local [hbm:s31], $0x1400  }
0x39: {  	_ =	swait.ge [sflag:s12], $0x1400  }
0x3a: {  	[sflag:s12] =	ssyncset.done $0x0  }
0x3b: {  	[sflag:s12] =	ssyncadd.s32 $0xFFFFEC00  }
0x3c: {  	[bflag:$0x0] =	sbarrier.arrive $0xFFFF  }
0x3d: {  	[tilespmem:s17], [sflag:$0x1] =	stream.indirect.gather [hbm4b:s4+s16], $0x40, s3, s16, $0xb8;
	[tilespmem:$0x1C000] =	vst v63  }
0x3e: {  	_ = 	snop  }
0x3f: {  	[tilespmem:s18], [sflag:$0x2] =	stream.indirect.gather [hbm4b:s4+s16], $0x40, s16, s16, $0xb8;
	[tilespmem:$0x1C000] =	vst v63  }
0x40: {  	s22 =	simm.s32 $0x100  }
0x41: {  	[tilespmem:s20], [sflag:$0x3] =	stream.indirect.gather [hbm4b:s4+s16], $0x40, s22, s16, $0xb8;
	[tilespmem:$0x1C000] =	vst v63  }
0x42: {  	_ =	swait.ge [sflag:s21], $0x2000  }
0x43: {  	[sflag:s21] =	ssyncset.done $0x0  }
0x44: {  	[sflag:s21] =	ssyncadd.s32 $0xFFFFE000  }
0x45: {  	[spmem:s2] =	stream.indirect.scatter.add.f32 [tilespmem:s17], [sflag:$0x5], $0x40, s13, s16, $0xb8;
	[tilespmem:$0x1C000] =	vst v63  }
0x46: {  	s24 =	simm.s32 $0x180  }
0x47: {  	[tilespmem:s23], [sflag:$0x4] =	stream.indirect.gather [hbm4b:s4+s16], $0x40, s24, s16, $0xb8;
	[tilespmem:$0x1C000] =	vst v63  }
0x48: {  	_ =	swait.ge [sflag:s25], $0x2000  }
0x49: {  	[sflag:s25] =	ssyncset.done $0x0  }
0x4a: {  	s26 =	simm.s32 $0x5080;
	[sflag:s25] =	ssyncadd.s32 $0xFFFFE000  }
0x4b: {  	[spmem:s2] =	stream.indirect.scatter.add.f32 [tilespmem:s18], [sflag:$0x6], $0x40, s26, s16, $0xb8;
	[tilespmem:$0x1C000] =	vst v63  }
0x4c: {  	_ =	swait.ge [sflag:s28], $0x2000  }
0x4d: {  	[sflag:s28] =	ssyncset.done $0x0  }
0x4e: {  	s29 =	simm.s32 $0x200;
	[sflag:s28] =	ssyncadd.s32 $0xFFFFE000  }
0x4f: {  	[tilespmem:s17], [sflag:$0x1] =	stream.indirect.gather [hbm4b:s4+s16], $0x40, s29, s16, $0xb8;
	[tilespmem:$0x1C000] =	vst v63  }
0x50: {  	_ =	swait.ge [sflag:s30], $0x2000  }
0x51: {  	[sflag:s30] =	ssyncset.done $0x0  }
0x52: {  	s31 =	simm.s32 $0x5100;
	[sflag:s30] =	ssyncadd.s32 $0xFFFFE000  }
0x53: {  	[spmem:s2] =	stream.indirect.scatter.add.f32 [tilespmem:s20], [sflag:$0x7], $0x40, s31, s16, $0xb8;
	[tilespmem:$0x1C000] =	vst v63  }
0x54: {  	_ =	swait.ge [sflag:s0], $0x2000  }
0x55: {  	[sflag:s0] =	ssyncset.done $0x0  }
0x56: {  	[sflag:s0] =	ssyncadd.s32 $0xFFFFE000  }
0x57: {  	[tilespmem:s18], [sflag:$0x2] =	stream.indirect.gather [hbm4b:s4+s16], $0x40, s1, s16, $0xb8;
	[tilespmem:$0x1C000] =	vst v63  }
0x58: {  	_ =	swait.ge [sflag:s5], $0x2000  }
0x59: {  	[sflag:s5] =	ssyncset.done $0x0  }
0x5a: {  	[sflag:s5] =	ssyncadd.s32 $0xFFFFE000  }
0x5b: {  	[spmem:s2] =	stream.indirect.scatter.add.f32 [tilespmem:s23], [sflag:$0x8], $0x40, s6, s16, $0xb8;
	[tilespmem:$0x1C000] =	vst v63  }
0x5c: {  	_ =	swait.ge [sflag:s8], $0x2000  }
0x5d: {  	[sflag:s8] =	ssyncset.done $0x0  }
0x5e: {  	s19 =	simm.s32 $0x0;
	[sflag:s8] =	ssyncadd.s32 $0xFFFFE000  }
0x5f: {  	[tilespmem:s20], [sflag:$0x3] =	stream.indirect.gather [hbm4b:s4+s16], $0x40, s9, s16, $0xb8;
	[tilespmem:$0x1C000] =	vst v63  }
.LBB2_2:
0x60: {  	_ =	swait.ge [sflag:s21], $0x2000  }
0x61: {  	s22 =	sshra.s32 s19, $0x2;
	[sflag:s21] =	ssyncset.done $0x0  }
0x62: {  	s26 =	sadd.s32 $0x5200, s22;
	[sflag:s21] =	ssyncadd.s32 $0xFFFFE000  }
0x63: {  	[spmem:s2] =	stream.indirect.scatter.add.f32 [tilespmem:s17], [sflag:$0x5], $0x40, s26, s16, $0xb8;
	[tilespmem:$0x1C000] =	vst v63  }
0x64: {  	_ =	swait.ge [sflag:s11], $0x2000  }
0x65: {  	[sflag:s11] =	ssyncset.done $0x0  }
0x66: {  	s24 =	sadd.s32 $0x380, s22;
	[sflag:s11] =	ssyncadd.s32 $0xFFFFE000  }
0x67: {  	[tilespmem:s23], [sflag:$0x4] =	stream.indirect.gather [hbm4b:s4+s16], $0x40, s24, s16, $0xb8;
	[tilespmem:$0x1C000] =	vst v63  }
0x68: {  	_ =	swait.ge [sflag:s25], $0x2000  }
0x69: {  	p0 =	seq.s32 s19, $0x13000;
	[sflag:s25] =	ssyncset.done $0x0  }
0x6a: {  	s29 =	sadd.s32 $0x5280, s22;
	s26 =	simm.s32 @p0 $0x3;
	[sflag:s25] =	ssyncadd.s32 $0xFFFFE000  }
0x6b: {  	[spmem:s2] =	stream.indirect.scatter.add.f32 [tilespmem:s18], [sflag:$0x6], $0x40, s29, s16, $0xb8;
	[tilespmem:$0x1C000] =	vst v63  }
0x6c: {  	_ =	swait.ge @p0 [sflag:s26], $0x2000  }
0x6d: {  	[sflag:s26] =	ssyncset.done @p0 $0x0  }
0x6e: {  	[sflag:s26] =	ssyncadd.s32 @p0 $0xFFFFE000;
	s26 =	sshra.s32 @p0 s19, $0x2  }
0x6f: {  	s24 =	simm.s32 @p0 $0xE000;
	s29 =	simm.s32 @p0 $0x80;
	s26 =	sadd.s32 @p0 $0x5300, s26  }
0x70: {  	[spmem:s2] =	stream.indirect.scatter.add.f32 @p0 [tilespmem:s24], [sflag:$0x7], $0x40, s26, s29, $0xb8;
	[tilespmem:$0x1C000] =	vst v63  }
0x71: {  	s24 =	simm.s32 @!p0 $0x5  }
0x72: {  	_ =	swait.ge @!p0 [sflag:s24], $0x2000  }
0x73: {  	[sflag:s24] =	ssyncset.done @!p0 $0x0  }
0x74: {  	[sflag:s24] =	ssyncadd.s32 @!p0 $0xFFFFE000;
	s24 =	sshra.s32 @!p0 s19, $0x2  }
0x75: {  	s31 =	simm.s32 @!p0 $0xA000;
	s29 =	simm.s32 @!p0 $0x80;
	s26 =	sadd.s32 @!p0 $0x400, s24  }
0x76: {  	[tilespmem:s31], [sflag:$0x1] =	stream.indirect.gather @!p0 [hbm4b:s4+s29], $0x40, s26, s29, $0xb8;
	[tilespmem:$0x1C000] =	vst v63  }
0x77: {  	s26 =	simm.s32 @!p0 $0x3  }
0x78: {  	_ =	swait.ge @!p0 [sflag:s26], $0x2000  }
0x79: {  	[sflag:s26] =	ssyncset.done @!p0 $0x0  }
0x7a: {  	s31 =	simm.s32 @!p0 $0xE000;
	[sflag:s26] =	ssyncadd.s32 @!p0 $0xFFFFE000;
	s26 =	sadd.s32 @!p0 $0x5300, s24  }
0x7b: {  	[spmem:s2] =	stream.indirect.scatter.add.f32 @!p0 [tilespmem:s31], [sflag:$0x7], $0x40, s26, s29, $0xb8;
	[tilespmem:$0x1C000] =	vst v63  }
0x7c: {  	s26 =	simm.s32 @!p0 $0x6  }
0x7d: {  	_ =	swait.ge @!p0 [sflag:s26], $0x2000  }
0x7e: {  	[sflag:s26] =	ssyncset.done @!p0 $0x0  }
0x7f: {  	s24 =	sadd.s32 @!p0 $0x480, s24;
	[sflag:s26] =	ssyncadd.s32 @!p0 $0xFFFFE000;
	s26 =	simm.s32 @!p0 $0xC000  }
0x80: {  	[tilespmem:s26], [sflag:$0x2] =	stream.indirect.gather @!p0 [hbm4b:s4+s29], $0x40, s24, s29, $0xb8;
	[tilespmem:$0x1C000] =	vst v63  }
.Ltmp2:
0x81: {  	_ = 	snop;
	(pc) =	sbr.rel @p0 .LBB2_4-.Ltmp2, $4  }
0x82: {  	_ =	swait.ge [sflag:s5], $0x2000  }
0x83: {  	[sflag:s5] =	ssyncset.done $0x0  }
0x84: {  	s31 =	sadd.s32 $0x5380, s22;
	[sflag:s5] =	ssyncadd.s32 $0xFFFFE000  }
0x85: {  	[spmem:s2] =	stream.indirect.scatter.add.f32 [tilespmem:s23], [sflag:$0x8], $0x40, s31, s16, $0xb8;
	[tilespmem:$0x1C000] =	vst v63  }
.Ltmp3:
0x86: {  	(pc) =	sbr.rel .LBB2_2-.Ltmp3, $4  }
0x87: {  	_ =	swait.ge [sflag:s8], $0x2000  }
0x88: {  	[sflag:s8] =	ssyncset.done $0x0  }
0x89: {  	s22 =	sadd.s32 $0x500, s22;
	s19 =	sadd.s32 $0x800, s19;
	[sflag:s8] =	ssyncadd.s32 $0xFFFFE000  }
0x8a: {  	[tilespmem:s20], [sflag:$0x3] =	stream.indirect.gather [hbm4b:s4+s16], $0x40, s22, s16, $0xb8;
	[tilespmem:$0x1C000] =	vst v63  }
.LBB2_4:
0x8b: {  	_ =	swait.ge [sflag:s28], $0x2000  }
0x8c: {  	[sflag:s28] =	ssyncset.done $0x0  }
0x8d: {  	[sflag:s28] =	ssyncadd.s32 $0xFFFFE000  }
0x8e: {  	_ =	swait.ge [sflag:s0], $0x2000  }
0x8f: {  	[sflag:s0] =	ssyncset.done $0x0  }
0x90: {  	[sflag:s0] =	ssyncadd.s32 $0xFFFFE000  }
0x91: {  	_ =	swait.ge [sflag:s8], $0x2000  }
0x92: {  	[sflag:s8] =	ssyncset.done $0x0  }
0x93: {  	[sflag:s8] =	ssyncadd.s32 $0xFFFFE000  }
0x94: {  	_ =	swait.ge [sflag:s11], $0x2000  }
0x95: {  	[sflag:s11] =	ssyncset.done $0x0  }
0x96: {  	[sflag:s11] =	ssyncadd.s32 $0xFFFFE000  }
0x97: {  	[bflag:$0x0] =	sbarrier.arrive $0xFFFF  }
0x98: {  	s19 =	rddreg [dreg:$0x8]  }
0x99: {  	[hbm:s19], [sflag:s14] =	dma.local [spmem:s15], $0x1400  }
0x9a: {  	_ =	swait.ge [sflag:s12], $0x1400  }
0x9b: {  	[sflag:s12] =	ssyncset.done $0x0  }
0x9c: {  	[sflag:s12] =	ssyncadd.s32 $0xFFFFEC00  }
0x9d: {  	[bflag:$0x0] =	sbarrier.arrive $0xFFFF  }
0x9e: {  	s22 =	rddreg [dreg:$0x6]  }
0x9f: {  	s19 =	sadd.s32 s22, s10  }
0xa0: {  	[spmem:s15], [sflag:s14] =	dma.local [hbm:s19], $0x1400  }
0xa1: {  	_ =	swait.ge [sflag:s12], $0x1400  }
0xa2: {  	[sflag:s12] =	ssyncset.done $0x0  }
0xa3: {  	[sflag:s12] =	ssyncadd.s32 $0xFFFFEC00  }
0xa4: {  	s19 =	simm.s32 $0x0;
	[bflag:$0x0] =	sbarrier.arrive $0xFFFF  }
0xa5: {  	[tilespmem:s17], [sflag:$0x1] =	stream.indirect.gather [hbm4b:s10+s16], $0x40, s19, s16, $0xb8;
	[tilespmem:$0x1C000] =	vst v63  }
0xa6: {  	_ = 	snop  }
0xa7: {  	[tilespmem:s18], [sflag:$0x2] =	stream.indirect.gather [hbm4b:s10+s16], $0x40, s16, s16, $0xb8;
	[tilespmem:$0x1C000] =	vst v63  }
0xa8: {  	s22 =	simm.s32 $0x100  }
0xa9: {  	[tilespmem:s20], [sflag:$0x3] =	stream.indirect.gather [hbm4b:s10+s16], $0x40, s22, s16, $0xb8;
	[tilespmem:$0x1C000] =	vst v63  }
0xaa: {  	_ =	swait.ge [sflag:s21], $0x2000  }
0xab: {  	[sflag:s21] =	ssyncset.done $0x0  }
0xac: {  	[sflag:s21] =	ssyncadd.s32 $0xFFFFE000  }
0xad: {  	[spmem:s2] =	stream.indirect.scatter.add.f32 [tilespmem:s17], [sflag:$0x5], $0x40, s13, s16, $0xb8;
	[tilespmem:$0x1C000] =	vst v63  }
0xae: {  	s24 =	simm.s32 $0x180  }
0xaf: {  	[tilespmem:s23], [sflag:$0x4] =	stream.indirect.gather [hbm4b:s10+s16], $0x40, s24, s16, $0xb8;
	[tilespmem:$0x1C000] =	vst v63  }
0xb0: {  	_ =	swait.ge [sflag:s25], $0x2000  }
0xb1: {  	[sflag:s25] =	ssyncset.done $0x0  }
0xb2: {  	s26 =	simm.s32 $0x5080;
	[sflag:s25] =	ssyncadd.s32 $0xFFFFE000  }
0xb3: {  	[spmem:s2] =	stream.indirect.scatter.add.f32 [tilespmem:s18], [sflag:$0x6], $0x40, s26, s16, $0xb8;
	[tilespmem:$0x1C000] =	vst v63  }
0xb4: {  	_ =	swait.ge [sflag:s28], $0x2000  }
0xb5: {  	[sflag:s28] =	ssyncset.done $0x0  }
0xb6: {  	s29 =	simm.s32 $0x200;
	[sflag:s28] =	ssyncadd.s32 $0xFFFFE000  }
0xb7: {  	[tilespmem:s17], [sflag:$0x1] =	stream.indirect.gather [hbm4b:s10+s16], $0x40, s29, s16, $0xb8;
	[tilespmem:$0x1C000] =	vst v63  }
0xb8: {  	_ =	swait.ge [sflag:s30], $0x2000  }
0xb9: {  	[sflag:s30] =	ssyncset.done $0x0  }
0xba: {  	s31 =	simm.s32 $0x5100;
	[sflag:s30] =	ssyncadd.s32 $0xFFFFE000  }
0xbb: {  	[spmem:s2] =	stream.indirect.scatter.add.f32 [tilespmem:s20], [sflag:$0x7], $0x40, s31, s16, $0xb8;
	[tilespmem:$0x1C000] =	vst v63  }
0xbc: {  	_ =	swait.ge [sflag:s0], $0x2000  }
0xbd: {  	[sflag:s0] =	ssyncset.done $0x0  }
0xbe: {  	[sflag:s0] =	ssyncadd.s32 $0xFFFFE000  }
0xbf: {  	[tilespmem:s18], [sflag:$0x2] =	stream.indirect.gather [hbm4b:s10+s16], $0x40, s1, s16, $0xb8;
	[tilespmem:$0x1C000] =	vst v63  }
0xc0: {  	_ =	swait.ge [sflag:s5], $0x2000  }
0xc1: {  	[sflag:s5] =	ssyncset.done $0x0  }
0xc2: {  	[sflag:s5] =	ssyncadd.s32 $0xFFFFE000  }
0xc3: {  	[spmem:s2] =	stream.indirect.scatter.add.f32 [tilespmem:s23], [sflag:$0x8], $0x40, s6, s16, $0xb8;
	[tilespmem:$0x1C000] =	vst v63  }
0xc4: {  	_ =	swait.ge [sflag:s8], $0x2000  }
0xc5: {  	[sflag:s8] =	ssyncset.done $0x0  }
0xc6: {  	[sflag:s8] =	ssyncadd.s32 $0xFFFFE000  }
0xc7: {  	[tilespmem:s20], [sflag:$0x3] =	stream.indirect.gather [hbm4b:s10+s16], $0x40, s9, s16, $0xb8;
	[tilespmem:$0x1C000] =	vst v63  }
.LBB2_5:
0xc8: {  	_ =	swait.ge [sflag:s21], $0x2000  }
0xc9: {  	s22 =	sshra.s32 s19, $0x2;
	[sflag:s21] =	ssyncset.done $0x0  }
0xca: {  	s24 =	sadd.s32 $0x5200, s22;
	[sflag:s21] =	ssyncadd.s32 $0xFFFFE000  }
0xcb: {  	[spmem:s2] =	stream.indirect.scatter.add.f32 [tilespmem:s17], [sflag:$0x5], $0x40, s24, s16, $0xb8;
	[tilespmem:$0x1C000] =	vst v63  }
0xcc: {  	_ =	swait.ge [sflag:s11], $0x2000  }
0xcd: {  	[sflag:s11] =	ssyncset.done $0x0  }
0xce: {  	s26 =	sadd.s32 $0x380, s22;
	[sflag:s11] =	ssyncadd.s32 $0xFFFFE000  }
0xcf: {  	[tilespmem:s23], [sflag:$0x4] =	stream.indirect.gather [hbm4b:s10+s16], $0x40, s26, s16, $0xb8;
	[tilespmem:$0x1C000] =	vst v63  }
0xd0: {  	_ =	swait.ge [sflag:s25], $0x2000  }
0xd1: {  	p0 =	seq.s32 s19, $0x13000;
	[sflag:s25] =	ssyncset.done $0x0  }
0xd2: {  	s29 =	sadd.s32 $0x5280, s22;
	s24 =	simm.s32 @p0 $0x3;
	[sflag:s25] =	ssyncadd.s32 $0xFFFFE000  }
0xd3: {  	[spmem:s2] =	stream.indirect.scatter.add.f32 [tilespmem:s18], [sflag:$0x6], $0x40, s29, s16, $0xb8;
	[tilespmem:$0x1C000] =	vst v63  }
0xd4: {  	_ =	swait.ge @p0 [sflag:s24], $0x2000  }
0xd5: {  	[sflag:s24] =	ssyncset.done @p0 $0x0  }
0xd6: {  	[sflag:s24] =	ssyncadd.s32 @p0 $0xFFFFE000;
	s24 =	sshra.s32 @p0 s19, $0x2  }
0xd7: {  	s26 =	simm.s32 @p0 $0x80;
	s29 =	simm.s32 @p0 $0xE000;
	s24 =	sadd.s32 @p0 $0x5300, s24  }
0xd8: {  	[spmem:s2] =	stream.indirect.scatter.add.f32 @p0 [tilespmem:s29], [sflag:$0x7], $0x40, s24, s26, $0xb8;
	[tilespmem:$0x1C000] =	vst v63  }
0xd9: {  	s24 =	simm.s32 @!p0 $0x5  }
0xda: {  	_ =	swait.ge @!p0 [sflag:s24], $0x2000  }
0xdb: {  	[sflag:s24] =	ssyncset.done @!p0 $0x0  }
0xdc: {  	[sflag:s24] =	ssyncadd.s32 @!p0 $0xFFFFE000;
	s24 =	sshra.s32 @!p0 s19, $0x2  }
0xdd: {  	s31 =	simm.s32 @!p0 $0xA000;
	s29 =	simm.s32 @!p0 $0x80;
	s26 =	sadd.s32 @!p0 $0x400, s24  }
0xde: {  	[tilespmem:s31], [sflag:$0x1] =	stream.indirect.gather @!p0 [hbm4b:s10+s29], $0x40, s26, s29, $0xb8;
	[tilespmem:$0x1C000] =	vst v63  }
0xdf: {  	s26 =	simm.s32 @!p0 $0x3  }
0xe0: {  	_ =	swait.ge @!p0 [sflag:s26], $0x2000  }
0xe1: {  	[sflag:s26] =	ssyncset.done @!p0 $0x0  }
0xe2: {  	s31 =	simm.s32 @!p0 $0xE000;
	[sflag:s26] =	ssyncadd.s32 @!p0 $0xFFFFE000;
	s26 =	sadd.s32 @!p0 $0x5300, s24  }
0xe3: {  	[spmem:s2] =	stream.indirect.scatter.add.f32 @!p0 [tilespmem:s31], [sflag:$0x7], $0x40, s26, s29, $0xb8;
	[tilespmem:$0x1C000] =	vst v63  }
0xe4: {  	s26 =	simm.s32 @!p0 $0x6  }
0xe5: {  	_ =	swait.ge @!p0 [sflag:s26], $0x2000  }
0xe6: {  	[sflag:s26] =	ssyncset.done @!p0 $0x0  }
0xe7: {  	s24 =	sadd.s32 @!p0 $0x480, s24;
	[sflag:s26] =	ssyncadd.s32 @!p0 $0xFFFFE000;
	s26 =	simm.s32 @!p0 $0xC000  }
0xe8: {  	[tilespmem:s26], [sflag:$0x2] =	stream.indirect.gather @!p0 [hbm4b:s10+s29], $0x40, s24, s29, $0xb8;
	[tilespmem:$0x1C000] =	vst v63  }
.Ltmp4:
0xe9: {  	_ = 	snop;
	(pc) =	sbr.rel @p0 .LBB2_7-.Ltmp4, $4  }
0xea: {  	_ =	swait.ge [sflag:s5], $0x2000  }
0xeb: {  	[sflag:s5] =	ssyncset.done $0x0  }
0xec: {  	s31 =	sadd.s32 $0x5380, s22;
	[sflag:s5] =	ssyncadd.s32 $0xFFFFE000  }
0xed: {  	[spmem:s2] =	stream.indirect.scatter.add.f32 [tilespmem:s23], [sflag:$0x8], $0x40, s31, s16, $0xb8;
	[tilespmem:$0x1C000] =	vst v63  }
.Ltmp5:
0xee: {  	(pc) =	sbr.rel .LBB2_5-.Ltmp5, $4  }
0xef: {  	_ =	swait.ge [sflag:s8], $0x2000  }
0xf0: {  	[sflag:s8] =	ssyncset.done $0x0  }
0xf1: {  	s22 =	sadd.s32 $0x500, s22;
	s19 =	sadd.s32 $0x800, s19;
	[sflag:s8] =	ssyncadd.s32 $0xFFFFE000  }
0xf2: {  	[tilespmem:s20], [sflag:$0x3] =	stream.indirect.gather [hbm4b:s10+s16], $0x40, s22, s16, $0xb8;
	[tilespmem:$0x1C000] =	vst v63  }
.LBB2_8:
0xf3: {  	_ =	sfence.sel $0x180000  }
0xf4: {  	[bflag:$0x0] =	sbarrier.arrive $0xFFFF  }
0xf5: {  	_ =	strace $0x9000004A  }
0xf6: {  	s0 =	stileid.u32;
	[bflag:$0x2] =	sbarrier.arrive $0xFFFF  }
0xf7: {  	p0 =	sne.s32 s0, $0x0;
	s0 =	rddreg [dreg:$0x3]  }
0xf8: {  	s0 =	sadd.s32 @!p0 $0x100000, s0  }
0xf9: {  	[sflag:s0] =	ssyncadd.tile.s32 @!p0 $0x1;
	_ =	shalt  }
.Lfunc_end2:
_tile_overlayer_lowered:
.L_overlay_start_2:
0xfa: {  	(tag) =	ssettag $0x2  }
0xfb: {  	s0 =	rddreg [dreg:$0x0];
	s2 =	stileid.u32  }
0xfc: {  	s1 =	rddreg [dreg:$0x1];
	p0 =	sne.s32 s2, $0x0  }
0xfd: {  	s3 =	rddreg [dreg:$0x2];
	[bflag:$0x3] =	sbarrier.arrive $0xFFFF;
	s2 =	simm.s32 @!p0 $0x1C09  }
0xfe: {  	[timem:s3], [sflag:s2] =	dma.local @!p0 [hbm:s0], s1  }
0xff: {  	s0 =	simm.s32 @!p0 $0x9  }
0x100: {  	_ =	swait.ge @!p0 [sflag:s0], s1  }
0x101: {  	s1 =	ssub.s32 @!p0 $0x0, s1;
	[sflag:s0] =	ssyncset.done @!p0 $0x0  }
0x102: {  	[sflag:s0] =	ssyncadd.s32 @!p0 s1  }
0x103: {  	[bflag:$0x3] =	sbarrier.arrive $0xFFFF  }
0x104: {  	_ =	shalt  }

// kernel: kernel.14.cloned.1.call-start
scs
__scs_entry_jumppad:
0x0: {  	(pc) =	sbr.rel $0x88, $3  }
0x1: {  	(tag) =	ssettag $0x0;
	lr =	simm.s32 $0x1  }
0x2: {  	[smem:$0x3F99] =	sst lr;
	_ =	strace $0xD0000000  }
0x3: {  	_ = 	snop  }
0x4: {  	_ = 	snop  }
0x5: {  	_ = 	snop  }
0x6: {  	_ = 	snop  }
0x7: {  	_ = 	snop  }
__scs_overlays_trampoline_lowered:
0x8: {  	[smem:$0x3FA8] =	sst s0  }
0x9: {  	[smem:$0x3FA9] =	sst s1  }
0xa: {  	[smem:$0x3FAA] =	sst s2  }
0xb: {  	[smem:$0x3FAB] =	sst s3  }
0xc: {  	[smem:$0x3FAC] =	sst s4  }
0xd: {  	[smem:$0x3FAD] =	sst s5  }
0xe: {  	[smem:$0x3FAE] =	sst s6  }
0xf: {  	[smem:$0x3FAF] =	sst s7  }
0x10: {  	[smem:$0x3FB0] =	sst s8  }
0x11: {  	[smem:$0x3FB1] =	sst s9;
	s0 =	simm.s32 @!p0 $0x0  }
0x12: {  	s1 =	sld [smem:$0x3F97];
	s0 =	simm.s32 @p0 $0x1  }
0x13: {  	[smem:$0x3FB2] =	sst s0;
	s0 =	simm.s32 @!p1 $0x0  }
0x14: {  	s2 =	sld [smem:$0x3F96];
	s0 =	simm.s32 @p1 $0x1  }
0x15: {  	[smem:$0x3FB3] =	sst s0;
	s0 =	simm.s32 @!p2 $0x0  }
0x16: {  	s3 =	sld [smem:$0x3FDB];
	s0 =	simm.s32 @p2 $0x1  }
0x17: {  	s4 =	simm.s32 $0x1BF5;
	[smem:$0x3FB5] =	sst s0  }
0x18: {  	s0 =	sld [smem:$0x3F98];
	_ =	swait.ge [sflag:s4], $0x0  }
0x19: {  	s7 =	sld [smem:$0x3F99]  }
0x1a: {  	s8 =	sadd.s32 $0xFFFFE003, lr  }
0x1b: {  	s9 =	sadd.s32 $0xFFFFFEF7, lr;
	s5 =	simm.s32 $0xFFFFFFFF;
	p2 =	slt.u32 s8, $0xFFFFF086  }
0x1c: {  	p1 =	slt.u32 s9, $0xF7A;
	s5 =	simm.s32 @!p2 $0x0  }
0x1d: {  	s5 =	simm.s32 @p1 $0x1;
	p0 =	seq.s32 s7, s2  }
0x1e: {  	s7 =	smul.u32 @!p0 $0xF7A, s2;
	p2 =	seq.s32 @!p0 s5, $0x0  }
0x1f: {  	s9 =	smul.u32 $0xF7A, s1;
	s8 =	simm.s32 @!p0 $0x1BF5;
	p2 =	por !p2, p0  }
0x20: {  	[sflag:s8] =	ssyncset.s32 @!p0 $0xFFFFF086;
	s6 =	sadd.s32 @!p0 s3, s7;
	s7 =	simm.s32 @!p0 $0x108  }
0x21: {  	s3 =	sadd.s32 s3, s9;
	s6 =	sadd.s32 @!p0 $0x88, s6;
	s7 =	simm.s32 @p2 $0x1082  }
0x22: {  	[simem:s7], [sflag:s8] =	dma.local @!p0 [hbm:s6], $0xF7A  }
0x23: {  	s9 =	sor.u32 $0xD0000000, s2;
	s6 =	simm.s32 $0x108;
	_ =	swait.ge @!p0 [sflag:s8], $0x0  }
0x24: {  	s3 =	sadd.s32 $0x88, s3;
	s6 =	simm.s32 @!p1 $0x1082;
	[sflag:s4] =	ssyncset.s32 $0xFFFFF086  }
0x25: {  	[simem:s6], [sflag:s4] =	dma.local [hbm:s3], $0xF7A  }
0x26: {  	[smem:$0x3F99] =	sst s1;
	(tag) =	ssettag s2;
	_ =	strace s9  }
0x27: {  	s1 =	sld [smem:$0x3FA9]  }
0x28: {  	s2 =	sld [smem:$0x3FAA]  }
0x29: {  	s4 =	sld [smem:$0x3FAC]  }
0x2a: {  	p0 =	seq.s32 s5, $0x0;
	s5 =	sld [smem:$0x3FAD]  }
0x2b: {  	s6 =	sld [smem:$0x3FAE]  }
0x2c: {  	s7 =	sld [smem:$0x3FAF]  }
0x2d: {  	s3 =	simm.s32 $0x108;
	s8 =	sld [smem:$0x3FB0]  }
0x2e: {  	s3 =	simm.s32 @!p0 $0x1082;
	s9 =	sld [smem:$0x3FB1]  }
0x2f: {  	lr =	sadd.s32 s0, s3;
	s0 =	sld [smem:$0x3FA8]  }
0x30: {  	s3 =	sld [smem:$0x3FAB]  }
0x31: {  	[smem:$0x3FB4] =	sst s10  }
0x32: {  	s10 =	sld [smem:$0x3FB2];
	_ =	sdelay $0x3  }
0x33: {  	p0 =	seq.s32 s10, $0x1;
	s10 =	sld [smem:$0x3FB4];
	_ =	sdelay $0x3  }
0x34: {  	[smem:$0x3FB4] =	sst s10  }
0x35: {  	s10 =	sld [smem:$0x3FB3];
	_ =	sdelay $0x3  }
0x36: {  	p1 =	seq.s32 s10, $0x1;
	s10 =	sld [smem:$0x3FB4];
	_ =	sdelay $0x3  }
0x37: {  	[smem:$0x3FB4] =	sst s10  }
0x38: {  	s10 =	sld [smem:$0x3FB5]  }
0x39: {  	_ = 	snop;
	(pc) =	sbr.ind lr, $3  }
0x3a: {  	_ = 	snop  }
0x3b: {  	_ = 	snop  }
0x3c: {  	p2 =	seq.s32 s10, $0x1;
	s10 =	sld [smem:$0x3FB4]  }
0x3d: {  	_ =	shalt  }
0x3e: {  	_ =	shalt  }
0x3f: {  	_ =	shalt  }
0x40: {  	_ =	shalt  }
0x41: {  	_ =	shalt  }
0x42: {  	_ =	shalt  }
0x43: {  	_ =	shalt  }
0x44: {  	_ =	shalt  }
0x45: {  	_ =	shalt  }
0x46: {  	_ =	shalt  }
0x47: {  	_ =	shalt  }
0x48: {  	_ =	shalt  }
0x49: {  	_ =	shalt  }
0x4a: {  	_ =	shalt  }
0x4b: {  	_ =	shalt  }
0x4c: {  	_ =	shalt  }
0x4d: {  	_ =	shalt  }
0x4e: {  	_ =	shalt  }
0x4f: {  	_ =	shalt  }
0x50: {  	_ =	shalt  }
0x51: {  	_ =	shalt  }
0x52: {  	_ =	shalt  }
0x53: {  	_ =	shalt  }
0x54: {  	_ =	shalt  }
0x55: {  	_ =	shalt  }
0x56: {  	_ =	shalt  }
0x57: {  	_ =	shalt  }
0x58: {  	_ =	shalt  }
0x59: {  	_ =	shalt  }
0x5a: {  	_ =	shalt  }
0x5b: {  	_ =	shalt  }
0x5c: {  	_ =	shalt  }
0x5d: {  	_ =	shalt  }
0x5e: {  	_ =	shalt  }
0x5f: {  	_ =	shalt  }
0x60: {  	_ =	shalt  }
0x61: {  	_ =	shalt  }
0x62: {  	_ =	shalt  }
0x63: {  	_ =	shalt  }
0x64: {  	_ =	shalt  }
0x65: {  	_ =	shalt  }
0x66: {  	_ =	shalt  }
0x67: {  	_ =	shalt  }
0x68: {  	_ =	shalt  }
0x69: {  	_ =	shalt  }
0x6a: {  	_ =	shalt  }
0x6b: {  	_ =	shalt  }
0x6c: {  	_ =	shalt  }
0x6d: {  	_ =	shalt  }
0x6e: {  	_ =	shalt  }
0x6f: {  	_ =	shalt  }
0x70: {  	_ =	shalt  }
0x71: {  	_ =	shalt  }
0x72: {  	_ =	shalt  }
0x73: {  	_ =	shalt  }
0x74: {  	_ =	shalt  }
0x75: {  	_ =	shalt  }
0x76: {  	_ =	shalt  }
0x77: {  	_ =	shalt  }
0x78: {  	_ =	shalt  }
0x79: {  	_ =	shalt  }
0x7a: {  	_ =	shalt  }
0x7b: {  	_ =	shalt  }
0x7c: {  	_ =	shalt  }
0x7d: {  	_ =	shalt  }
0x7e: {  	_ =	shalt  }
0x7f: {  	_ =	shalt  }
0x80: {  	_ =	shalt  }
0x81: {  	_ =	shalt  }
0x82: {  	_ =	shalt  }
0x83: {  	_ =	shalt  }
0x84: {  	_ =	shalt  }
0x85: {  	_ =	shalt  }
0x86: {  	_ =	shalt  }
0x87: {  	_ =	shalt  }
.Lfunc_end0:
.L_simem_size_0:
called_computation.2_lowered:
.L_overlay_start_0:
0x88: {  	s2 =	sld [smem:$0x3FD9]  }
0x89: {  	s3 =	sld [smem:$0x3FFE];
	_ =	sdelay $0x1  }
0x8a: {  	s1 =	srdreg.scid  }
0x8b: {  	s0 =	sand.u32 $0x1, s1  }
0x8c: {  	s14 =	sshll.u32 s0, $0xA;
	s2 =	sadd.s32 s3, s2  }
0x8d: {  	s2 =	sadd.s32 s2, s14  }
0x8e: {  	[smem:$0x3FC0] =	sst s2  }
0x8f: {  	_ = 	snop  }
0x90: {  	s2 =	sld [smem:$0x3FD0];
	_ =	sdelay $0x2  }
0x91: {  	s15 =	simm.s32 $0xA;
	s4 =	simm.s32 $0x10  }
0x92: {  	[smem:s4], [sflag:s15] =	dma.local [hbm:s2], $0x1  }
0x93: {  	_ =	swait.eq [sflag:s15], $0x1  }
0x94: {  	[sflag:s15] =	ssyncset.done $0x0  }
0x95: {  	[sflag:s15] =	ssyncadd.s32 $0xFFFFFFFF  }
0x96: {  	s16 =	sld [smem:$0x10];
	(tm) =	ssettm $0x1  }
0x97: {  	s17 =	sld [smem:$0x3FFB];
	_ =	sdelay $0x3  }
0x98: {  	_ =	strace s17  }
0x99: {  	s3 =	sld [smem:$0x3FFC];
	_ =	sdelay $0x3  }
0x9a: {  	_ =	strace s3  }
0x9b: {  	s3 =	sld [smem:$0x3FFD];
	_ =	sdelay $0x3  }
0x9c: {  	_ =	strace s3  }
0x9d: {  	_ =	strace $0x8FFFFFFF  }
0x9e: {  	s18 =	sld [smem:$0x3FDB];
	_ =	sdelay $0x1  }
0x9f: {  	s19 =	simm.s32 $_scs_section_size  }
0xa0: {  	s5 =	simm.s32 $_size__tile_overlayer_lowered;
	s6 =	simm.s32 $_tile_overlayer_lowered  }
0xa1: {  	s22 =	simm.s32 $0x1BFF;
	s21 =	sshll.u32 s6, $0x1;
	s3 =	sadd.s32 s19, s18  }
0xa2: {  	s7 =	simm.s32 $0x0;
	s20 =	sshll.u32 s5, $0x1;
	s5 =	sadd.s32 s21, s3  }
0xa3: {  	[timem:s7], [sflag:s22] =	dma.local [hbm:s5], s20  }
0xa4: {  	_ =	swait.ge [sflag:s22], s20  }
0xa5: {  	s4 =	ssub.s32 $0x0, s20;
	[sflag:s22] =	ssyncset.done $0x0  }
0xa6: {  	[sflag:s22] =	ssyncadd.s32 s4;
	_ =	sdelay $0x1  }
0xa7: {  	s23 =	simm.s32 $0x1B8B  }
0xa8: {  	_ =	swait.ge [sflag:s23], $0x1  }
0xa9: {  	[sflag:s23] =	ssyncset.done $0x0  }
0xaa: {  	s25 =	simm.s32 $0x1B8E;
	s24 =	sld [smem:$0x3FFE];
	[sflag:s23] =	ssyncadd.s32 $0xFFFFFFFF  }
0xab: {  	s26 =	simm.s32 $execute0_lowered;
	[smem:$0x3FD2] =	sst s25  }
0xac: {  	s5 =	sshll.u32 s26, $0x1;
	_ =	strace $0x8000004C;
	[dreg:$0x1] =	wrdreg $0xFFFFFFFF  }
0xad: {  	s28 =	simm.s32 $_size_execute0_lowered;
	s3 =	sadd.s32 s3, s5;
	[dreg:$0x0] =	wrdreg $0x0  }
0xae: {  	s5 =	sshll.u32 s28, $0x1;
	[dreg:$0x2] =	wrdreg s3  }
0xaf: {  	[dreg:$0x3] =	wrdreg s5  }
0xb0: {  	[dreg:$0x4] =	wrdreg $0xC0  }
0xb1: {  	_ =	task [dreg:s7], $0x5FFFF  }
0xb2: {  	[dreg:$0x1] =	wrdreg $0xFFFFFFFF  }
0xb3: {  	[dreg:$0x0] =	wrdreg $0x60  }
0xb4: {  	[dreg:$0x2] =	wrdreg s24  }
0xb5: {  	[dreg:$0x3] =	wrdreg s16  }
0xb6: {  	[dreg:$0x4] =	wrdreg $0x120000  }
0xb7: {  	[dreg:$0x5] =	wrdreg $0x9  }
0xb8: {  	_ =	task.clear_ibuf [dreg:s7], $0x6FFFF;
	_ =	strace $0x9000004C  }
0xb9: {  	s29 =	simm.s32 $0x9;
	_ =	strace $0x8000004E  }
0xba: {  	_ =	swait.ge [sflag:s29], $0x1  }
0xbb: {  	[sflag:s29] =	ssyncadd.s32 $0xFFFFFFFF  }
0xbc: {  	_ =	strace $0x9000004E  }
0xbd: {  	_ =	sfence  }
0xbe: {  	s30 =	sld [smem:$0x0];
	_ =	sdelay $0x2  }
0xbf: {  	s31 =	sshll.u32 s1, $0xD;
	s1 =	sshrl.u32 s1, $0x2  }
0xc0: {  	s3 =	sand.u32 $0x4000, s31;
	s1 =	sadd.s32 s1, s30  }
0xc1: {  	s0 =	sor.u32 s3, s0;
	s1 =	sshll.u32 s1, $0x11  }
0xc2: {  	s0 =	sor.u32 s1, s0  }
0xc3: {  	s0 =	sadd.s32 $0x8F2B, s0  }
0xc4: {  	[sflag:s0] =	ssyncadd.remote.s32 $0x1  }
0xc5: {  	_ =	sfence.sel $0xFFFF  }
0xc6: {  	[dreg:$0x0] =	wrdreg $0xFFFFFFFF;
	(pc) =	sbr.abs _section_cstart, $3  }
0xc7: {  	[dreg:$0x1] =	wrdreg $0xFFFFFFFF  }
0xc8: {  	_ =	task.clear_ibuf [dreg:s7], $0x2FFFF;
	_ =	strace $0x9FFFFFFF  }
0xc9: {  	(tm) =	ssettm $0x7FFFFFFF  }
tec
execute0_lowered:
.L_overlay_start_1:
0x0: {  	(tag) =	ssettag $0x1  }
0x1: {  	s0 =	rddreg [dreg:$0x0]  }
0x2: {  	s2 =	rddreg [dreg:$0x1]  }
0x3: {  	s1 =	rddreg [dreg:$0x2];
	s3 =	simm.s32 $0x0  }
0x4: {  	s4 =	srdreg.scid;
	s14 =	stileid.u32;
	s16 =	simm.s32 $0x80  }
0x5: {  	s17 =	simm.s32 $0xA000;
	s18 =	simm.s32 $0xC000;
	s20 =	simm.s32 $0xE000  }
0x6: {  	s21 =	simm.s32 $0x1;
	s23 =	simm.s32 $0x10000;
	s28 =	simm.s32 $0x5  }
0x7: {  	s30 =	simm.s32 $0x3;
	[smem:$0x7FF] =	sst s3;
	s6 =	smul.u32 $0x280, s14  }
0x8: {  	s5 =	sand.u32 $0x1, s4;
	s10 =	smul.u32 $0x28000, s14;
	s31 =	sshll.u32 s14, $0x6  }
0x9: {  	s4 =	sshll.u32 s5, $0x4;
	s7 =	sxor.u32 $0x1, s5;
	_ =	strace $0x8000004D  }
0xa: {  	s9 =	ssub.s32 $0x2, s5;
	s5 =	smul.u32 $0x2800, s5;
	s8 =	sor.u32 s14, s4  }
0xb: {  	s7 =	smul.u32 $0x2800, s7;
	s4 =	sadd.s32 $0x106A00, s0;
	s11 =	sshrl.u32 s9, $0x1  }
0xc: {  	s10 =	sshrl.u32 s10, $0x2;
	s14 =	sor.u32 $0x1C09, s31;
	s8 =	smul.u32 $0xA00, s8  }
0xd: {  	s9 =	ssub.s32 s9, s11;
	s5 =	sadd.s32 s6, s5;
	s25 =	sadd.s32 s10, s1  }
0xe: {  	s10 =	sadd.s32 $0x12EA00, s0;
	s11 =	simm.s32 $0x8;
	s7 =	sadd.s32 s6, s7  }
0xf: {  	s5 =	sshll.u32 s5, $0x3;
	s29 =	smax.u32 s9, $0x1;
	s15 =	sshrl.u32 s25, $0x3  }
0x10: {  	s25 =	simm.s32 $0x2;
	s6 =	simm.s32 $0x5180;
	s9 =	simm.s32 $0x300  }
0x11: {  	s7 =	sshll.u32 s7, $0x3;
	s12 =	sadd.s32 s8, s0;
	[dreg:$0x6] =	wrdreg s5  }
0x12: {  	s2 =	sadd.s32 s2, s8;
	s5 =	sadd.s32 s4, s5;
	[dreg:$0x9] =	wrdreg s29  }
0x13: {  	s8 =	simm.s32 $0x7;
	s13 =	sadd.s32 s7, s0;
	[dreg:$0x5] =	wrdreg s2  }
.Ltmp0:
0x14: {  	s24 =	sadd.s32 $0x2A00, s12;
	[dreg:$0x7] =	wrdreg s5;
	(pc) =	sbr.rel .LBB2_1-.Ltmp0, $4  }
0x15: {  	s0 =	sadd.s32 $0x8EA00, s0;
	s12 =	simm.s32 $0x9;
	s2 =	simm.s32 $0x280  }
0x16: {  	s5 =	simm.s32 $0x4;
	[dreg:$0x4] =	wrdreg s24;
	s26 =	sadd.s32 $0x66A00, s13  }
0x17: {  	s13 =	simm.s32 $0x5000;
	s0 =	sadd.s32 s7, s0;
	[dreg:$0x8] =	wrdreg s26  }
0x18: {  	s7 =	simm.s32 $0x0;
	[dreg:$0xa] =	wrdreg s0;
	s0 =	simm.s32 $0x6  }
.LBB2_7:
0x19: {  	_ =	swait.ge [sflag:s28], $0x2000  }
0x1a: {  	[sflag:s28] =	ssyncset.done $0x0  }
0x1b: {  	[sflag:s28] =	ssyncadd.s32 $0xFFFFE000  }
0x1c: {  	_ =	swait.ge [sflag:s0], $0x2000  }
0x1d: {  	[sflag:s0] =	ssyncset.done $0x0  }
0x1e: {  	[sflag:s0] =	ssyncadd.s32 $0xFFFFE000  }
0x1f: {  	_ =	swait.ge [sflag:s8], $0x2000  }
0x20: {  	[sflag:s8] =	ssyncset.done $0x0  }
0x21: {  	[sflag:s8] =	ssyncadd.s32 $0xFFFFE000  }
0x22: {  	_ =	swait.ge [sflag:s11], $0x2000  }
0x23: {  	[sflag:s11] =	ssyncset.done $0x0  }
0x24: {  	[sflag:s11] =	ssyncadd.s32 $0xFFFFE000  }
0x25: {  	[bflag:$0x0] =	sbarrier.arrive $0xFFFF  }
0x26: {  	s19 =	rddreg [dreg:$0xa]  }
0x27: {  	[hbm:s19], [sflag:s14] =	dma.local [spmem:s15], $0x1400  }
0x28: {  	_ =	swait.ge [sflag:s12], $0x1400  }
0x29: {  	s7 =	sadd.s32 $0x1, s7;
	s31 =	rddreg [dreg:$0x9]  }
0x2a: {  	p0 =	sne.s32 s7, s31  }
.Ltmp1:
0x2b: {  	_ = 	snop;
	(pc) =	sbr.rel @!p0 .LBB2_8-.Ltmp1, $3  }
0x2c: {  	[sflag:s12] =	ssyncset.done $0x0  }
0x2d: {  	[sflag:s12] =	ssyncadd.s32 $0xFFFFEC00  }
0x2e: {  	[bflag:$0x0] =	sbarrier.arrive $0xFFFF;
	_ =	sdelay $0x1  }
.LBB2_1:
0x2f: {  	s19 =	rddreg [dreg:$0x4]  }
0x30: {  	[tilespmem:s3], [sflag:$0x9] =	stream.linear.gather [hbm4b:s19+s3], $0x5000, $0x38;
	[tilespmem:$0x1C000] =	vst v63  }
0x31: {  	_ =	swait.ge [sflag:s12], $0x5000  }
0x32: {  	[sflag:s12] =	ssyncset.done $0x0  }
0x33: {  	s29 =	rddreg [dreg:$0x5];
	[sflag:s12] =	ssyncadd.s32 $0xFFFFB000  }
0x34: {  	[tilespmem:s13], [sflag:$0x9] =	stream.linear.gather [hbm4b:s29+s3], $0x5000, $0x38;
	[tilespmem:$0x1C000] =	vst v63  }
0x35: {  	_ =	swait.ge [sflag:s12], $0x5000  }
0x36: {  	[sflag:s12] =	ssyncset.done $0x0  }
0x37: {  	s31 =	rddreg [dreg:$0x7];
	[sflag:s12] =	ssyncadd.s32 $0xFFFFB000  }
0x38: {  	[spmem:s15], [sflag:s14] =	dma.local [hbm:s31], $0x1400  }
0x39: {  	_ =	swait.ge [sflag:s12], $0x1400  }
0x3a: {  	[sflag:s12] =	ssyncset.done $0x0  }
0x3b: {  	[sflag:s12] =	ssyncadd.s32 $0xFFFFEC00  }
0x3c: {  	[bflag:$0x0] =	sbarrier.arrive $0xFFFF  }
0x3d: {  	[tilespmem:s17], [sflag:$0x1] =	stream.indirect.gather [hbm4b:s4+s16], $0x40, s3, s16, $0xb8;
	[tilespmem:$0x1C000] =	vst v63  }
0x3e: {  	_ = 	snop  }
0x3f: {  	[tilespmem:s18], [sflag:$0x2] =	stream.indirect.gather [hbm4b:s4+s16], $0x40, s16, s16, $0xb8;
	[tilespmem:$0x1C000] =	vst v63  }
0x40: {  	s22 =	simm.s32 $0x100  }
0x41: {  	[tilespmem:s20], [sflag:$0x3] =	stream.indirect.gather [hbm4b:s4+s16], $0x40, s22, s16, $0xb8;
	[tilespmem:$0x1C000] =	vst v63  }
0x42: {  	_ =	swait.ge [sflag:s21], $0x2000  }
0x43: {  	[sflag:s21] =	ssyncset.done $0x0  }
0x44: {  	[sflag:s21] =	ssyncadd.s32 $0xFFFFE000  }
0x45: {  	[spmem:s1] =	stream.indirect.scatter.add.f32 [tilespmem:s17], [sflag:$0x5], $0x40, s13, s16, $0xb8;
	[tilespmem:$0x1C000] =	vst v63  }
0x46: {  	s24 =	simm.s32 $0x180  }
0x47: {  	[tilespmem:s23], [sflag:$0x4] =	stream.indirect.gather [hbm4b:s4+s16], $0x40, s24, s16, $0xb8;
	[tilespmem:$0x1C000] =	vst v63  }
0x48: {  	_ =	swait.ge [sflag:s25], $0x2000  }
0x49: {  	[sflag:s25] =	ssyncset.done $0x0  }
0x4a: {  	s26 =	simm.s32 $0x5080;
	[sflag:s25] =	ssyncadd.s32 $0xFFFFE000  }
0x4b: {  	[spmem:s1] =	stream.indirect.scatter.add.f32 [tilespmem:s18], [sflag:$0x6], $0x40, s26, s16, $0xb8;
	[tilespmem:$0x1C000] =	vst v63  }
0x4c: {  	_ =	swait.ge [sflag:s28], $0x2000  }
0x4d: {  	[sflag:s28] =	ssyncset.done $0x0  }
0x4e: {  	s29 =	simm.s32 $0x200;
	[sflag:s28] =	ssyncadd.s32 $0xFFFFE000  }
0x4f: {  	[tilespmem:s17], [sflag:$0x1] =	stream.indirect.gather [hbm4b:s4+s16], $0x40, s29, s16, $0xb8;
	[tilespmem:$0x1C000] =	vst v63  }
0x50: {  	_ =	swait.ge [sflag:s30], $0x2000  }
0x51: {  	[sflag:s30] =	ssyncset.done $0x0  }
0x52: {  	s31 =	simm.s32 $0x5100;
	[sflag:s30] =	ssyncadd.s32 $0xFFFFE000  }
0x53: {  	[spmem:s1] =	stream.indirect.scatter.add.f32 [tilespmem:s20], [sflag:$0x7], $0x40, s31, s16, $0xb8;
	[tilespmem:$0x1C000] =	vst v63  }
0x54: {  	_ =	swait.ge [sflag:s0], $0x2000  }
0x55: {  	[sflag:s0] =	ssyncset.done $0x0  }
0x56: {  	[sflag:s0] =	ssyncadd.s32 $0xFFFFE000  }
0x57: {  	[tilespmem:s18], [sflag:$0x2] =	stream.indirect.gather [hbm4b:s4+s16], $0x40, s2, s16, $0xb8;
	[tilespmem:$0x1C000] =	vst v63  }
0x58: {  	_ =	swait.ge [sflag:s5], $0x2000  }
0x59: {  	[sflag:s5] =	ssyncset.done $0x0  }
0x5a: {  	[sflag:s5] =	ssyncadd.s32 $0xFFFFE000  }
0x5b: {  	[spmem:s1] =	stream.indirect.scatter.add.f32 [tilespmem:s23], [sflag:$0x8], $0x40, s6, s16, $0xb8;
	[tilespmem:$0x1C000] =	vst v63  }
0x5c: {  	_ =	swait.ge [sflag:s8], $0x2000  }
0x5d: {  	[sflag:s8] =	ssyncset.done $0x0  }
0x5e: {  	s19 =	simm.s32 $0x0;
	[sflag:s8] =	ssyncadd.s32 $0xFFFFE000  }
0x5f: {  	[tilespmem:s20], [sflag:$0x3] =	stream.indirect.gather [hbm4b:s4+s16], $0x40, s9, s16, $0xb8;
	[tilespmem:$0x1C000] =	vst v63  }
.LBB2_2:
0x60: {  	_ =	swait.ge [sflag:s21], $0x2000  }
0x61: {  	s22 =	sshra.s32 s19, $0x2;
	[sflag:s21] =	ssyncset.done $0x0  }
0x62: {  	s26 =	sadd.s32 $0x5200, s22;
	[sflag:s21] =	ssyncadd.s32 $0xFFFFE000  }
0x63: {  	[spmem:s1] =	stream.indirect.scatter.add.f32 [tilespmem:s17], [sflag:$0x5], $0x40, s26, s16, $0xb8;
	[tilespmem:$0x1C000] =	vst v63  }
0x64: {  	_ =	swait.ge [sflag:s11], $0x2000  }
0x65: {  	[sflag:s11] =	ssyncset.done $0x0  }
0x66: {  	s24 =	sadd.s32 $0x380, s22;
	[sflag:s11] =	ssyncadd.s32 $0xFFFFE000  }
0x67: {  	[tilespmem:s23], [sflag:$0x4] =	stream.indirect.gather [hbm4b:s4+s16], $0x40, s24, s16, $0xb8;
	[tilespmem:$0x1C000] =	vst v63  }
0x68: {  	_ =	swait.ge [sflag:s25], $0x2000  }
0x69: {  	p0 =	seq.s32 s19, $0x13000;
	[sflag:s25] =	ssyncset.done $0x0  }
0x6a: {  	s29 =	sadd.s32 $0x5280, s22;
	s26 =	simm.s32 @p0 $0x3;
	[sflag:s25] =	ssyncadd.s32 $0xFFFFE000  }
0x6b: {  	[spmem:s1] =	stream.indirect.scatter.add.f32 [tilespmem:s18], [sflag:$0x6], $0x40, s29, s16, $0xb8;
	[tilespmem:$0x1C000] =	vst v63  }
0x6c: {  	_ =	swait.ge @p0 [sflag:s26], $0x2000  }
0x6d: {  	[sflag:s26] =	ssyncset.done @p0 $0x0  }
0x6e: {  	[sflag:s26] =	ssyncadd.s32 @p0 $0xFFFFE000;
	s26 =	sshra.s32 @p0 s19, $0x2  }
0x6f: {  	s24 =	simm.s32 @p0 $0xE000;
	s29 =	simm.s32 @p0 $0x80;
	s26 =	sadd.s32 @p0 $0x5300, s26  }
0x70: {  	[spmem:s1] =	stream.indirect.scatter.add.f32 @p0 [tilespmem:s24], [sflag:$0x7], $0x40, s26, s29, $0xb8;
	[tilespmem:$0x1C000] =	vst v63  }
0x71: {  	s24 =	simm.s32 @!p0 $0x5  }
0x72: {  	_ =	swait.ge @!p0 [sflag:s24], $0x2000  }
0x73: {  	[sflag:s24] =	ssyncset.done @!p0 $0x0  }
0x74: {  	[sflag:s24] =	ssyncadd.s32 @!p0 $0xFFFFE000;
	s24 =	sshra.s32 @!p0 s19, $0x2  }
0x75: {  	s31 =	simm.s32 @!p0 $0xA000;
	s29 =	simm.s32 @!p0 $0x80;
	s26 =	sadd.s32 @!p0 $0x400, s24  }
0x76: {  	[tilespmem:s31], [sflag:$0x1] =	stream.indirect.gather @!p0 [hbm4b:s4+s29], $0x40, s26, s29, $0xb8;
	[tilespmem:$0x1C000] =	vst v63  }
0x77: {  	s26 =	simm.s32 @!p0 $0x3  }
0x78: {  	_ =	swait.ge @!p0 [sflag:s26], $0x2000  }
0x79: {  	[sflag:s26] =	ssyncset.done @!p0 $0x0  }
0x7a: {  	s31 =	simm.s32 @!p0 $0xE000;
	[sflag:s26] =	ssyncadd.s32 @!p0 $0xFFFFE000;
	s26 =	sadd.s32 @!p0 $0x5300, s24  }
0x7b: {  	[spmem:s1] =	stream.indirect.scatter.add.f32 @!p0 [tilespmem:s31], [sflag:$0x7], $0x40, s26, s29, $0xb8;
	[tilespmem:$0x1C000] =	vst v63  }
0x7c: {  	s26 =	simm.s32 @!p0 $0x6  }
0x7d: {  	_ =	swait.ge @!p0 [sflag:s26], $0x2000  }
0x7e: {  	[sflag:s26] =	ssyncset.done @!p0 $0x0  }
0x7f: {  	s24 =	sadd.s32 @!p0 $0x480, s24;
	[sflag:s26] =	ssyncadd.s32 @!p0 $0xFFFFE000;
	s26 =	simm.s32 @!p0 $0xC000  }
0x80: {  	[tilespmem:s26], [sflag:$0x2] =	stream.indirect.gather @!p0 [hbm4b:s4+s29], $0x40, s24, s29, $0xb8;
	[tilespmem:$0x1C000] =	vst v63  }
.Ltmp2:
0x81: {  	_ = 	snop;
	(pc) =	sbr.rel @p0 .LBB2_4-.Ltmp2, $4  }
0x82: {  	_ =	swait.ge [sflag:s5], $0x2000  }
0x83: {  	[sflag:s5] =	ssyncset.done $0x0  }
0x84: {  	s31 =	sadd.s32 $0x5380, s22;
	[sflag:s5] =	ssyncadd.s32 $0xFFFFE000  }
0x85: {  	[spmem:s1] =	stream.indirect.scatter.add.f32 [tilespmem:s23], [sflag:$0x8], $0x40, s31, s16, $0xb8;
	[tilespmem:$0x1C000] =	vst v63  }
.Ltmp3:
0x86: {  	(pc) =	sbr.rel .LBB2_2-.Ltmp3, $4  }
0x87: {  	_ =	swait.ge [sflag:s8], $0x2000  }
0x88: {  	[sflag:s8] =	ssyncset.done $0x0  }
0x89: {  	s22 =	sadd.s32 $0x500, s22;
	s19 =	sadd.s32 $0x800, s19;
	[sflag:s8] =	ssyncadd.s32 $0xFFFFE000  }
0x8a: {  	[tilespmem:s20], [sflag:$0x3] =	stream.indirect.gather [hbm4b:s4+s16], $0x40, s22, s16, $0xb8;
	[tilespmem:$0x1C000] =	vst v63  }
.LBB2_4:
0x8b: {  	_ =	swait.ge [sflag:s28], $0x2000  }
0x8c: {  	[sflag:s28] =	ssyncset.done $0x0  }
0x8d: {  	[sflag:s28] =	ssyncadd.s32 $0xFFFFE000  }
0x8e: {  	_ =	swait.ge [sflag:s0], $0x2000  }
0x8f: {  	[sflag:s0] =	ssyncset.done $0x0  }
0x90: {  	[sflag:s0] =	ssyncadd.s32 $0xFFFFE000  }
0x91: {  	_ =	swait.ge [sflag:s8], $0x2000  }
0x92: {  	[sflag:s8] =	ssyncset.done $0x0  }
0x93: {  	[sflag:s8] =	ssyncadd.s32 $0xFFFFE000  }
0x94: {  	_ =	swait.ge [sflag:s11], $0x2000  }
0x95: {  	[sflag:s11] =	ssyncset.done $0x0  }
0x96: {  	[sflag:s11] =	ssyncadd.s32 $0xFFFFE000  }
0x97: {  	[bflag:$0x0] =	sbarrier.arrive $0xFFFF  }
0x98: {  	s19 =	rddreg [dreg:$0x8]  }
0x99: {  	[hbm:s19], [sflag:s14] =	dma.local [spmem:s15], $0x1400  }
0x9a: {  	_ =	swait.ge [sflag:s12], $0x1400  }
0x9b: {  	[sflag:s12] =	ssyncset.done $0x0  }
0x9c: {  	[sflag:s12] =	ssyncadd.s32 $0xFFFFEC00  }
0x9d: {  	[bflag:$0x0] =	sbarrier.arrive $0xFFFF  }
0x9e: {  	s22 =	rddreg [dreg:$0x6]  }
0x9f: {  	s19 =	sadd.s32 s22, s10  }
0xa0: {  	[spmem:s15], [sflag:s14] =	dma.local [hbm:s19], $0x1400  }
0xa1: {  	_ =	swait.ge [sflag:s12], $0x1400  }
0xa2: {  	[sflag:s12] =	ssyncset.done $0x0  }
0xa3: {  	[sflag:s12] =	ssyncadd.s32 $0xFFFFEC00  }
0xa4: {  	s19 =	simm.s32 $0x0;
	[bflag:$0x0] =	sbarrier.arrive $0xFFFF  }
0xa5: {  	[tilespmem:s17], [sflag:$0x1] =	stream.indirect.gather [hbm4b:s10+s16], $0x40, s19, s16, $0xb8;
	[tilespmem:$0x1C000] =	vst v63  }
0xa6: {  	_ = 	snop  }
0xa7: {  	[tilespmem:s18], [sflag:$0x2] =	stream.indirect.gather [hbm4b:s10+s16], $0x40, s16, s16, $0xb8;
	[tilespmem:$0x1C000] =	vst v63  }
0xa8: {  	s22 =	simm.s32 $0x100  }
0xa9: {  	[tilespmem:s20], [sflag:$0x3] =	stream.indirect.gather [hbm4b:s10+s16], $0x40, s22, s16, $0xb8;
	[tilespmem:$0x1C000] =	vst v63  }
0xaa: {  	_ =	swait.ge [sflag:s21], $0x2000  }
0xab: {  	[sflag:s21] =	ssyncset.done $0x0  }
0xac: {  	[sflag:s21] =	ssyncadd.s32 $0xFFFFE000  }
0xad: {  	[spmem:s1] =	stream.indirect.scatter.add.f32 [tilespmem:s17], [sflag:$0x5], $0x40, s13, s16, $0xb8;
	[tilespmem:$0x1C000] =	vst v63  }
0xae: {  	s24 =	simm.s32 $0x180  }
0xaf: {  	[tilespmem:s23], [sflag:$0x4] =	stream.indirect.gather [hbm4b:s10+s16], $0x40, s24, s16, $0xb8;
	[tilespmem:$0x1C000] =	vst v63  }
0xb0: {  	_ =	swait.ge [sflag:s25], $0x2000  }
0xb1: {  	[sflag:s25] =	ssyncset.done $0x0  }
0xb2: {  	s26 =	simm.s32 $0x5080;
	[sflag:s25] =	ssyncadd.s32 $0xFFFFE000  }
0xb3: {  	[spmem:s1] =	stream.indirect.scatter.add.f32 [tilespmem:s18], [sflag:$0x6], $0x40, s26, s16, $0xb8;
	[tilespmem:$0x1C000] =	vst v63  }
0xb4: {  	_ =	swait.ge [sflag:s28], $0x2000  }
0xb5: {  	[sflag:s28] =	ssyncset.done $0x0  }
0xb6: {  	s29 =	simm.s32 $0x200;
	[sflag:s28] =	ssyncadd.s32 $0xFFFFE000  }
0xb7: {  	[tilespmem:s17], [sflag:$0x1] =	stream.indirect.gather [hbm4b:s10+s16], $0x40, s29, s16, $0xb8;
	[tilespmem:$0x1C000] =	vst v63  }
0xb8: {  	_ =	swait.ge [sflag:s30], $0x2000  }
0xb9: {  	[sflag:s30] =	ssyncset.done $0x0  }
0xba: {  	s31 =	simm.s32 $0x5100;
	[sflag:s30] =	ssyncadd.s32 $0xFFFFE000  }
0xbb: {  	[spmem:s1] =	stream.indirect.scatter.add.f32 [tilespmem:s20], [sflag:$0x7], $0x40, s31, s16, $0xb8;
	[tilespmem:$0x1C000] =	vst v63  }
0xbc: {  	_ =	swait.ge [sflag:s0], $0x2000  }
0xbd: {  	[sflag:s0] =	ssyncset.done $0x0  }
0xbe: {  	[sflag:s0] =	ssyncadd.s32 $0xFFFFE000  }
0xbf: {  	[tilespmem:s18], [sflag:$0x2] =	stream.indirect.gather [hbm4b:s10+s16], $0x40, s2, s16, $0xb8;
	[tilespmem:$0x1C000] =	vst v63  }
0xc0: {  	_ =	swait.ge [sflag:s5], $0x2000  }
0xc1: {  	[sflag:s5] =	ssyncset.done $0x0  }
0xc2: {  	[sflag:s5] =	ssyncadd.s32 $0xFFFFE000  }
0xc3: {  	[spmem:s1] =	stream.indirect.scatter.add.f32 [tilespmem:s23], [sflag:$0x8], $0x40, s6, s16, $0xb8;
	[tilespmem:$0x1C000] =	vst v63  }
0xc4: {  	_ =	swait.ge [sflag:s8], $0x2000  }
0xc5: {  	[sflag:s8] =	ssyncset.done $0x0  }
0xc6: {  	[sflag:s8] =	ssyncadd.s32 $0xFFFFE000  }
0xc7: {  	[tilespmem:s20], [sflag:$0x3] =	stream.indirect.gather [hbm4b:s10+s16], $0x40, s9, s16, $0xb8;
	[tilespmem:$0x1C000] =	vst v63  }
.LBB2_5:
0xc8: {  	_ =	swait.ge [sflag:s21], $0x2000  }
0xc9: {  	s22 =	sshra.s32 s19, $0x2;
	[sflag:s21] =	ssyncset.done $0x0  }
0xca: {  	s24 =	sadd.s32 $0x5200, s22;
	[sflag:s21] =	ssyncadd.s32 $0xFFFFE000  }
0xcb: {  	[spmem:s1] =	stream.indirect.scatter.add.f32 [tilespmem:s17], [sflag:$0x5], $0x40, s24, s16, $0xb8;
	[tilespmem:$0x1C000] =	vst v63  }
0xcc: {  	_ =	swait.ge [sflag:s11], $0x2000  }
0xcd: {  	[sflag:s11] =	ssyncset.done $0x0  }
0xce: {  	s26 =	sadd.s32 $0x380, s22;
	[sflag:s11] =	ssyncadd.s32 $0xFFFFE000  }
0xcf: {  	[tilespmem:s23], [sflag:$0x4] =	stream.indirect.gather [hbm4b:s10+s16], $0x40, s26, s16, $0xb8;
	[tilespmem:$0x1C000] =	vst v63  }
0xd0: {  	_ =	swait.ge [sflag:s25], $0x2000  }
0xd1: {  	p0 =	seq.s32 s19, $0x13000;
	[sflag:s25] =	ssyncset.done $0x0  }
0xd2: {  	s29 =	sadd.s32 $0x5280, s22;
	s24 =	simm.s32 @p0 $0x3;
	[sflag:s25] =	ssyncadd.s32 $0xFFFFE000  }
0xd3: {  	[spmem:s1] =	stream.indirect.scatter.add.f32 [tilespmem:s18], [sflag:$0x6], $0x40, s29, s16, $0xb8;
	[tilespmem:$0x1C000] =	vst v63  }
0xd4: {  	_ =	swait.ge @p0 [sflag:s24], $0x2000  }
0xd5: {  	[sflag:s24] =	ssyncset.done @p0 $0x0  }
0xd6: {  	[sflag:s24] =	ssyncadd.s32 @p0 $0xFFFFE000;
	s24 =	sshra.s32 @p0 s19, $0x2  }
0xd7: {  	s26 =	simm.s32 @p0 $0x80;
	s29 =	simm.s32 @p0 $0xE000;
	s24 =	sadd.s32 @p0 $0x5300, s24  }
0xd8: {  	[spmem:s1] =	stream.indirect.scatter.add.f32 @p0 [tilespmem:s29], [sflag:$0x7], $0x40, s24, s26, $0xb8;
	[tilespmem:$0x1C000] =	vst v63  }
0xd9: {  	s24 =	simm.s32 @!p0 $0x5  }
0xda: {  	_ =	swait.ge @!p0 [sflag:s24], $0x2000  }
0xdb: {  	[sflag:s24] =	ssyncset.done @!p0 $0x0  }
0xdc: {  	[sflag:s24] =	ssyncadd.s32 @!p0 $0xFFFFE000;
	s24 =	sshra.s32 @!p0 s19, $0x2  }
0xdd: {  	s31 =	simm.s32 @!p0 $0xA000;
	s29 =	simm.s32 @!p0 $0x80;
	s26 =	sadd.s32 @!p0 $0x400, s24  }
0xde: {  	[tilespmem:s31], [sflag:$0x1] =	stream.indirect.gather @!p0 [hbm4b:s10+s29], $0x40, s26, s29, $0xb8;
	[tilespmem:$0x1C000] =	vst v63  }
0xdf: {  	s26 =	simm.s32 @!p0 $0x3  }
0xe0: {  	_ =	swait.ge @!p0 [sflag:s26], $0x2000  }
0xe1: {  	[sflag:s26] =	ssyncset.done @!p0 $0x0  }
0xe2: {  	s31 =	simm.s32 @!p0 $0xE000;
	[sflag:s26] =	ssyncadd.s32 @!p0 $0xFFFFE000;
	s26 =	sadd.s32 @!p0 $0x5300, s24  }
0xe3: {  	[spmem:s1] =	stream.indirect.scatter.add.f32 @!p0 [tilespmem:s31], [sflag:$0x7], $0x40, s26, s29, $0xb8;
	[tilespmem:$0x1C000] =	vst v63  }
0xe4: {  	s26 =	simm.s32 @!p0 $0x6  }
0xe5: {  	_ =	swait.ge @!p0 [sflag:s26], $0x2000  }
0xe6: {  	[sflag:s26] =	ssyncset.done @!p0 $0x0  }
0xe7: {  	s24 =	sadd.s32 @!p0 $0x480, s24;
	[sflag:s26] =	ssyncadd.s32 @!p0 $0xFFFFE000;
	s26 =	simm.s32 @!p0 $0xC000  }
0xe8: {  	[tilespmem:s26], [sflag:$0x2] =	stream.indirect.gather @!p0 [hbm4b:s10+s29], $0x40, s24, s29, $0xb8;
	[tilespmem:$0x1C000] =	vst v63  }
.Ltmp4:
0xe9: {  	_ = 	snop;
	(pc) =	sbr.rel @p0 .LBB2_7-.Ltmp4, $4  }
0xea: {  	_ =	swait.ge [sflag:s5], $0x2000  }
0xeb: {  	[sflag:s5] =	ssyncset.done $0x0  }
0xec: {  	s31 =	sadd.s32 $0x5380, s22;
	[sflag:s5] =	ssyncadd.s32 $0xFFFFE000  }
0xed: {  	[spmem:s1] =	stream.indirect.scatter.add.f32 [tilespmem:s23], [sflag:$0x8], $0x40, s31, s16, $0xb8;
	[tilespmem:$0x1C000] =	vst v63  }
.Ltmp5:
0xee: {  	(pc) =	sbr.rel .LBB2_5-.Ltmp5, $4  }
0xef: {  	_ =	swait.ge [sflag:s8], $0x2000  }
0xf0: {  	[sflag:s8] =	ssyncset.done $0x0  }
0xf1: {  	s22 =	sadd.s32 $0x500, s22;
	s19 =	sadd.s32 $0x800, s19;
	[sflag:s8] =	ssyncadd.s32 $0xFFFFE000  }
0xf2: {  	[tilespmem:s20], [sflag:$0x3] =	stream.indirect.gather [hbm4b:s10+s16], $0x40, s22, s16, $0xb8;
	[tilespmem:$0x1C000] =	vst v63  }
.LBB2_8:
0xf3: {  	_ =	sfence.sel $0x180000  }
0xf4: {  	[bflag:$0x0] =	sbarrier.arrive $0xFFFF  }
0xf5: {  	_ =	strace $0x9000004D  }
0xf6: {  	s0 =	stileid.u32;
	[bflag:$0x2] =	sbarrier.arrive $0xFFFF  }
0xf7: {  	p0 =	sne.s32 s0, $0x0;
	s0 =	rddreg [dreg:$0x3]  }
0xf8: {  	s0 =	sadd.s32 @!p0 $0x100000, s0  }
0xf9: {  	[sflag:s0] =	ssyncadd.tile.s32 @!p0 $0x1;
	_ =	shalt  }
.Lfunc_end2:
_tile_overlayer_lowered:
.L_overlay_start_2:
0xfa: {  	(tag) =	ssettag $0x2  }
0xfb: {  	s0 =	rddreg [dreg:$0x0];
	s2 =	stileid.u32  }
0xfc: {  	s1 =	rddreg [dreg:$0x1];
	p0 =	sne.s32 s2, $0x0  }
0xfd: {  	s3 =	rddreg [dreg:$0x2];
	[bflag:$0x3] =	sbarrier.arrive $0xFFFF;
	s2 =	simm.s32 @!p0 $0x1C09  }
0xfe: {  	[timem:s3], [sflag:s2] =	dma.local @!p0 [hbm:s0], s1  }
0xff: {  	s0 =	simm.s32 @!p0 $0x9  }
0x100: {  	_ =	swait.ge @!p0 [sflag:s0], s1  }
0x101: {  	s1 =	ssub.s32 @!p0 $0x0, s1;
	[sflag:s0] =	ssyncset.done @!p0 $0x0  }
0x102: {  	[sflag:s0] =	ssyncadd.s32 @!p0 s1  }
0x103: {  	[bflag:$0x3] =	sbarrier.arrive $0xFFFF  }
0x104: {  	_ =	shalt  }

// kernel: kernel.8.cloned.1.call-start
scs
__scs_entry_jumppad:
0x0: {  	(pc) =	sbr.rel $0x88, $3  }
0x1: {  	(tag) =	ssettag $0x0;
	lr =	simm.s32 $0x1  }
0x2: {  	[smem:$0x3F99] =	sst lr;
	_ =	strace $0xD0000000  }
0x3: {  	_ = 	snop  }
0x4: {  	_ = 	snop  }
0x5: {  	_ = 	snop  }
0x6: {  	_ = 	snop  }
0x7: {  	_ = 	snop  }
__scs_overlays_trampoline_lowered:
0x8: {  	[smem:$0x3FA8] =	sst s0  }
0x9: {  	[smem:$0x3FA9] =	sst s1  }
0xa: {  	[smem:$0x3FAA] =	sst s2  }
0xb: {  	[smem:$0x3FAB] =	sst s3  }
0xc: {  	[smem:$0x3FAC] =	sst s4  }
0xd: {  	[smem:$0x3FAD] =	sst s5  }
0xe: {  	[smem:$0x3FAE] =	sst s6  }
0xf: {  	[smem:$0x3FAF] =	sst s7  }
0x10: {  	[smem:$0x3FB0] =	sst s8  }
0x11: {  	[smem:$0x3FB1] =	sst s9;
	s0 =	simm.s32 @!p0 $0x0  }
0x12: {  	s1 =	sld [smem:$0x3F97];
	s0 =	simm.s32 @p0 $0x1  }
0x13: {  	[smem:$0x3FB2] =	sst s0;
	s0 =	simm.s32 @!p1 $0x0  }
0x14: {  	s2 =	sld [smem:$0x3F96];
	s0 =	simm.s32 @p1 $0x1  }
0x15: {  	[smem:$0x3FB3] =	sst s0;
	s0 =	simm.s32 @!p2 $0x0  }
0x16: {  	s3 =	sld [smem:$0x3FDB];
	s0 =	simm.s32 @p2 $0x1  }
0x17: {  	s4 =	simm.s32 $0x1BF5;
	[smem:$0x3FB5] =	sst s0  }
0x18: {  	s0 =	sld [smem:$0x3F98];
	_ =	swait.ge [sflag:s4], $0x0  }
0x19: {  	s7 =	sld [smem:$0x3F99]  }
0x1a: {  	s8 =	sadd.s32 $0xFFFFE003, lr  }
0x1b: {  	s9 =	sadd.s32 $0xFFFFFEF7, lr;
	s5 =	simm.s32 $0xFFFFFFFF;
	p2 =	slt.u32 s8, $0xFFFFF086  }
0x1c: {  	p1 =	slt.u32 s9, $0xF7A;
	s5 =	simm.s32 @!p2 $0x0  }
0x1d: {  	s5 =	simm.s32 @p1 $0x1;
	p0 =	seq.s32 s7, s2  }
0x1e: {  	s7 =	smul.u32 @!p0 $0xF7A, s2;
	p2 =	seq.s32 @!p0 s5, $0x0  }
0x1f: {  	s9 =	smul.u32 $0xF7A, s1;
	s8 =	simm.s32 @!p0 $0x1BF5;
	p2 =	por !p2, p0  }
0x20: {  	[sflag:s8] =	ssyncset.s32 @!p0 $0xFFFFF086;
	s6 =	sadd.s32 @!p0 s3, s7;
	s7 =	simm.s32 @!p0 $0x108  }
0x21: {  	s3 =	sadd.s32 s3, s9;
	s6 =	sadd.s32 @!p0 $0x88, s6;
	s7 =	simm.s32 @p2 $0x1082  }
0x22: {  	[simem:s7], [sflag:s8] =	dma.local @!p0 [hbm:s6], $0xF7A  }
0x23: {  	s9 =	sor.u32 $0xD0000000, s2;
	s6 =	simm.s32 $0x108;
	_ =	swait.ge @!p0 [sflag:s8], $0x0  }
0x24: {  	s3 =	sadd.s32 $0x88, s3;
	s6 =	simm.s32 @!p1 $0x1082;
	[sflag:s4] =	ssyncset.s32 $0xFFFFF086  }
0x25: {  	[simem:s6], [sflag:s4] =	dma.local [hbm:s3], $0xF7A  }
0x26: {  	[smem:$0x3F99] =	sst s1;
	(tag) =	ssettag s2;
	_ =	strace s9  }
0x27: {  	s1 =	sld [smem:$0x3FA9]  }
0x28: {  	s2 =	sld [smem:$0x3FAA]  }
0x29: {  	s4 =	sld [smem:$0x3FAC]  }
0x2a: {  	p0 =	seq.s32 s5, $0x0;
	s5 =	sld [smem:$0x3FAD]  }
0x2b: {  	s6 =	sld [smem:$0x3FAE]  }
0x2c: {  	s7 =	sld [smem:$0x3FAF]  }
0x2d: {  	s3 =	simm.s32 $0x108;
	s8 =	sld [smem:$0x3FB0]  }
0x2e: {  	s3 =	simm.s32 @!p0 $0x1082;
	s9 =	sld [smem:$0x3FB1]  }
0x2f: {  	lr =	sadd.s32 s0, s3;
	s0 =	sld [smem:$0x3FA8]  }
0x30: {  	s3 =	sld [smem:$0x3FAB]  }
0x31: {  	[smem:$0x3FB4] =	sst s10  }
0x32: {  	s10 =	sld [smem:$0x3FB2];
	_ =	sdelay $0x3  }
0x33: {  	p0 =	seq.s32 s10, $0x1;
	s10 =	sld [smem:$0x3FB4];
	_ =	sdelay $0x3  }
0x34: {  	[smem:$0x3FB4] =	sst s10  }
0x35: {  	s10 =	sld [smem:$0x3FB3];
	_ =	sdelay $0x3  }
0x36: {  	p1 =	seq.s32 s10, $0x1;
	s10 =	sld [smem:$0x3FB4];
	_ =	sdelay $0x3  }
0x37: {  	[smem:$0x3FB4] =	sst s10  }
0x38: {  	s10 =	sld [smem:$0x3FB5]  }
0x39: {  	_ = 	snop;
	(pc) =	sbr.ind lr, $3  }
0x3a: {  	_ = 	snop  }
0x3b: {  	_ = 	snop  }
0x3c: {  	p2 =	seq.s32 s10, $0x1;
	s10 =	sld [smem:$0x3FB4]  }
0x3d: {  	_ =	shalt  }
0x3e: {  	_ =	shalt  }
0x3f: {  	_ =	shalt  }
0x40: {  	_ =	shalt  }
0x41: {  	_ =	shalt  }
0x42: {  	_ =	shalt  }
0x43: {  	_ =	shalt  }
0x44: {  	_ =	shalt  }
0x45: {  	_ =	shalt  }
0x46: {  	_ =	shalt  }
0x47: {  	_ =	shalt  }
0x48: {  	_ =	shalt  }
0x49: {  	_ =	shalt  }
0x4a: {  	_ =	shalt  }
0x4b: {  	_ =	shalt  }
0x4c: {  	_ =	shalt  }
0x4d: {  	_ =	shalt  }
0x4e: {  	_ =	shalt  }
0x4f: {  	_ =	shalt  }
0x50: {  	_ =	shalt  }
0x51: {  	_ =	shalt  }
0x52: {  	_ =	shalt  }
0x53: {  	_ =	shalt  }
0x54: {  	_ =	shalt  }
0x55: {  	_ =	shalt  }
0x56: {  	_ =	shalt  }
0x57: {  	_ =	shalt  }
0x58: {  	_ =	shalt  }
0x59: {  	_ =	shalt  }
0x5a: {  	_ =	shalt  }
0x5b: {  	_ =	shalt  }
0x5c: {  	_ =	shalt  }
0x5d: {  	_ =	shalt  }
0x5e: {  	_ =	shalt  }
0x5f: {  	_ =	shalt  }
0x60: {  	_ =	shalt  }
0x61: {  	_ =	shalt  }
0x62: {  	_ =	shalt  }
0x63: {  	_ =	shalt  }
0x64: {  	_ =	shalt  }
0x65: {  	_ =	shalt  }
0x66: {  	_ =	shalt  }
0x67: {  	_ =	shalt  }
0x68: {  	_ =	shalt  }
0x69: {  	_ =	shalt  }
0x6a: {  	_ =	shalt  }
0x6b: {  	_ =	shalt  }
0x6c: {  	_ =	shalt  }
0x6d: {  	_ =	shalt  }
0x6e: {  	_ =	shalt  }
0x6f: {  	_ =	shalt  }
0x70: {  	_ =	shalt  }
0x71: {  	_ =	shalt  }
0x72: {  	_ =	shalt  }
0x73: {  	_ =	shalt  }
0x74: {  	_ =	shalt  }
0x75: {  	_ =	shalt  }
0x76: {  	_ =	shalt  }
0x77: {  	_ =	shalt  }
0x78: {  	_ =	shalt  }
0x79: {  	_ =	shalt  }
0x7a: {  	_ =	shalt  }
0x7b: {  	_ =	shalt  }
0x7c: {  	_ =	shalt  }
0x7d: {  	_ =	shalt  }
0x7e: {  	_ =	shalt  }
0x7f: {  	_ =	shalt  }
0x80: {  	_ =	shalt  }
0x81: {  	_ =	shalt  }
0x82: {  	_ =	shalt  }
0x83: {  	_ =	shalt  }
0x84: {  	_ =	shalt  }
0x85: {  	_ =	shalt  }
0x86: {  	_ =	shalt  }
0x87: {  	_ =	shalt  }
.Lfunc_end0:
.L_simem_size_0:
called_computation_lowered:
.L_overlay_start_0:
0x88: {  	s2 =	sld [smem:$0x3FD9]  }
0x89: {  	s3 =	sld [smem:$0x3FFE];
	_ =	sdelay $0x1  }
0x8a: {  	s1 =	srdreg.scid  }
0x8b: {  	s0 =	sand.u32 $0x1, s1  }
0x8c: {  	s14 =	sshll.u32 s0, $0xA;
	s2 =	sadd.s32 s3, s2  }
0x8d: {  	s2 =	sadd.s32 s2, s14  }
0x8e: {  	[smem:$0x3FC0] =	sst s2  }
0x8f: {  	_ = 	snop  }
0x90: {  	s2 =	sld [smem:$0x3FD0];
	_ =	sdelay $0x2  }
0x91: {  	s15 =	simm.s32 $0xA;
	s4 =	simm.s32 $0x10  }
0x92: {  	[smem:s4], [sflag:s15] =	dma.local [hbm:s2], $0x1  }
0x93: {  	_ =	swait.eq [sflag:s15], $0x1  }
0x94: {  	[sflag:s15] =	ssyncset.done $0x0  }
0x95: {  	[sflag:s15] =	ssyncadd.s32 $0xFFFFFFFF  }
0x96: {  	s16 =	sld [smem:$0x11];
	(tm) =	ssettm $0x1  }
0x97: {  	s17 =	sld [smem:$0x3FFB];
	_ =	sdelay $0x3  }
0x98: {  	_ =	strace s17  }
0x99: {  	s3 =	sld [smem:$0x3FFC];
	_ =	sdelay $0x3  }
0x9a: {  	_ =	strace s3  }
0x9b: {  	s3 =	sld [smem:$0x3FFD];
	_ =	sdelay $0x3  }
0x9c: {  	_ =	strace s3  }
0x9d: {  	_ =	strace $0x8FFFFFFF  }
0x9e: {  	s18 =	sld [smem:$0x3FDB];
	_ =	sdelay $0x1  }
0x9f: {  	s19 =	simm.s32 $_scs_section_size  }
0xa0: {  	s5 =	simm.s32 $_size__tile_overlayer_lowered;
	s6 =	simm.s32 $_tile_overlayer_lowered  }
0xa1: {  	s22 =	simm.s32 $0x1BFF;
	s21 =	sshll.u32 s6, $0x1;
	s3 =	sadd.s32 s19, s18  }
0xa2: {  	s7 =	simm.s32 $0x0;
	s20 =	sshll.u32 s5, $0x1;
	s5 =	sadd.s32 s21, s3  }
0xa3: {  	[timem:s7], [sflag:s22] =	dma.local [hbm:s5], s20  }
0xa4: {  	_ =	swait.ge [sflag:s22], s20  }
0xa5: {  	s4 =	ssub.s32 $0x0, s20;
	[sflag:s22] =	ssyncset.done $0x0  }
0xa6: {  	[sflag:s22] =	ssyncadd.s32 s4;
	_ =	sdelay $0x1  }
0xa7: {  	s23 =	simm.s32 $0x1B8B  }
0xa8: {  	_ =	swait.ge [sflag:s23], $0x1  }
0xa9: {  	[sflag:s23] =	ssyncset.done $0x0  }
0xaa: {  	s25 =	simm.s32 $0x1B8E;
	s24 =	sld [smem:$0x3FFE];
	[sflag:s23] =	ssyncadd.s32 $0xFFFFFFFF  }
0xab: {  	s26 =	simm.s32 $execute0_lowered;
	[smem:$0x3FD2] =	sst s25  }
0xac: {  	s5 =	sshll.u32 s26, $0x1;
	_ =	strace $0x80000046;
	[dreg:$0x1] =	wrdreg $0xFFFFFFFF  }
0xad: {  	s28 =	simm.s32 $_size_execute0_lowered;
	s3 =	sadd.s32 s3, s5;
	[dreg:$0x0] =	wrdreg $0x0  }
0xae: {  	s5 =	sshll.u32 s28, $0x1;
	[dreg:$0x2] =	wrdreg s3  }
0xaf: {  	[dreg:$0x3] =	wrdreg s5  }
0xb0: {  	[dreg:$0x4] =	wrdreg $0xC0  }
0xb1: {  	_ =	task [dreg:s7], $0x5FFFF  }
0xb2: {  	[dreg:$0x1] =	wrdreg $0xFFFFFFFF  }
0xb3: {  	[dreg:$0x0] =	wrdreg $0x60  }
0xb4: {  	[dreg:$0x2] =	wrdreg s16  }
0xb5: {  	[dreg:$0x3] =	wrdreg s24  }
0xb6: {  	[dreg:$0x4] =	wrdreg $0x53000  }
0xb7: {  	[dreg:$0x5] =	wrdreg $0x9  }
0xb8: {  	_ =	task.clear_ibuf [dreg:s7], $0x6FFFF;
	_ =	strace $0x90000046  }
0xb9: {  	s29 =	simm.s32 $0x9;
	_ =	strace $0x80000048  }
0xba: {  	_ =	swait.ge [sflag:s29], $0x1  }
0xbb: {  	[sflag:s29] =	ssyncadd.s32 $0xFFFFFFFF  }
0xbc: {  	_ =	strace $0x90000048  }
0xbd: {  	_ =	sfence  }
0xbe: {  	s30 =	sld [smem:$0x0];
	_ =	sdelay $0x2  }
0xbf: {  	s31 =	sshll.u32 s1, $0xD;
	s1 =	sshrl.u32 s1, $0x2  }
0xc0: {  	s3 =	sand.u32 $0x4000, s31;
	s1 =	sadd.s32 s1, s30  }
0xc1: {  	s0 =	sor.u32 s3, s0;
	s1 =	sshll.u32 s1, $0x11  }
0xc2: {  	s0 =	sor.u32 s1, s0  }
0xc3: {  	s0 =	sadd.s32 $0x8F2B, s0  }
0xc4: {  	[sflag:s0] =	ssyncadd.remote.s32 $0x1  }
0xc5: {  	_ =	sfence.sel $0xFFFF  }
0xc6: {  	[dreg:$0x0] =	wrdreg $0xFFFFFFFF;
	(pc) =	sbr.abs _section_cstart, $3  }
0xc7: {  	[dreg:$0x1] =	wrdreg $0xFFFFFFFF  }
0xc8: {  	_ =	task.clear_ibuf [dreg:s7], $0x2FFFF;
	_ =	strace $0x9FFFFFFF  }
0xc9: {  	(tm) =	ssettm $0x7FFFFFFF  }
tec
execute0_lowered:
.L_overlay_start_1:
0x0: {  	(tag) =	ssettag $0x1  }
0x1: {  	s5 =	rddreg [dreg:$0x0];
	s1 =	srdreg.scid  }
0x2: {  	s4 =	rddreg [dreg:$0x1];
	s0 =	stileid.u32  }
0x3: {  	s2 =	rddreg [dreg:$0x2];
	s3 =	simm.s32 $0x0;
	s11 =	simm.s32 $0x5000  }
0x4: {  	s14 =	simm.s32 $0x0;
	s6 =	sand.u32 $0x1, s1;
	s1 =	rddreg [dreg:$0x3]  }
0x5: {  	s7 =	smul.u32 $0x280, s0;
	[smem:$0x7FF] =	sst s3;
	s8 =	sxor.u32 $0x1, s6  }
0x6: {  	s12 =	sshll.u32 s0, $0x6;
	s9 =	sshll.u32 s6, $0x4;
	s8 =	smul.u32 $0x2800, s8  }
0x7: {  	s6 =	ssub.s32 $0x2, s6;
	_ =	strace $0x80000047;
	s9 =	sor.u32 s0, s9  }
0x8: {  	s10 =	sshrl.u32 s6, $0x1;
	s9 =	smul.u32 $0xA00, s9;
	s8 =	sadd.s32 s7, s8  }
0x9: {  	s12 =	sor.u32 $0x1C01, s12;
	s10 =	ssub.s32 s6, s10;
	s8 =	sshrl.u32 s8, $0x3  }
0xa: {  	s5 =	sadd.s32 s5, s9;
	s9 =	simm.s32 $0x1;
	s8 =	sadd.s32 s8, s4  }
0xb: {  	s4 =	sadd.s32 s7, s2;
	s7 =	smax.u32 s10, $0x1;
	s10 =	simm.s32 $0x80  }
0xc: {  	v0 =	vimm.f32 $1.000000000e+00;
	v1 =	vimm.f32 $0.0e+00;
	s6 =	sadd.s32 $0x16A00, s8;
	s8 =	simm.s32 $0x5080;
	s13 =	sshrl.u32 s4, $0x3  }
.LBB2_1:
0xd: {  	[tilespmem:$0x5000] =	vst v0  }
0xe: {  	[tilespmem:$0x5010] =	vst v0  }
0xf: {  	[tilespmem:$0x5020] =	vst v0  }
0x10: {  	[tilespmem:$0x5030] =	vst v0  }
0x11: {  	[tilespmem:$0x5040] =	vst v0  }
0x12: {  	[tilespmem:$0x5050] =	vst v0  }
0x13: {  	[tilespmem:$0x5060] =	vst v0  }
0x14: {  	[tilespmem:$0x5070] =	vst v0  }
0x15: {  	[tilespmem:$0x5080] =	vst v1  }
0x16: {  	[tilespmem:$0x5090] =	vst v1  }
0x17: {  	[tilespmem:$0x50A0] =	vst v1  }
0x18: {  	[tilespmem:$0x50B0] =	vst v1  }
0x19: {  	[tilespmem:$0x50C0] =	vst v1  }
0x1a: {  	[tilespmem:$0x50D0] =	vst v1  }
0x1b: {  	[tilespmem:$0x50E0] =	vst v1  }
0x1c: {  	[tilespmem:$0x50F0] =	vst v1  }
0x1d: {  	[tilespmem:$0x5100] =	vst v1  }
0x1e: {  	[tilespmem:$0x5110] =	vst v1  }
0x1f: {  	[tilespmem:$0x5120] =	vst v1  }
0x20: {  	[tilespmem:$0x5130] =	vst v1  }
0x21: {  	[tilespmem:$0x5140] =	vst v1  }
0x22: {  	[tilespmem:$0x5150] =	vst v1  }
0x23: {  	[tilespmem:$0x5160] =	vst v1  }
0x24: {  	[tilespmem:$0x5170] =	vst v1  }
0x25: {  	[tilespmem:$0x5180] =	vst v1  }
0x26: {  	[tilespmem:$0x5190] =	vst v1  }
0x27: {  	[tilespmem:$0x51A0] =	vst v1  }
0x28: {  	[tilespmem:$0x51B0] =	vst v1  }
0x29: {  	[tilespmem:$0x51C0] =	vst v1  }
0x2a: {  	[tilespmem:$0x51D0] =	vst v1  }
0x2b: {  	[tilespmem:$0x51E0] =	vst v1  }
0x2c: {  	[tilespmem:$0x51F0] =	vst v1  }
0x2d: {  	[tilespmem:$0x5200] =	vst v1  }
0x2e: {  	[tilespmem:$0x5210] =	vst v1  }
0x2f: {  	[tilespmem:$0x5220] =	vst v1  }
0x30: {  	[tilespmem:$0x5230] =	vst v1  }
0x31: {  	[tilespmem:$0x5240] =	vst v1  }
0x32: {  	[tilespmem:$0x5250] =	vst v1  }
0x33: {  	[tilespmem:$0x5260] =	vst v1  }
0x34: {  	[tilespmem:$0x5270] =	vst v1  }
0x35: {  	[tilespmem:$0x5280] =	vst v1  }
0x36: {  	[tilespmem:$0x5290] =	vst v1  }
0x37: {  	[tilespmem:$0x52A0] =	vst v1  }
0x38: {  	[tilespmem:$0x52B0] =	vst v1  }
0x39: {  	[tilespmem:$0x52C0] =	vst v1  }
0x3a: {  	[tilespmem:$0x52D0] =	vst v1  }
0x3b: {  	[tilespmem:$0x52E0] =	vst v1  }
0x3c: {  	[tilespmem:$0x52F0] =	vst v1  }
0x3d: {  	[spmem:s4] =	stream.linear.scatter [tilespmem:s8], [sflag:$0x1], $0x280, $0x38;
	[tilespmem:$0x5580] =	vst v63  }
0x3e: {  	_ =	swait.ge [sflag:s9], $0x280  }
0x3f: {  	[sflag:s9] =	ssyncset.done $0x0  }
0x40: {  	[sflag:s9] =	ssyncadd.s32 $0xFFFFFD80  }
0x41: {  	[tilespmem:s3], [sflag:$0x1] =	stream.linear.gather [hbm4b:s5+s3], $0x5000, $0x38;
	[tilespmem:$0x5580] =	vst v63  }
0x42: {  	_ =	swait.ge [sflag:s9], $0x5000  }
0x43: {  	[sflag:s9] =	ssyncset.done $0x0  }
0x44: {  	[sflag:s9] =	ssyncadd.s32 $0xFFFFB000  }
0x45: {  	s15 =	simm.s32 $0x0;
	[bflag:$0x0] =	sbarrier.arrive $0xFFFF  }
0x46: {  	[spmem:s2] =	stream.indirect.scatter.add.f32 [tilespmem:s11], [sflag:$0x1], $0x1, s15, s10, $0xb8;
	[tilespmem:$0x5580] =	vst v63  }
0x47: {  	_ =	swait.ge [sflag:s9], $0x80  }
0x48: {  	s15 =	simm.s32 $0x200;
	[sflag:s9] =	ssyncset.done $0x0  }
.LBB2_2:
0x49: {  	s16 =	sshra.s32 s15, $0x2;
	[sflag:s9] =	ssyncadd.s32 $0xFFFFFF80;
	p0 =	sne.s32 s15, $0x13E00  }
0x4a: {  	[spmem:s2] =	stream.indirect.scatter.add.f32 [tilespmem:s11], [sflag:$0x1], $0x1, s16, s10, $0xb8;
	[tilespmem:$0x5580] =	vst v63  }
.Ltmp0:
0x4b: {  	_ = 	snop;
	(pc) =	sbr.rel @p0 .LBB2_2-.Ltmp0, $4  }
0x4c: {  	_ = 	snop  }
0x4d: {  	s15 =	sadd.s32 $0x200, s15  }
0x4e: {  	_ =	swait.ge [sflag:s9], $0x80  }
0x4f: {  	[sflag:s9] =	ssyncset.done $0x0  }
0x50: {  	s14 =	sadd.s32 $0x1, s14  }
0x51: {  	[sflag:s9] =	ssyncadd.s32 $0xFFFFFF80;
	p0 =	sne.s32 s14, s7  }
.Ltmp1:
0x52: {  	[bflag:$0x0] =	sbarrier.arrive $0xFFFF;
	(pc) =	sbr.rel @p0 .LBB2_1-.Ltmp1, $4  }
0x53: {  	[hbm:s6], [sflag:s12] =	dma.local [spmem:s13], $0x50  }
0x54: {  	_ =	swait.ge [sflag:s9], $0x50  }
0x55: {  	[sflag:s9] =	ssyncset.done $0x0  }
0x56: {  	[sflag:s9] =	ssyncadd.s32 $0xFFFFFFB0  }
0x57: {  	_ =	sfence.sel $0x180000  }
0x58: {  	[bflag:$0x0] =	sbarrier.arrive $0xFFFF  }
0x59: {  	p0 =	sne.s32 s0, $0x0;
	_ =	strace $0x90000047  }
0x5a: {  	s0 =	sadd.s32 @!p0 $0x100000, s1;
	[bflag:$0x2] =	sbarrier.arrive $0xFFFF  }
0x5b: {  	[sflag:s0] =	ssyncadd.tile.s32 @!p0 $0x1;
	_ =	shalt  }
.Lfunc_end2:
_tile_overlayer_lowered:
.L_overlay_start_2:
0x5c: {  	(tag) =	ssettag $0x2  }
0x5d: {  	s0 =	rddreg [dreg:$0x0];
	s2 =	stileid.u32  }
0x5e: {  	s1 =	rddreg [dreg:$0x1];
	p0 =	sne.s32 s2, $0x0  }
0x5f: {  	s3 =	rddreg [dreg:$0x2];
	[bflag:$0x3] =	sbarrier.arrive $0xFFFF;
	s2 =	simm.s32 @!p0 $0x1C01  }
0x60: {  	[timem:s3], [sflag:s2] =	dma.local @!p0 [hbm:s0], s1  }
0x61: {  	s0 =	simm.s32 @!p0 $0x1  }
0x62: {  	_ =	swait.ge @!p0 [sflag:s0], s1  }
0x63: {  	s1 =	ssub.s32 @!p0 $0x0, s1;
	[sflag:s0] =	ssyncset.done @!p0 $0x0  }
0x64: {  	[sflag:s0] =	ssyncadd.s32 @!p0 s1  }
0x65: {  	[bflag:$0x3] =	sbarrier.arrive $0xFFFF  }
0x66: {  	_ =	shalt  }

</sc_bundles>
